<compile_context>
chip_gen: v7x
topology: tpu7x:2x2x1
jax: 0.10.2.dev20260603
libtpu: 0.0.44.dev20260713+nightly
codegen_flags: <defaults>
</compile_context>

<pallas_src>
import functools

import jax
import jax.numpy as jnp
from jax import lax
from jax.experimental import pallas as pl
from jax.experimental.pallas import tpu as pltpu
from jax.experimental.pallas import tpu_sc as plsc

N = 10000
E = 320000
H = 128
Q = 32
NR = 20
BE = 2000

NC = 2
NS = 16
CHUNK = 80



def _edge_mlp_body(rbf_ref, ssrc_ref, unitp_ref, w1f_ref, b1f_ref, w2f_ref,
                   b2f_ref, w1s_ref, b1s_ref, w2s_ref, b2s_ref,
                   msgs_ref, msgv_ref):
    bf = jnp.bfloat16
    f32 = jnp.float32
    h1 = jax.nn.silu(
        jnp.dot(rbf_ref[...].astype(bf), w1f_ref[...].astype(bf),
                preferred_element_type=f32) + b1f_ref[...])
    filt = jnp.dot(h1.astype(bf), w2f_ref[...].astype(bf),
                   preferred_element_type=f32) + b2f_ref[...]
    h2 = jax.nn.silu(
        jnp.dot(ssrc_ref[...].astype(bf), w1s_ref[...].astype(bf),
                preferred_element_type=f32) + b1s_ref[...])
    scal = jnp.dot(h2.astype(bf), w2s_ref[...].astype(bf),
                   preferred_element_type=f32) + b2s_ref[...]
    msg = filt * scal
    ds = msg[:, :H]
    dvv = msg[:, H:2 * H]
    dvr = msg[:, 2 * H:]
    msgs_ref[...] = ds
    for q in range(4):
        msgv_ref[q] = jnp.concatenate(
            [dvv[:, Q * q:Q * (q + 1)], dvr[:, Q * q:Q * (q + 1)],
             unitp_ref[...]], axis=-1)


def _edge_mlp(rbf, s_src, unitp, W1f, b1f, W2f, b2f, W1s, b1s, W2s, b2s):
    return pl.pallas_call(
        _edge_mlp_body,
        grid=(E // BE,),
        in_specs=[
            pl.BlockSpec((BE, NR), lambda i: (i, 0)),
            pl.BlockSpec((BE, H), lambda i: (i, 0)),
            pl.BlockSpec((BE, 16), lambda i: (i, 0)),
            pl.BlockSpec((NR, H), lambda i: (0, 0)),
            pl.BlockSpec((1, H), lambda i: (0, 0)),
            pl.BlockSpec((H, 3 * H), lambda i: (0, 0)),
            pl.BlockSpec((1, 3 * H), lambda i: (0, 0)),
            pl.BlockSpec((H, H), lambda i: (0, 0)),
            pl.BlockSpec((1, H), lambda i: (0, 0)),
            pl.BlockSpec((H, 3 * H), lambda i: (0, 0)),
            pl.BlockSpec((1, 3 * H), lambda i: (0, 0)),
        ],
        out_specs=[
            pl.BlockSpec((BE, H), lambda i: (i, 0)),
            pl.BlockSpec((4, BE, 2 * Q + 16), lambda i: (0, i, 0)),
        ],
        out_shape=[
            jax.ShapeDtypeStruct((E, H), jnp.float32),
            jax.ShapeDtypeStruct((4, E, 2 * Q + 16), jnp.float32),
        ],
    )(rbf, s_src, unitp, W1f, b1f.reshape(1, H), W2f, b2f.reshape(1, 3 * H),
      W1s, b1s.reshape(1, H), W2s, b2s.reshape(1, 3 * H))



_VMESH = plsc.VectorSubcoreMesh(core_axis_name="c", subcore_axis_name="s",
                                num_cores=NC, num_subcores=NS)


@functools.partial(
    pl.kernel,
    out_type=jax.ShapeDtypeStruct((E, H), jnp.float32),
    mesh=_VMESH,
    scratch_types=[
        pltpu.VMEM((2, CHUNK), jnp.int32),
        pltpu.VMEM((2, CHUNK, H), jnp.float32),
        pltpu.SemaphoreType.DMA((2,)),
        pltpu.SemaphoreType.DMA((2,)),
    ],
)
def _sc_gather_s(s_hbm, src_hbm, out_hbm, idx_v, rows_v, sem_i, sem_g):
    wid = lax.axis_index("s") * NC + lax.axis_index("c")
    per_w = E // (NC * NS)
    n = per_w // CHUNK

    def _base(j):
        return pl.multiple_of(wid * per_w + j * CHUNK, CHUNK)

    def _issue_idx(j, b):
        pltpu.async_copy(src_hbm.at[pl.ds(_base(j), CHUNK)], idx_v.at[b],
                         sem_i.at[b])

    def _wait_idx(j, b):
        pltpu.make_async_copy(src_hbm.at[pl.ds(_base(j), CHUNK)],
                              idx_v.at[b], sem_i.at[b]).wait()

    def _issue_gather(b):
        pltpu.async_copy(s_hbm.at[idx_v.at[b]], rows_v.at[b], sem_g.at[b])

    def _wait_gather(b):
        pltpu.make_async_copy(s_hbm.at[idx_v.at[b]], rows_v.at[b],
                              sem_g.at[b]).wait()

    def _wb(j, b):
        pltpu.sync_copy(rows_v.at[b], out_hbm.at[pl.ds(_base(j), CHUNK)])

    _issue_idx(0, 0)
    _issue_idx(1, 1)
    _wait_idx(0, 0)
    _issue_gather(0)

    @pl.loop(0, (n + 1) // 2)
    def _(m):
        for b in range(2):
            j = m * 2 + b
            nb = 1 - b

            @pl.when(j < n)
            def _():
                _wait_gather(b)

                @pl.when(j + 1 < n)
                def _():
                    _wait_idx(j + 1, nb)
                    _issue_gather(nb)

                _wb(j, b)

                @pl.when(j + 2 < n)
                def _():
                    _issue_idx(j + 2, b)



@functools.partial(
    pl.kernel,
    out_type=jax.ShapeDtypeStruct((NC, N, H), jnp.float32),
    mesh=_VMESH,
    scratch_types=[
        pltpu.VMEM_SHARED((N, H), jnp.float32),
        pltpu.VMEM((2, CHUNK), jnp.int32),
        pltpu.VMEM((2, CHUNK, H), jnp.float32),
        pltpu.SemaphoreType.DMA((2,)),
        pltpu.SemaphoreType.DMA((2,)),
    ],
)
def _sc_scatter_s(s0_hbm, msgs_hbm, dst_hbm, out_hbm, acc_sh, idx_v, upd_v,
                  sem_i, sem_u):
    c = lax.axis_index("c")
    sid = lax.axis_index("s")
    per_w = E // NC // NS
    n = per_w // CHUNK

    def _base(j):
        return pl.multiple_of((c * NS + sid) * per_w + j * CHUNK, CHUNK)

    def _issue(j, b):
        pltpu.async_copy(dst_hbm.at[pl.ds(_base(j), CHUNK)], idx_v.at[b],
                         sem_i.at[b])
        pltpu.async_copy(msgs_hbm.at[pl.ds(_base(j), CHUNK)], upd_v.at[b],
                         sem_u.at[b])

    def _wait(j, b):
        pltpu.make_async_copy(dst_hbm.at[pl.ds(_base(j), CHUNK)],
                              idx_v.at[b], sem_i.at[b]).wait()
        pltpu.make_async_copy(msgs_hbm.at[pl.ds(_base(j), CHUNK)],
                              upd_v.at[b], sem_u.at[b]).wait()

    @pl.when(sid == 0)
    def _():
        pltpu.sync_copy(s0_hbm.at[c], acc_sh)

    plsc.subcore_barrier()

    _issue(0, 0)
    _issue(1, 1)

    @pl.loop(0, (n + 1) // 2)
    def _(m):
        for b in range(2):
            j = m * 2 + b

            @pl.when(j < n)
            def _():
                _wait(j, b)
                pltpu.sync_copy(upd_v.at[b], acc_sh.at[idx_v.at[b]], add=True)

                @pl.when(j + 2 < n)
                def _():
                    _issue(j + 2, b)

    plsc.subcore_barrier()

    @pl.when(sid == 0)
    def _():
        pltpu.sync_copy(acc_sh, out_hbm.at[c])



def _broadcast_lane(row, cc):
    return lax.gather(
        row,
        jnp.full((16, 1), cc, jnp.int32),
        lax.GatherDimensionNumbers(
            offset_dims=(), collapsed_slice_dims=(0,), start_index_map=(0,)),
        (1,),
        mode=lax.GatherScatterMode.PROMISE_IN_BOUNDS)


@functools.partial(
    pl.kernel,
    out_type=jax.ShapeDtypeStruct((4, N, 4 * Q), jnp.float32),
    mesh=_VMESH,
    scratch_types=[
        pltpu.VMEM_SHARED((N, 4 * Q), jnp.float32),
        pltpu.VMEM((2, CHUNK), jnp.int32),
        pltpu.VMEM((2, CHUNK), jnp.int32),
        pltpu.VMEM((CHUNK, 2 * Q + 16), jnp.float32),
        pltpu.VMEM((2, CHUNK, 4 * Q), jnp.float32),
        pltpu.SemaphoreType.DMA((2,)),
        pltpu.SemaphoreType.DMA((2,)),
        pltpu.SemaphoreType.DMA,
        pltpu.SemaphoreType.DMA((2,)),
    ],
)
def _sc_scatter_v(vq_hbm, msgv_hbm, srcq_hbm, dst_hbm, out_hbm,
                  acc_sh, sidx_v, didx_v, mv_v, upd_v,
                  sem_si, sem_di, sem_mv, sem_g):
    c = lax.axis_index("c")
    sid = lax.axis_index("s")
    per_w = E // NS
    n = per_w // CHUNK

    for p in range(2):
        q = c * 2 + p

        def _base(j):
            return pl.multiple_of(sid * per_w + j * CHUNK, CHUNK)

        def _qbase(j):
            return pl.multiple_of(q * E + sid * per_w + j * CHUNK, CHUNK)

        def _issue_sidx(j, b):
            pltpu.async_copy(srcq_hbm.at[pl.ds(_qbase(j), CHUNK)],
                             sidx_v.at[b], sem_si.at[b])

        def _wait_sidx(j, b):
            pltpu.make_async_copy(srcq_hbm.at[pl.ds(_qbase(j), CHUNK)],
                                  sidx_v.at[b], sem_si.at[b]).wait()

        def _issue_didx(j, b):
            pltpu.async_copy(dst_hbm.at[pl.ds(_base(j), CHUNK)],
                             didx_v.at[b], sem_di.at[b])

        def _wait_didx(j, b):
            pltpu.make_async_copy(dst_hbm.at[pl.ds(_base(j), CHUNK)],
                                  didx_v.at[b], sem_di.at[b]).wait()

        def _issue_mv(j):
            pltpu.async_copy(msgv_hbm.at[q, pl.ds(_base(j), CHUNK)],
                             mv_v, sem_mv)

        def _wait_mv(j):
            pltpu.make_async_copy(msgv_hbm.at[q, pl.ds(_base(j), CHUNK)],
                                  mv_v, sem_mv).wait()

        def _issue_gather(b):
            pltpu.async_copy(vq_hbm.at[sidx_v.at[b]], upd_v.at[b],
                             sem_g.at[b])

        def _wait_gather(b):
            pltpu.make_async_copy(vq_hbm.at[sidx_v.at[b]], upd_v.at[b],
                                  sem_g.at[b]).wait()

        @pl.when(sid == 0)
        def _():
            pltpu.sync_copy(vq_hbm.at[pl.ds(pl.multiple_of(q * N, 8), N)],
                            acc_sh)

        plsc.subcore_barrier()

        _issue_sidx(0, 0)
        _issue_sidx(1, 1)
        _issue_didx(0, 0)
        _issue_mv(0)
        _wait_sidx(0, 0)
        _issue_gather(0)

        @pl.loop(0, n // 2)
        def _(m):
            for b in range(2):
                j = m * 2 + b
                nb = 1 - b
                _wait_gather(b)
                _wait_didx(j, b)
                _wait_mv(j)

                @pl.loop(0, CHUNK)
                def _(i):
                    row = mv_v[i, pl.ds(2 * Q, 16)]
                    us = [_broadcast_lane(row, cc) for cc in range(3)]
                    for g in range(Q // 16):
                        dvv_g = mv_v[i, pl.ds(16 * g, 16)]
                        dvr_g = mv_v[i, pl.ds(Q + 16 * g, 16)]
                        for cc in range(3):
                            off = cc * Q + 16 * g
                            upd_v[b, i, pl.ds(off, 16)] = (
                                dvv_g * upd_v[b, i, pl.ds(off, 16)]
                                + dvr_g * us[cc])

                @pl.when(j + 1 < n)
                def _():
                    _issue_mv(j + 1)

                pltpu.sync_copy(upd_v.at[b], acc_sh.at[didx_v.at[b]],
                                add=True)

                @pl.when(j + 1 < n)
                def _():
                    _wait_sidx(j + 1, nb)
                    _issue_gather(nb)
                    _issue_didx(j + 1, nb)

                @pl.when(j + 2 < n)
                def _():
                    _issue_sidx(j + 2, b)

        plsc.subcore_barrier()

        @pl.when(sid == 0)
        def _():
            pltpu.sync_copy(acc_sh, out_hbm.at[q])

        plsc.subcore_barrier()



def kernel(s, v, edge_index, rbf, unit, W1f, b1f, W2f, b2f, W1s, b1s, W2s, b2s):
    src = edge_index[0]
    dst = edge_index[1]

    vt = jnp.transpose(v.reshape(N, 3, 4, Q), (2, 0, 1, 3))
    vq = jnp.pad(vt, ((0, 0), (0, 0), (0, 1), (0, 0))).reshape(4 * N, 4 * Q)
    s0 = jnp.stack([s, jnp.zeros_like(s)])
    unitp = jnp.pad(unit, ((0, 0), (0, 13)))
    srcq = (src[None, :] + (N * jnp.arange(4, dtype=jnp.int32))[:, None]
            ).reshape(4 * E)

    s_src = _sc_gather_s(s, src)
    msgs, msgv = _edge_mlp(rbf, s_src, unitp, W1f, b1f, W2f, b2f,
                           W1s, b1s, W2s, b2s)

    s_out2 = _sc_scatter_s(s0, msgs, dst)
    v_out4 = _sc_scatter_v(vq, msgv, srcq, dst)

    s_out = s_out2[0] + s_out2[1]
    v_out = jnp.transpose(v_out4.reshape(4, N, 4, Q)[:, :, :3, :],
                          (1, 2, 0, 3)).reshape(N, 3, H)
    return (s_out, v_out)

# --- scband reference (transcript-rebuilt; emitter-appended) ---
"""Pipeline reference for scband-pai-nninteraction-60601988547144 (READ-ONLY COPY).

The authoritative reference and input builder live on the scoring server;
editing this copy changes nothing except your own understanding.
"""

import jax, jax.numpy as jnp
import numpy as np

N = 10000
E = 320000
H = 128
NR = 20

def setup_inputs(seed: int = 0) -> dict:
    key = jax.random.key(seed)
    ks = jax.random.split(key, 12)
    s = jax.random.normal(ks[0], (N, H), dtype=jnp.float32)
    v = jax.random.normal(ks[1], (N, 3, H), dtype=jnp.float32)
    edge_index = jax.random.randint(ks[2], (2, E), 0, N, dtype=jnp.int32)
    rbf = jax.random.uniform(ks[3], (E, NR), dtype=jnp.float32)
    unit = jax.random.normal(ks[4], (E, 3), dtype=jnp.float32)
    unit = unit / (jnp.linalg.norm(unit, axis=-1, keepdims=True) + 1e-9)
    # filter_net params: Linear(NR, H) -> SiLU -> Linear(H, 3H)
    W1f = jax.random.normal(ks[5], (NR, H), dtype=jnp.float32) * (1.0 / np.sqrt(NR))
    b1f = jnp.zeros((H,), dtype=jnp.float32)
    W2f = jax.random.normal(ks[6], (H, 3 * H), dtype=jnp.float32) * (1.0 / np.sqrt(H))
    b2f = jnp.zeros((3 * H,), dtype=jnp.float32)
    # scalar_net params: Linear(H, H) -> SiLU -> Linear(H, 3H)
    W1s = jax.random.normal(ks[7], (H, H), dtype=jnp.float32) * (1.0 / np.sqrt(H))
    b1s = jnp.zeros((H,), dtype=jnp.float32)
    W2s = jax.random.normal(ks[8], (H, 3 * H), dtype=jnp.float32) * (1.0 / np.sqrt(H))
    b2s = jnp.zeros((3 * H,), dtype=jnp.float32)
    return {"s": s, "v": v, "edge_index": edge_index, "rbf": rbf, "unit": unit,
            "W1f": W1f, "b1f": b1f, "W2f": W2f, "b2f": b2f,
            "W1s": W1s, "b1s": b1s, "W2s": W2s, "b2s": b2s}

def reference(s, v, edge_index, rbf, unit, W1f, b1f, W2f, b2f, W1s, b1s, W2s, b2s):
    src = edge_index[0]
    dst = edge_index[1]
    # filter_net(rbf)
    filter_out = jax.nn.silu(rbf @ W1f + b1f) @ W2f + b2f
    # scalar_net(s[src]) -- gather over source nodes
    s_src = jnp.take(s, src, axis=0)
    scalar_out = jax.nn.silu(s_src @ W1s + b1s) @ W2s + b2s
    msg = filter_out * scalar_out
    ds, dv_vector, dv_radial = jnp.split(msg, 3, axis=-1)
    v_src = jnp.take(v, src, axis=0)  # [E, 3, H]
    unit3 = unit.reshape(unit.shape[0], 3)
    dv_vec = dv_vector[:, None, :] * v_src
    dv_rad = dv_radial[:, None, :] * unit3[:, :, None]
    dv = dv_vec + dv_rad
    ds_agg = jnp.zeros_like(s).at[dst].add(ds)
    dv_agg = jnp.zeros_like(v).at[dst].add(dv)
    s_out = s + ds_agg
    v_out = v + dv_agg
    return (s_out, v_out)

if __name__ == "__main__":
    import jax
    _d = setup_inputs()
    print(jax.jit(kernel)(*tuple(_d.values())))

</pallas_src>

<mosaic_0001>
#map = affine_map<(d0, d1) -> (0, 0)>
#map1 = affine_map<(d0, d1) -> (0)>
module attributes {stable_mosaic.version = 14 : i64} {
  func.func @_sc_gather_s(%arg0: i32, %arg1: i32, %arg2: memref<10000x128xf32, #tpu.memory_space<hbm>>, %arg3: memref<320000xi32, #tpu.memory_space<hbm>>, %arg4: memref<320000x128xf32, #tpu.memory_space<hbm>>, %arg5: memref<2x80xi32, #tpu.memory_space<vmem>>, %arg6: memref<2x80x128xf32, #tpu.memory_space<vmem>>, %arg7: memref<2x!tpu.dma_semaphore, #tpu.memory_space<semaphore_mem>>, %arg8: memref<2x!tpu.dma_semaphore, #tpu.memory_space<semaphore_mem>>) attributes {dimension_semantics = [#tpu.dimension_semantics<core_parallel>, #tpu.dimension_semantics<subcore_parallel>], iteration_bounds = array<i64: 2, 16>, scalar_prefetch = 0 : i64, scratch_operands = 4 : i64, tpu.core_type = #tpu.core_type<sc_vector_subcore>, window_params = [{transform_indices = #map}, {transform_indices = #map1}, {transform_indices = #map}]} {
    %mul3A = arith.constant 2 : i32
    %mul3A_0 = arith.muli %arg1, %mul3A : i32
    %add3A = arith.addi %mul3A_0, %arg0 : i32
    %mul3A_1 = arith.constant 10000 : i32
    %mul3A_2 = arith.muli %add3A, %mul3A_1 : i32
    %add3A_3 = arith.constant 0 : i32
    %add3A_4 = arith.addi %mul3A_2, %add3A_3 : i32
    %multiple_of3A = tpu.assume_multiple %add3A_4, 80 : i32
    %dma_start3A = arith.constant 0 : i32
    %dma_start3A_5 = arith.constant 0 : i32
    %dma_start3A_6 = arith.constant 0 : i32
    %dma_start3A_7 = tpu.memref_slice %arg5[%dma_start3A, %dma_start3A_6] : memref<2x80xi32, #tpu.memory_space<vmem>> -> memref<1x80xi32, #tpu.memory_space<vmem>>
    %dma_start3A_8 = tpu.memref_squeeze %dma_start3A_7 : memref<1x80xi32, #tpu.memory_space<vmem>> -> memref<80xi32, #tpu.memory_space<vmem>>
    %dma_start3A_9 = tpu.memref_slice %arg3[%multiple_of3A] : memref<320000xi32, #tpu.memory_space<hbm>> -> memref<80xi32, #tpu.memory_space<hbm>>
    %dma_start3A_10 = tpu.memref_slice %arg7[%dma_start3A_5] : memref<2x!tpu.dma_semaphore, #tpu.memory_space<semaphore_mem>> -> memref<1x!tpu.dma_semaphore, #tpu.memory_space<semaphore_mem>>
    %dma_start3A_11 = tpu.memref_squeeze %dma_start3A_10 : memref<1x!tpu.dma_semaphore, #tpu.memory_space<semaphore_mem>> -> memref<!tpu.dma_semaphore, #tpu.memory_space<semaphore_mem>>
    %dma_start3A_12 = arith.constant 0 : i32
    %dma_start3A_13 = tpu.memref_slice %arg5[%dma_start3A, %dma_start3A_12] : memref<2x80xi32, #tpu.memory_space<vmem>> -> memref<1x80xi32, #tpu.memory_space<vmem>>
    %dma_start3A_14 = tpu.memref_squeeze %dma_start3A_13 : memref<1x80xi32, #tpu.memory_space<vmem>> -> memref<80xi32, #tpu.memory_space<vmem>>
    %dma_start3A_15 = tpu.memref_slice %arg3[%multiple_of3A] : memref<320000xi32, #tpu.memory_space<hbm>> -> memref<80xi32, #tpu.memory_space<hbm>>
    tpu.enqueue_dma source(%dma_start3A_15 : memref<80xi32, #tpu.memory_space<hbm>>) target(%dma_start3A_14 : memref<80xi32, #tpu.memory_space<vmem>>) target_semaphore(%dma_start3A_11 : memref<!tpu.dma_semaphore, #tpu.memory_space<semaphore_mem>>)
    %mul3A_16 = arith.constant 10000 : i32
    %mul3A_17 = arith.muli %add3A, %mul3A_16 : i32
    %add3A_18 = arith.constant 80 : i32
    %add3A_19 = arith.addi %mul3A_17, %add3A_18 : i32
    %multiple_of3A_20 = tpu.assume_multiple %add3A_19, 80 : i32
    %dma_start3A_21 = arith.constant 1 : i32
    %dma_start3A_22 = arith.constant 1 : i32
    %dma_start3A_23 = arith.constant 0 : i32
    %dma_start3A_24 = tpu.memref_slice %arg5[%dma_start3A_21, %dma_start3A_23] : memref<2x80xi32, #tpu.memory_space<vmem>> -> memref<1x80xi32, #tpu.memory_space<vmem>>
    %dma_start3A_25 = tpu.memref_squeeze %dma_start3A_24 : memref<1x80xi32, #tpu.memory_space<vmem>> -> memref<80xi32, #tpu.memory_space<vmem>>
    %dma_start3A_26 = tpu.memref_slice %arg3[%multiple_of3A_20] : memref<320000xi32, #tpu.memory_space<hbm>> -> memref<80xi32, #tpu.memory_space<hbm>>
    %dma_start3A_27 = tpu.memref_slice %arg7[%dma_start3A_22] : memref<2x!tpu.dma_semaphore, #tpu.memory_space<semaphore_mem>> -> memref<1x!tpu.dma_semaphore, #tpu.memory_space<semaphore_mem>>
    %dma_start3A_28 = tpu.memref_squeeze %dma_start3A_27 : memref<1x!tpu.dma_semaphore, #tpu.memory_space<semaphore_mem>> -> memref<!tpu.dma_semaphore, #tpu.memory_space<semaphore_mem>>
    %dma_start3A_29 = arith.constant 0 : i32
    %dma_start3A_30 = tpu.memref_slice %arg5[%dma_start3A_21, %dma_start3A_29] : memref<2x80xi32, #tpu.memory_space<vmem>> -> memref<1x80xi32, #tpu.memory_space<vmem>>
    %dma_start3A_31 = tpu.memref_squeeze %dma_start3A_30 : memref<1x80xi32, #tpu.memory_space<vmem>> -> memref<80xi32, #tpu.memory_space<vmem>>
    %dma_start3A_32 = tpu.memref_slice %arg3[%multiple_of3A_20] : memref<320000xi32, #tpu.memory_space<hbm>> -> memref<80xi32, #tpu.memory_space<hbm>>
    tpu.enqueue_dma source(%dma_start3A_32 : memref<80xi32, #tpu.memory_space<hbm>>) target(%dma_start3A_31 : memref<80xi32, #tpu.memory_space<vmem>>) target_semaphore(%dma_start3A_28 : memref<!tpu.dma_semaphore, #tpu.memory_space<semaphore_mem>>)
    %mul3A_33 = arith.constant 10000 : i32
    %mul3A_34 = arith.muli %add3A, %mul3A_33 : i32
    %add3A_35 = arith.constant 0 : i32
    %add3A_36 = arith.addi %mul3A_34, %add3A_35 : i32
    %multiple_of3A_37 = tpu.assume_multiple %add3A_36, 80 : i32
    %dma_wait3A = arith.constant 0 : i32
    %dma_wait3A_38 = arith.constant 0 : i32
    %dma_wait3A_39 = arith.constant 0 : i32
    %dma_wait3A_40 = tpu.memref_slice %arg5[%dma_wait3A, %dma_wait3A_39] : memref<2x80xi32, #tpu.memory_space<vmem>> -> memref<1x80xi32, #tpu.memory_space<vmem>>
    %dma_wait3A_41 = tpu.memref_squeeze %dma_wait3A_40 : memref<1x80xi32, #tpu.memory_space<vmem>> -> memref<80xi32, #tpu.memory_space<vmem>>
    %dma_wait3A_42 = tpu.memref_slice %arg3[%multiple_of3A_37] : memref<320000xi32, #tpu.memory_space<hbm>> -> memref<80xi32, #tpu.memory_space<hbm>>
    %dma_wait3A_43 = tpu.memref_slice %arg7[%dma_wait3A_38] : memref<2x!tpu.dma_semaphore, #tpu.memory_space<semaphore_mem>> -> memref<1x!tpu.dma_semaphore, #tpu.memory_space<semaphore_mem>>
    %dma_wait3A_44 = tpu.memref_squeeze %dma_wait3A_43 : memref<1x!tpu.dma_semaphore, #tpu.memory_space<semaphore_mem>> -> memref<!tpu.dma_semaphore, #tpu.memory_space<semaphore_mem>>
    %dma_wait3A_45 = arith.constant 0 : i32
    %dma_wait3A_46 = tpu.memref_slice %arg5[%dma_wait3A, %dma_wait3A_45] : memref<2x80xi32, #tpu.memory_space<vmem>> -> memref<1x80xi32, #tpu.memory_space<vmem>>
    %dma_wait3A_47 = tpu.memref_squeeze %dma_wait3A_46 : memref<1x80xi32, #tpu.memory_space<vmem>> -> memref<80xi32, #tpu.memory_space<vmem>>
    %dma_wait3A_48 = tpu.memref_slice %arg3[%multiple_of3A_37] : memref<320000xi32, #tpu.memory_space<hbm>> -> memref<80xi32, #tpu.memory_space<hbm>>
    tpu.wait_dma2 semaphore(%dma_wait3A_44 : memref<!tpu.dma_semaphore, #tpu.memory_space<semaphore_mem>>) src(%dma_wait3A_48 : memref<80xi32, #tpu.memory_space<hbm>>) dst(%dma_wait3A_47 : memref<80xi32, #tpu.memory_space<vmem>>)
    %dma_start3A_49 = arith.constant 0 : i32
    %dma_start3A_50 = arith.constant 0 : i32
    %dma_start3A_51 = arith.constant 0 : i32
    %dma_start3A_52 = arith.constant 0 : i32
    %dma_start3A_53 = arith.constant 0 : i32
    %dma_start3A_54 = tpu.memref_slice %arg6[%dma_start3A_50, %dma_start3A_52, %dma_start3A_53] : memref<2x80x128xf32, #tpu.memory_space<vmem>> -> memref<1x80x128xf32, #tpu.memory_space<vmem>>
    %dma_start3A_55 = tpu.memref_squeeze %dma_start3A_54 : memref<1x80x128xf32, #tpu.memory_space<vmem>> -> memref<80x128xf32, #tpu.memory_space<vmem>>
    %dma_start3A_56 = arith.constant 0 : i32
    %dma_start3A_57 = tpu.memref_slice %arg5[%dma_start3A_49, %dma_start3A_56] : memref<2x80xi32, #tpu.memory_space<vmem>> -> memref<1x80xi32, #tpu.memory_space<vmem>>
    %dma_start3A_58 = tpu.memref_squeeze %dma_start3A_57 : memref<1x80xi32, #tpu.memory_space<vmem>> -> memref<80xi32, #tpu.memory_space<vmem>>
    %dma_start3A_59 = arith.constant 0 : i32
    %dma_start3A_60 = arith.constant 0 : i32
    %dma_start3A_61 = tpu.memref_slice %arg2[%dma_start3A_59, %dma_start3A_60] : memref<10000x128xf32, #tpu.memory_space<hbm>> -> memref<10000x128xf32, #tpu.memory_space<hbm>>
    %dma_start3A_62 = tpu.memref_slice %arg8[%dma_start3A_51] : memref<2x!tpu.dma_semaphore, #tpu.memory_space<semaphore_mem>> -> memref<1x!tpu.dma_semaphore, #tpu.memory_space<semaphore_mem>>
    %dma_start3A_63 = tpu.memref_squeeze %dma_start3A_62 : memref<1x!tpu.dma_semaphore, #tpu.memory_space<semaphore_mem>> -> memref<!tpu.dma_semaphore, #tpu.memory_space<semaphore_mem>>
    tpu.enqueue_indirect_dma source(%dma_start3A_61 : memref<10000x128xf32, #tpu.memory_space<hbm>>) target(%dma_start3A_55 : memref<80x128xf32, #tpu.memory_space<vmem>>) offsets(%dma_start3A_58 : memref<80xi32, #tpu.memory_space<vmem>>) semaphore(%dma_start3A_63 : memref<!tpu.dma_semaphore, #tpu.memory_space<semaphore_mem>>)
    %scan3A = arith.constant 0 : i32
    %scan3A_64 = arith.constant 63 : i32
    %scan3A_65 = arith.addi %scan3A, %scan3A_64 : i32
    %scan3A_66 = arith.constant 1 : i32
    scf.for %scan3A_68 = %scan3A to %scan3A_65 step %scan3A_66  : i32 {
      %mul3A_69 = arith.constant 1 : i32
      %mul3A_70 = arith.muli %scan3A_68, %mul3A_69 : i32
      %add3A_71 = arith.constant 0 : i32
      %add3A_72 = arith.addi %add3A_71, %mul3A_70 : i32
      %mul3A_73 = arith.constant 2 : i32
      %mul3A_74 = arith.muli %add3A_72, %mul3A_73 : i32
      %add3A_75 = arith.constant 0 : i32
      %add3A_76 = arith.addi %mul3A_74, %add3A_75 : i32
      %lt3A = arith.constant 125 : i32
      %lt3A_77 = arith.cmpi slt, %add3A_76, %lt3A : i32
      %convert_element_type3A = arith.extui %lt3A_77 : i1 to i32
      %cond3A = arith.constant 0 : i32
      %cond3A_78 = arith.cmpi ne, %convert_element_type3A, %cond3A : i32
      scf.if %cond3A_78 {
        %dma_wait3A_88 = arith.constant 0 : i32
        %dma_wait3A_89 = arith.constant 0 : i32
        %dma_wait3A_90 = arith.constant 0 : i32
        %dma_wait3A_91 = arith.constant 0 : i32
        %dma_wait3A_92 = arith.constant 0 : i32
        %dma_wait3A_93 = tpu.memref_slice %arg6[%dma_wait3A_89, %dma_wait3A_91, %dma_wait3A_92] : memref<2x80x128xf32, #tpu.memory_space<vmem>> -> memref<1x80x128xf32, #tpu.memory_space<vmem>>
        %dma_wait3A_94 = tpu.memref_squeeze %dma_wait3A_93 : memref<1x80x128xf32, #tpu.memory_space<vmem>> -> memref<80x128xf32, #tpu.memory_space<vmem>>
        %dma_wait3A_95 = arith.constant 0 : i32
        %dma_wait3A_96 = tpu.memref_slice %arg5[%dma_wait3A_88, %dma_wait3A_95] : memref<2x80xi32, #tpu.memory_space<vmem>> -> memref<1x80xi32, #tpu.memory_space<vmem>>
        %dma_wait3A_97 = tpu.memref_squeeze %dma_wait3A_96 : memref<1x80xi32, #tpu.memory_space<vmem>> -> memref<80xi32, #tpu.memory_space<vmem>>
        %dma_wait3A_98 = arith.constant 0 : i32
        %dma_wait3A_99 = arith.constant 0 : i32
        %dma_wait3A_100 = tpu.memref_slice %arg2[%dma_wait3A_98, %dma_wait3A_99] : memref<10000x128xf32, #tpu.memory_space<hbm>> -> memref<10000x128xf32, #tpu.memory_space<hbm>>
        %dma_wait3A_101 = tpu.memref_slice %arg8[%dma_wait3A_90] : memref<2x!tpu.dma_semaphore, #tpu.memory_space<semaphore_mem>> -> memref<1x!tpu.dma_semaphore, #tpu.memory_space<semaphore_mem>>
        %dma_wait3A_102 = tpu.memref_squeeze %dma_wait3A_101 : memref<1x!tpu.dma_semaphore, #tpu.memory_space<semaphore_mem>> -> memref<!tpu.dma_semaphore, #tpu.memory_space<semaphore_mem>>
        tpu.wait_indirect_dma semaphore(%dma_wait3A_102 : memref<!tpu.dma_semaphore, #tpu.memory_space<semaphore_mem>>) src(%dma_wait3A_100 : memref<10000x128xf32, #tpu.memory_space<hbm>>) dst(%dma_wait3A_94 : memref<80x128xf32, #tpu.memory_space<vmem>>)
        %add3A_103 = arith.constant 1 : i32
        %add3A_104 = arith.addi %add3A_76, %add3A_103 : i32
        %lt3A_105 = arith.constant 125 : i32
        %lt3A_106 = arith.cmpi slt, %add3A_104, %lt3A_105 : i32
        %convert_element_type3A_107 = arith.extui %lt3A_106 : i1 to i32
        %cond3A_108 = arith.constant 0 : i32
        %cond3A_109 = arith.cmpi ne, %convert_element_type3A_107, %cond3A_108 : i32
        scf.if %cond3A_109 {
          %add3A_123 = arith.constant 1 : i32
          %add3A_124 = arith.addi %add3A_76, %add3A_123 : i32
          %mul3A_125 = arith.constant 10000 : i32
          %mul3A_126 = arith.muli %add3A, %mul3A_125 : i32
          %mul3A_127 = arith.constant 80 : i32
          %mul3A_128 = arith.muli %add3A_124, %mul3A_127 : i32
          %add3A_129 = arith.addi %mul3A_126, %mul3A_128 : i32
          %multiple_of3A_130 = tpu.assume_multiple %add3A_129, 80 : i32
          %dma_wait3A_131 = arith.constant 1 : i32
          %dma_wait3A_132 = arith.constant 1 : i32
          %dma_wait3A_133 = arith.constant 0 : i32
          %dma_wait3A_134 = tpu.memref_slice %arg5[%dma_wait3A_131, %dma_wait3A_133] : memref<2x80xi32, #tpu.memory_space<vmem>> -> memref<1x80xi32, #tpu.memory_space<vmem>>
          %dma_wait3A_135 = tpu.memref_squeeze %dma_wait3A_134 : memref<1x80xi32, #tpu.memory_space<vmem>> -> memref<80xi32, #tpu.memory_space<vmem>>
          %dma_wait3A_136 = tpu.memref_slice %arg3[%multiple_of3A_130] : memref<320000xi32, #tpu.memory_space<hbm>> -> memref<80xi32, #tpu.memory_space<hbm>>
          %dma_wait3A_137 = tpu.memref_slice %arg7[%dma_wait3A_132] : memref<2x!tpu.dma_semaphore, #tpu.memory_space<semaphore_mem>> -> memref<1x!tpu.dma_semaphore, #tpu.memory_space<semaphore_mem>>
          %dma_wait3A_138 = tpu.memref_squeeze %dma_wait3A_137 : memref<1x!tpu.dma_semaphore, #tpu.memory_space<semaphore_mem>> -> memref<!tpu.dma_semaphore, #tpu.memory_space<semaphore_mem>>
          %dma_wait3A_139 = arith.constant 0 : i32
          %dma_wait3A_140 = tpu.memref_slice %arg5[%dma_wait3A_131, %dma_wait3A_139] : memref<2x80xi32, #tpu.memory_space<vmem>> -> memref<1x80xi32, #tpu.memory_space<vmem>>
          %dma_wait3A_141 = tpu.memref_squeeze %dma_wait3A_140 : memref<1x80xi32, #tpu.memory_space<vmem>> -> memref<80xi32, #tpu.memory_space<vmem>>
          %dma_wait3A_142 = tpu.memref_slice %arg3[%multiple_of3A_130] : memref<320000xi32, #tpu.memory_space<hbm>> -> memref<80xi32, #tpu.memory_space<hbm>>
          tpu.wait_dma2 semaphore(%dma_wait3A_138 : memref<!tpu.dma_semaphore, #tpu.memory_space<semaphore_mem>>) src(%dma_wait3A_142 : memref<80xi32, #tpu.memory_space<hbm>>) dst(%dma_wait3A_141 : memref<80xi32, #tpu.memory_space<vmem>>)
          %dma_start3A_143 = arith.constant 1 : i32
          %dma_start3A_144 = arith.constant 1 : i32
          %dma_start3A_145 = arith.constant 1 : i32
          %dma_start3A_146 = arith.constant 0 : i32
          %dma_start3A_147 = arith.constant 0 : i32
          %dma_start3A_148 = tpu.memref_slice %arg6[%dma_start3A_144, %dma_start3A_146, %dma_start3A_147] : memref<2x80x128xf32, #tpu.memory_space<vmem>> -> memref<1x80x128xf32, #tpu.memory_space<vmem>>
          %dma_start3A_149 = tpu.memref_squeeze %dma_start3A_148 : memref<1x80x128xf32, #tpu.memory_space<vmem>> -> memref<80x128xf32, #tpu.memory_space<vmem>>
          %dma_start3A_150 = arith.constant 0 : i32
          %dma_start3A_151 = tpu.memref_slice %arg5[%dma_start3A_143, %dma_start3A_150] : memref<2x80xi32, #tpu.memory_space<vmem>> -> memref<1x80xi32, #tpu.memory_space<vmem>>
          %dma_start3A_152 = tpu.memref_squeeze %dma_start3A_151 : memref<1x80xi32, #tpu.memory_space<vmem>> -> memref<80xi32, #tpu.memory_space<vmem>>
          %dma_start3A_153 = arith.constant 0 : i32
          %dma_start3A_154 = arith.constant 0 : i32
          %dma_start3A_155 = tpu.memref_slice %arg2[%dma_start3A_153, %dma_start3A_154] : memref<10000x128xf32, #tpu.memory_space<hbm>> -> memref<10000x128xf32, #tpu.memory_space<hbm>>
          %dma_start3A_156 = tpu.memref_slice %arg8[%dma_start3A_145] : memref<2x!tpu.dma_semaphore, #tpu.memory_space<semaphore_mem>> -> memref<1x!tpu.dma_semaphore, #tpu.memory_space<semaphore_mem>>
          %dma_start3A_157 = tpu.memref_squeeze %dma_start3A_156 : memref<1x!tpu.dma_semaphore, #tpu.memory_space<semaphore_mem>> -> memref<!tpu.dma_semaphore, #tpu.memory_space<semaphore_mem>>
          tpu.enqueue_indirect_dma source(%dma_start3A_155 : memref<10000x128xf32, #tpu.memory_space<hbm>>) target(%dma_start3A_149 : memref<80x128xf32, #tpu.memory_space<vmem>>) offsets(%dma_start3A_152 : memref<80xi32, #tpu.memory_space<vmem>>) semaphore(%dma_start3A_157 : memref<!tpu.dma_semaphore, #tpu.memory_space<semaphore_mem>>)
        } else {
        }
        %mul3A_110 = arith.constant 10000 : i32
        %mul3A_111 = arith.muli %add3A, %mul3A_110 : i32
        %mul3A_112 = arith.constant 80 : i32
        %mul3A_113 = arith.muli %add3A_76, %mul3A_112 : i32
        %add3A_114 = arith.addi %mul3A_111, %mul3A_113 : i32
        %multiple_of3A_115 = tpu.assume_multiple %add3A_114, 80 : i32
        %run_scoped3A = arith.constant 0 : i32
        "tpu.region"() ({
          %run_scoped3A_123 = tpu.sem_alloc : memref<!tpu.dma_semaphore, #tpu.memory_space<semaphore_mem>>
          %dma_start3A_124 = arith.constant 0 : i32
          %dma_start3A_125 = arith.constant 0 : i32
          %dma_start3A_126 = tpu.memref_slice %arg6[%run_scoped3A, %dma_start3A_124, %dma_start3A_125] : memref<2x80x128xf32, #tpu.memory_space<vmem>> -> memref<1x80x128xf32, #tpu.memory_space<vmem>>
          %dma_start3A_127 = tpu.memref_squeeze %dma_start3A_126 : memref<1x80x128xf32, #tpu.memory_space<vmem>> -> memref<80x128xf32, #tpu.memory_space<vmem>>
          %dma_start3A_128 = arith.constant 0 : i32
          %dma_start3A_129 = tpu.memref_slice %arg4[%multiple_of3A_115, %dma_start3A_128] : memref<320000x128xf32, #tpu.memory_space<hbm>> -> memref<80x128xf32, #tpu.memory_space<hbm>>
          %dma_start3A_130 = arith.constant 0 : i32
          %dma_start3A_131 = tpu.memref_slice %arg4[%multiple_of3A_115, %dma_start3A_130] : memref<320000x128xf32, #tpu.memory_space<hbm>> -> memref<80x128xf32, #tpu.memory_space<hbm>>
          %dma_start3A_132 = arith.constant 0 : i32
          %dma_start3A_133 = arith.constant 0 : i32
          %dma_start3A_134 = tpu.memref_slice %arg6[%run_scoped3A, %dma_start3A_132, %dma_start3A_133] : memref<2x80x128xf32, #tpu.memory_space<vmem>> -> memref<1x80x128xf32, #tpu.memory_space<vmem>>
          %dma_start3A_135 = tpu.memref_squeeze %dma_start3A_134 : memref<1x80x128xf32, #tpu.memory_space<vmem>> -> memref<80x128xf32, #tpu.memory_space<vmem>>
          tpu.enqueue_dma source(%dma_start3A_135 : memref<80x128xf32, #tpu.memory_space<vmem>>) target(%dma_start3A_131 : memref<80x128xf32, #tpu.memory_space<hbm>>) target_semaphore(%run_scoped3A_123 : memref<!tpu.dma_semaphore, #tpu.memory_space<semaphore_mem>>)
          %dma_wait3A_136 = arith.constant 0 : i32
          %dma_wait3A_137 = arith.constant 0 : i32
          %dma_wait3A_138 = tpu.memref_slice %arg6[%run_scoped3A, %dma_wait3A_136, %dma_wait3A_137] : memref<2x80x128xf32, #tpu.memory_space<vmem>> -> memref<1x80x128xf32, #tpu.memory_space<vmem>>
          %dma_wait3A_139 = tpu.memref_squeeze %dma_wait3A_138 : memref<1x80x128xf32, #tpu.memory_space<vmem>> -> memref<80x128xf32, #tpu.memory_space<vmem>>
          %dma_wait3A_140 = arith.constant 0 : i32
          %dma_wait3A_141 = tpu.memref_slice %arg4[%multiple_of3A_115, %dma_wait3A_140] : memref<320000x128xf32, #tpu.memory_space<hbm>> -> memref<80x128xf32, #tpu.memory_space<hbm>>
          %dma_wait3A_142 = arith.constant 0 : i32
          %dma_wait3A_143 = tpu.memref_slice %arg4[%multiple_of3A_115, %dma_wait3A_142] : memref<320000x128xf32, #tpu.memory_space<hbm>> -> memref<80x128xf32, #tpu.memory_space<hbm>>
          %dma_wait3A_144 = arith.constant 0 : i32
          %dma_wait3A_145 = arith.constant 0 : i32
          %dma_wait3A_146 = tpu.memref_slice %arg6[%run_scoped3A, %dma_wait3A_144, %dma_wait3A_145] : memref<2x80x128xf32, #tpu.memory_space<vmem>> -> memref<1x80x128xf32, #tpu.memory_space<vmem>>
          %dma_wait3A_147 = tpu.memref_squeeze %dma_wait3A_146 : memref<1x80x128xf32, #tpu.memory_space<vmem>> -> memref<80x128xf32, #tpu.memory_space<vmem>>
          tpu.wait_dma2 semaphore(%run_scoped3A_123 : memref<!tpu.dma_semaphore, #tpu.memory_space<semaphore_mem>>) src(%dma_wait3A_147 : memref<80x128xf32, #tpu.memory_space<vmem>>) dst(%dma_wait3A_143 : memref<80x128xf32, #tpu.memory_space<hbm>>)
          tpu.yield
        }) : () -> ()
        %add3A_116 = arith.constant 2 : i32
        %add3A_117 = arith.addi %add3A_76, %add3A_116 : i32
        %lt3A_118 = arith.constant 125 : i32
        %lt3A_119 = arith.cmpi slt, %add3A_117, %lt3A_118 : i32
        %convert_element_type3A_120 = arith.extui %lt3A_119 : i1 to i32
        %cond3A_121 = arith.constant 0 : i32
        %cond3A_122 = arith.cmpi ne, %convert_element_type3A_120, %cond3A_121 : i32
        scf.if %cond3A_122 {
          %add3A_123 = arith.constant 2 : i32
          %add3A_124 = arith.addi %add3A_76, %add3A_123 : i32
          %mul3A_125 = arith.constant 10000 : i32
          %mul3A_126 = arith.muli %add3A, %mul3A_125 : i32
          %mul3A_127 = arith.constant 80 : i32
          %mul3A_128 = arith.muli %add3A_124, %mul3A_127 : i32
          %add3A_129 = arith.addi %mul3A_126, %mul3A_128 : i32
          %multiple_of3A_130 = tpu.assume_multiple %add3A_129, 80 : i32
          %dma_start3A_131 = arith.constant 0 : i32
          %dma_start3A_132 = arith.constant 0 : i32
          %dma_start3A_133 = arith.constant 0 : i32
          %dma_start3A_134 = tpu.memref_slice %arg5[%dma_start3A_131, %dma_start3A_133] : memref<2x80xi32, #tpu.memory_space<vmem>> -> memref<1x80xi32, #tpu.memory_space<vmem>>
          %dma_start3A_135 = tpu.memref_squeeze %dma_start3A_134 : memref<1x80xi32, #tpu.memory_space<vmem>> -> memref<80xi32, #tpu.memory_space<vmem>>
          %dma_start3A_136 = tpu.memref_slice %arg3[%multiple_of3A_130] : memref<320000xi32, #tpu.memory_space<hbm>> -> memref<80xi32, #tpu.memory_space<hbm>>
          %dma_start3A_137 = tpu.memref_slice %arg7[%dma_start3A_132] : memref<2x!tpu.dma_semaphore, #tpu.memory_space<semaphore_mem>> -> memref<1x!tpu.dma_semaphore, #tpu.memory_space<semaphore_mem>>
          %dma_start3A_138 = tpu.memref_squeeze %dma_start3A_137 : memref<1x!tpu.dma_semaphore, #tpu.memory_space<semaphore_mem>> -> memref<!tpu.dma_semaphore, #tpu.memory_space<semaphore_mem>>
          %dma_start3A_139 = arith.constant 0 : i32
          %dma_start3A_140 = tpu.memref_slice %arg5[%dma_start3A_131, %dma_start3A_139] : memref<2x80xi32, #tpu.memory_space<vmem>> -> memref<1x80xi32, #tpu.memory_space<vmem>>
          %dma_start3A_141 = tpu.memref_squeeze %dma_start3A_140 : memref<1x80xi32, #tpu.memory_space<vmem>> -> memref<80xi32, #tpu.memory_space<vmem>>
          %dma_start3A_142 = tpu.memref_slice %arg3[%multiple_of3A_130] : memref<320000xi32, #tpu.memory_space<hbm>> -> memref<80xi32, #tpu.memory_space<hbm>>
          tpu.enqueue_dma source(%dma_start3A_142 : memref<80xi32, #tpu.memory_space<hbm>>) target(%dma_start3A_141 : memref<80xi32, #tpu.memory_space<vmem>>) target_semaphore(%dma_start3A_138 : memref<!tpu.dma_semaphore, #tpu.memory_space<semaphore_mem>>)
        } else {
        }
      } else {
      }
      %mul3A_79 = arith.constant 2 : i32
      %mul3A_80 = arith.muli %add3A_72, %mul3A_79 : i32
      %add3A_81 = arith.constant 1 : i32
      %add3A_82 = arith.addi %mul3A_80, %add3A_81 : i32
      %lt3A_83 = arith.constant 125 : i32
      %lt3A_84 = arith.cmpi slt, %add3A_82, %lt3A_83 : i32
      %convert_element_type3A_85 = arith.extui %lt3A_84 : i1 to i32
      %cond3A_86 = arith.constant 0 : i32
      %cond3A_87 = arith.cmpi ne, %convert_element_type3A_85, %cond3A_86 : i32
      scf.if %cond3A_87 {
        %dma_wait3A_88 = arith.constant 1 : i32
        %dma_wait3A_89 = arith.constant 1 : i32
        %dma_wait3A_90 = arith.constant 1 : i32
        %dma_wait3A_91 = arith.constant 0 : i32
        %dma_wait3A_92 = arith.constant 0 : i32
        %dma_wait3A_93 = tpu.memref_slice %arg6[%dma_wait3A_89, %dma_wait3A_91, %dma_wait3A_92] : memref<2x80x128xf32, #tpu.memory_space<vmem>> -> memref<1x80x128xf32, #tpu.memory_space<vmem>>
        %dma_wait3A_94 = tpu.memref_squeeze %dma_wait3A_93 : memref<1x80x128xf32, #tpu.memory_space<vmem>> -> memref<80x128xf32, #tpu.memory_space<vmem>>
        %dma_wait3A_95 = arith.constant 0 : i32
        %dma_wait3A_96 = tpu.memref_slice %arg5[%dma_wait3A_88, %dma_wait3A_95] : memref<2x80xi32, #tpu.memory_space<vmem>> -> memref<1x80xi32, #tpu.memory_space<vmem>>
        %dma_wait3A_97 = tpu.memref_squeeze %dma_wait3A_96 : memref<1x80xi32, #tpu.memory_space<vmem>> -> memref<80xi32, #tpu.memory_space<vmem>>
        %dma_wait3A_98 = arith.constant 0 : i32
        %dma_wait3A_99 = arith.constant 0 : i32
        %dma_wait3A_100 = tpu.memref_slice %arg2[%dma_wait3A_98, %dma_wait3A_99] : memref<10000x128xf32, #tpu.memory_space<hbm>> -> memref<10000x128xf32, #tpu.memory_space<hbm>>
        %dma_wait3A_101 = tpu.memref_slice %arg8[%dma_wait3A_90] : memref<2x!tpu.dma_semaphore, #tpu.memory_space<semaphore_mem>> -> memref<1x!tpu.dma_semaphore, #tpu.memory_space<semaphore_mem>>
        %dma_wait3A_102 = tpu.memref_squeeze %dma_wait3A_101 : memref<1x!tpu.dma_semaphore, #tpu.memory_space<semaphore_mem>> -> memref<!tpu.dma_semaphore, #tpu.memory_space<semaphore_mem>>
        tpu.wait_indirect_dma semaphore(%dma_wait3A_102 : memref<!tpu.dma_semaphore, #tpu.memory_space<semaphore_mem>>) src(%dma_wait3A_100 : memref<10000x128xf32, #tpu.memory_space<hbm>>) dst(%dma_wait3A_94 : memref<80x128xf32, #tpu.memory_space<vmem>>)
        %add3A_103 = arith.constant 1 : i32
        %add3A_104 = arith.addi %add3A_82, %add3A_103 : i32
        %lt3A_105 = arith.constant 125 : i32
        %lt3A_106 = arith.cmpi slt, %add3A_104, %lt3A_105 : i32
        %convert_element_type3A_107 = arith.extui %lt3A_106 : i1 to i32
        %cond3A_108 = arith.constant 0 : i32
        %cond3A_109 = arith.cmpi ne, %convert_element_type3A_107, %cond3A_108 : i32
        scf.if %cond3A_109 {
          %add3A_123 = arith.constant 1 : i32
          %add3A_124 = arith.addi %add3A_82, %add3A_123 : i32
          %mul3A_125 = arith.constant 10000 : i32
          %mul3A_126 = arith.muli %add3A, %mul3A_125 : i32
          %mul3A_127 = arith.constant 80 : i32
          %mul3A_128 = arith.muli %add3A_124, %mul3A_127 : i32
          %add3A_129 = arith.addi %mul3A_126, %mul3A_128 : i32
          %multiple_of3A_130 = tpu.assume_multiple %add3A_129, 80 : i32
          %dma_wait3A_131 = arith.constant 0 : i32
          %dma_wait3A_132 = arith.constant 0 : i32
          %dma_wait3A_133 = arith.constant 0 : i32
          %dma_wait3A_134 = tpu.memref_slice %arg5[%dma_wait3A_131, %dma_wait3A_133] : memref<2x80xi32, #tpu.memory_space<vmem>> -> memref<1x80xi32, #tpu.memory_space<vmem>>
          %dma_wait3A_135 = tpu.memref_squeeze %dma_wait3A_134 : memref<1x80xi32, #tpu.memory_space<vmem>> -> memref<80xi32, #tpu.memory_space<vmem>>
          %dma_wait3A_136 = tpu.memref_slice %arg3[%multiple_of3A_130] : memref<320000xi32, #tpu.memory_space<hbm>> -> memref<80xi32, #tpu.memory_space<hbm>>
          %dma_wait3A_137 = tpu.memref_slice %arg7[%dma_wait3A_132] : memref<2x!tpu.dma_semaphore, #tpu.memory_space<semaphore_mem>> -> memref<1x!tpu.dma_semaphore, #tpu.memory_space<semaphore_mem>>
          %dma_wait3A_138 = tpu.memref_squeeze %dma_wait3A_137 : memref<1x!tpu.dma_semaphore, #tpu.memory_space<semaphore_mem>> -> memref<!tpu.dma_semaphore, #tpu.memory_space<semaphore_mem>>
          %dma_wait3A_139 = arith.constant 0 : i32
          %dma_wait3A_140 = tpu.memref_slice %arg5[%dma_wait3A_131, %dma_wait3A_139] : memref<2x80xi32, #tpu.memory_space<vmem>> -> memref<1x80xi32, #tpu.memory_space<vmem>>
          %dma_wait3A_141 = tpu.memref_squeeze %dma_wait3A_140 : memref<1x80xi32, #tpu.memory_space<vmem>> -> memref<80xi32, #tpu.memory_space<vmem>>
          %dma_wait3A_142 = tpu.memref_slice %arg3[%multiple_of3A_130] : memref<320000xi32, #tpu.memory_space<hbm>> -> memref<80xi32, #tpu.memory_space<hbm>>
          tpu.wait_dma2 semaphore(%dma_wait3A_138 : memref<!tpu.dma_semaphore, #tpu.memory_space<semaphore_mem>>) src(%dma_wait3A_142 : memref<80xi32, #tpu.memory_space<hbm>>) dst(%dma_wait3A_141 : memref<80xi32, #tpu.memory_space<vmem>>)
          %dma_start3A_143 = arith.constant 0 : i32
          %dma_start3A_144 = arith.constant 0 : i32
          %dma_start3A_145 = arith.constant 0 : i32
          %dma_start3A_146 = arith.constant 0 : i32
          %dma_start3A_147 = arith.constant 0 : i32
          %dma_start3A_148 = tpu.memref_slice %arg6[%dma_start3A_144, %dma_start3A_146, %dma_start3A_147] : memref<2x80x128xf32, #tpu.memory_space<vmem>> -> memref<1x80x128xf32, #tpu.memory_space<vmem>>
          %dma_start3A_149 = tpu.memref_squeeze %dma_start3A_148 : memref<1x80x128xf32, #tpu.memory_space<vmem>> -> memref<80x128xf32, #tpu.memory_space<vmem>>
          %dma_start3A_150 = arith.constant 0 : i32
          %dma_start3A_151 = tpu.memref_slice %arg5[%dma_start3A_143, %dma_start3A_150] : memref<2x80xi32, #tpu.memory_space<vmem>> -> memref<1x80xi32, #tpu.memory_space<vmem>>
          %dma_start3A_152 = tpu.memref_squeeze %dma_start3A_151 : memref<1x80xi32, #tpu.memory_space<vmem>> -> memref<80xi32, #tpu.memory_space<vmem>>
          %dma_start3A_153 = arith.constant 0 : i32
          %dma_start3A_154 = arith.constant 0 : i32
          %dma_start3A_155 = tpu.memref_slice %arg2[%dma_start3A_153, %dma_start3A_154] : memref<10000x128xf32, #tpu.memory_space<hbm>> -> memref<10000x128xf32, #tpu.memory_space<hbm>>
          %dma_start3A_156 = tpu.memref_slice %arg8[%dma_start3A_145] : memref<2x!tpu.dma_semaphore, #tpu.memory_space<semaphore_mem>> -> memref<1x!tpu.dma_semaphore, #tpu.memory_space<semaphore_mem>>
          %dma_start3A_157 = tpu.memref_squeeze %dma_start3A_156 : memref<1x!tpu.dma_semaphore, #tpu.memory_space<semaphore_mem>> -> memref<!tpu.dma_semaphore, #tpu.memory_space<semaphore_mem>>
          tpu.enqueue_indirect_dma source(%dma_start3A_155 : memref<10000x128xf32, #tpu.memory_space<hbm>>) target(%dma_start3A_149 : memref<80x128xf32, #tpu.memory_space<vmem>>) offsets(%dma_start3A_152 : memref<80xi32, #tpu.memory_space<vmem>>) semaphore(%dma_start3A_157 : memref<!tpu.dma_semaphore, #tpu.memory_space<semaphore_mem>>)
        } else {
        }
        %mul3A_110 = arith.constant 10000 : i32
        %mul3A_111 = arith.muli %add3A, %mul3A_110 : i32
        %mul3A_112 = arith.constant 80 : i32
        %mul3A_113 = arith.muli %add3A_82, %mul3A_112 : i32
        %add3A_114 = arith.addi %mul3A_111, %mul3A_113 : i32
        %multiple_of3A_115 = tpu.assume_multiple %add3A_114, 80 : i32
        %run_scoped3A = arith.constant 1 : i32
        "tpu.region"() ({
          %run_scoped3A_123 = tpu.sem_alloc : memref<!tpu.dma_semaphore, #tpu.memory_space<semaphore_mem>>
          %dma_start3A_124 = arith.constant 0 : i32
          %dma_start3A_125 = arith.constant 0 : i32
          %dma_start3A_126 = tpu.memref_slice %arg6[%run_scoped3A, %dma_start3A_124, %dma_start3A_125] : memref<2x80x128xf32, #tpu.memory_space<vmem>> -> memref<1x80x128xf32, #tpu.memory_space<vmem>>
          %dma_start3A_127 = tpu.memref_squeeze %dma_start3A_126 : memref<1x80x128xf32, #tpu.memory_space<vmem>> -> memref<80x128xf32, #tpu.memory_space<vmem>>
          %dma_start3A_128 = arith.constant 0 : i32
          %dma_start3A_129 = tpu.memref_slice %arg4[%multiple_of3A_115, %dma_start3A_128] : memref<320000x128xf32, #tpu.memory_space<hbm>> -> memref<80x128xf32, #tpu.memory_space<hbm>>
          %dma_start3A_130 = arith.constant 0 : i32
          %dma_start3A_131 = tpu.memref_slice %arg4[%multiple_of3A_115, %dma_start3A_130] : memref<320000x128xf32, #tpu.memory_space<hbm>> -> memref<80x128xf32, #tpu.memory_space<hbm>>
          %dma_start3A_132 = arith.constant 0 : i32
          %dma_start3A_133 = arith.constant 0 : i32
          %dma_start3A_134 = tpu.memref_slice %arg6[%run_scoped3A, %dma_start3A_132, %dma_start3A_133] : memref<2x80x128xf32, #tpu.memory_space<vmem>> -> memref<1x80x128xf32, #tpu.memory_space<vmem>>
          %dma_start3A_135 = tpu.memref_squeeze %dma_start3A_134 : memref<1x80x128xf32, #tpu.memory_space<vmem>> -> memref<80x128xf32, #tpu.memory_space<vmem>>
          tpu.enqueue_dma source(%dma_start3A_135 : memref<80x128xf32, #tpu.memory_space<vmem>>) target(%dma_start3A_131 : memref<80x128xf32, #tpu.memory_space<hbm>>) target_semaphore(%run_scoped3A_123 : memref<!tpu.dma_semaphore, #tpu.memory_space<semaphore_mem>>)
          %dma_wait3A_136 = arith.constant 0 : i32
          %dma_wait3A_137 = arith.constant 0 : i32
          %dma_wait3A_138 = tpu.memref_slice %arg6[%run_scoped3A, %dma_wait3A_136, %dma_wait3A_137] : memref<2x80x128xf32, #tpu.memory_space<vmem>> -> memref<1x80x128xf32, #tpu.memory_space<vmem>>
          %dma_wait3A_139 = tpu.memref_squeeze %dma_wait3A_138 : memref<1x80x128xf32, #tpu.memory_space<vmem>> -> memref<80x128xf32, #tpu.memory_space<vmem>>
          %dma_wait3A_140 = arith.constant 0 : i32
          %dma_wait3A_141 = tpu.memref_slice %arg4[%multiple_of3A_115, %dma_wait3A_140] : memref<320000x128xf32, #tpu.memory_space<hbm>> -> memref<80x128xf32, #tpu.memory_space<hbm>>
          %dma_wait3A_142 = arith.constant 0 : i32
          %dma_wait3A_143 = tpu.memref_slice %arg4[%multiple_of3A_115, %dma_wait3A_142] : memref<320000x128xf32, #tpu.memory_space<hbm>> -> memref<80x128xf32, #tpu.memory_space<hbm>>
          %dma_wait3A_144 = arith.constant 0 : i32
          %dma_wait3A_145 = arith.constant 0 : i32
          %dma_wait3A_146 = tpu.memref_slice %arg6[%run_scoped3A, %dma_wait3A_144, %dma_wait3A_145] : memref<2x80x128xf32, #tpu.memory_space<vmem>> -> memref<1x80x128xf32, #tpu.memory_space<vmem>>
          %dma_wait3A_147 = tpu.memref_squeeze %dma_wait3A_146 : memref<1x80x128xf32, #tpu.memory_space<vmem>> -> memref<80x128xf32, #tpu.memory_space<vmem>>
          tpu.wait_dma2 semaphore(%run_scoped3A_123 : memref<!tpu.dma_semaphore, #tpu.memory_space<semaphore_mem>>) src(%dma_wait3A_147 : memref<80x128xf32, #tpu.memory_space<vmem>>) dst(%dma_wait3A_143 : memref<80x128xf32, #tpu.memory_space<hbm>>)
          tpu.yield
        }) : () -> ()
        %add3A_116 = arith.constant 2 : i32
        %add3A_117 = arith.addi %add3A_82, %add3A_116 : i32
        %lt3A_118 = arith.constant 125 : i32
        %lt3A_119 = arith.cmpi slt, %add3A_117, %lt3A_118 : i32
        %convert_element_type3A_120 = arith.extui %lt3A_119 : i1 to i32
        %cond3A_121 = arith.constant 0 : i32
        %cond3A_122 = arith.cmpi ne, %convert_element_type3A_120, %cond3A_121 : i32
        scf.if %cond3A_122 {
          %add3A_123 = arith.constant 2 : i32
          %add3A_124 = arith.addi %add3A_82, %add3A_123 : i32
          %mul3A_125 = arith.constant 10000 : i32
          %mul3A_126 = arith.muli %add3A, %mul3A_125 : i32
          %mul3A_127 = arith.constant 80 : i32
          %mul3A_128 = arith.muli %add3A_124, %mul3A_127 : i32
          %add3A_129 = arith.addi %mul3A_126, %mul3A_128 : i32
          %multiple_of3A_130 = tpu.assume_multiple %add3A_129, 80 : i32
          %dma_start3A_131 = arith.constant 1 : i32
          %dma_start3A_132 = arith.constant 1 : i32
          %dma_start3A_133 = arith.constant 0 : i32
          %dma_start3A_134 = tpu.memref_slice %arg5[%dma_start3A_131, %dma_start3A_133] : memref<2x80xi32, #tpu.memory_space<vmem>> -> memref<1x80xi32, #tpu.memory_space<vmem>>
          %dma_start3A_135 = tpu.memref_squeeze %dma_start3A_134 : memref<1x80xi32, #tpu.memory_space<vmem>> -> memref<80xi32, #tpu.memory_space<vmem>>
          %dma_start3A_136 = tpu.memref_slice %arg3[%multiple_of3A_130] : memref<320000xi32, #tpu.memory_space<hbm>> -> memref<80xi32, #tpu.memory_space<hbm>>
          %dma_start3A_137 = tpu.memref_slice %arg7[%dma_start3A_132] : memref<2x!tpu.dma_semaphore, #tpu.memory_space<semaphore_mem>> -> memref<1x!tpu.dma_semaphore, #tpu.memory_space<semaphore_mem>>
          %dma_start3A_138 = tpu.memref_squeeze %dma_start3A_137 : memref<1x!tpu.dma_semaphore, #tpu.memory_space<semaphore_mem>> -> memref<!tpu.dma_semaphore, #tpu.memory_space<semaphore_mem>>
          %dma_start3A_139 = arith.constant 0 : i32
          %dma_start3A_140 = tpu.memref_slice %arg5[%dma_start3A_131, %dma_start3A_139] : memref<2x80xi32, #tpu.memory_space<vmem>> -> memref<1x80xi32, #tpu.memory_space<vmem>>
          %dma_start3A_141 = tpu.memref_squeeze %dma_start3A_140 : memref<1x80xi32, #tpu.memory_space<vmem>> -> memref<80xi32, #tpu.memory_space<vmem>>
          %dma_start3A_142 = tpu.memref_slice %arg3[%multiple_of3A_130] : memref<320000xi32, #tpu.memory_space<hbm>> -> memref<80xi32, #tpu.memory_space<hbm>>
          tpu.enqueue_dma source(%dma_start3A_142 : memref<80xi32, #tpu.memory_space<hbm>>) target(%dma_start3A_141 : memref<80xi32, #tpu.memory_space<vmem>>) target_semaphore(%dma_start3A_138 : memref<!tpu.dma_semaphore, #tpu.memory_space<semaphore_mem>>)
        } else {
        }
      } else {
      }
    }
    %scan3A_67 = arith.constant 63 : i32
    return
  }
}

#map = affine_map<(d0, d1) -> (0, 0)>
#map1 = affine_map<(d0, d1) -> (0, 0, 0)>
#map2 = affine_map<(d0, d1) -> (0)>
module attributes {stable_mosaic.version = 14 : i64} {
  func.func @_sc_scatter_v(%arg0: i32, %arg1: i32, %arg2: memref<40000x128xf32, #tpu.memory_space<hbm>>, %arg3: memref<4x320000x80xf32, #tpu.memory_space<hbm>>, %arg4: memref<1280000xi32, #tpu.memory_space<hbm>>, %arg5: memref<320000xi32, #tpu.memory_space<hbm>>, %arg6: memref<4x10000x128xf32, #tpu.memory_space<hbm>>, %arg7: memref<10000x128xf32, #tpu.memory_space<vmem_shared>>, %arg8: memref<2x80xi32, #tpu.memory_space<vmem>>, %arg9: memref<2x80xi32, #tpu.memory_space<vmem>>, %arg10: memref<80x80xf32, #tpu.memory_space<vmem>>, %arg11: memref<2x80x128xf32, #tpu.memory_space<vmem>>, %arg12: memref<2x!tpu.dma_semaphore, #tpu.memory_space<semaphore_mem>>, %arg13: memref<2x!tpu.dma_semaphore, #tpu.memory_space<semaphore_mem>>, %arg14: memref<!tpu.dma_semaphore, #tpu.memory_space<semaphore_mem>>, %arg15: memref<2x!tpu.dma_semaphore, #tpu.memory_space<semaphore_mem>>) attributes {dimension_semantics = [#tpu.dimension_semantics<core_parallel>, #tpu.dimension_semantics<subcore_parallel>], iteration_bounds = array<i64: 2, 16>, scalar_prefetch = 0 : i64, scratch_operands = 9 : i64, tpu.core_type = #tpu.core_type<sc_vector_subcore>, window_params = [{transform_indices = #map}, {transform_indices = #map1}, {transform_indices = #map2}, {transform_indices = #map2}, {transform_indices = #map1}]} {
    %mul3A = arith.constant 2 : i32
    %mul3A_0 = arith.muli %arg0, %mul3A : i32
    %add3A = arith.constant 0 : i32
    %add3A_1 = arith.addi %mul3A_0, %add3A : i32
    %eq3A = arith.constant 0 : i32
    %eq3A_2 = arith.cmpi eq, %arg1, %eq3A : i32
    %convert_element_type3A = arith.extui %eq3A_2 : i1 to i32
    %cond3A = arith.constant 0 : i32
    %cond3A_3 = arith.cmpi ne, %convert_element_type3A, %cond3A : i32
    scf.if %cond3A_3 {
      %mul3A_240 = arith.constant 10000 : i32
      %mul3A_241 = arith.muli %add3A_1, %mul3A_240 : i32
      %multiple_of3A_242 = tpu.assume_multiple %mul3A_241, 8 : i32
      "tpu.region"() ({
        %run_scoped3A = tpu.sem_alloc : memref<!tpu.dma_semaphore, #tpu.memory_space<semaphore_mem>>
        %dma_start3A_243 = arith.constant 0 : i32
        %dma_start3A_244 = tpu.memref_slice %arg2[%multiple_of3A_242, %dma_start3A_243] : memref<40000x128xf32, #tpu.memory_space<hbm>> -> memref<10000x128xf32, #tpu.memory_space<hbm>>
        tpu.enqueue_dma source(%dma_start3A_244 : memref<10000x128xf32, #tpu.memory_space<hbm>>) target(%arg7 : memref<10000x128xf32, #tpu.memory_space<vmem_shared>>) target_semaphore(%run_scoped3A : memref<!tpu.dma_semaphore, #tpu.memory_space<semaphore_mem>>)
        %dma_wait3A_245 = arith.constant 0 : i32
        %dma_wait3A_246 = tpu.memref_slice %arg2[%multiple_of3A_242, %dma_wait3A_245] : memref<40000x128xf32, #tpu.memory_space<hbm>> -> memref<10000x128xf32, #tpu.memory_space<hbm>>
        tpu.wait_dma2 semaphore(%run_scoped3A : memref<!tpu.dma_semaphore, #tpu.memory_space<semaphore_mem>>) src(%dma_wait3A_246 : memref<10000x128xf32, #tpu.memory_space<hbm>>) dst(%arg7 : memref<10000x128xf32, #tpu.memory_space<vmem_shared>>)
        tpu.yield
      }) : () -> ()
    } else {
    }
    %barrier3A = arith.constant 0 : index
    tpu.barrier barrier_id(%barrier3A)
    %mul3A_4 = arith.constant 320000 : i32
    %mul3A_5 = arith.muli %add3A_1, %mul3A_4 : i32
    %mul3A_6 = arith.constant 20000 : i32
    %mul3A_7 = arith.muli %arg1, %mul3A_6 : i32
    %add3A_8 = arith.addi %mul3A_5, %mul3A_7 : i32
    %add3A_9 = arith.constant 0 : i32
    %add3A_10 = arith.addi %add3A_8, %add3A_9 : i32
    %multiple_of3A = tpu.assume_multiple %add3A_10, 80 : i32
    %dma_start3A = arith.constant 0 : i32
    %dma_start3A_11 = arith.constant 0 : i32
    %dma_start3A_12 = arith.constant 0 : i32
    %dma_start3A_13 = tpu.memref_slice %arg8[%dma_start3A, %dma_start3A_12] : memref<2x80xi32, #tpu.memory_space<vmem>> -> memref<1x80xi32, #tpu.memory_space<vmem>>
    %dma_start3A_14 = tpu.memref_squeeze %dma_start3A_13 : memref<1x80xi32, #tpu.memory_space<vmem>> -> memref<80xi32, #tpu.memory_space<vmem>>
    %dma_start3A_15 = tpu.memref_slice %arg4[%multiple_of3A] : memref<1280000xi32, #tpu.memory_space<hbm>> -> memref<80xi32, #tpu.memory_space<hbm>>
    %dma_start3A_16 = tpu.memref_slice %arg12[%dma_start3A_11] : memref<2x!tpu.dma_semaphore, #tpu.memory_space<semaphore_mem>> -> memref<1x!tpu.dma_semaphore, #tpu.memory_space<semaphore_mem>>
    %dma_start3A_17 = tpu.memref_squeeze %dma_start3A_16 : memref<1x!tpu.dma_semaphore, #tpu.memory_space<semaphore_mem>> -> memref<!tpu.dma_semaphore, #tpu.memory_space<semaphore_mem>>
    %dma_start3A_18 = arith.constant 0 : i32
    %dma_start3A_19 = tpu.memref_slice %arg8[%dma_start3A, %dma_start3A_18] : memref<2x80xi32, #tpu.memory_space<vmem>> -> memref<1x80xi32, #tpu.memory_space<vmem>>
    %dma_start3A_20 = tpu.memref_squeeze %dma_start3A_19 : memref<1x80xi32, #tpu.memory_space<vmem>> -> memref<80xi32, #tpu.memory_space<vmem>>
    %dma_start3A_21 = tpu.memref_slice %arg4[%multiple_of3A] : memref<1280000xi32, #tpu.memory_space<hbm>> -> memref<80xi32, #tpu.memory_space<hbm>>
    tpu.enqueue_dma source(%dma_start3A_21 : memref<80xi32, #tpu.memory_space<hbm>>) target(%dma_start3A_20 : memref<80xi32, #tpu.memory_space<vmem>>) target_semaphore(%dma_start3A_17 : memref<!tpu.dma_semaphore, #tpu.memory_space<semaphore_mem>>)
    %mul3A_22 = arith.constant 320000 : i32
    %mul3A_23 = arith.muli %add3A_1, %mul3A_22 : i32
    %mul3A_24 = arith.constant 20000 : i32
    %mul3A_25 = arith.muli %arg1, %mul3A_24 : i32
    %add3A_26 = arith.addi %mul3A_23, %mul3A_25 : i32
    %add3A_27 = arith.constant 80 : i32
    %add3A_28 = arith.addi %add3A_26, %add3A_27 : i32
    %multiple_of3A_29 = tpu.assume_multiple %add3A_28, 80 : i32
    %dma_start3A_30 = arith.constant 1 : i32
    %dma_start3A_31 = arith.constant 1 : i32
    %dma_start3A_32 = arith.constant 0 : i32
    %dma_start3A_33 = tpu.memref_slice %arg8[%dma_start3A_30, %dma_start3A_32] : memref<2x80xi32, #tpu.memory_space<vmem>> -> memref<1x80xi32, #tpu.memory_space<vmem>>
    %dma_start3A_34 = tpu.memref_squeeze %dma_start3A_33 : memref<1x80xi32, #tpu.memory_space<vmem>> -> memref<80xi32, #tpu.memory_space<vmem>>
    %dma_start3A_35 = tpu.memref_slice %arg4[%multiple_of3A_29] : memref<1280000xi32, #tpu.memory_space<hbm>> -> memref<80xi32, #tpu.memory_space<hbm>>
    %dma_start3A_36 = tpu.memref_slice %arg12[%dma_start3A_31] : memref<2x!tpu.dma_semaphore, #tpu.memory_space<semaphore_mem>> -> memref<1x!tpu.dma_semaphore, #tpu.memory_space<semaphore_mem>>
    %dma_start3A_37 = tpu.memref_squeeze %dma_start3A_36 : memref<1x!tpu.dma_semaphore, #tpu.memory_space<semaphore_mem>> -> memref<!tpu.dma_semaphore, #tpu.memory_space<semaphore_mem>>
    %dma_start3A_38 = arith.constant 0 : i32
    %dma_start3A_39 = tpu.memref_slice %arg8[%dma_start3A_30, %dma_start3A_38] : memref<2x80xi32, #tpu.memory_space<vmem>> -> memref<1x80xi32, #tpu.memory_space<vmem>>
    %dma_start3A_40 = tpu.memref_squeeze %dma_start3A_39 : memref<1x80xi32, #tpu.memory_space<vmem>> -> memref<80xi32, #tpu.memory_space<vmem>>
    %dma_start3A_41 = tpu.memref_slice %arg4[%multiple_of3A_29] : memref<1280000xi32, #tpu.memory_space<hbm>> -> memref<80xi32, #tpu.memory_space<hbm>>
    tpu.enqueue_dma source(%dma_start3A_41 : memref<80xi32, #tpu.memory_space<hbm>>) target(%dma_start3A_40 : memref<80xi32, #tpu.memory_space<vmem>>) target_semaphore(%dma_start3A_37 : memref<!tpu.dma_semaphore, #tpu.memory_space<semaphore_mem>>)
    %mul3A_42 = arith.constant 20000 : i32
    %mul3A_43 = arith.muli %arg1, %mul3A_42 : i32
    %add3A_44 = arith.constant 0 : i32
    %add3A_45 = arith.addi %mul3A_43, %add3A_44 : i32
    %multiple_of3A_46 = tpu.assume_multiple %add3A_45, 80 : i32
    %dma_start3A_47 = arith.constant 0 : i32
    %dma_start3A_48 = arith.constant 0 : i32
    %dma_start3A_49 = arith.constant 0 : i32
    %dma_start3A_50 = tpu.memref_slice %arg9[%dma_start3A_47, %dma_start3A_49] : memref<2x80xi32, #tpu.memory_space<vmem>> -> memref<1x80xi32, #tpu.memory_space<vmem>>
    %dma_start3A_51 = tpu.memref_squeeze %dma_start3A_50 : memref<1x80xi32, #tpu.memory_space<vmem>> -> memref<80xi32, #tpu.memory_space<vmem>>
    %dma_start3A_52 = tpu.memref_slice %arg5[%multiple_of3A_46] : memref<320000xi32, #tpu.memory_space<hbm>> -> memref<80xi32, #tpu.memory_space<hbm>>
    %dma_start3A_53 = tpu.memref_slice %arg13[%dma_start3A_48] : memref<2x!tpu.dma_semaphore, #tpu.memory_space<semaphore_mem>> -> memref<1x!tpu.dma_semaphore, #tpu.memory_space<semaphore_mem>>
    %dma_start3A_54 = tpu.memref_squeeze %dma_start3A_53 : memref<1x!tpu.dma_semaphore, #tpu.memory_space<semaphore_mem>> -> memref<!tpu.dma_semaphore, #tpu.memory_space<semaphore_mem>>
    %dma_start3A_55 = arith.constant 0 : i32
    %dma_start3A_56 = tpu.memref_slice %arg9[%dma_start3A_47, %dma_start3A_55] : memref<2x80xi32, #tpu.memory_space<vmem>> -> memref<1x80xi32, #tpu.memory_space<vmem>>
    %dma_start3A_57 = tpu.memref_squeeze %dma_start3A_56 : memref<1x80xi32, #tpu.memory_space<vmem>> -> memref<80xi32, #tpu.memory_space<vmem>>
    %dma_start3A_58 = tpu.memref_slice %arg5[%multiple_of3A_46] : memref<320000xi32, #tpu.memory_space<hbm>> -> memref<80xi32, #tpu.memory_space<hbm>>
    tpu.enqueue_dma source(%dma_start3A_58 : memref<80xi32, #tpu.memory_space<hbm>>) target(%dma_start3A_57 : memref<80xi32, #tpu.memory_space<vmem>>) target_semaphore(%dma_start3A_54 : memref<!tpu.dma_semaphore, #tpu.memory_space<semaphore_mem>>)
    %mul3A_59 = arith.constant 20000 : i32
    %mul3A_60 = arith.muli %arg1, %mul3A_59 : i32
    %add3A_61 = arith.constant 0 : i32
    %add3A_62 = arith.addi %mul3A_60, %add3A_61 : i32
    %multiple_of3A_63 = tpu.assume_multiple %add3A_62, 80 : i32
    %dma_start3A_64 = arith.constant 0 : i32
    %dma_start3A_65 = tpu.memref_slice %arg3[%add3A_1, %multiple_of3A_63, %dma_start3A_64] : memref<4x320000x80xf32, #tpu.memory_space<hbm>> -> memref<1x80x80xf32, #tpu.memory_space<hbm>>
    %dma_start3A_66 = tpu.memref_squeeze %dma_start3A_65 : memref<1x80x80xf32, #tpu.memory_space<hbm>> -> memref<80x80xf32, #tpu.memory_space<hbm>>
    %dma_start3A_67 = arith.constant 0 : i32
    %dma_start3A_68 = tpu.memref_slice %arg3[%add3A_1, %multiple_of3A_63, %dma_start3A_67] : memref<4x320000x80xf32, #tpu.memory_space<hbm>> -> memref<1x80x80xf32, #tpu.memory_space<hbm>>
    %dma_start3A_69 = tpu.memref_squeeze %dma_start3A_68 : memref<1x80x80xf32, #tpu.memory_space<hbm>> -> memref<80x80xf32, #tpu.memory_space<hbm>>
    tpu.enqueue_dma source(%dma_start3A_69 : memref<80x80xf32, #tpu.memory_space<hbm>>) target(%arg10 : memref<80x80xf32, #tpu.memory_space<vmem>>) target_semaphore(%arg14 : memref<!tpu.dma_semaphore, #tpu.memory_space<semaphore_mem>>)
    %mul3A_70 = arith.constant 320000 : i32
    %mul3A_71 = arith.muli %add3A_1, %mul3A_70 : i32
    %mul3A_72 = arith.constant 20000 : i32
    %mul3A_73 = arith.muli %arg1, %mul3A_72 : i32
    %add3A_74 = arith.addi %mul3A_71, %mul3A_73 : i32
    %add3A_75 = arith.constant 0 : i32
    %add3A_76 = arith.addi %add3A_74, %add3A_75 : i32
    %multiple_of3A_77 = tpu.assume_multiple %add3A_76, 80 : i32
    %dma_wait3A = arith.constant 0 : i32
    %dma_wait3A_78 = arith.constant 0 : i32
    %dma_wait3A_79 = arith.constant 0 : i32
    %dma_wait3A_80 = tpu.memref_slice %arg8[%dma_wait3A, %dma_wait3A_79] : memref<2x80xi32, #tpu.memory_space<vmem>> -> memref<1x80xi32, #tpu.memory_space<vmem>>
    %dma_wait3A_81 = tpu.memref_squeeze %dma_wait3A_80 : memref<1x80xi32, #tpu.memory_space<vmem>> -> memref<80xi32, #tpu.memory_space<vmem>>
    %dma_wait3A_82 = tpu.memref_slice %arg4[%multiple_of3A_77] : memref<1280000xi32, #tpu.memory_space<hbm>> -> memref<80xi32, #tpu.memory_space<hbm>>
    %dma_wait3A_83 = tpu.memref_slice %arg12[%dma_wait3A_78] : memref<2x!tpu.dma_semaphore, #tpu.memory_space<semaphore_mem>> -> memref<1x!tpu.dma_semaphore, #tpu.memory_space<semaphore_mem>>
    %dma_wait3A_84 = tpu.memref_squeeze %dma_wait3A_83 : memref<1x!tpu.dma_semaphore, #tpu.memory_space<semaphore_mem>> -> memref<!tpu.dma_semaphore, #tpu.memory_space<semaphore_mem>>
    %dma_wait3A_85 = arith.constant 0 : i32
    %dma_wait3A_86 = tpu.memref_slice %arg8[%dma_wait3A, %dma_wait3A_85] : memref<2x80xi32, #tpu.memory_space<vmem>> -> memref<1x80xi32, #tpu.memory_space<vmem>>
    %dma_wait3A_87 = tpu.memref_squeeze %dma_wait3A_86 : memref<1x80xi32, #tpu.memory_space<vmem>> -> memref<80xi32, #tpu.memory_space<vmem>>
    %dma_wait3A_88 = tpu.memref_slice %arg4[%multiple_of3A_77] : memref<1280000xi32, #tpu.memory_space<hbm>> -> memref<80xi32, #tpu.memory_space<hbm>>
    tpu.wait_dma2 semaphore(%dma_wait3A_84 : memref<!tpu.dma_semaphore, #tpu.memory_space<semaphore_mem>>) src(%dma_wait3A_88 : memref<80xi32, #tpu.memory_space<hbm>>) dst(%dma_wait3A_87 : memref<80xi32, #tpu.memory_space<vmem>>)
    %dma_start3A_89 = arith.constant 0 : i32
    %dma_start3A_90 = arith.constant 0 : i32
    %dma_start3A_91 = arith.constant 0 : i32
    %dma_start3A_92 = arith.constant 0 : i32
    %dma_start3A_93 = arith.constant 0 : i32
    %dma_start3A_94 = tpu.memref_slice %arg11[%dma_start3A_90, %dma_start3A_92, %dma_start3A_93] : memref<2x80x128xf32, #tpu.memory_space<vmem>> -> memref<1x80x128xf32, #tpu.memory_space<vmem>>
    %dma_start3A_95 = tpu.memref_squeeze %dma_start3A_94 : memref<1x80x128xf32, #tpu.memory_space<vmem>> -> memref<80x128xf32, #tpu.memory_space<vmem>>
    %dma_start3A_96 = arith.constant 0 : i32
    %dma_start3A_97 = tpu.memref_slice %arg8[%dma_start3A_89, %dma_start3A_96] : memref<2x80xi32, #tpu.memory_space<vmem>> -> memref<1x80xi32, #tpu.memory_space<vmem>>
    %dma_start3A_98 = tpu.memref_squeeze %dma_start3A_97 : memref<1x80xi32, #tpu.memory_space<vmem>> -> memref<80xi32, #tpu.memory_space<vmem>>
    %dma_start3A_99 = arith.constant 0 : i32
    %dma_start3A_100 = arith.constant 0 : i32
    %dma_start3A_101 = tpu.memref_slice %arg2[%dma_start3A_99, %dma_start3A_100] : memref<40000x128xf32, #tpu.memory_space<hbm>> -> memref<40000x128xf32, #tpu.memory_space<hbm>>
    %dma_start3A_102 = tpu.memref_slice %arg15[%dma_start3A_91] : memref<2x!tpu.dma_semaphore, #tpu.memory_space<semaphore_mem>> -> memref<1x!tpu.dma_semaphore, #tpu.memory_space<semaphore_mem>>
    %dma_start3A_103 = tpu.memref_squeeze %dma_start3A_102 : memref<1x!tpu.dma_semaphore, #tpu.memory_space<semaphore_mem>> -> memref<!tpu.dma_semaphore, #tpu.memory_space<semaphore_mem>>
    tpu.enqueue_indirect_dma source(%dma_start3A_101 : memref<40000x128xf32, #tpu.memory_space<hbm>>) target(%dma_start3A_95 : memref<80x128xf32, #tpu.memory_space<vmem>>) offsets(%dma_start3A_98 : memref<80xi32, #tpu.memory_space<vmem>>) semaphore(%dma_start3A_103 : memref<!tpu.dma_semaphore, #tpu.memory_space<semaphore_mem>>)
    %scan3A = arith.constant 0 : i32
    %scan3A_104 = arith.constant 125 : i32
    %scan3A_105 = arith.addi %scan3A, %scan3A_104 : i32
    %scan3A_106 = arith.constant 1 : i32
    scf.for %scan3A_240 = %scan3A to %scan3A_105 step %scan3A_106  : i32 {
      %mul3A_241 = arith.constant 1 : i32
      %mul3A_242 = arith.muli %scan3A_240, %mul3A_241 : i32
      %add3A_243 = arith.constant 0 : i32
      %add3A_244 = arith.addi %add3A_243, %mul3A_242 : i32
      %mul3A_245 = arith.constant 2 : i32
      %mul3A_246 = arith.muli %add3A_244, %mul3A_245 : i32
      %add3A_247 = arith.constant 0 : i32
      %add3A_248 = arith.addi %mul3A_246, %add3A_247 : i32
      %dma_wait3A_249 = arith.constant 0 : i32
      %dma_wait3A_250 = arith.constant 0 : i32
      %dma_wait3A_251 = arith.constant 0 : i32
      %dma_wait3A_252 = arith.constant 0 : i32
      %dma_wait3A_253 = arith.constant 0 : i32
      %dma_wait3A_254 = tpu.memref_slice %arg11[%dma_wait3A_250, %dma_wait3A_252, %dma_wait3A_253] : memref<2x80x128xf32, #tpu.memory_space<vmem>> -> memref<1x80x128xf32, #tpu.memory_space<vmem>>
      %dma_wait3A_255 = tpu.memref_squeeze %dma_wait3A_254 : memref<1x80x128xf32, #tpu.memory_space<vmem>> -> memref<80x128xf32, #tpu.memory_space<vmem>>
      %dma_wait3A_256 = arith.constant 0 : i32
      %dma_wait3A_257 = tpu.memref_slice %arg8[%dma_wait3A_249, %dma_wait3A_256] : memref<2x80xi32, #tpu.memory_space<vmem>> -> memref<1x80xi32, #tpu.memory_space<vmem>>
      %dma_wait3A_258 = tpu.memref_squeeze %dma_wait3A_257 : memref<1x80xi32, #tpu.memory_space<vmem>> -> memref<80xi32, #tpu.memory_space<vmem>>
      %dma_wait3A_259 = arith.constant 0 : i32
      %dma_wait3A_260 = arith.constant 0 : i32
      %dma_wait3A_261 = tpu.memref_slice %arg2[%dma_wait3A_259, %dma_wait3A_260] : memref<40000x128xf32, #tpu.memory_space<hbm>> -> memref<40000x128xf32, #tpu.memory_space<hbm>>
      %dma_wait3A_262 = tpu.memref_slice %arg15[%dma_wait3A_251] : memref<2x!tpu.dma_semaphore, #tpu.memory_space<semaphore_mem>> -> memref<1x!tpu.dma_semaphore, #tpu.memory_space<semaphore_mem>>
      %dma_wait3A_263 = tpu.memref_squeeze %dma_wait3A_262 : memref<1x!tpu.dma_semaphore, #tpu.memory_space<semaphore_mem>> -> memref<!tpu.dma_semaphore, #tpu.memory_space<semaphore_mem>>
      tpu.wait_indirect_dma semaphore(%dma_wait3A_263 : memref<!tpu.dma_semaphore, #tpu.memory_space<semaphore_mem>>) src(%dma_wait3A_261 : memref<40000x128xf32, #tpu.memory_space<hbm>>) dst(%dma_wait3A_255 : memref<80x128xf32, #tpu.memory_space<vmem>>)
      %mul3A_264 = arith.constant 20000 : i32
      %mul3A_265 = arith.muli %arg1, %mul3A_264 : i32
      %mul3A_266 = arith.constant 80 : i32
      %mul3A_267 = arith.muli %add3A_248, %mul3A_266 : i32
      %add3A_268 = arith.addi %mul3A_265, %mul3A_267 : i32
      %multiple_of3A_269 = tpu.assume_multiple %add3A_268, 80 : i32
      %dma_wait3A_270 = arith.constant 0 : i32
      %dma_wait3A_271 = arith.constant 0 : i32
      %dma_wait3A_272 = arith.constant 0 : i32
      %dma_wait3A_273 = tpu.memref_slice %arg9[%dma_wait3A_270, %dma_wait3A_272] : memref<2x80xi32, #tpu.memory_space<vmem>> -> memref<1x80xi32, #tpu.memory_space<vmem>>
      %dma_wait3A_274 = tpu.memref_squeeze %dma_wait3A_273 : memref<1x80xi32, #tpu.memory_space<vmem>> -> memref<80xi32, #tpu.memory_space<vmem>>
      %dma_wait3A_275 = tpu.memref_slice %arg5[%multiple_of3A_269] : memref<320000xi32, #tpu.memory_space<hbm>> -> memref<80xi32, #tpu.memory_space<hbm>>
      %dma_wait3A_276 = tpu.memref_slice %arg13[%dma_wait3A_271] : memref<2x!tpu.dma_semaphore, #tpu.memory_space<semaphore_mem>> -> memref<1x!tpu.dma_semaphore, #tpu.memory_space<semaphore_mem>>
      %dma_wait3A_277 = tpu.memref_squeeze %dma_wait3A_276 : memref<1x!tpu.dma_semaphore, #tpu.memory_space<semaphore_mem>> -> memref<!tpu.dma_semaphore, #tpu.memory_space<semaphore_mem>>
      %dma_wait3A_278 = arith.constant 0 : i32
      %dma_wait3A_279 = tpu.memref_slice %arg9[%dma_wait3A_270, %dma_wait3A_278] : memref<2x80xi32, #tpu.memory_space<vmem>> -> memref<1x80xi32, #tpu.memory_space<vmem>>
      %dma_wait3A_280 = tpu.memref_squeeze %dma_wait3A_279 : memref<1x80xi32, #tpu.memory_space<vmem>> -> memref<80xi32, #tpu.memory_space<vmem>>
      %dma_wait3A_281 = tpu.memref_slice %arg5[%multiple_of3A_269] : memref<320000xi32, #tpu.memory_space<hbm>> -> memref<80xi32, #tpu.memory_space<hbm>>
      tpu.wait_dma2 semaphore(%dma_wait3A_277 : memref<!tpu.dma_semaphore, #tpu.memory_space<semaphore_mem>>) src(%dma_wait3A_281 : memref<80xi32, #tpu.memory_space<hbm>>) dst(%dma_wait3A_280 : memref<80xi32, #tpu.memory_space<vmem>>)
      %mul3A_282 = arith.constant 20000 : i32
      %mul3A_283 = arith.muli %arg1, %mul3A_282 : i32
      %mul3A_284 = arith.constant 80 : i32
      %mul3A_285 = arith.muli %add3A_248, %mul3A_284 : i32
      %add3A_286 = arith.addi %mul3A_283, %mul3A_285 : i32
      %multiple_of3A_287 = tpu.assume_multiple %add3A_286, 80 : i32
      %dma_wait3A_288 = arith.constant 0 : i32
      %dma_wait3A_289 = tpu.memref_slice %arg3[%add3A_1, %multiple_of3A_287, %dma_wait3A_288] : memref<4x320000x80xf32, #tpu.memory_space<hbm>> -> memref<1x80x80xf32, #tpu.memory_space<hbm>>
      %dma_wait3A_290 = tpu.memref_squeeze %dma_wait3A_289 : memref<1x80x80xf32, #tpu.memory_space<hbm>> -> memref<80x80xf32, #tpu.memory_space<hbm>>
      %dma_wait3A_291 = arith.constant 0 : i32
      %dma_wait3A_292 = tpu.memref_slice %arg3[%add3A_1, %multiple_of3A_287, %dma_wait3A_291] : memref<4x320000x80xf32, #tpu.memory_space<hbm>> -> memref<1x80x80xf32, #tpu.memory_space<hbm>>
      %dma_wait3A_293 = tpu.memref_squeeze %dma_wait3A_292 : memref<1x80x80xf32, #tpu.memory_space<hbm>> -> memref<80x80xf32, #tpu.memory_space<hbm>>
      tpu.wait_dma2 semaphore(%arg14 : memref<!tpu.dma_semaphore, #tpu.memory_space<semaphore_mem>>) src(%dma_wait3A_293 : memref<80x80xf32, #tpu.memory_space<hbm>>) dst(%arg10 : memref<80x80xf32, #tpu.memory_space<vmem>>)
      %scan3A_294 = arith.constant 0 : i32
      %scan3A_295 = arith.constant 80 : i32
      %scan3A_296 = arith.addi %scan3A_294, %scan3A_295 : i32
      %scan3A_297 = arith.constant 1 : i32
      scf.for %scan3A_397 = %scan3A_294 to %scan3A_296 step %scan3A_297  : i32 {
        %mul3A_398 = arith.constant 1 : i32
        %mul3A_399 = arith.muli %scan3A_397, %mul3A_398 : i32
        %add3A_400 = arith.constant 0 : i32
        %add3A_401 = arith.addi %add3A_400, %mul3A_399 : i32
        %get3A = arith.index_cast %add3A_401 : i32 to index
        %get3A_402 = arith.constant 64 : index
        %get3A_403 = tpu.vector_load %arg10[%get3A, %get3A_402] {strides = array<i32>} : memref<80x80xf32, #tpu.memory_space<vmem>>, vector<1x16xf32>,
        %get3A_404 = vector.shape_cast %get3A_403 : vector<1x16xf32> to vector<16xf32>
        %broadcast_in_dim3A = arith.constant 0 : i32
        %broadcast_in_dim3A_405 = vector.broadcast %broadcast_in_dim3A : i32 to vector<16x1xi32>
        %gather3A = vector.shape_cast %broadcast_in_dim3A_405 : vector<16x1xi32> to vector<16xi32>
        %gather3A_406 = tpu.dynamic_gather %get3A_404[%gather3A] in [0] : vector<16xf32>, vector<16xi32> -> vector<16xf32>
        %broadcast_in_dim3A_407 = arith.constant 1 : i32
        %broadcast_in_dim3A_408 = vector.broadcast %broadcast_in_dim3A_407 : i32 to vector<16x1xi32>
        %gather3A_409 = vector.shape_cast %broadcast_in_dim3A_408 : vector<16x1xi32> to vector<16xi32>
        %gather3A_410 = tpu.dynamic_gather %get3A_404[%gather3A_409] in [0] : vector<16xf32>, vector<16xi32> -> vector<16xf32>
        %broadcast_in_dim3A_411 = arith.constant 2 : i32
        %broadcast_in_dim3A_412 = vector.broadcast %broadcast_in_dim3A_411 : i32 to vector<16x1xi32>
        %gather3A_413 = vector.shape_cast %broadcast_in_dim3A_412 : vector<16x1xi32> to vector<16xi32>
        %gather3A_414 = tpu.dynamic_gather %get3A_404[%gather3A_413] in [0] : vector<16xf32>, vector<16xi32> -> vector<16xf32>
        %get3A_415 = arith.index_cast %add3A_401 : i32 to index
        %get3A_416 = arith.constant 0 : index
        %get3A_417 = tpu.vector_load %arg10[%get3A_415, %get3A_416] {strides = array<i32>} : memref<80x80xf32, #tpu.memory_space<vmem>>, vector<1x16xf32>,
        %get3A_418 = vector.shape_cast %get3A_417 : vector<1x16xf32> to vector<16xf32>
        %get3A_419 = arith.index_cast %add3A_401 : i32 to index
        %get3A_420 = arith.constant 32 : index
        %get3A_421 = tpu.vector_load %arg10[%get3A_419, %get3A_420] {strides = array<i32>} : memref<80x80xf32, #tpu.memory_space<vmem>>, vector<1x16xf32>,
        %get3A_422 = vector.shape_cast %get3A_421 : vector<1x16xf32> to vector<16xf32>
        %get3A_423 = arith.constant 0 : i32
        %get3A_424 = arith.index_cast %get3A_423 : i32 to index
        %get3A_425 = arith.index_cast %add3A_401 : i32 to index
        %get3A_426 = arith.constant 0 : index
        %get3A_427 = tpu.vector_load %arg11[%get3A_424, %get3A_425, %get3A_426] {strides = array<i32>} : memref<2x80x128xf32, #tpu.memory_space<vmem>>, vector<1x1x16xf32>,
        %get3A_428 = vector.shape_cast %get3A_427 : vector<1x1x16xf32> to vector<16xf32>
        %mul3A_429 = arith.mulf %get3A_418, %get3A_428 : vector<16xf32>
        %mul3A_430 = arith.mulf %get3A_422, %gather3A_406 : vector<16xf32>
        %add3A_431 = arith.addf %mul3A_429, %mul3A_430 : vector<16xf32>
        %swap3A = arith.constant 0 : i32
        %swap3A_432 = arith.index_cast %swap3A : i32 to index
        %swap3A_433 = arith.index_cast %add3A_401 : i32 to index
        %swap3A_434 = arith.constant 0 : index
        %swap3A_435 = tpu.vector_load %arg11[%swap3A_432, %swap3A_433, %swap3A_434] {strides = array<i32>} : memref<2x80x128xf32, #tpu.memory_space<vmem>>, vector<1x1x16xf32>,
        %swap3A_436 = vector.shape_cast %swap3A_435 : vector<1x1x16xf32> to vector<16xf32>
        %swap3A_437 = vector.shape_cast %add3A_431 : vector<16xf32> to vector<1x1x16xf32>
        tpu.vector_store %arg11[%swap3A_432, %swap3A_433, %swap3A_434], %swap3A_437 {strides = array<i32>} : memref<2x80x128xf32, #tpu.memory_space<vmem>>, vector<1x1x16xf32>,
        %get3A_438 = arith.constant 0 : i32
        %get3A_439 = arith.index_cast %get3A_438 : i32 to index
        %get3A_440 = arith.index_cast %add3A_401 : i32 to index
        %get3A_441 = arith.constant 32 : index
        %get3A_442 = tpu.vector_load %arg11[%get3A_439, %get3A_440, %get3A_441] {strides = array<i32>} : memref<2x80x128xf32, #tpu.memory_space<vmem>>, vector<1x1x16xf32>,
        %get3A_443 = vector.shape_cast %get3A_442 : vector<1x1x16xf32> to vector<16xf32>
        %mul3A_444 = arith.mulf %get3A_418, %get3A_443 : vector<16xf32>
        %mul3A_445 = arith.mulf %get3A_422, %gather3A_410 : vector<16xf32>
        %add3A_446 = arith.addf %mul3A_444, %mul3A_445 : vector<16xf32>
        %swap3A_447 = arith.constant 0 : i32
        %swap3A_448 = arith.index_cast %swap3A_447 : i32 to index
        %swap3A_449 = arith.index_cast %add3A_401 : i32 to index
        %swap3A_450 = arith.constant 32 : index
        %swap3A_451 = tpu.vector_load %arg11[%swap3A_448, %swap3A_449, %swap3A_450] {strides = array<i32>} : memref<2x80x128xf32, #tpu.memory_space<vmem>>, vector<1x1x16xf32>,
        %swap3A_452 = vector.shape_cast %swap3A_451 : vector<1x1x16xf32> to vector<16xf32>
        %swap3A_453 = vector.shape_cast %add3A_446 : vector<16xf32> to vector<1x1x16xf32>
        tpu.vector_store %arg11[%swap3A_448, %swap3A_449, %swap3A_450], %swap3A_453 {strides = array<i32>} : memref<2x80x128xf32, #tpu.memory_space<vmem>>, vector<1x1x16xf32>,
        %get3A_454 = arith.constant 0 : i32
        %get3A_455 = arith.index_cast %get3A_454 : i32 to index
        %get3A_456 = arith.index_cast %add3A_401 : i32 to index
        %get3A_457 = arith.constant 64 : index
        %get3A_458 = tpu.vector_load %arg11[%get3A_455, %get3A_456, %get3A_457] {strides = array<i32>} : memref<2x80x128xf32, #tpu.memory_space<vmem>>, vector<1x1x16xf32>,
        %get3A_459 = vector.shape_cast %get3A_458 : vector<1x1x16xf32> to vector<16xf32>
        %mul3A_460 = arith.mulf %get3A_418, %get3A_459 : vector<16xf32>
        %mul3A_461 = arith.mulf %get3A_422, %gather3A_414 : vector<16xf32>
        %add3A_462 = arith.addf %mul3A_460, %mul3A_461 : vector<16xf32>
        %swap3A_463 = arith.constant 0 : i32
        %swap3A_464 = arith.index_cast %swap3A_463 : i32 to index
        %swap3A_465 = arith.index_cast %add3A_401 : i32 to index
        %swap3A_466 = arith.constant 64 : index
        %swap3A_467 = tpu.vector_load %arg11[%swap3A_464, %swap3A_465, %swap3A_466] {strides = array<i32>} : memref<2x80x128xf32, #tpu.memory_space<vmem>>, vector<1x1x16xf32>,
        %swap3A_468 = vector.shape_cast %swap3A_467 : vector<1x1x16xf32> to vector<16xf32>
        %swap3A_469 = vector.shape_cast %add3A_462 : vector<16xf32> to vector<1x1x16xf32>
        tpu.vector_store %arg11[%swap3A_464, %swap3A_465, %swap3A_466], %swap3A_469 {strides = array<i32>} : memref<2x80x128xf32, #tpu.memory_space<vmem>>, vector<1x1x16xf32>,
        %get3A_470 = arith.index_cast %add3A_401 : i32 to index
        %get3A_471 = arith.constant 16 : index
        %get3A_472 = tpu.vector_load %arg10[%get3A_470, %get3A_471] {strides = array<i32>} : memref<80x80xf32, #tpu.memory_space<vmem>>, vector<1x16xf32>,
        %get3A_473 = vector.shape_cast %get3A_472 : vector<1x16xf32> to vector<16xf32>
        %get3A_474 = arith.index_cast %add3A_401 : i32 to index
        %get3A_475 = arith.constant 48 : index
        %get3A_476 = tpu.vector_load %arg10[%get3A_474, %get3A_475] {strides = array<i32>} : memref<80x80xf32, #tpu.memory_space<vmem>>, vector<1x16xf32>,
        %get3A_477 = vector.shape_cast %get3A_476 : vector<1x16xf32> to vector<16xf32>
        %get3A_478 = arith.constant 0 : i32
        %get3A_479 = arith.index_cast %get3A_478 : i32 to index
        %get3A_480 = arith.index_cast %add3A_401 : i32 to index
        %get3A_481 = arith.constant 16 : index
        %get3A_482 = tpu.vector_load %arg11[%get3A_479, %get3A_480, %get3A_481] {strides = array<i32>} : memref<2x80x128xf32, #tpu.memory_space<vmem>>, vector<1x1x16xf32>,
        %get3A_483 = vector.shape_cast %get3A_482 : vector<1x1x16xf32> to vector<16xf32>
        %mul3A_484 = arith.mulf %get3A_473, %get3A_483 : vector<16xf32>
        %mul3A_485 = arith.mulf %get3A_477, %gather3A_406 : vector<16xf32>
        %add3A_486 = arith.addf %mul3A_484, %mul3A_485 : vector<16xf32>
        %swap3A_487 = arith.constant 0 : i32
        %swap3A_488 = arith.index_cast %swap3A_487 : i32 to index
        %swap3A_489 = arith.index_cast %add3A_401 : i32 to index
        %swap3A_490 = arith.constant 16 : index
        %swap3A_491 = tpu.vector_load %arg11[%swap3A_488, %swap3A_489, %swap3A_490] {strides = array<i32>} : memref<2x80x128xf32, #tpu.memory_space<vmem>>, vector<1x1x16xf32>,
        %swap3A_492 = vector.shape_cast %swap3A_491 : vector<1x1x16xf32> to vector<16xf32>
        %swap3A_493 = vector.shape_cast %add3A_486 : vector<16xf32> to vector<1x1x16xf32>
        tpu.vector_store %arg11[%swap3A_488, %swap3A_489, %swap3A_490], %swap3A_493 {strides = array<i32>} : memref<2x80x128xf32, #tpu.memory_space<vmem>>, vector<1x1x16xf32>,
        %get3A_494 = arith.constant 0 : i32
        %get3A_495 = arith.index_cast %get3A_494 : i32 to index
        %get3A_496 = arith.index_cast %add3A_401 : i32 to index
        %get3A_497 = arith.constant 48 : index
        %get3A_498 = tpu.vector_load %arg11[%get3A_495, %get3A_496, %get3A_497] {strides = array<i32>} : memref<2x80x128xf32, #tpu.memory_space<vmem>>, vector<1x1x16xf32>,
        %get3A_499 = vector.shape_cast %get3A_498 : vector<1x1x16xf32> to vector<16xf32>
        %mul3A_500 = arith.mulf %get3A_473, %get3A_499 : vector<16xf32>
        %mul3A_501 = arith.mulf %get3A_477, %gather3A_410 : vector<16xf32>
        %add3A_502 = arith.addf %mul3A_500, %mul3A_501 : vector<16xf32>
        %swap3A_503 = arith.constant 0 : i32
        %swap3A_504 = arith.index_cast %swap3A_503 : i32 to index
        %swap3A_505 = arith.index_cast %add3A_401 : i32 to index
        %swap3A_506 = arith.constant 48 : index
        %swap3A_507 = tpu.vector_load %arg11[%swap3A_504, %swap3A_505, %swap3A_506] {strides = array<i32>} : memref<2x80x128xf32, #tpu.memory_space<vmem>>, vector<1x1x16xf32>,
        %swap3A_508 = vector.shape_cast %swap3A_507 : vector<1x1x16xf32> to vector<16xf32>
        %swap3A_509 = vector.shape_cast %add3A_502 : vector<16xf32> to vector<1x1x16xf32>
        tpu.vector_store %arg11[%swap3A_504, %swap3A_505, %swap3A_506], %swap3A_509 {strides = array<i32>} : memref<2x80x128xf32, #tpu.memory_space<vmem>>, vector<1x1x16xf32>,
        %get3A_510 = arith.constant 0 : i32
        %get3A_511 = arith.index_cast %get3A_510 : i32 to index
        %get3A_512 = arith.index_cast %add3A_401 : i32 to index
        %get3A_513 = arith.constant 80 : index
        %get3A_514 = tpu.vector_load %arg11[%get3A_511, %get3A_512, %get3A_513] {strides = array<i32>} : memref<2x80x128xf32, #tpu.memory_space<vmem>>, vector<1x1x16xf32>,
        %get3A_515 = vector.shape_cast %get3A_514 : vector<1x1x16xf32> to vector<16xf32>
        %mul3A_516 = arith.mulf %get3A_473, %get3A_515 : vector<16xf32>
        %mul3A_517 = arith.mulf %get3A_477, %gather3A_414 : vector<16xf32>
        %add3A_518 = arith.addf %mul3A_516, %mul3A_517 : vector<16xf32>
        %swap3A_519 = arith.constant 0 : i32
        %swap3A_520 = arith.index_cast %swap3A_519 : i32 to index
        %swap3A_521 = arith.index_cast %add3A_401 : i32 to index
        %swap3A_522 = arith.constant 80 : index
        %swap3A_523 = tpu.vector_load %arg11[%swap3A_520, %swap3A_521, %swap3A_522] {strides = array<i32>} : memref<2x80x128xf32, #tpu.memory_space<vmem>>, vector<1x1x16xf32>,
        %swap3A_524 = vector.shape_cast %swap3A_523 : vector<1x1x16xf32> to vector<16xf32>
        %swap3A_525 = vector.shape_cast %add3A_518 : vector<16xf32> to vector<1x1x16xf32>
        tpu.vector_store %arg11[%swap3A_520, %swap3A_521, %swap3A_522], %swap3A_525 {strides = array<i32>} : memref<2x80x128xf32, #tpu.memory_space<vmem>>, vector<1x1x16xf32>,
      }
      %scan3A_298 = arith.constant 80 : i32
      %add3A_299 = arith.constant 1 : i32
      %add3A_300 = arith.addi %add3A_248, %add3A_299 : i32
      %lt3A = arith.constant 250 : i32
      %lt3A_301 = arith.cmpi slt, %add3A_300, %lt3A : i32
      %convert_element_type3A_302 = arith.extui %lt3A_301 : i1 to i32
      %cond3A_303 = arith.constant 0 : i32
      %cond3A_304 = arith.cmpi ne, %convert_element_type3A_302, %cond3A_303 : i32
      scf.if %cond3A_304 {
        %add3A_397 = arith.constant 1 : i32
        %add3A_398 = arith.addi %add3A_248, %add3A_397 : i32
        %mul3A_399 = arith.constant 20000 : i32
        %mul3A_400 = arith.muli %arg1, %mul3A_399 : i32
        %mul3A_401 = arith.constant 80 : i32
        %mul3A_402 = arith.muli %add3A_398, %mul3A_401 : i32
        %add3A_403 = arith.addi %mul3A_400, %mul3A_402 : i32
        %multiple_of3A_404 = tpu.assume_multiple %add3A_403, 80 : i32
        %dma_start3A_405 = arith.constant 0 : i32
        %dma_start3A_406 = tpu.memref_slice %arg3[%add3A_1, %multiple_of3A_404, %dma_start3A_405] : memref<4x320000x80xf32, #tpu.memory_space<hbm>> -> memref<1x80x80xf32, #tpu.memory_space<hbm>>
        %dma_start3A_407 = tpu.memref_squeeze %dma_start3A_406 : memref<1x80x80xf32, #tpu.memory_space<hbm>> -> memref<80x80xf32, #tpu.memory_space<hbm>>
        %dma_start3A_408 = arith.constant 0 : i32
        %dma_start3A_409 = tpu.memref_slice %arg3[%add3A_1, %multiple_of3A_404, %dma_start3A_408] : memref<4x320000x80xf32, #tpu.memory_space<hbm>> -> memref<1x80x80xf32, #tpu.memory_space<hbm>>
        %dma_start3A_410 = tpu.memref_squeeze %dma_start3A_409 : memref<1x80x80xf32, #tpu.memory_space<hbm>> -> memref<80x80xf32, #tpu.memory_space<hbm>>
        tpu.enqueue_dma source(%dma_start3A_410 : memref<80x80xf32, #tpu.memory_space<hbm>>) target(%arg10 : memref<80x80xf32, #tpu.memory_space<vmem>>) target_semaphore(%arg14 : memref<!tpu.dma_semaphore, #tpu.memory_space<semaphore_mem>>)
      } else {
      }
      %run_scoped3A = arith.constant 0 : i32
      %run_scoped3A_305 = arith.constant 0 : i32
      "tpu.region"() ({
        %run_scoped3A_397 = tpu.sem_alloc : memref<!tpu.dma_semaphore, #tpu.memory_space<semaphore_mem>>
        %dma_start3A_398 = arith.constant 0 : i32
        %dma_start3A_399 = arith.constant 0 : i32
        %dma_start3A_400 = tpu.memref_slice %arg11[%run_scoped3A, %dma_start3A_398, %dma_start3A_399] : memref<2x80x128xf32, #tpu.memory_space<vmem>> -> memref<1x80x128xf32, #tpu.memory_space<vmem>>
        %dma_start3A_401 = tpu.memref_squeeze %dma_start3A_400 : memref<1x80x128xf32, #tpu.memory_space<vmem>> -> memref<80x128xf32, #tpu.memory_space<vmem>>
        %dma_start3A_402 = arith.constant 0 : i32
        %dma_start3A_403 = tpu.memref_slice %arg9[%run_scoped3A_305, %dma_start3A_402] : memref<2x80xi32, #tpu.memory_space<vmem>> -> memref<1x80xi32, #tpu.memory_space<vmem>>
        %dma_start3A_404 = tpu.memref_squeeze %dma_start3A_403 : memref<1x80xi32, #tpu.memory_space<vmem>> -> memref<80xi32, #tpu.memory_space<vmem>>
        %dma_start3A_405 = arith.constant 0 : i32
        %dma_start3A_406 = arith.constant 0 : i32
        %dma_start3A_407 = tpu.memref_slice %arg7[%dma_start3A_405, %dma_start3A_406] : memref<10000x128xf32, #tpu.memory_space<vmem_shared>> -> memref<10000x128xf32, #tpu.memory_space<vmem_shared>>
        tpu.enqueue_indirect_dma source(%dma_start3A_401 : memref<80x128xf32, #tpu.memory_space<vmem>>) target(%dma_start3A_407 : memref<10000x128xf32, #tpu.memory_space<vmem_shared>>) offsets(%dma_start3A_404 : memref<80xi32, #tpu.memory_space<vmem>>) semaphore(%run_scoped3A_397 : memref<!tpu.dma_semaphore, #tpu.memory_space<semaphore_mem>>) {add = true}
        %dma_wait3A_408 = arith.constant 0 : i32
        %dma_wait3A_409 = arith.constant 0 : i32
        %dma_wait3A_410 = tpu.memref_slice %arg11[%run_scoped3A, %dma_wait3A_408, %dma_wait3A_409] : memref<2x80x128xf32, #tpu.memory_space<vmem>> -> memref<1x80x128xf32, #tpu.memory_space<vmem>>
        %dma_wait3A_411 = tpu.memref_squeeze %dma_wait3A_410 : memref<1x80x128xf32, #tpu.memory_space<vmem>> -> memref<80x128xf32, #tpu.memory_space<vmem>>
        %dma_wait3A_412 = arith.constant 0 : i32
        %dma_wait3A_413 = tpu.memref_slice %arg9[%run_scoped3A_305, %dma_wait3A_412] : memref<2x80xi32, #tpu.memory_space<vmem>> -> memref<1x80xi32, #tpu.memory_space<vmem>>
        %dma_wait3A_414 = tpu.memref_squeeze %dma_wait3A_413 : memref<1x80xi32, #tpu.memory_space<vmem>> -> memref<80xi32, #tpu.memory_space<vmem>>
        %dma_wait3A_415 = arith.constant 0 : i32
        %dma_wait3A_416 = arith.constant 0 : i32
        %dma_wait3A_417 = tpu.memref_slice %arg7[%dma_wait3A_415, %dma_wait3A_416] : memref<10000x128xf32, #tpu.memory_space<vmem_shared>> -> memref<10000x128xf32, #tpu.memory_space<vmem_shared>>
        tpu.wait_indirect_dma semaphore(%run_scoped3A_397 : memref<!tpu.dma_semaphore, #tpu.memory_space<semaphore_mem>>) src(%dma_wait3A_411 : memref<80x128xf32, #tpu.memory_space<vmem>>) dst(%dma_wait3A_417 : memref<10000x128xf32, #tpu.memory_space<vmem_shared>>)
        tpu.yield
      }) : () -> ()
      %add3A_306 = arith.constant 1 : i32
      %add3A_307 = arith.addi %add3A_248, %add3A_306 : i32
      %lt3A_308 = arith.constant 250 : i32
      %lt3A_309 = arith.cmpi slt, %add3A_307, %lt3A_308 : i32
      %convert_element_type3A_310 = arith.extui %lt3A_309 : i1 to i32
      %cond3A_311 = arith.constant 0 : i32
      %cond3A_312 = arith.cmpi ne, %convert_element_type3A_310, %cond3A_311 : i32
      scf.if %cond3A_312 {
        %add3A_397 = arith.constant 1 : i32
        %add3A_398 = arith.addi %add3A_248, %add3A_397 : i32
        %mul3A_399 = arith.constant 320000 : i32
        %mul3A_400 = arith.muli %add3A_1, %mul3A_399 : i32
        %mul3A_401 = arith.constant 20000 : i32
        %mul3A_402 = arith.muli %arg1, %mul3A_401 : i32
        %add3A_403 = arith.addi %mul3A_400, %mul3A_402 : i32
        %mul3A_404 = arith.constant 80 : i32
        %mul3A_405 = arith.muli %add3A_398, %mul3A_404 : i32
        %add3A_406 = arith.addi %add3A_403, %mul3A_405 : i32
        %multiple_of3A_407 = tpu.assume_multiple %add3A_406, 80 : i32
        %dma_wait3A_408 = arith.constant 1 : i32
        %dma_wait3A_409 = arith.constant 1 : i32
        %dma_wait3A_410 = arith.constant 0 : i32
        %dma_wait3A_411 = tpu.memref_slice %arg8[%dma_wait3A_408, %dma_wait3A_410] : memref<2x80xi32, #tpu.memory_space<vmem>> -> memref<1x80xi32, #tpu.memory_space<vmem>>
        %dma_wait3A_412 = tpu.memref_squeeze %dma_wait3A_411 : memref<1x80xi32, #tpu.memory_space<vmem>> -> memref<80xi32, #tpu.memory_space<vmem>>
        %dma_wait3A_413 = tpu.memref_slice %arg4[%multiple_of3A_407] : memref<1280000xi32, #tpu.memory_space<hbm>> -> memref<80xi32, #tpu.memory_space<hbm>>
        %dma_wait3A_414 = tpu.memref_slice %arg12[%dma_wait3A_409] : memref<2x!tpu.dma_semaphore, #tpu.memory_space<semaphore_mem>> -> memref<1x!tpu.dma_semaphore, #tpu.memory_space<semaphore_mem>>
        %dma_wait3A_415 = tpu.memref_squeeze %dma_wait3A_414 : memref<1x!tpu.dma_semaphore, #tpu.memory_space<semaphore_mem>> -> memref<!tpu.dma_semaphore, #tpu.memory_space<semaphore_mem>>
        %dma_wait3A_416 = arith.constant 0 : i32
        %dma_wait3A_417 = tpu.memref_slice %arg8[%dma_wait3A_408, %dma_wait3A_416] : memref<2x80xi32, #tpu.memory_space<vmem>> -> memref<1x80xi32, #tpu.memory_space<vmem>>
        %dma_wait3A_418 = tpu.memref_squeeze %dma_wait3A_417 : memref<1x80xi32, #tpu.memory_space<vmem>> -> memref<80xi32, #tpu.memory_space<vmem>>
        %dma_wait3A_419 = tpu.memref_slice %arg4[%multiple_of3A_407] : memref<1280000xi32, #tpu.memory_space<hbm>> -> memref<80xi32, #tpu.memory_space<hbm>>
        tpu.wait_dma2 semaphore(%dma_wait3A_415 : memref<!tpu.dma_semaphore, #tpu.memory_space<semaphore_mem>>) src(%dma_wait3A_419 : memref<80xi32, #tpu.memory_space<hbm>>) dst(%dma_wait3A_418 : memref<80xi32, #tpu.memory_space<vmem>>)
        %dma_start3A_420 = arith.constant 1 : i32
        %dma_start3A_421 = arith.constant 1 : i32
        %dma_start3A_422 = arith.constant 1 : i32
        %dma_start3A_423 = arith.constant 0 : i32
        %dma_start3A_424 = arith.constant 0 : i32
        %dma_start3A_425 = tpu.memref_slice %arg11[%dma_start3A_421, %dma_start3A_423, %dma_start3A_424] : memref<2x80x128xf32, #tpu.memory_space<vmem>> -> memref<1x80x128xf32, #tpu.memory_space<vmem>>
        %dma_start3A_426 = tpu.memref_squeeze %dma_start3A_425 : memref<1x80x128xf32, #tpu.memory_space<vmem>> -> memref<80x128xf32, #tpu.memory_space<vmem>>
        %dma_start3A_427 = arith.constant 0 : i32
        %dma_start3A_428 = tpu.memref_slice %arg8[%dma_start3A_420, %dma_start3A_427] : memref<2x80xi32, #tpu.memory_space<vmem>> -> memref<1x80xi32, #tpu.memory_space<vmem>>
        %dma_start3A_429 = tpu.memref_squeeze %dma_start3A_428 : memref<1x80xi32, #tpu.memory_space<vmem>> -> memref<80xi32, #tpu.memory_space<vmem>>
        %dma_start3A_430 = arith.constant 0 : i32
        %dma_start3A_431 = arith.constant 0 : i32
        %dma_start3A_432 = tpu.memref_slice %arg2[%dma_start3A_430, %dma_start3A_431] : memref<40000x128xf32, #tpu.memory_space<hbm>> -> memref<40000x128xf32, #tpu.memory_space<hbm>>
        %dma_start3A_433 = tpu.memref_slice %arg15[%dma_start3A_422] : memref<2x!tpu.dma_semaphore, #tpu.memory_space<semaphore_mem>> -> memref<1x!tpu.dma_semaphore, #tpu.memory_space<semaphore_mem>>
        %dma_start3A_434 = tpu.memref_squeeze %dma_start3A_433 : memref<1x!tpu.dma_semaphore, #tpu.memory_space<semaphore_mem>> -> memref<!tpu.dma_semaphore, #tpu.memory_space<semaphore_mem>>
        tpu.enqueue_indirect_dma source(%dma_start3A_432 : memref<40000x128xf32, #tpu.memory_space<hbm>>) target(%dma_start3A_426 : memref<80x128xf32, #tpu.memory_space<vmem>>) offsets(%dma_start3A_429 : memref<80xi32, #tpu.memory_space<vmem>>) semaphore(%dma_start3A_434 : memref<!tpu.dma_semaphore, #tpu.memory_space<semaphore_mem>>)
        %add3A_435 = arith.constant 1 : i32
        %add3A_436 = arith.addi %add3A_248, %add3A_435 : i32
        %mul3A_437 = arith.constant 20000 : i32
        %mul3A_438 = arith.muli %arg1, %mul3A_437 : i32
        %mul3A_439 = arith.constant 80 : i32
        %mul3A_440 = arith.muli %add3A_436, %mul3A_439 : i32
        %add3A_441 = arith.addi %mul3A_438, %mul3A_440 : i32
        %multiple_of3A_442 = tpu.assume_multiple %add3A_441, 80 : i32
        %dma_start3A_443 = arith.constant 1 : i32
        %dma_start3A_444 = arith.constant 1 : i32
        %dma_start3A_445 = arith.constant 0 : i32
        %dma_start3A_446 = tpu.memref_slice %arg9[%dma_start3A_443, %dma_start3A_445] : memref<2x80xi32, #tpu.memory_space<vmem>> -> memref<1x80xi32, #tpu.memory_space<vmem>>
        %dma_start3A_447 = tpu.memref_squeeze %dma_start3A_446 : memref<1x80xi32, #tpu.memory_space<vmem>> -> memref<80xi32, #tpu.memory_space<vmem>>
        %dma_start3A_448 = tpu.memref_slice %arg5[%multiple_of3A_442] : memref<320000xi32, #tpu.memory_space<hbm>> -> memref<80xi32, #tpu.memory_space<hbm>>
        %dma_start3A_449 = tpu.memref_slice %arg13[%dma_start3A_444] : memref<2x!tpu.dma_semaphore, #tpu.memory_space<semaphore_mem>> -> memref<1x!tpu.dma_semaphore, #tpu.memory_space<semaphore_mem>>
        %dma_start3A_450 = tpu.memref_squeeze %dma_start3A_449 : memref<1x!tpu.dma_semaphore, #tpu.memory_space<semaphore_mem>> -> memref<!tpu.dma_semaphore, #tpu.memory_space<semaphore_mem>>
        %dma_start3A_451 = arith.constant 0 : i32
        %dma_start3A_452 = tpu.memref_slice %arg9[%dma_start3A_443, %dma_start3A_451] : memref<2x80xi32, #tpu.memory_space<vmem>> -> memref<1x80xi32, #tpu.memory_space<vmem>>
        %dma_start3A_453 = tpu.memref_squeeze %dma_start3A_452 : memref<1x80xi32, #tpu.memory_space<vmem>> -> memref<80xi32, #tpu.memory_space<vmem>>
        %dma_start3A_454 = tpu.memref_slice %arg5[%multiple_of3A_442] : memref<320000xi32, #tpu.memory_space<hbm>> -> memref<80xi32, #tpu.memory_space<hbm>>
        tpu.enqueue_dma source(%dma_start3A_454 : memref<80xi32, #tpu.memory_space<hbm>>) target(%dma_start3A_453 : memref<80xi32, #tpu.memory_space<vmem>>) target_semaphore(%dma_start3A_450 : memref<!tpu.dma_semaphore, #tpu.memory_space<semaphore_mem>>)
      } else {
      }
      %add3A_313 = arith.constant 2 : i32
      %add3A_314 = arith.addi %add3A_248, %add3A_313 : i32
      %lt3A_315 = arith.constant 250 : i32
      %lt3A_316 = arith.cmpi slt, %add3A_314, %lt3A_315 : i32
      %convert_element_type3A_317 = arith.extui %lt3A_316 : i1 to i32
      %cond3A_318 = arith.constant 0 : i32
      %cond3A_319 = arith.cmpi ne, %convert_element_type3A_317, %cond3A_318 : i32
      scf.if %cond3A_319 {
        %add3A_397 = arith.constant 2 : i32
        %add3A_398 = arith.addi %add3A_248, %add3A_397 : i32
        %mul3A_399 = arith.constant 320000 : i32
        %mul3A_400 = arith.muli %add3A_1, %mul3A_399 : i32
        %mul3A_401 = arith.constant 20000 : i32
        %mul3A_402 = arith.muli %arg1, %mul3A_401 : i32
        %add3A_403 = arith.addi %mul3A_400, %mul3A_402 : i32
        %mul3A_404 = arith.constant 80 : i32
        %mul3A_405 = arith.muli %add3A_398, %mul3A_404 : i32
        %add3A_406 = arith.addi %add3A_403, %mul3A_405 : i32
        %multiple_of3A_407 = tpu.assume_multiple %add3A_406, 80 : i32
        %dma_start3A_408 = arith.constant 0 : i32
        %dma_start3A_409 = arith.constant 0 : i32
        %dma_start3A_410 = arith.constant 0 : i32
        %dma_start3A_411 = tpu.memref_slice %arg8[%dma_start3A_408, %dma_start3A_410] : memref<2x80xi32, #tpu.memory_space<vmem>> -> memref<1x80xi32, #tpu.memory_space<vmem>>
        %dma_start3A_412 = tpu.memref_squeeze %dma_start3A_411 : memref<1x80xi32, #tpu.memory_space<vmem>> -> memref<80xi32, #tpu.memory_space<vmem>>
        %dma_start3A_413 = tpu.memref_slice %arg4[%multiple_of3A_407] : memref<1280000xi32, #tpu.memory_space<hbm>> -> memref<80xi32, #tpu.memory_space<hbm>>
        %dma_start3A_414 = tpu.memref_slice %arg12[%dma_start3A_409] : memref<2x!tpu.dma_semaphore, #tpu.memory_space<semaphore_mem>> -> memref<1x!tpu.dma_semaphore, #tpu.memory_space<semaphore_mem>>
        %dma_start3A_415 = tpu.memref_squeeze %dma_start3A_414 : memref<1x!tpu.dma_semaphore, #tpu.memory_space<semaphore_mem>> -> memref<!tpu.dma_semaphore, #tpu.memory_space<semaphore_mem>>
        %dma_start3A_416 = arith.constant 0 : i32
        %dma_start3A_417 = tpu.memref_slice %arg8[%dma_start3A_408, %dma_start3A_416] : memref<2x80xi32, #tpu.memory_space<vmem>> -> memref<1x80xi32, #tpu.memory_space<vmem>>
        %dma_start3A_418 = tpu.memref_squeeze %dma_start3A_417 : memref<1x80xi32, #tpu.memory_space<vmem>> -> memref<80xi32, #tpu.memory_space<vmem>>
        %dma_start3A_419 = tpu.memref_slice %arg4[%multiple_of3A_407] : memref<1280000xi32, #tpu.memory_space<hbm>> -> memref<80xi32, #tpu.memory_space<hbm>>
        tpu.enqueue_dma source(%dma_start3A_419 : memref<80xi32, #tpu.memory_space<hbm>>) target(%dma_start3A_418 : memref<80xi32, #tpu.memory_space<vmem>>) target_semaphore(%dma_start3A_415 : memref<!tpu.dma_semaphore, #tpu.memory_space<semaphore_mem>>)
      } else {
      }
      %mul3A_320 = arith.constant 2 : i32
      %mul3A_321 = arith.muli %add3A_244, %mul3A_320 : i32
      %add3A_322 = arith.constant 1 : i32
      %add3A_323 = arith.addi %mul3A_321, %add3A_322 : i32
      %dma_wait3A_324 = arith.constant 1 : i32
      %dma_wait3A_325 = arith.constant 1 : i32
      %dma_wait3A_326 = arith.constant 1 : i32
      %dma_wait3A_327 = arith.constant 0 : i32
      %dma_wait3A_328 = arith.constant 0 : i32
      %dma_wait3A_329 = tpu.memref_slice %arg11[%dma_wait3A_325, %dma_wait3A_327, %dma_wait3A_328] : memref<2x80x128xf32, #tpu.memory_space<vmem>> -> memref<1x80x128xf32, #tpu.memory_space<vmem>>
      %dma_wait3A_330 = tpu.memref_squeeze %dma_wait3A_329 : memref<1x80x128xf32, #tpu.memory_space<vmem>> -> memref<80x128xf32, #tpu.memory_space<vmem>>
      %dma_wait3A_331 = arith.constant 0 : i32
      %dma_wait3A_332 = tpu.memref_slice %arg8[%dma_wait3A_324, %dma_wait3A_331] : memref<2x80xi32, #tpu.memory_space<vmem>> -> memref<1x80xi32, #tpu.memory_space<vmem>>
      %dma_wait3A_333 = tpu.memref_squeeze %dma_wait3A_332 : memref<1x80xi32, #tpu.memory_space<vmem>> -> memref<80xi32, #tpu.memory_space<vmem>>
      %dma_wait3A_334 = arith.constant 0 : i32
      %dma_wait3A_335 = arith.constant 0 : i32
      %dma_wait3A_336 = tpu.memref_slice %arg2[%dma_wait3A_334, %dma_wait3A_335] : memref<40000x128xf32, #tpu.memory_space<hbm>> -> memref<40000x128xf32, #tpu.memory_space<hbm>>
      %dma_wait3A_337 = tpu.memref_slice %arg15[%dma_wait3A_326] : memref<2x!tpu.dma_semaphore, #tpu.memory_space<semaphore_mem>> -> memref<1x!tpu.dma_semaphore, #tpu.memory_space<semaphore_mem>>
      %dma_wait3A_338 = tpu.memref_squeeze %dma_wait3A_337 : memref<1x!tpu.dma_semaphore, #tpu.memory_space<semaphore_mem>> -> memref<!tpu.dma_semaphore, #tpu.memory_space<semaphore_mem>>
      tpu.wait_indirect_dma semaphore(%dma_wait3A_338 : memref<!tpu.dma_semaphore, #tpu.memory_space<semaphore_mem>>) src(%dma_wait3A_336 : memref<40000x128xf32, #tpu.memory_space<hbm>>) dst(%dma_wait3A_330 : memref<80x128xf32, #tpu.memory_space<vmem>>)
      %mul3A_339 = arith.constant 20000 : i32
      %mul3A_340 = arith.muli %arg1, %mul3A_339 : i32
      %mul3A_341 = arith.constant 80 : i32
      %mul3A_342 = arith.muli %add3A_323, %mul3A_341 : i32
      %add3A_343 = arith.addi %mul3A_340, %mul3A_342 : i32
      %multiple_of3A_344 = tpu.assume_multiple %add3A_343, 80 : i32
      %dma_wait3A_345 = arith.constant 1 : i32
      %dma_wait3A_346 = arith.constant 1 : i32
      %dma_wait3A_347 = arith.constant 0 : i32
      %dma_wait3A_348 = tpu.memref_slice %arg9[%dma_wait3A_345, %dma_wait3A_347] : memref<2x80xi32, #tpu.memory_space<vmem>> -> memref<1x80xi32, #tpu.memory_space<vmem>>
      %dma_wait3A_349 = tpu.memref_squeeze %dma_wait3A_348 : memref<1x80xi32, #tpu.memory_space<vmem>> -> memref<80xi32, #tpu.memory_space<vmem>>
      %dma_wait3A_350 = tpu.memref_slice %arg5[%multiple_of3A_344] : memref<320000xi32, #tpu.memory_space<hbm>> -> memref<80xi32, #tpu.memory_space<hbm>>
      %dma_wait3A_351 = tpu.memref_slice %arg13[%dma_wait3A_346] : memref<2x!tpu.dma_semaphore, #tpu.memory_space<semaphore_mem>> -> memref<1x!tpu.dma_semaphore, #tpu.memory_space<semaphore_mem>>
      %dma_wait3A_352 = tpu.memref_squeeze %dma_wait3A_351 : memref<1x!tpu.dma_semaphore, #tpu.memory_space<semaphore_mem>> -> memref<!tpu.dma_semaphore, #tpu.memory_space<semaphore_mem>>
      %dma_wait3A_353 = arith.constant 0 : i32
      %dma_wait3A_354 = tpu.memref_slice %arg9[%dma_wait3A_345, %dma_wait3A_353] : memref<2x80xi32, #tpu.memory_space<vmem>> -> memref<1x80xi32, #tpu.memory_space<vmem>>
      %dma_wait3A_355 = tpu.memref_squeeze %dma_wait3A_354 : memref<1x80xi32, #tpu.memory_space<vmem>> -> memref<80xi32, #tpu.memory_space<vmem>>
      %dma_wait3A_356 = tpu.memref_slice %arg5[%multiple_of3A_344] : memref<320000xi32, #tpu.memory_space<hbm>> -> memref<80xi32, #tpu.memory_space<hbm>>
      tpu.wait_dma2 semaphore(%dma_wait3A_352 : memref<!tpu.dma_semaphore, #tpu.memory_space<semaphore_mem>>) src(%dma_wait3A_356 : memref<80xi32, #tpu.memory_space<hbm>>) dst(%dma_wait3A_355 : memref<80xi32, #tpu.memory_space<vmem>>)
      %mul3A_357 = arith.constant 20000 : i32
      %mul3A_358 = arith.muli %arg1, %mul3A_357 : i32
      %mul3A_359 = arith.constant 80 : i32
      %mul3A_360 = arith.muli %add3A_323, %mul3A_359 : i32
      %add3A_361 = arith.addi %mul3A_358, %mul3A_360 : i32
      %multiple_of3A_362 = tpu.assume_multiple %add3A_361, 80 : i32
      %dma_wait3A_363 = arith.constant 0 : i32
      %dma_wait3A_364 = tpu.memref_slice %arg3[%add3A_1, %multiple_of3A_362, %dma_wait3A_363] : memref<4x320000x80xf32, #tpu.memory_space<hbm>> -> memref<1x80x80xf32, #tpu.memory_space<hbm>>
      %dma_wait3A_365 = tpu.memref_squeeze %dma_wait3A_364 : memref<1x80x80xf32, #tpu.memory_space<hbm>> -> memref<80x80xf32, #tpu.memory_space<hbm>>
      %dma_wait3A_366 = arith.constant 0 : i32
      %dma_wait3A_367 = tpu.memref_slice %arg3[%add3A_1, %multiple_of3A_362, %dma_wait3A_366] : memref<4x320000x80xf32, #tpu.memory_space<hbm>> -> memref<1x80x80xf32, #tpu.memory_space<hbm>>
      %dma_wait3A_368 = tpu.memref_squeeze %dma_wait3A_367 : memref<1x80x80xf32, #tpu.memory_space<hbm>> -> memref<80x80xf32, #tpu.memory_space<hbm>>
      tpu.wait_dma2 semaphore(%arg14 : memref<!tpu.dma_semaphore, #tpu.memory_space<semaphore_mem>>) src(%dma_wait3A_368 : memref<80x80xf32, #tpu.memory_space<hbm>>) dst(%arg10 : memref<80x80xf32, #tpu.memory_space<vmem>>)
      %scan3A_369 = arith.constant 0 : i32
      %scan3A_370 = arith.constant 80 : i32
      %scan3A_371 = arith.addi %scan3A_369, %scan3A_370 : i32
      %scan3A_372 = arith.constant 1 : i32
      scf.for %scan3A_397 = %scan3A_369 to %scan3A_371 step %scan3A_372  : i32 {
        %mul3A_398 = arith.constant 1 : i32
        %mul3A_399 = arith.muli %scan3A_397, %mul3A_398 : i32
        %add3A_400 = arith.constant 0 : i32
        %add3A_401 = arith.addi %add3A_400, %mul3A_399 : i32
        %get3A = arith.index_cast %add3A_401 : i32 to index
        %get3A_402 = arith.constant 64 : index
        %get3A_403 = tpu.vector_load %arg10[%get3A, %get3A_402] {strides = array<i32>} : memref<80x80xf32, #tpu.memory_space<vmem>>, vector<1x16xf32>,
        %get3A_404 = vector.shape_cast %get3A_403 : vector<1x16xf32> to vector<16xf32>
        %broadcast_in_dim3A = arith.constant 0 : i32
        %broadcast_in_dim3A_405 = vector.broadcast %broadcast_in_dim3A : i32 to vector<16x1xi32>
        %gather3A = vector.shape_cast %broadcast_in_dim3A_405 : vector<16x1xi32> to vector<16xi32>
        %gather3A_406 = tpu.dynamic_gather %get3A_404[%gather3A] in [0] : vector<16xf32>, vector<16xi32> -> vector<16xf32>
        %broadcast_in_dim3A_407 = arith.constant 1 : i32
        %broadcast_in_dim3A_408 = vector.broadcast %broadcast_in_dim3A_407 : i32 to vector<16x1xi32>
        %gather3A_409 = vector.shape_cast %broadcast_in_dim3A_408 : vector<16x1xi32> to vector<16xi32>
        %gather3A_410 = tpu.dynamic_gather %get3A_404[%gather3A_409] in [0] : vector<16xf32>, vector<16xi32> -> vector<16xf32>
        %broadcast_in_dim3A_411 = arith.constant 2 : i32
        %broadcast_in_dim3A_412 = vector.broadcast %broadcast_in_dim3A_411 : i32 to vector<16x1xi32>
        %gather3A_413 = vector.shape_cast %broadcast_in_dim3A_412 : vector<16x1xi32> to vector<16xi32>
        %gather3A_414 = tpu.dynamic_gather %get3A_404[%gather3A_413] in [0] : vector<16xf32>, vector<16xi32> -> vector<16xf32>
        %get3A_415 = arith.index_cast %add3A_401 : i32 to index
        %get3A_416 = arith.constant 0 : index
        %get3A_417 = tpu.vector_load %arg10[%get3A_415, %get3A_416] {strides = array<i32>} : memref<80x80xf32, #tpu.memory_space<vmem>>, vector<1x16xf32>,
        %get3A_418 = vector.shape_cast %get3A_417 : vector<1x16xf32> to vector<16xf32>
        %get3A_419 = arith.index_cast %add3A_401 : i32 to index
        %get3A_420 = arith.constant 32 : index
        %get3A_421 = tpu.vector_load %arg10[%get3A_419, %get3A_420] {strides = array<i32>} : memref<80x80xf32, #tpu.memory_space<vmem>>, vector<1x16xf32>,
        %get3A_422 = vector.shape_cast %get3A_421 : vector<1x16xf32> to vector<16xf32>
        %get3A_423 = arith.constant 1 : i32
        %get3A_424 = arith.index_cast %get3A_423 : i32 to index
        %get3A_425 = arith.index_cast %add3A_401 : i32 to index
        %get3A_426 = arith.constant 0 : index
        %get3A_427 = tpu.vector_load %arg11[%get3A_424, %get3A_425, %get3A_426] {strides = array<i32>} : memref<2x80x128xf32, #tpu.memory_space<vmem>>, vector<1x1x16xf32>,
        %get3A_428 = vector.shape_cast %get3A_427 : vector<1x1x16xf32> to vector<16xf32>
        %mul3A_429 = arith.mulf %get3A_418, %get3A_428 : vector<16xf32>
        %mul3A_430 = arith.mulf %get3A_422, %gather3A_406 : vector<16xf32>
        %add3A_431 = arith.addf %mul3A_429, %mul3A_430 : vector<16xf32>
        %swap3A = arith.constant 1 : i32
        %swap3A_432 = arith.index_cast %swap3A : i32 to index
        %swap3A_433 = arith.index_cast %add3A_401 : i32 to index
        %swap3A_434 = arith.constant 0 : index
        %swap3A_435 = tpu.vector_load %arg11[%swap3A_432, %swap3A_433, %swap3A_434] {strides = array<i32>} : memref<2x80x128xf32, #tpu.memory_space<vmem>>, vector<1x1x16xf32>,
        %swap3A_436 = vector.shape_cast %swap3A_435 : vector<1x1x16xf32> to vector<16xf32>
        %swap3A_437 = vector.shape_cast %add3A_431 : vector<16xf32> to vector<1x1x16xf32>
        tpu.vector_store %arg11[%swap3A_432, %swap3A_433, %swap3A_434], %swap3A_437 {strides = array<i32>} : memref<2x80x128xf32, #tpu.memory_space<vmem>>, vector<1x1x16xf32>,
        %get3A_438 = arith.constant 1 : i32
        %get3A_439 = arith.index_cast %get3A_438 : i32 to index
        %get3A_440 = arith.index_cast %add3A_401 : i32 to index
        %get3A_441 = arith.constant 32 : index
        %get3A_442 = tpu.vector_load %arg11[%get3A_439, %get3A_440, %get3A_441] {strides = array<i32>} : memref<2x80x128xf32, #tpu.memory_space<vmem>>, vector<1x1x16xf32>,
        %get3A_443 = vector.shape_cast %get3A_442 : vector<1x1x16xf32> to vector<16xf32>
        %mul3A_444 = arith.mulf %get3A_418, %get3A_443 : vector<16xf32>
        %mul3A_445 = arith.mulf %get3A_422, %gather3A_410 : vector<16xf32>
        %add3A_446 = arith.addf %mul3A_444, %mul3A_445 : vector<16xf32>
        %swap3A_447 = arith.constant 1 : i32
        %swap3A_448 = arith.index_cast %swap3A_447 : i32 to index
        %swap3A_449 = arith.index_cast %add3A_401 : i32 to index
        %swap3A_450 = arith.constant 32 : index
        %swap3A_451 = tpu.vector_load %arg11[%swap3A_448, %swap3A_449, %swap3A_450] {strides = array<i32>} : memref<2x80x128xf32, #tpu.memory_space<vmem>>, vector<1x1x16xf32>,
        %swap3A_452 = vector.shape_cast %swap3A_451 : vector<1x1x16xf32> to vector<16xf32>
        %swap3A_453 = vector.shape_cast %add3A_446 : vector<16xf32> to vector<1x1x16xf32>
        tpu.vector_store %arg11[%swap3A_448, %swap3A_449, %swap3A_450], %swap3A_453 {strides = array<i32>} : memref<2x80x128xf32, #tpu.memory_space<vmem>>, vector<1x1x16xf32>,
        %get3A_454 = arith.constant 1 : i32
        %get3A_455 = arith.index_cast %get3A_454 : i32 to index
        %get3A_456 = arith.index_cast %add3A_401 : i32 to index
        %get3A_457 = arith.constant 64 : index
        %get3A_458 = tpu.vector_load %arg11[%get3A_455, %get3A_456, %get3A_457] {strides = array<i32>} : memref<2x80x128xf32, #tpu.memory_space<vmem>>, vector<1x1x16xf32>,
        %get3A_459 = vector.shape_cast %get3A_458 : vector<1x1x16xf32> to vector<16xf32>
        %mul3A_460 = arith.mulf %get3A_418, %get3A_459 : vector<16xf32>
        %mul3A_461 = arith.mulf %get3A_422, %gather3A_414 : vector<16xf32>
        %add3A_462 = arith.addf %mul3A_460, %mul3A_461 : vector<16xf32>
        %swap3A_463 = arith.constant 1 : i32
        %swap3A_464 = arith.index_cast %swap3A_463 : i32 to index
        %swap3A_465 = arith.index_cast %add3A_401 : i32 to index
        %swap3A_466 = arith.constant 64 : index
        %swap3A_467 = tpu.vector_load %arg11[%swap3A_464, %swap3A_465, %swap3A_466] {strides = array<i32>} : memref<2x80x128xf32, #tpu.memory_space<vmem>>, vector<1x1x16xf32>,
        %swap3A_468 = vector.shape_cast %swap3A_467 : vector<1x1x16xf32> to vector<16xf32>
        %swap3A_469 = vector.shape_cast %add3A_462 : vector<16xf32> to vector<1x1x16xf32>
        tpu.vector_store %arg11[%swap3A_464, %swap3A_465, %swap3A_466], %swap3A_469 {strides = array<i32>} : memref<2x80x128xf32, #tpu.memory_space<vmem>>, vector<1x1x16xf32>,
        %get3A_470 = arith.index_cast %add3A_401 : i32 to index
        %get3A_471 = arith.constant 16 : index
        %get3A_472 = tpu.vector_load %arg10[%get3A_470, %get3A_471] {strides = array<i32>} : memref<80x80xf32, #tpu.memory_space<vmem>>, vector<1x16xf32>,
        %get3A_473 = vector.shape_cast %get3A_472 : vector<1x16xf32> to vector<16xf32>
        %get3A_474 = arith.index_cast %add3A_401 : i32 to index
        %get3A_475 = arith.constant 48 : index
        %get3A_476 = tpu.vector_load %arg10[%get3A_474, %get3A_475] {strides = array<i32>} : memref<80x80xf32, #tpu.memory_space<vmem>>, vector<1x16xf32>,
        %get3A_477 = vector.shape_cast %get3A_476 : vector<1x16xf32> to vector<16xf32>
        %get3A_478 = arith.constant 1 : i32
        %get3A_479 = arith.index_cast %get3A_478 : i32 to index
        %get3A_480 = arith.index_cast %add3A_401 : i32 to index
        %get3A_481 = arith.constant 16 : index
        %get3A_482 = tpu.vector_load %arg11[%get3A_479, %get3A_480, %get3A_481] {strides = array<i32>} : memref<2x80x128xf32, #tpu.memory_space<vmem>>, vector<1x1x16xf32>,
        %get3A_483 = vector.shape_cast %get3A_482 : vector<1x1x16xf32> to vector<16xf32>
        %mul3A_484 = arith.mulf %get3A_473, %get3A_483 : vector<16xf32>
        %mul3A_485 = arith.mulf %get3A_477, %gather3A_406 : vector<16xf32>
        %add3A_486 = arith.addf %mul3A_484, %mul3A_485 : vector<16xf32>
        %swap3A_487 = arith.constant 1 : i32
        %swap3A_488 = arith.index_cast %swap3A_487 : i32 to index
        %swap3A_489 = arith.index_cast %add3A_401 : i32 to index
        %swap3A_490 = arith.constant 16 : index
        %swap3A_491 = tpu.vector_load %arg11[%swap3A_488, %swap3A_489, %swap3A_490] {strides = array<i32>} : memref<2x80x128xf32, #tpu.memory_space<vmem>>, vector<1x1x16xf32>,
        %swap3A_492 = vector.shape_cast %swap3A_491 : vector<1x1x16xf32> to vector<16xf32>
        %swap3A_493 = vector.shape_cast %add3A_486 : vector<16xf32> to vector<1x1x16xf32>
        tpu.vector_store %arg11[%swap3A_488, %swap3A_489, %swap3A_490], %swap3A_493 {strides = array<i32>} : memref<2x80x128xf32, #tpu.memory_space<vmem>>, vector<1x1x16xf32>,
        %get3A_494 = arith.constant 1 : i32
        %get3A_495 = arith.index_cast %get3A_494 : i32 to index
        %get3A_496 = arith.index_cast %add3A_401 : i32 to index
        %get3A_497 = arith.constant 48 : index
        %get3A_498 = tpu.vector_load %arg11[%get3A_495, %get3A_496, %get3A_497] {strides = array<i32>} : memref<2x80x128xf32, #tpu.memory_space<vmem>>, vector<1x1x16xf32>,
        %get3A_499 = vector.shape_cast %get3A_498 : vector<1x1x16xf32> to vector<16xf32>
        %mul3A_500 = arith.mulf %get3A_473, %get3A_499 : vector<16xf32>
        %mul3A_501 = arith.mulf %get3A_477, %gather3A_410 : vector<16xf32>
        %add3A_502 = arith.addf %mul3A_500, %mul3A_501 : vector<16xf32>
        %swap3A_503 = arith.constant 1 : i32
        %swap3A_504 = arith.index_cast %swap3A_503 : i32 to index
        %swap3A_505 = arith.index_cast %add3A_401 : i32 to index
        %swap3A_506 = arith.constant 48 : index
        %swap3A_507 = tpu.vector_load %arg11[%swap3A_504, %swap3A_505, %swap3A_506] {strides = array<i32>} : memref<2x80x128xf32, #tpu.memory_space<vmem>>, vector<1x1x16xf32>,
        %swap3A_508 = vector.shape_cast %swap3A_507 : vector<1x1x16xf32> to vector<16xf32>
        %swap3A_509 = vector.shape_cast %add3A_502 : vector<16xf32> to vector<1x1x16xf32>
        tpu.vector_store %arg11[%swap3A_504, %swap3A_505, %swap3A_506], %swap3A_509 {strides = array<i32>} : memref<2x80x128xf32, #tpu.memory_space<vmem>>, vector<1x1x16xf32>,
        %get3A_510 = arith.constant 1 : i32
        %get3A_511 = arith.index_cast %get3A_510 : i32 to index
        %get3A_512 = arith.index_cast %add3A_401 : i32 to index
        %get3A_513 = arith.constant 80 : index
        %get3A_514 = tpu.vector_load %arg11[%get3A_511, %get3A_512, %get3A_513] {strides = array<i32>} : memref<2x80x128xf32, #tpu.memory_space<vmem>>, vector<1x1x16xf32>,
        %get3A_515 = vector.shape_cast %get3A_514 : vector<1x1x16xf32> to vector<16xf32>
        %mul3A_516 = arith.mulf %get3A_473, %get3A_515 : vector<16xf32>
        %mul3A_517 = arith.mulf %get3A_477, %gather3A_414 : vector<16xf32>
        %add3A_518 = arith.addf %mul3A_516, %mul3A_517 : vector<16xf32>
        %swap3A_519 = arith.constant 1 : i32
        %swap3A_520 = arith.index_cast %swap3A_519 : i32 to index
        %swap3A_521 = arith.index_cast %add3A_401 : i32 to index
        %swap3A_522 = arith.constant 80 : index
        %swap3A_523 = tpu.vector_load %arg11[%swap3A_520, %swap3A_521, %swap3A_522] {strides = array<i32>} : memref<2x80x128xf32, #tpu.memory_space<vmem>>, vector<1x1x16xf32>,
        %swap3A_524 = vector.shape_cast %swap3A_523 : vector<1x1x16xf32> to vector<16xf32>
        %swap3A_525 = vector.shape_cast %add3A_518 : vector<16xf32> to vector<1x1x16xf32>
        tpu.vector_store %arg11[%swap3A_520, %swap3A_521, %swap3A_522], %swap3A_525 {strides = array<i32>} : memref<2x80x128xf32, #tpu.memory_space<vmem>>, vector<1x1x16xf32>,
      }
      %scan3A_373 = arith.constant 80 : i32
      %add3A_374 = arith.constant 1 : i32
      %add3A_375 = arith.addi %add3A_323, %add3A_374 : i32
      %lt3A_376 = arith.constant 250 : i32
      %lt3A_377 = arith.cmpi slt, %add3A_375, %lt3A_376 : i32
      %convert_element_type3A_378 = arith.extui %lt3A_377 : i1 to i32
      %cond3A_379 = arith.constant 0 : i32
      %cond3A_380 = arith.cmpi ne, %convert_element_type3A_378, %cond3A_379 : i32
      scf.if %cond3A_380 {
        %add3A_397 = arith.constant 1 : i32
        %add3A_398 = arith.addi %add3A_323, %add3A_397 : i32
        %mul3A_399 = arith.constant 20000 : i32
        %mul3A_400 = arith.muli %arg1, %mul3A_399 : i32
        %mul3A_401 = arith.constant 80 : i32
        %mul3A_402 = arith.muli %add3A_398, %mul3A_401 : i32
        %add3A_403 = arith.addi %mul3A_400, %mul3A_402 : i32
        %multiple_of3A_404 = tpu.assume_multiple %add3A_403, 80 : i32
        %dma_start3A_405 = arith.constant 0 : i32
        %dma_start3A_406 = tpu.memref_slice %arg3[%add3A_1, %multiple_of3A_404, %dma_start3A_405] : memref<4x320000x80xf32, #tpu.memory_space<hbm>> -> memref<1x80x80xf32, #tpu.memory_space<hbm>>
        %dma_start3A_407 = tpu.memref_squeeze %dma_start3A_406 : memref<1x80x80xf32, #tpu.memory_space<hbm>> -> memref<80x80xf32, #tpu.memory_space<hbm>>
        %dma_start3A_408 = arith.constant 0 : i32
        %dma_start3A_409 = tpu.memref_slice %arg3[%add3A_1, %multiple_of3A_404, %dma_start3A_408] : memref<4x320000x80xf32, #tpu.memory_space<hbm>> -> memref<1x80x80xf32, #tpu.memory_space<hbm>>
        %dma_start3A_410 = tpu.memref_squeeze %dma_start3A_409 : memref<1x80x80xf32, #tpu.memory_space<hbm>> -> memref<80x80xf32, #tpu.memory_space<hbm>>
        tpu.enqueue_dma source(%dma_start3A_410 : memref<80x80xf32, #tpu.memory_space<hbm>>) target(%arg10 : memref<80x80xf32, #tpu.memory_space<vmem>>) target_semaphore(%arg14 : memref<!tpu.dma_semaphore, #tpu.memory_space<semaphore_mem>>)
      } else {
      }
      %run_scoped3A_381 = arith.constant 1 : i32
      %run_scoped3A_382 = arith.constant 1 : i32
      "tpu.region"() ({
        %run_scoped3A_397 = tpu.sem_alloc : memref<!tpu.dma_semaphore, #tpu.memory_space<semaphore_mem>>
        %dma_start3A_398 = arith.constant 0 : i32
        %dma_start3A_399 = arith.constant 0 : i32
        %dma_start3A_400 = tpu.memref_slice %arg11[%run_scoped3A_381, %dma_start3A_398, %dma_start3A_399] : memref<2x80x128xf32, #tpu.memory_space<vmem>> -> memref<1x80x128xf32, #tpu.memory_space<vmem>>
        %dma_start3A_401 = tpu.memref_squeeze %dma_start3A_400 : memref<1x80x128xf32, #tpu.memory_space<vmem>> -> memref<80x128xf32, #tpu.memory_space<vmem>>
        %dma_start3A_402 = arith.constant 0 : i32
        %dma_start3A_403 = tpu.memref_slice %arg9[%run_scoped3A_382, %dma_start3A_402] : memref<2x80xi32, #tpu.memory_space<vmem>> -> memref<1x80xi32, #tpu.memory_space<vmem>>
        %dma_start3A_404 = tpu.memref_squeeze %dma_start3A_403 : memref<1x80xi32, #tpu.memory_space<vmem>> -> memref<80xi32, #tpu.memory_space<vmem>>
        %dma_start3A_405 = arith.constant 0 : i32
        %dma_start3A_406 = arith.constant 0 : i32
        %dma_start3A_407 = tpu.memref_slice %arg7[%dma_start3A_405, %dma_start3A_406] : memref<10000x128xf32, #tpu.memory_space<vmem_shared>> -> memref<10000x128xf32, #tpu.memory_space<vmem_shared>>
        tpu.enqueue_indirect_dma source(%dma_start3A_401 : memref<80x128xf32, #tpu.memory_space<vmem>>) target(%dma_start3A_407 : memref<10000x128xf32, #tpu.memory_space<vmem_shared>>) offsets(%dma_start3A_404 : memref<80xi32, #tpu.memory_space<vmem>>) semaphore(%run_scoped3A_397 : memref<!tpu.dma_semaphore, #tpu.memory_space<semaphore_mem>>) {add = true}
        %dma_wait3A_408 = arith.constant 0 : i32
        %dma_wait3A_409 = arith.constant 0 : i32
        %dma_wait3A_410 = tpu.memref_slice %arg11[%run_scoped3A_381, %dma_wait3A_408, %dma_wait3A_409] : memref<2x80x128xf32, #tpu.memory_space<vmem>> -> memref<1x80x128xf32, #tpu.memory_space<vmem>>
        %dma_wait3A_411 = tpu.memref_squeeze %dma_wait3A_410 : memref<1x80x128xf32, #tpu.memory_space<vmem>> -> memref<80x128xf32, #tpu.memory_space<vmem>>
        %dma_wait3A_412 = arith.constant 0 : i32
        %dma_wait3A_413 = tpu.memref_slice %arg9[%run_scoped3A_382, %dma_wait3A_412] : memref<2x80xi32, #tpu.memory_space<vmem>> -> memref<1x80xi32, #tpu.memory_space<vmem>>
        %dma_wait3A_414 = tpu.memref_squeeze %dma_wait3A_413 : memref<1x80xi32, #tpu.memory_space<vmem>> -> memref<80xi32, #tpu.memory_space<vmem>>
        %dma_wait3A_415 = arith.constant 0 : i32
        %dma_wait3A_416 = arith.constant 0 : i32
        %dma_wait3A_417 = tpu.memref_slice %arg7[%dma_wait3A_415, %dma_wait3A_416] : memref<10000x128xf32, #tpu.memory_space<vmem_shared>> -> memref<10000x128xf32, #tpu.memory_space<vmem_shared>>
        tpu.wait_indirect_dma semaphore(%run_scoped3A_397 : memref<!tpu.dma_semaphore, #tpu.memory_space<semaphore_mem>>) src(%dma_wait3A_411 : memref<80x128xf32, #tpu.memory_space<vmem>>) dst(%dma_wait3A_417 : memref<10000x128xf32, #tpu.memory_space<vmem_shared>>)
        tpu.yield
      }) : () -> ()
      %add3A_383 = arith.constant 1 : i32
      %add3A_384 = arith.addi %add3A_323, %add3A_383 : i32
      %lt3A_385 = arith.constant 250 : i32
      %lt3A_386 = arith.cmpi slt, %add3A_384, %lt3A_385 : i32
      %convert_element_type3A_387 = arith.extui %lt3A_386 : i1 to i32
      %cond3A_388 = arith.constant 0 : i32
      %cond3A_389 = arith.cmpi ne, %convert_element_type3A_387, %cond3A_388 : i32
      scf.if %cond3A_389 {
        %add3A_397 = arith.constant 1 : i32
        %add3A_398 = arith.addi %add3A_323, %add3A_397 : i32
        %mul3A_399 = arith.constant 320000 : i32
        %mul3A_400 = arith.muli %add3A_1, %mul3A_399 : i32
        %mul3A_401 = arith.constant 20000 : i32
        %mul3A_402 = arith.muli %arg1, %mul3A_401 : i32
        %add3A_403 = arith.addi %mul3A_400, %mul3A_402 : i32
        %mul3A_404 = arith.constant 80 : i32
        %mul3A_405 = arith.muli %add3A_398, %mul3A_404 : i32
        %add3A_406 = arith.addi %add3A_403, %mul3A_405 : i32
        %multiple_of3A_407 = tpu.assume_multiple %add3A_406, 80 : i32
        %dma_wait3A_408 = arith.constant 0 : i32
        %dma_wait3A_409 = arith.constant 0 : i32
        %dma_wait3A_410 = arith.constant 0 : i32
        %dma_wait3A_411 = tpu.memref_slice %arg8[%dma_wait3A_408, %dma_wait3A_410] : memref<2x80xi32, #tpu.memory_space<vmem>> -> memref<1x80xi32, #tpu.memory_space<vmem>>
        %dma_wait3A_412 = tpu.memref_squeeze %dma_wait3A_411 : memref<1x80xi32, #tpu.memory_space<vmem>> -> memref<80xi32, #tpu.memory_space<vmem>>
        %dma_wait3A_413 = tpu.memref_slice %arg4[%multiple_of3A_407] : memref<1280000xi32, #tpu.memory_space<hbm>> -> memref<80xi32, #tpu.memory_space<hbm>>
        %dma_wait3A_414 = tpu.memref_slice %arg12[%dma_wait3A_409] : memref<2x!tpu.dma_semaphore, #tpu.memory_space<semaphore_mem>> -> memref<1x!tpu.dma_semaphore, #tpu.memory_space<semaphore_mem>>
        %dma_wait3A_415 = tpu.memref_squeeze %dma_wait3A_414 : memref<1x!tpu.dma_semaphore, #tpu.memory_space<semaphore_mem>> -> memref<!tpu.dma_semaphore, #tpu.memory_space<semaphore_mem>>
        %dma_wait3A_416 = arith.constant 0 : i32
        %dma_wait3A_417 = tpu.memref_slice %arg8[%dma_wait3A_408, %dma_wait3A_416] : memref<2x80xi32, #tpu.memory_space<vmem>> -> memref<1x80xi32, #tpu.memory_space<vmem>>
        %dma_wait3A_418 = tpu.memref_squeeze %dma_wait3A_417 : memref<1x80xi32, #tpu.memory_space<vmem>> -> memref<80xi32, #tpu.memory_space<vmem>>
        %dma_wait3A_419 = tpu.memref_slice %arg4[%multiple_of3A_407] : memref<1280000xi32, #tpu.memory_space<hbm>> -> memref<80xi32, #tpu.memory_space<hbm>>
        tpu.wait_dma2 semaphore(%dma_wait3A_415 : memref<!tpu.dma_semaphore, #tpu.memory_space<semaphore_mem>>) src(%dma_wait3A_419 : memref<80xi32, #tpu.memory_space<hbm>>) dst(%dma_wait3A_418 : memref<80xi32, #tpu.memory_space<vmem>>)
        %dma_start3A_420 = arith.constant 0 : i32
        %dma_start3A_421 = arith.constant 0 : i32
        %dma_start3A_422 = arith.constant 0 : i32
        %dma_start3A_423 = arith.constant 0 : i32
        %dma_start3A_424 = arith.constant 0 : i32
        %dma_start3A_425 = tpu.memref_slice %arg11[%dma_start3A_421, %dma_start3A_423, %dma_start3A_424] : memref<2x80x128xf32, #tpu.memory_space<vmem>> -> memref<1x80x128xf32, #tpu.memory_space<vmem>>
        %dma_start3A_426 = tpu.memref_squeeze %dma_start3A_425 : memref<1x80x128xf32, #tpu.memory_space<vmem>> -> memref<80x128xf32, #tpu.memory_space<vmem>>
        %dma_start3A_427 = arith.constant 0 : i32
        %dma_start3A_428 = tpu.memref_slice %arg8[%dma_start3A_420, %dma_start3A_427] : memref<2x80xi32, #tpu.memory_space<vmem>> -> memref<1x80xi32, #tpu.memory_space<vmem>>
        %dma_start3A_429 = tpu.memref_squeeze %dma_start3A_428 : memref<1x80xi32, #tpu.memory_space<vmem>> -> memref<80xi32, #tpu.memory_space<vmem>>
        %dma_start3A_430 = arith.constant 0 : i32
        %dma_start3A_431 = arith.constant 0 : i32
        %dma_start3A_432 = tpu.memref_slice %arg2[%dma_start3A_430, %dma_start3A_431] : memref<40000x128xf32, #tpu.memory_space<hbm>> -> memref<40000x128xf32, #tpu.memory_space<hbm>>
        %dma_start3A_433 = tpu.memref_slice %arg15[%dma_start3A_422] : memref<2x!tpu.dma_semaphore, #tpu.memory_space<semaphore_mem>> -> memref<1x!tpu.dma_semaphore, #tpu.memory_space<semaphore_mem>>
        %dma_start3A_434 = tpu.memref_squeeze %dma_start3A_433 : memref<1x!tpu.dma_semaphore, #tpu.memory_space<semaphore_mem>> -> memref<!tpu.dma_semaphore, #tpu.memory_space<semaphore_mem>>
        tpu.enqueue_indirect_dma source(%dma_start3A_432 : memref<40000x128xf32, #tpu.memory_space<hbm>>) target(%dma_start3A_426 : memref<80x128xf32, #tpu.memory_space<vmem>>) offsets(%dma_start3A_429 : memref<80xi32, #tpu.memory_space<vmem>>) semaphore(%dma_start3A_434 : memref<!tpu.dma_semaphore, #tpu.memory_space<semaphore_mem>>)
        %add3A_435 = arith.constant 1 : i32
        %add3A_436 = arith.addi %add3A_323, %add3A_435 : i32
        %mul3A_437 = arith.constant 20000 : i32
        %mul3A_438 = arith.muli %arg1, %mul3A_437 : i32
        %mul3A_439 = arith.constant 80 : i32
        %mul3A_440 = arith.muli %add3A_436, %mul3A_439 : i32
        %add3A_441 = arith.addi %mul3A_438, %mul3A_440 : i32
        %multiple_of3A_442 = tpu.assume_multiple %add3A_441, 80 : i32
        %dma_start3A_443 = arith.constant 0 : i32
        %dma_start3A_444 = arith.constant 0 : i32
        %dma_start3A_445 = arith.constant 0 : i32
        %dma_start3A_446 = tpu.memref_slice %arg9[%dma_start3A_443, %dma_start3A_445] : memref<2x80xi32, #tpu.memory_space<vmem>> -> memref<1x80xi32, #tpu.memory_space<vmem>>
        %dma_start3A_447 = tpu.memref_squeeze %dma_start3A_446 : memref<1x80xi32, #tpu.memory_space<vmem>> -> memref<80xi32, #tpu.memory_space<vmem>>
        %dma_start3A_448 = tpu.memref_slice %arg5[%multiple_of3A_442] : memref<320000xi32, #tpu.memory_space<hbm>> -> memref<80xi32, #tpu.memory_space<hbm>>
        %dma_start3A_449 = tpu.memref_slice %arg13[%dma_start3A_444] : memref<2x!tpu.dma_semaphore, #tpu.memory_space<semaphore_mem>> -> memref<1x!tpu.dma_semaphore, #tpu.memory_space<semaphore_mem>>
        %dma_start3A_450 = tpu.memref_squeeze %dma_start3A_449 : memref<1x!tpu.dma_semaphore, #tpu.memory_space<semaphore_mem>> -> memref<!tpu.dma_semaphore, #tpu.memory_space<semaphore_mem>>
        %dma_start3A_451 = arith.constant 0 : i32
        %dma_start3A_452 = tpu.memref_slice %arg9[%dma_start3A_443, %dma_start3A_451] : memref<2x80xi32, #tpu.memory_space<vmem>> -> memref<1x80xi32, #tpu.memory_space<vmem>>
        %dma_start3A_453 = tpu.memref_squeeze %dma_start3A_452 : memref<1x80xi32, #tpu.memory_space<vmem>> -> memref<80xi32, #tpu.memory_space<vmem>>
        %dma_start3A_454 = tpu.memref_slice %arg5[%multiple_of3A_442] : memref<320000xi32, #tpu.memory_space<hbm>> -> memref<80xi32, #tpu.memory_space<hbm>>
        tpu.enqueue_dma source(%dma_start3A_454 : memref<80xi32, #tpu.memory_space<hbm>>) target(%dma_start3A_453 : memref<80xi32, #tpu.memory_space<vmem>>) target_semaphore(%dma_start3A_450 : memref<!tpu.dma_semaphore, #tpu.memory_space<semaphore_mem>>)
      } else {
      }
      %add3A_390 = arith.constant 2 : i32
      %add3A_391 = arith.addi %add3A_323, %add3A_390 : i32
      %lt3A_392 = arith.constant 250 : i32
      %lt3A_393 = arith.cmpi slt, %add3A_391, %lt3A_392 : i32
      %convert_element_type3A_394 = arith.extui %lt3A_393 : i1 to i32
      %cond3A_395 = arith.constant 0 : i32
      %cond3A_396 = arith.cmpi ne, %convert_element_type3A_394, %cond3A_395 : i32
      scf.if %cond3A_396 {
        %add3A_397 = arith.constant 2 : i32
        %add3A_398 = arith.addi %add3A_323, %add3A_397 : i32
        %mul3A_399 = arith.constant 320000 : i32
        %mul3A_400 = arith.muli %add3A_1, %mul3A_399 : i32
        %mul3A_401 = arith.constant 20000 : i32
        %mul3A_402 = arith.muli %arg1, %mul3A_401 : i32
        %add3A_403 = arith.addi %mul3A_400, %mul3A_402 : i32
        %mul3A_404 = arith.constant 80 : i32
        %mul3A_405 = arith.muli %add3A_398, %mul3A_404 : i32
        %add3A_406 = arith.addi %add3A_403, %mul3A_405 : i32
        %multiple_of3A_407 = tpu.assume_multiple %add3A_406, 80 : i32
        %dma_start3A_408 = arith.constant 1 : i32
        %dma_start3A_409 = arith.constant 1 : i32
        %dma_start3A_410 = arith.constant 0 : i32
        %dma_start3A_411 = tpu.memref_slice %arg8[%dma_start3A_408, %dma_start3A_410] : memref<2x80xi32, #tpu.memory_space<vmem>> -> memref<1x80xi32, #tpu.memory_space<vmem>>
        %dma_start3A_412 = tpu.memref_squeeze %dma_start3A_411 : memref<1x80xi32, #tpu.memory_space<vmem>> -> memref<80xi32, #tpu.memory_space<vmem>>
        %dma_start3A_413 = tpu.memref_slice %arg4[%multiple_of3A_407] : memref<1280000xi32, #tpu.memory_space<hbm>> -> memref<80xi32, #tpu.memory_space<hbm>>
        %dma_start3A_414 = tpu.memref_slice %arg12[%dma_start3A_409] : memref<2x!tpu.dma_semaphore, #tpu.memory_space<semaphore_mem>> -> memref<1x!tpu.dma_semaphore, #tpu.memory_space<semaphore_mem>>
        %dma_start3A_415 = tpu.memref_squeeze %dma_start3A_414 : memref<1x!tpu.dma_semaphore, #tpu.memory_space<semaphore_mem>> -> memref<!tpu.dma_semaphore, #tpu.memory_space<semaphore_mem>>
        %dma_start3A_416 = arith.constant 0 : i32
        %dma_start3A_417 = tpu.memref_slice %arg8[%dma_start3A_408, %dma_start3A_416] : memref<2x80xi32, #tpu.memory_space<vmem>> -> memref<1x80xi32, #tpu.memory_space<vmem>>
        %dma_start3A_418 = tpu.memref_squeeze %dma_start3A_417 : memref<1x80xi32, #tpu.memory_space<vmem>> -> memref<80xi32, #tpu.memory_space<vmem>>
        %dma_start3A_419 = tpu.memref_slice %arg4[%multiple_of3A_407] : memref<1280000xi32, #tpu.memory_space<hbm>> -> memref<80xi32, #tpu.memory_space<hbm>>
        tpu.enqueue_dma source(%dma_start3A_419 : memref<80xi32, #tpu.memory_space<hbm>>) target(%dma_start3A_418 : memref<80xi32, #tpu.memory_space<vmem>>) target_semaphore(%dma_start3A_415 : memref<!tpu.dma_semaphore, #tpu.memory_space<semaphore_mem>>)
      } else {
      }
    }
    %scan3A_107 = arith.constant 125 : i32
    %barrier3A_108 = arith.constant 0 : index
    tpu.barrier barrier_id(%barrier3A_108)
    %eq3A_109 = arith.constant 0 : i32
    %eq3A_110 = arith.cmpi eq, %arg1, %eq3A_109 : i32
    %convert_element_type3A_111 = arith.extui %eq3A_110 : i1 to i32
    %cond3A_112 = arith.constant 0 : i32
    %cond3A_113 = arith.cmpi ne, %convert_element_type3A_111, %cond3A_112 : i32
    scf.if %cond3A_113 {
      "tpu.region"() ({
        %run_scoped3A = tpu.sem_alloc : memref<!tpu.dma_semaphore, #tpu.memory_space<semaphore_mem>>
        %dma_start3A_240 = arith.constant 0 : i32
        %dma_start3A_241 = arith.constant 0 : i32
        %dma_start3A_242 = tpu.memref_slice %arg6[%add3A_1, %dma_start3A_240, %dma_start3A_241] : memref<4x10000x128xf32, #tpu.memory_space<hbm>> -> memref<1x10000x128xf32, #tpu.memory_space<hbm>>
        %dma_start3A_243 = tpu.memref_squeeze %dma_start3A_242 : memref<1x10000x128xf32, #tpu.memory_space<hbm>> -> memref<10000x128xf32, #tpu.memory_space<hbm>>
        tpu.enqueue_dma source(%arg7 : memref<10000x128xf32, #tpu.memory_space<vmem_shared>>) target(%dma_start3A_243 : memref<10000x128xf32, #tpu.memory_space<hbm>>) target_semaphore(%run_scoped3A : memref<!tpu.dma_semaphore, #tpu.memory_space<semaphore_mem>>)
        %dma_wait3A_244 = arith.constant 0 : i32
        %dma_wait3A_245 = arith.constant 0 : i32
        %dma_wait3A_246 = tpu.memref_slice %arg6[%add3A_1, %dma_wait3A_244, %dma_wait3A_245] : memref<4x10000x128xf32, #tpu.memory_space<hbm>> -> memref<1x10000x128xf32, #tpu.memory_space<hbm>>
        %dma_wait3A_247 = tpu.memref_squeeze %dma_wait3A_246 : memref<1x10000x128xf32, #tpu.memory_space<hbm>> -> memref<10000x128xf32, #tpu.memory_space<hbm>>
        tpu.wait_dma2 semaphore(%run_scoped3A : memref<!tpu.dma_semaphore, #tpu.memory_space<semaphore_mem>>) src(%arg7 : memref<10000x128xf32, #tpu.memory_space<vmem_shared>>) dst(%dma_wait3A_247 : memref<10000x128xf32, #tpu.memory_space<hbm>>)
        tpu.yield
      }) : () -> ()
    } else {
    }
    %barrier3A_114 = arith.constant 0 : index
    tpu.barrier barrier_id(%barrier3A_114)
    %mul3A_115 = arith.constant 2 : i32
    %mul3A_116 = arith.muli %arg0, %mul3A_115 : i32
    %add3A_117 = arith.constant 1 : i32
    %add3A_118 = arith.addi %mul3A_116, %add3A_117 : i32
    %eq3A_119 = arith.constant 0 : i32
    %eq3A_120 = arith.cmpi eq, %arg1, %eq3A_119 : i32
    %convert_element_type3A_121 = arith.extui %eq3A_120 : i1 to i32
    %cond3A_122 = arith.constant 0 : i32
    %cond3A_123 = arith.cmpi ne, %convert_element_type3A_121, %cond3A_122 : i32
    scf.if %cond3A_123 {
      %mul3A_240 = arith.constant 10000 : i32
      %mul3A_241 = arith.muli %add3A_118, %mul3A_240 : i32
      %multiple_of3A_242 = tpu.assume_multiple %mul3A_241, 8 : i32
      "tpu.region"() ({
        %run_scoped3A = tpu.sem_alloc : memref<!tpu.dma_semaphore, #tpu.memory_space<semaphore_mem>>
        %dma_start3A_243 = arith.constant 0 : i32
        %dma_start3A_244 = tpu.memref_slice %arg2[%multiple_of3A_242, %dma_start3A_243] : memref<40000x128xf32, #tpu.memory_space<hbm>> -> memref<10000x128xf32, #tpu.memory_space<hbm>>
        tpu.enqueue_dma source(%dma_start3A_244 : memref<10000x128xf32, #tpu.memory_space<hbm>>) target(%arg7 : memref<10000x128xf32, #tpu.memory_space<vmem_shared>>) target_semaphore(%run_scoped3A : memref<!tpu.dma_semaphore, #tpu.memory_space<semaphore_mem>>)
        %dma_wait3A_245 = arith.constant 0 : i32
        %dma_wait3A_246 = tpu.memref_slice %arg2[%multiple_of3A_242, %dma_wait3A_245] : memref<40000x128xf32, #tpu.memory_space<hbm>> -> memref<10000x128xf32, #tpu.memory_space<hbm>>
        tpu.wait_dma2 semaphore(%run_scoped3A : memref<!tpu.dma_semaphore, #tpu.memory_space<semaphore_mem>>) src(%dma_wait3A_246 : memref<10000x128xf32, #tpu.memory_space<hbm>>) dst(%arg7 : memref<10000x128xf32, #tpu.memory_space<vmem_shared>>)
        tpu.yield
      }) : () -> ()
    } else {
    }
    %barrier3A_124 = arith.constant 0 : index
    tpu.barrier barrier_id(%barrier3A_124)
    %mul3A_125 = arith.constant 320000 : i32
    %mul3A_126 = arith.muli %add3A_118, %mul3A_125 : i32
    %mul3A_127 = arith.constant 20000 : i32
    %mul3A_128 = arith.muli %arg1, %mul3A_127 : i32
    %add3A_129 = arith.addi %mul3A_126, %mul3A_128 : i32
    %add3A_130 = arith.constant 0 : i32
    %add3A_131 = arith.addi %add3A_129, %add3A_130 : i32
    %multiple_of3A_132 = tpu.assume_multiple %add3A_131, 80 : i32
    %dma_start3A_133 = arith.constant 0 : i32
    %dma_start3A_134 = arith.constant 0 : i32
    %dma_start3A_135 = arith.constant 0 : i32
    %dma_start3A_136 = tpu.memref_slice %arg8[%dma_start3A_133, %dma_start3A_135] : memref<2x80xi32, #tpu.memory_space<vmem>> -> memref<1x80xi32, #tpu.memory_space<vmem>>
    %dma_start3A_137 = tpu.memref_squeeze %dma_start3A_136 : memref<1x80xi32, #tpu.memory_space<vmem>> -> memref<80xi32, #tpu.memory_space<vmem>>
    %dma_start3A_138 = tpu.memref_slice %arg4[%multiple_of3A_132] : memref<1280000xi32, #tpu.memory_space<hbm>> -> memref<80xi32, #tpu.memory_space<hbm>>
    %dma_start3A_139 = tpu.memref_slice %arg12[%dma_start3A_134] : memref<2x!tpu.dma_semaphore, #tpu.memory_space<semaphore_mem>> -> memref<1x!tpu.dma_semaphore, #tpu.memory_space<semaphore_mem>>
    %dma_start3A_140 = tpu.memref_squeeze %dma_start3A_139 : memref<1x!tpu.dma_semaphore, #tpu.memory_space<semaphore_mem>> -> memref<!tpu.dma_semaphore, #tpu.memory_space<semaphore_mem>>
    %dma_start3A_141 = arith.constant 0 : i32
    %dma_start3A_142 = tpu.memref_slice %arg8[%dma_start3A_133, %dma_start3A_141] : memref<2x80xi32, #tpu.memory_space<vmem>> -> memref<1x80xi32, #tpu.memory_space<vmem>>
    %dma_start3A_143 = tpu.memref_squeeze %dma_start3A_142 : memref<1x80xi32, #tpu.memory_space<vmem>> -> memref<80xi32, #tpu.memory_space<vmem>>
    %dma_start3A_144 = tpu.memref_slice %arg4[%multiple_of3A_132] : memref<1280000xi32, #tpu.memory_space<hbm>> -> memref<80xi32, #tpu.memory_space<hbm>>
    tpu.enqueue_dma source(%dma_start3A_144 : memref<80xi32, #tpu.memory_space<hbm>>) target(%dma_start3A_143 : memref<80xi32, #tpu.memory_space<vmem>>) target_semaphore(%dma_start3A_140 : memref<!tpu.dma_semaphore, #tpu.memory_space<semaphore_mem>>)
    %mul3A_145 = arith.constant 320000 : i32
    %mul3A_146 = arith.muli %add3A_118, %mul3A_145 : i32
    %mul3A_147 = arith.constant 20000 : i32
    %mul3A_148 = arith.muli %arg1, %mul3A_147 : i32
    %add3A_149 = arith.addi %mul3A_146, %mul3A_148 : i32
    %add3A_150 = arith.constant 80 : i32
    %add3A_151 = arith.addi %add3A_149, %add3A_150 : i32
    %multiple_of3A_152 = tpu.assume_multiple %add3A_151, 80 : i32
    %dma_start3A_153 = arith.constant 1 : i32
    %dma_start3A_154 = arith.constant 1 : i32
    %dma_start3A_155 = arith.constant 0 : i32
    %dma_start3A_156 = tpu.memref_slice %arg8[%dma_start3A_153, %dma_start3A_155] : memref<2x80xi32, #tpu.memory_space<vmem>> -> memref<1x80xi32, #tpu.memory_space<vmem>>
    %dma_start3A_157 = tpu.memref_squeeze %dma_start3A_156 : memref<1x80xi32, #tpu.memory_space<vmem>> -> memref<80xi32, #tpu.memory_space<vmem>>
    %dma_start3A_158 = tpu.memref_slice %arg4[%multiple_of3A_152] : memref<1280000xi32, #tpu.memory_space<hbm>> -> memref<80xi32, #tpu.memory_space<hbm>>
    %dma_start3A_159 = tpu.memref_slice %arg12[%dma_start3A_154] : memref<2x!tpu.dma_semaphore, #tpu.memory_space<semaphore_mem>> -> memref<1x!tpu.dma_semaphore, #tpu.memory_space<semaphore_mem>>
    %dma_start3A_160 = tpu.memref_squeeze %dma_start3A_159 : memref<1x!tpu.dma_semaphore, #tpu.memory_space<semaphore_mem>> -> memref<!tpu.dma_semaphore, #tpu.memory_space<semaphore_mem>>
    %dma_start3A_161 = arith.constant 0 : i32
    %dma_start3A_162 = tpu.memref_slice %arg8[%dma_start3A_153, %dma_start3A_161] : memref<2x80xi32, #tpu.memory_space<vmem>> -> memref<1x80xi32, #tpu.memory_space<vmem>>
    %dma_start3A_163 = tpu.memref_squeeze %dma_start3A_162 : memref<1x80xi32, #tpu.memory_space<vmem>> -> memref<80xi32, #tpu.memory_space<vmem>>
    %dma_start3A_164 = tpu.memref_slice %arg4[%multiple_of3A_152] : memref<1280000xi32, #tpu.memory_space<hbm>> -> memref<80xi32, #tpu.memory_space<hbm>>
    tpu.enqueue_dma source(%dma_start3A_164 : memref<80xi32, #tpu.memory_space<hbm>>) target(%dma_start3A_163 : memref<80xi32, #tpu.memory_space<vmem>>) target_semaphore(%dma_start3A_160 : memref<!tpu.dma_semaphore, #tpu.memory_space<semaphore_mem>>)
    %mul3A_165 = arith.constant 20000 : i32
    %mul3A_166 = arith.muli %arg1, %mul3A_165 : i32
    %add3A_167 = arith.constant 0 : i32
    %add3A_168 = arith.addi %mul3A_166, %add3A_167 : i32
    %multiple_of3A_169 = tpu.assume_multiple %add3A_168, 80 : i32
    %dma_start3A_170 = arith.constant 0 : i32
    %dma_start3A_171 = arith.constant 0 : i32
    %dma_start3A_172 = arith.constant 0 : i32
    %dma_start3A_173 = tpu.memref_slice %arg9[%dma_start3A_170, %dma_start3A_172] : memref<2x80xi32, #tpu.memory_space<vmem>> -> memref<1x80xi32, #tpu.memory_space<vmem>>
    %dma_start3A_174 = tpu.memref_squeeze %dma_start3A_173 : memref<1x80xi32, #tpu.memory_space<vmem>> -> memref<80xi32, #tpu.memory_space<vmem>>
    %dma_start3A_175 = tpu.memref_slice %arg5[%multiple_of3A_169] : memref<320000xi32, #tpu.memory_space<hbm>> -> memref<80xi32, #tpu.memory_space<hbm>>
    %dma_start3A_176 = tpu.memref_slice %arg13[%dma_start3A_171] : memref<2x!tpu.dma_semaphore, #tpu.memory_space<semaphore_mem>> -> memref<1x!tpu.dma_semaphore, #tpu.memory_space<semaphore_mem>>
    %dma_start3A_177 = tpu.memref_squeeze %dma_start3A_176 : memref<1x!tpu.dma_semaphore, #tpu.memory_space<semaphore_mem>> -> memref<!tpu.dma_semaphore, #tpu.memory_space<semaphore_mem>>
    %dma_start3A_178 = arith.constant 0 : i32
    %dma_start3A_179 = tpu.memref_slice %arg9[%dma_start3A_170, %dma_start3A_178] : memref<2x80xi32, #tpu.memory_space<vmem>> -> memref<1x80xi32, #tpu.memory_space<vmem>>
    %dma_start3A_180 = tpu.memref_squeeze %dma_start3A_179 : memref<1x80xi32, #tpu.memory_space<vmem>> -> memref<80xi32, #tpu.memory_space<vmem>>
    %dma_start3A_181 = tpu.memref_slice %arg5[%multiple_of3A_169] : memref<320000xi32, #tpu.memory_space<hbm>> -> memref<80xi32, #tpu.memory_space<hbm>>
    tpu.enqueue_dma source(%dma_start3A_181 : memref<80xi32, #tpu.memory_space<hbm>>) target(%dma_start3A_180 : memref<80xi32, #tpu.memory_space<vmem>>) target_semaphore(%dma_start3A_177 : memref<!tpu.dma_semaphore, #tpu.memory_space<semaphore_mem>>)
    %mul3A_182 = arith.constant 20000 : i32
    %mul3A_183 = arith.muli %arg1, %mul3A_182 : i32
    %add3A_184 = arith.constant 0 : i32
    %add3A_185 = arith.addi %mul3A_183, %add3A_184 : i32
    %multiple_of3A_186 = tpu.assume_multiple %add3A_185, 80 : i32
    %dma_start3A_187 = arith.constant 0 : i32
    %dma_start3A_188 = tpu.memref_slice %arg3[%add3A_118, %multiple_of3A_186, %dma_start3A_187] : memref<4x320000x80xf32, #tpu.memory_space<hbm>> -> memref<1x80x80xf32, #tpu.memory_space<hbm>>
    %dma_start3A_189 = tpu.memref_squeeze %dma_start3A_188 : memref<1x80x80xf32, #tpu.memory_space<hbm>> -> memref<80x80xf32, #tpu.memory_space<hbm>>
    %dma_start3A_190 = arith.constant 0 : i32
    %dma_start3A_191 = tpu.memref_slice %arg3[%add3A_118, %multiple_of3A_186, %dma_start3A_190] : memref<4x320000x80xf32, #tpu.memory_space<hbm>> -> memref<1x80x80xf32, #tpu.memory_space<hbm>>
    %dma_start3A_192 = tpu.memref_squeeze %dma_start3A_191 : memref<1x80x80xf32, #tpu.memory_space<hbm>> -> memref<80x80xf32, #tpu.memory_space<hbm>>
    tpu.enqueue_dma source(%dma_start3A_192 : memref<80x80xf32, #tpu.memory_space<hbm>>) target(%arg10 : memref<80x80xf32, #tpu.memory_space<vmem>>) target_semaphore(%arg14 : memref<!tpu.dma_semaphore, #tpu.memory_space<semaphore_mem>>)
    %mul3A_193 = arith.constant 320000 : i32
    %mul3A_194 = arith.muli %add3A_118, %mul3A_193 : i32
    %mul3A_195 = arith.constant 20000 : i32
    %mul3A_196 = arith.muli %arg1, %mul3A_195 : i32
    %add3A_197 = arith.addi %mul3A_194, %mul3A_196 : i32
    %add3A_198 = arith.constant 0 : i32
    %add3A_199 = arith.addi %add3A_197, %add3A_198 : i32
    %multiple_of3A_200 = tpu.assume_multiple %add3A_199, 80 : i32
    %dma_wait3A_201 = arith.constant 0 : i32
    %dma_wait3A_202 = arith.constant 0 : i32
    %dma_wait3A_203 = arith.constant 0 : i32
    %dma_wait3A_204 = tpu.memref_slice %arg8[%dma_wait3A_201, %dma_wait3A_203] : memref<2x80xi32, #tpu.memory_space<vmem>> -> memref<1x80xi32, #tpu.memory_space<vmem>>
    %dma_wait3A_205 = tpu.memref_squeeze %dma_wait3A_204 : memref<1x80xi32, #tpu.memory_space<vmem>> -> memref<80xi32, #tpu.memory_space<vmem>>
    %dma_wait3A_206 = tpu.memref_slice %arg4[%multiple_of3A_200] : memref<1280000xi32, #tpu.memory_space<hbm>> -> memref<80xi32, #tpu.memory_space<hbm>>
    %dma_wait3A_207 = tpu.memref_slice %arg12[%dma_wait3A_202] : memref<2x!tpu.dma_semaphore, #tpu.memory_space<semaphore_mem>> -> memref<1x!tpu.dma_semaphore, #tpu.memory_space<semaphore_mem>>
    %dma_wait3A_208 = tpu.memref_squeeze %dma_wait3A_207 : memref<1x!tpu.dma_semaphore, #tpu.memory_space<semaphore_mem>> -> memref<!tpu.dma_semaphore, #tpu.memory_space<semaphore_mem>>
    %dma_wait3A_209 = arith.constant 0 : i32
    %dma_wait3A_210 = tpu.memref_slice %arg8[%dma_wait3A_201, %dma_wait3A_209] : memref<2x80xi32, #tpu.memory_space<vmem>> -> memref<1x80xi32, #tpu.memory_space<vmem>>
    %dma_wait3A_211 = tpu.memref_squeeze %dma_wait3A_210 : memref<1x80xi32, #tpu.memory_space<vmem>> -> memref<80xi32, #tpu.memory_space<vmem>>
    %dma_wait3A_212 = tpu.memref_slice %arg4[%multiple_of3A_200] : memref<1280000xi32, #tpu.memory_space<hbm>> -> memref<80xi32, #tpu.memory_space<hbm>>
    tpu.wait_dma2 semaphore(%dma_wait3A_208 : memref<!tpu.dma_semaphore, #tpu.memory_space<semaphore_mem>>) src(%dma_wait3A_212 : memref<80xi32, #tpu.memory_space<hbm>>) dst(%dma_wait3A_211 : memref<80xi32, #tpu.memory_space<vmem>>)
    %dma_start3A_213 = arith.constant 0 : i32
    %dma_start3A_214 = arith.constant 0 : i32
    %dma_start3A_215 = arith.constant 0 : i32
    %dma_start3A_216 = arith.constant 0 : i32
    %dma_start3A_217 = arith.constant 0 : i32
    %dma_start3A_218 = tpu.memref_slice %arg11[%dma_start3A_214, %dma_start3A_216, %dma_start3A_217] : memref<2x80x128xf32, #tpu.memory_space<vmem>> -> memref<1x80x128xf32, #tpu.memory_space<vmem>>
    %dma_start3A_219 = tpu.memref_squeeze %dma_start3A_218 : memref<1x80x128xf32, #tpu.memory_space<vmem>> -> memref<80x128xf32, #tpu.memory_space<vmem>>
    %dma_start3A_220 = arith.constant 0 : i32
    %dma_start3A_221 = tpu.memref_slice %arg8[%dma_start3A_213, %dma_start3A_220] : memref<2x80xi32, #tpu.memory_space<vmem>> -> memref<1x80xi32, #tpu.memory_space<vmem>>
    %dma_start3A_222 = tpu.memref_squeeze %dma_start3A_221 : memref<1x80xi32, #tpu.memory_space<vmem>> -> memref<80xi32, #tpu.memory_space<vmem>>
    %dma_start3A_223 = arith.constant 0 : i32
    %dma_start3A_224 = arith.constant 0 : i32
    %dma_start3A_225 = tpu.memref_slice %arg2[%dma_start3A_223, %dma_start3A_224] : memref<40000x128xf32, #tpu.memory_space<hbm>> -> memref<40000x128xf32, #tpu.memory_space<hbm>>
    %dma_start3A_226 = tpu.memref_slice %arg15[%dma_start3A_215] : memref<2x!tpu.dma_semaphore, #tpu.memory_space<semaphore_mem>> -> memref<1x!tpu.dma_semaphore, #tpu.memory_space<semaphore_mem>>
    %dma_start3A_227 = tpu.memref_squeeze %dma_start3A_226 : memref<1x!tpu.dma_semaphore, #tpu.memory_space<semaphore_mem>> -> memref<!tpu.dma_semaphore, #tpu.memory_space<semaphore_mem>>
    tpu.enqueue_indirect_dma source(%dma_start3A_225 : memref<40000x128xf32, #tpu.memory_space<hbm>>) target(%dma_start3A_219 : memref<80x128xf32, #tpu.memory_space<vmem>>) offsets(%dma_start3A_222 : memref<80xi32, #tpu.memory_space<vmem>>) semaphore(%dma_start3A_227 : memref<!tpu.dma_semaphore, #tpu.memory_space<semaphore_mem>>)
    %scan3A_228 = arith.constant 0 : i32
    %scan3A_229 = arith.constant 125 : i32
    %scan3A_230 = arith.addi %scan3A_228, %scan3A_229 : i32
    %scan3A_231 = arith.constant 1 : i32
    scf.for %scan3A_240 = %scan3A_228 to %scan3A_230 step %scan3A_231  : i32 {
      %mul3A_241 = arith.constant 1 : i32
      %mul3A_242 = arith.muli %scan3A_240, %mul3A_241 : i32
      %add3A_243 = arith.constant 0 : i32
      %add3A_244 = arith.addi %add3A_243, %mul3A_242 : i32
      %mul3A_245 = arith.constant 2 : i32
      %mul3A_246 = arith.muli %add3A_244, %mul3A_245 : i32
      %add3A_247 = arith.constant 0 : i32
      %add3A_248 = arith.addi %mul3A_246, %add3A_247 : i32
      %dma_wait3A_249 = arith.constant 0 : i32
      %dma_wait3A_250 = arith.constant 0 : i32
      %dma_wait3A_251 = arith.constant 0 : i32
      %dma_wait3A_252 = arith.constant 0 : i32
      %dma_wait3A_253 = arith.constant 0 : i32
      %dma_wait3A_254 = tpu.memref_slice %arg11[%dma_wait3A_250, %dma_wait3A_252, %dma_wait3A_253] : memref<2x80x128xf32, #tpu.memory_space<vmem>> -> memref<1x80x128xf32, #tpu.memory_space<vmem>>
      %dma_wait3A_255 = tpu.memref_squeeze %dma_wait3A_254 : memref<1x80x128xf32, #tpu.memory_space<vmem>> -> memref<80x128xf32, #tpu.memory_space<vmem>>
      %dma_wait3A_256 = arith.constant 0 : i32
      %dma_wait3A_257 = tpu.memref_slice %arg8[%dma_wait3A_249, %dma_wait3A_256] : memref<2x80xi32, #tpu.memory_space<vmem>> -> memref<1x80xi32, #tpu.memory_space<vmem>>
      %dma_wait3A_258 = tpu.memref_squeeze %dma_wait3A_257 : memref<1x80xi32, #tpu.memory_space<vmem>> -> memref<80xi32, #tpu.memory_space<vmem>>
      %dma_wait3A_259 = arith.constant 0 : i32
      %dma_wait3A_260 = arith.constant 0 : i32
      %dma_wait3A_261 = tpu.memref_slice %arg2[%dma_wait3A_259, %dma_wait3A_260] : memref<40000x128xf32, #tpu.memory_space<hbm>> -> memref<40000x128xf32, #tpu.memory_space<hbm>>
      %dma_wait3A_262 = tpu.memref_slice %arg15[%dma_wait3A_251] : memref<2x!tpu.dma_semaphore, #tpu.memory_space<semaphore_mem>> -> memref<1x!tpu.dma_semaphore, #tpu.memory_space<semaphore_mem>>
      %dma_wait3A_263 = tpu.memref_squeeze %dma_wait3A_262 : memref<1x!tpu.dma_semaphore, #tpu.memory_space<semaphore_mem>> -> memref<!tpu.dma_semaphore, #tpu.memory_space<semaphore_mem>>
      tpu.wait_indirect_dma semaphore(%dma_wait3A_263 : memref<!tpu.dma_semaphore, #tpu.memory_space<semaphore_mem>>) src(%dma_wait3A_261 : memref<40000x128xf32, #tpu.memory_space<hbm>>) dst(%dma_wait3A_255 : memref<80x128xf32, #tpu.memory_space<vmem>>)
      %mul3A_264 = arith.constant 20000 : i32
      %mul3A_265 = arith.muli %arg1, %mul3A_264 : i32
      %mul3A_266 = arith.constant 80 : i32
      %mul3A_267 = arith.muli %add3A_248, %mul3A_266 : i32
      %add3A_268 = arith.addi %mul3A_265, %mul3A_267 : i32
      %multiple_of3A_269 = tpu.assume_multiple %add3A_268, 80 : i32
      %dma_wait3A_270 = arith.constant 0 : i32
      %dma_wait3A_271 = arith.constant 0 : i32
      %dma_wait3A_272 = arith.constant 0 : i32
      %dma_wait3A_273 = tpu.memref_slice %arg9[%dma_wait3A_270, %dma_wait3A_272] : memref<2x80xi32, #tpu.memory_space<vmem>> -> memref<1x80xi32, #tpu.memory_space<vmem>>
      %dma_wait3A_274 = tpu.memref_squeeze %dma_wait3A_273 : memref<1x80xi32, #tpu.memory_space<vmem>> -> memref<80xi32, #tpu.memory_space<vmem>>
      %dma_wait3A_275 = tpu.memref_slice %arg5[%multiple_of3A_269] : memref<320000xi32, #tpu.memory_space<hbm>> -> memref<80xi32, #tpu.memory_space<hbm>>
      %dma_wait3A_276 = tpu.memref_slice %arg13[%dma_wait3A_271] : memref<2x!tpu.dma_semaphore, #tpu.memory_space<semaphore_mem>> -> memref<1x!tpu.dma_semaphore, #tpu.memory_space<semaphore_mem>>
      %dma_wait3A_277 = tpu.memref_squeeze %dma_wait3A_276 : memref<1x!tpu.dma_semaphore, #tpu.memory_space<semaphore_mem>> -> memref<!tpu.dma_semaphore, #tpu.memory_space<semaphore_mem>>
      %dma_wait3A_278 = arith.constant 0 : i32
      %dma_wait3A_279 = tpu.memref_slice %arg9[%dma_wait3A_270, %dma_wait3A_278] : memref<2x80xi32, #tpu.memory_space<vmem>> -> memref<1x80xi32, #tpu.memory_space<vmem>>
      %dma_wait3A_280 = tpu.memref_squeeze %dma_wait3A_279 : memref<1x80xi32, #tpu.memory_space<vmem>> -> memref<80xi32, #tpu.memory_space<vmem>>
      %dma_wait3A_281 = tpu.memref_slice %arg5[%multiple_of3A_269] : memref<320000xi32, #tpu.memory_space<hbm>> -> memref<80xi32, #tpu.memory_space<hbm>>
      tpu.wait_dma2 semaphore(%dma_wait3A_277 : memref<!tpu.dma_semaphore, #tpu.memory_space<semaphore_mem>>) src(%dma_wait3A_281 : memref<80xi32, #tpu.memory_space<hbm>>) dst(%dma_wait3A_280 : memref<80xi32, #tpu.memory_space<vmem>>)
      %mul3A_282 = arith.constant 20000 : i32
      %mul3A_283 = arith.muli %arg1, %mul3A_282 : i32
      %mul3A_284 = arith.constant 80 : i32
      %mul3A_285 = arith.muli %add3A_248, %mul3A_284 : i32
      %add3A_286 = arith.addi %mul3A_283, %mul3A_285 : i32
      %multiple_of3A_287 = tpu.assume_multiple %add3A_286, 80 : i32
      %dma_wait3A_288 = arith.constant 0 : i32
      %dma_wait3A_289 = tpu.memref_slice %arg3[%add3A_118, %multiple_of3A_287, %dma_wait3A_288] : memref<4x320000x80xf32, #tpu.memory_space<hbm>> -> memref<1x80x80xf32, #tpu.memory_space<hbm>>
      %dma_wait3A_290 = tpu.memref_squeeze %dma_wait3A_289 : memref<1x80x80xf32, #tpu.memory_space<hbm>> -> memref<80x80xf32, #tpu.memory_space<hbm>>
      %dma_wait3A_291 = arith.constant 0 : i32
      %dma_wait3A_292 = tpu.memref_slice %arg3[%add3A_118, %multiple_of3A_287, %dma_wait3A_291] : memref<4x320000x80xf32, #tpu.memory_space<hbm>> -> memref<1x80x80xf32, #tpu.memory_space<hbm>>
      %dma_wait3A_293 = tpu.memref_squeeze %dma_wait3A_292 : memref<1x80x80xf32, #tpu.memory_space<hbm>> -> memref<80x80xf32, #tpu.memory_space<hbm>>
      tpu.wait_dma2 semaphore(%arg14 : memref<!tpu.dma_semaphore, #tpu.memory_space<semaphore_mem>>) src(%dma_wait3A_293 : memref<80x80xf32, #tpu.memory_space<hbm>>) dst(%arg10 : memref<80x80xf32, #tpu.memory_space<vmem>>)
      %scan3A_294 = arith.constant 0 : i32
      %scan3A_295 = arith.constant 80 : i32
      %scan3A_296 = arith.addi %scan3A_294, %scan3A_295 : i32
      %scan3A_297 = arith.constant 1 : i32
      scf.for %scan3A_397 = %scan3A_294 to %scan3A_296 step %scan3A_297  : i32 {
        %mul3A_398 = arith.constant 1 : i32
        %mul3A_399 = arith.muli %scan3A_397, %mul3A_398 : i32
        %add3A_400 = arith.constant 0 : i32
        %add3A_401 = arith.addi %add3A_400, %mul3A_399 : i32
        %get3A = arith.index_cast %add3A_401 : i32 to index
        %get3A_402 = arith.constant 64 : index
        %get3A_403 = tpu.vector_load %arg10[%get3A, %get3A_402] {strides = array<i32>} : memref<80x80xf32, #tpu.memory_space<vmem>>, vector<1x16xf32>,
        %get3A_404 = vector.shape_cast %get3A_403 : vector<1x16xf32> to vector<16xf32>
        %broadcast_in_dim3A = arith.constant 0 : i32
        %broadcast_in_dim3A_405 = vector.broadcast %broadcast_in_dim3A : i32 to vector<16x1xi32>
        %gather3A = vector.shape_cast %broadcast_in_dim3A_405 : vector<16x1xi32> to vector<16xi32>
        %gather3A_406 = tpu.dynamic_gather %get3A_404[%gather3A] in [0] : vector<16xf32>, vector<16xi32> -> vector<16xf32>
        %broadcast_in_dim3A_407 = arith.constant 1 : i32
        %broadcast_in_dim3A_408 = vector.broadcast %broadcast_in_dim3A_407 : i32 to vector<16x1xi32>
        %gather3A_409 = vector.shape_cast %broadcast_in_dim3A_408 : vector<16x1xi32> to vector<16xi32>
        %gather3A_410 = tpu.dynamic_gather %get3A_404[%gather3A_409] in [0] : vector<16xf32>, vector<16xi32> -> vector<16xf32>
        %broadcast_in_dim3A_411 = arith.constant 2 : i32
        %broadcast_in_dim3A_412 = vector.broadcast %broadcast_in_dim3A_411 : i32 to vector<16x1xi32>
        %gather3A_413 = vector.shape_cast %broadcast_in_dim3A_412 : vector<16x1xi32> to vector<16xi32>
        %gather3A_414 = tpu.dynamic_gather %get3A_404[%gather3A_413] in [0] : vector<16xf32>, vector<16xi32> -> vector<16xf32>
        %get3A_415 = arith.index_cast %add3A_401 : i32 to index
        %get3A_416 = arith.constant 0 : index
        %get3A_417 = tpu.vector_load %arg10[%get3A_415, %get3A_416] {strides = array<i32>} : memref<80x80xf32, #tpu.memory_space<vmem>>, vector<1x16xf32>,
        %get3A_418 = vector.shape_cast %get3A_417 : vector<1x16xf32> to vector<16xf32>
        %get3A_419 = arith.index_cast %add3A_401 : i32 to index
        %get3A_420 = arith.constant 32 : index
        %get3A_421 = tpu.vector_load %arg10[%get3A_419, %get3A_420] {strides = array<i32>} : memref<80x80xf32, #tpu.memory_space<vmem>>, vector<1x16xf32>,
        %get3A_422 = vector.shape_cast %get3A_421 : vector<1x16xf32> to vector<16xf32>
        %get3A_423 = arith.constant 0 : i32
        %get3A_424 = arith.index_cast %get3A_423 : i32 to index
        %get3A_425 = arith.index_cast %add3A_401 : i32 to index
        %get3A_426 = arith.constant 0 : index
        %get3A_427 = tpu.vector_load %arg11[%get3A_424, %get3A_425, %get3A_426] {strides = array<i32>} : memref<2x80x128xf32, #tpu.memory_space<vmem>>, vector<1x1x16xf32>,
        %get3A_428 = vector.shape_cast %get3A_427 : vector<1x1x16xf32> to vector<16xf32>
        %mul3A_429 = arith.mulf %get3A_418, %get3A_428 : vector<16xf32>
        %mul3A_430 = arith.mulf %get3A_422, %gather3A_406 : vector<16xf32>
        %add3A_431 = arith.addf %mul3A_429, %mul3A_430 : vector<16xf32>
        %swap3A = arith.constant 0 : i32
        %swap3A_432 = arith.index_cast %swap3A : i32 to index
        %swap3A_433 = arith.index_cast %add3A_401 : i32 to index
        %swap3A_434 = arith.constant 0 : index
        %swap3A_435 = tpu.vector_load %arg11[%swap3A_432, %swap3A_433, %swap3A_434] {strides = array<i32>} : memref<2x80x128xf32, #tpu.memory_space<vmem>>, vector<1x1x16xf32>,
        %swap3A_436 = vector.shape_cast %swap3A_435 : vector<1x1x16xf32> to vector<16xf32>
        %swap3A_437 = vector.shape_cast %add3A_431 : vector<16xf32> to vector<1x1x16xf32>
        tpu.vector_store %arg11[%swap3A_432, %swap3A_433, %swap3A_434], %swap3A_437 {strides = array<i32>} : memref<2x80x128xf32, #tpu.memory_space<vmem>>, vector<1x1x16xf32>,
        %get3A_438 = arith.constant 0 : i32
        %get3A_439 = arith.index_cast %get3A_438 : i32 to index
        %get3A_440 = arith.index_cast %add3A_401 : i32 to index
        %get3A_441 = arith.constant 32 : index
        %get3A_442 = tpu.vector_load %arg11[%get3A_439, %get3A_440, %get3A_441] {strides = array<i32>} : memref<2x80x128xf32, #tpu.memory_space<vmem>>, vector<1x1x16xf32>,
        %get3A_443 = vector.shape_cast %get3A_442 : vector<1x1x16xf32> to vector<16xf32>
        %mul3A_444 = arith.mulf %get3A_418, %get3A_443 : vector<16xf32>
        %mul3A_445 = arith.mulf %get3A_422, %gather3A_410 : vector<16xf32>
        %add3A_446 = arith.addf %mul3A_444, %mul3A_445 : vector<16xf32>
        %swap3A_447 = arith.constant 0 : i32
        %swap3A_448 = arith.index_cast %swap3A_447 : i32 to index
        %swap3A_449 = arith.index_cast %add3A_401 : i32 to index
        %swap3A_450 = arith.constant 32 : index
        %swap3A_451 = tpu.vector_load %arg11[%swap3A_448, %swap3A_449, %swap3A_450] {strides = array<i32>} : memref<2x80x128xf32, #tpu.memory_space<vmem>>, vector<1x1x16xf32>,
        %swap3A_452 = vector.shape_cast %swap3A_451 : vector<1x1x16xf32> to vector<16xf32>
        %swap3A_453 = vector.shape_cast %add3A_446 : vector<16xf32> to vector<1x1x16xf32>
        tpu.vector_store %arg11[%swap3A_448, %swap3A_449, %swap3A_450], %swap3A_453 {strides = array<i32>} : memref<2x80x128xf32, #tpu.memory_space<vmem>>, vector<1x1x16xf32>,
        %get3A_454 = arith.constant 0 : i32
        %get3A_455 = arith.index_cast %get3A_454 : i32 to index
        %get3A_456 = arith.index_cast %add3A_401 : i32 to index
        %get3A_457 = arith.constant 64 : index
        %get3A_458 = tpu.vector_load %arg11[%get3A_455, %get3A_456, %get3A_457] {strides = array<i32>} : memref<2x80x128xf32, #tpu.memory_space<vmem>>, vector<1x1x16xf32>,
        %get3A_459 = vector.shape_cast %get3A_458 : vector<1x1x16xf32> to vector<16xf32>
        %mul3A_460 = arith.mulf %get3A_418, %get3A_459 : vector<16xf32>
        %mul3A_461 = arith.mulf %get3A_422, %gather3A_414 : vector<16xf32>
        %add3A_462 = arith.addf %mul3A_460, %mul3A_461 : vector<16xf32>
        %swap3A_463 = arith.constant 0 : i32
        %swap3A_464 = arith.index_cast %swap3A_463 : i32 to index
        %swap3A_465 = arith.index_cast %add3A_401 : i32 to index
        %swap3A_466 = arith.constant 64 : index
        %swap3A_467 = tpu.vector_load %arg11[%swap3A_464, %swap3A_465, %swap3A_466] {strides = array<i32>} : memref<2x80x128xf32, #tpu.memory_space<vmem>>, vector<1x1x16xf32>,
        %swap3A_468 = vector.shape_cast %swap3A_467 : vector<1x1x16xf32> to vector<16xf32>
        %swap3A_469 = vector.shape_cast %add3A_462 : vector<16xf32> to vector<1x1x16xf32>
        tpu.vector_store %arg11[%swap3A_464, %swap3A_465, %swap3A_466], %swap3A_469 {strides = array<i32>} : memref<2x80x128xf32, #tpu.memory_space<vmem>>, vector<1x1x16xf32>,
        %get3A_470 = arith.index_cast %add3A_401 : i32 to index
        %get3A_471 = arith.constant 16 : index
        %get3A_472 = tpu.vector_load %arg10[%get3A_470, %get3A_471] {strides = array<i32>} : memref<80x80xf32, #tpu.memory_space<vmem>>, vector<1x16xf32>,
        %get3A_473 = vector.shape_cast %get3A_472 : vector<1x16xf32> to vector<16xf32>
        %get3A_474 = arith.index_cast %add3A_401 : i32 to index
        %get3A_475 = arith.constant 48 : index
        %get3A_476 = tpu.vector_load %arg10[%get3A_474, %get3A_475] {strides = array<i32>} : memref<80x80xf32, #tpu.memory_space<vmem>>, vector<1x16xf32>,
        %get3A_477 = vector.shape_cast %get3A_476 : vector<1x16xf32> to vector<16xf32>
        %get3A_478 = arith.constant 0 : i32
        %get3A_479 = arith.index_cast %get3A_478 : i32 to index
        %get3A_480 = arith.index_cast %add3A_401 : i32 to index
        %get3A_481 = arith.constant 16 : index
        %get3A_482 = tpu.vector_load %arg11[%get3A_479, %get3A_480, %get3A_481] {strides = array<i32>} : memref<2x80x128xf32, #tpu.memory_space<vmem>>, vector<1x1x16xf32>,
        %get3A_483 = vector.shape_cast %get3A_482 : vector<1x1x16xf32> to vector<16xf32>
        %mul3A_484 = arith.mulf %get3A_473, %get3A_483 : vector<16xf32>
        %mul3A_485 = arith.mulf %get3A_477, %gather3A_406 : vector<16xf32>
        %add3A_486 = arith.addf %mul3A_484, %mul3A_485 : vector<16xf32>
        %swap3A_487 = arith.constant 0 : i32
        %swap3A_488 = arith.index_cast %swap3A_487 : i32 to index
        %swap3A_489 = arith.index_cast %add3A_401 : i32 to index
        %swap3A_490 = arith.constant 16 : index
        %swap3A_491 = tpu.vector_load %arg11[%swap3A_488, %swap3A_489, %swap3A_490] {strides = array<i32>} : memref<2x80x128xf32, #tpu.memory_space<vmem>>, vector<1x1x16xf32>,
        %swap3A_492 = vector.shape_cast %swap3A_491 : vector<1x1x16xf32> to vector<16xf32>
        %swap3A_493 = vector.shape_cast %add3A_486 : vector<16xf32> to vector<1x1x16xf32>
        tpu.vector_store %arg11[%swap3A_488, %swap3A_489, %swap3A_490], %swap3A_493 {strides = array<i32>} : memref<2x80x128xf32, #tpu.memory_space<vmem>>, vector<1x1x16xf32>,
        %get3A_494 = arith.constant 0 : i32
        %get3A_495 = arith.index_cast %get3A_494 : i32 to index
        %get3A_496 = arith.index_cast %add3A_401 : i32 to index
        %get3A_497 = arith.constant 48 : index
        %get3A_498 = tpu.vector_load %arg11[%get3A_495, %get3A_496, %get3A_497] {strides = array<i32>} : memref<2x80x128xf32, #tpu.memory_space<vmem>>, vector<1x1x16xf32>,
        %get3A_499 = vector.shape_cast %get3A_498 : vector<1x1x16xf32> to vector<16xf32>
        %mul3A_500 = arith.mulf %get3A_473, %get3A_499 : vector<16xf32>
        %mul3A_501 = arith.mulf %get3A_477, %gather3A_410 : vector<16xf32>
        %add3A_502 = arith.addf %mul3A_500, %mul3A_501 : vector<16xf32>
        %swap3A_503 = arith.constant 0 : i32
        %swap3A_504 = arith.index_cast %swap3A_503 : i32 to index
        %swap3A_505 = arith.index_cast %add3A_401 : i32 to index
        %swap3A_506 = arith.constant 48 : index
        %swap3A_507 = tpu.vector_load %arg11[%swap3A_504, %swap3A_505, %swap3A_506] {strides = array<i32>} : memref<2x80x128xf32, #tpu.memory_space<vmem>>, vector<1x1x16xf32>,
        %swap3A_508 = vector.shape_cast %swap3A_507 : vector<1x1x16xf32> to vector<16xf32>
        %swap3A_509 = vector.shape_cast %add3A_502 : vector<16xf32> to vector<1x1x16xf32>
        tpu.vector_store %arg11[%swap3A_504, %swap3A_505, %swap3A_506], %swap3A_509 {strides = array<i32>} : memref<2x80x128xf32, #tpu.memory_space<vmem>>, vector<1x1x16xf32>,
        %get3A_510 = arith.constant 0 : i32
        %get3A_511 = arith.index_cast %get3A_510 : i32 to index
        %get3A_512 = arith.index_cast %add3A_401 : i32 to index
        %get3A_513 = arith.constant 80 : index
        %get3A_514 = tpu.vector_load %arg11[%get3A_511, %get3A_512, %get3A_513] {strides = array<i32>} : memref<2x80x128xf32, #tpu.memory_space<vmem>>, vector<1x1x16xf32>,
        %get3A_515 = vector.shape_cast %get3A_514 : vector<1x1x16xf32> to vector<16xf32>
        %mul3A_516 = arith.mulf %get3A_473, %get3A_515 : vector<16xf32>
        %mul3A_517 = arith.mulf %get3A_477, %gather3A_414 : vector<16xf32>
        %add3A_518 = arith.addf %mul3A_516, %mul3A_517 : vector<16xf32>
        %swap3A_519 = arith.constant 0 : i32
        %swap3A_520 = arith.index_cast %swap3A_519 : i32 to index
        %swap3A_521 = arith.index_cast %add3A_401 : i32 to index
        %swap3A_522 = arith.constant 80 : index
        %swap3A_523 = tpu.vector_load %arg11[%swap3A_520, %swap3A_521, %swap3A_522] {strides = array<i32>} : memref<2x80x128xf32, #tpu.memory_space<vmem>>, vector<1x1x16xf32>,
        %swap3A_524 = vector.shape_cast %swap3A_523 : vector<1x1x16xf32> to vector<16xf32>
        %swap3A_525 = vector.shape_cast %add3A_518 : vector<16xf32> to vector<1x1x16xf32>
        tpu.vector_store %arg11[%swap3A_520, %swap3A_521, %swap3A_522], %swap3A_525 {strides = array<i32>} : memref<2x80x128xf32, #tpu.memory_space<vmem>>, vector<1x1x16xf32>,
      }
      %scan3A_298 = arith.constant 80 : i32
      %add3A_299 = arith.constant 1 : i32
      %add3A_300 = arith.addi %add3A_248, %add3A_299 : i32
      %lt3A = arith.constant 250 : i32
      %lt3A_301 = arith.cmpi slt, %add3A_300, %lt3A : i32
      %convert_element_type3A_302 = arith.extui %lt3A_301 : i1 to i32
      %cond3A_303 = arith.constant 0 : i32
      %cond3A_304 = arith.cmpi ne, %convert_element_type3A_302, %cond3A_303 : i32
      scf.if %cond3A_304 {
        %add3A_397 = arith.constant 1 : i32
        %add3A_398 = arith.addi %add3A_248, %add3A_397 : i32
        %mul3A_399 = arith.constant 20000 : i32
        %mul3A_400 = arith.muli %arg1, %mul3A_399 : i32
        %mul3A_401 = arith.constant 80 : i32
        %mul3A_402 = arith.muli %add3A_398, %mul3A_401 : i32
        %add3A_403 = arith.addi %mul3A_400, %mul3A_402 : i32
        %multiple_of3A_404 = tpu.assume_multiple %add3A_403, 80 : i32
        %dma_start3A_405 = arith.constant 0 : i32
        %dma_start3A_406 = tpu.memref_slice %arg3[%add3A_118, %multiple_of3A_404, %dma_start3A_405] : memref<4x320000x80xf32, #tpu.memory_space<hbm>> -> memref<1x80x80xf32, #tpu.memory_space<hbm>>
        %dma_start3A_407 = tpu.memref_squeeze %dma_start3A_406 : memref<1x80x80xf32, #tpu.memory_space<hbm>> -> memref<80x80xf32, #tpu.memory_space<hbm>>
        %dma_start3A_408 = arith.constant 0 : i32
        %dma_start3A_409 = tpu.memref_slice %arg3[%add3A_118, %multiple_of3A_404, %dma_start3A_408] : memref<4x320000x80xf32, #tpu.memory_space<hbm>> -> memref<1x80x80xf32, #tpu.memory_space<hbm>>
        %dma_start3A_410 = tpu.memref_squeeze %dma_start3A_409 : memref<1x80x80xf32, #tpu.memory_space<hbm>> -> memref<80x80xf32, #tpu.memory_space<hbm>>
        tpu.enqueue_dma source(%dma_start3A_410 : memref<80x80xf32, #tpu.memory_space<hbm>>) target(%arg10 : memref<80x80xf32, #tpu.memory_space<vmem>>) target_semaphore(%arg14 : memref<!tpu.dma_semaphore, #tpu.memory_space<semaphore_mem>>)
      } else {
      }
      %run_scoped3A = arith.constant 0 : i32
      %run_scoped3A_305 = arith.constant 0 : i32
      "tpu.region"() ({
        %run_scoped3A_397 = tpu.sem_alloc : memref<!tpu.dma_semaphore, #tpu.memory_space<semaphore_mem>>
        %dma_start3A_398 = arith.constant 0 : i32
        %dma_start3A_399 = arith.constant 0 : i32
        %dma_start3A_400 = tpu.memref_slice %arg11[%run_scoped3A, %dma_start3A_398, %dma_start3A_399] : memref<2x80x128xf32, #tpu.memory_space<vmem>> -> memref<1x80x128xf32, #tpu.memory_space<vmem>>
        %dma_start3A_401 = tpu.memref_squeeze %dma_start3A_400 : memref<1x80x128xf32, #tpu.memory_space<vmem>> -> memref<80x128xf32, #tpu.memory_space<vmem>>
        %dma_start3A_402 = arith.constant 0 : i32
        %dma_start3A_403 = tpu.memref_slice %arg9[%run_scoped3A_305, %dma_start3A_402] : memref<2x80xi32, #tpu.memory_space<vmem>> -> memref<1x80xi32, #tpu.memory_space<vmem>>
        %dma_start3A_404 = tpu.memref_squeeze %dma_start3A_403 : memref<1x80xi32, #tpu.memory_space<vmem>> -> memref<80xi32, #tpu.memory_space<vmem>>
        %dma_start3A_405 = arith.constant 0 : i32
        %dma_start3A_406 = arith.constant 0 : i32
        %dma_start3A_407 = tpu.memref_slice %arg7[%dma_start3A_405, %dma_start3A_406] : memref<10000x128xf32, #tpu.memory_space<vmem_shared>> -> memref<10000x128xf32, #tpu.memory_space<vmem_shared>>
        tpu.enqueue_indirect_dma source(%dma_start3A_401 : memref<80x128xf32, #tpu.memory_space<vmem>>) target(%dma_start3A_407 : memref<10000x128xf32, #tpu.memory_space<vmem_shared>>) offsets(%dma_start3A_404 : memref<80xi32, #tpu.memory_space<vmem>>) semaphore(%run_scoped3A_397 : memref<!tpu.dma_semaphore, #tpu.memory_space<semaphore_mem>>) {add = true}
        %dma_wait3A_408 = arith.constant 0 : i32
        %dma_wait3A_409 = arith.constant 0 : i32
        %dma_wait3A_410 = tpu.memref_slice %arg11[%run_scoped3A, %dma_wait3A_408, %dma_wait3A_409] : memref<2x80x128xf32, #tpu.memory_space<vmem>> -> memref<1x80x128xf32, #tpu.memory_space<vmem>>
        %dma_wait3A_411 = tpu.memref_squeeze %dma_wait3A_410 : memref<1x80x128xf32, #tpu.memory_space<vmem>> -> memref<80x128xf32, #tpu.memory_space<vmem>>
        %dma_wait3A_412 = arith.constant 0 : i32
        %dma_wait3A_413 = tpu.memref_slice %arg9[%run_scoped3A_305, %dma_wait3A_412] : memref<2x80xi32, #tpu.memory_space<vmem>> -> memref<1x80xi32, #tpu.memory_space<vmem>>
        %dma_wait3A_414 = tpu.memref_squeeze %dma_wait3A_413 : memref<1x80xi32, #tpu.memory_space<vmem>> -> memref<80xi32, #tpu.memory_space<vmem>>
        %dma_wait3A_415 = arith.constant 0 : i32
        %dma_wait3A_416 = arith.constant 0 : i32
        %dma_wait3A_417 = tpu.memref_slice %arg7[%dma_wait3A_415, %dma_wait3A_416] : memref<10000x128xf32, #tpu.memory_space<vmem_shared>> -> memref<10000x128xf32, #tpu.memory_space<vmem_shared>>
        tpu.wait_indirect_dma semaphore(%run_scoped3A_397 : memref<!tpu.dma_semaphore, #tpu.memory_space<semaphore_mem>>) src(%dma_wait3A_411 : memref<80x128xf32, #tpu.memory_space<vmem>>) dst(%dma_wait3A_417 : memref<10000x128xf32, #tpu.memory_space<vmem_shared>>)
        tpu.yield
      }) : () -> ()
      %add3A_306 = arith.constant 1 : i32
      %add3A_307 = arith.addi %add3A_248, %add3A_306 : i32
      %lt3A_308 = arith.constant 250 : i32
      %lt3A_309 = arith.cmpi slt, %add3A_307, %lt3A_308 : i32
      %convert_element_type3A_310 = arith.extui %lt3A_309 : i1 to i32
      %cond3A_311 = arith.constant 0 : i32
      %cond3A_312 = arith.cmpi ne, %convert_element_type3A_310, %cond3A_311 : i32
      scf.if %cond3A_312 {
        %add3A_397 = arith.constant 1 : i32
        %add3A_398 = arith.addi %add3A_248, %add3A_397 : i32
        %mul3A_399 = arith.constant 320000 : i32
        %mul3A_400 = arith.muli %add3A_118, %mul3A_399 : i32
        %mul3A_401 = arith.constant 20000 : i32
        %mul3A_402 = arith.muli %arg1, %mul3A_401 : i32
        %add3A_403 = arith.addi %mul3A_400, %mul3A_402 : i32
        %mul3A_404 = arith.constant 80 : i32
        %mul3A_405 = arith.muli %add3A_398, %mul3A_404 : i32
        %add3A_406 = arith.addi %add3A_403, %mul3A_405 : i32
        %multiple_of3A_407 = tpu.assume_multiple %add3A_406, 80 : i32
        %dma_wait3A_408 = arith.constant 1 : i32
        %dma_wait3A_409 = arith.constant 1 : i32
        %dma_wait3A_410 = arith.constant 0 : i32
        %dma_wait3A_411 = tpu.memref_slice %arg8[%dma_wait3A_408, %dma_wait3A_410] : memref<2x80xi32, #tpu.memory_space<vmem>> -> memref<1x80xi32, #tpu.memory_space<vmem>>
        %dma_wait3A_412 = tpu.memref_squeeze %dma_wait3A_411 : memref<1x80xi32, #tpu.memory_space<vmem>> -> memref<80xi32, #tpu.memory_space<vmem>>
        %dma_wait3A_413 = tpu.memref_slice %arg4[%multiple_of3A_407] : memref<1280000xi32, #tpu.memory_space<hbm>> -> memref<80xi32, #tpu.memory_space<hbm>>
        %dma_wait3A_414 = tpu.memref_slice %arg12[%dma_wait3A_409] : memref<2x!tpu.dma_semaphore, #tpu.memory_space<semaphore_mem>> -> memref<1x!tpu.dma_semaphore, #tpu.memory_space<semaphore_mem>>
        %dma_wait3A_415 = tpu.memref_squeeze %dma_wait3A_414 : memref<1x!tpu.dma_semaphore, #tpu.memory_space<semaphore_mem>> -> memref<!tpu.dma_semaphore, #tpu.memory_space<semaphore_mem>>
        %dma_wait3A_416 = arith.constant 0 : i32
        %dma_wait3A_417 = tpu.memref_slice %arg8[%dma_wait3A_408, %dma_wait3A_416] : memref<2x80xi32, #tpu.memory_space<vmem>> -> memref<1x80xi32, #tpu.memory_space<vmem>>
        %dma_wait3A_418 = tpu.memref_squeeze %dma_wait3A_417 : memref<1x80xi32, #tpu.memory_space<vmem>> -> memref<80xi32, #tpu.memory_space<vmem>>
        %dma_wait3A_419 = tpu.memref_slice %arg4[%multiple_of3A_407] : memref<1280000xi32, #tpu.memory_space<hbm>> -> memref<80xi32, #tpu.memory_space<hbm>>
        tpu.wait_dma2 semaphore(%dma_wait3A_415 : memref<!tpu.dma_semaphore, #tpu.memory_space<semaphore_mem>>) src(%dma_wait3A_419 : memref<80xi32, #tpu.memory_space<hbm>>) dst(%dma_wait3A_418 : memref<80xi32, #tpu.memory_space<vmem>>)
        %dma_start3A_420 = arith.constant 1 : i32
        %dma_start3A_421 = arith.constant 1 : i32
        %dma_start3A_422 = arith.constant 1 : i32
        %dma_start3A_423 = arith.constant 0 : i32
        %dma_start3A_424 = arith.constant 0 : i32
        %dma_start3A_425 = tpu.memref_slice %arg11[%dma_start3A_421, %dma_start3A_423, %dma_start3A_424] : memref<2x80x128xf32, #tpu.memory_space<vmem>> -> memref<1x80x128xf32, #tpu.memory_space<vmem>>
        %dma_start3A_426 = tpu.memref_squeeze %dma_start3A_425 : memref<1x80x128xf32, #tpu.memory_space<vmem>> -> memref<80x128xf32, #tpu.memory_space<vmem>>
        %dma_start3A_427 = arith.constant 0 : i32
        %dma_start3A_428 = tpu.memref_slice %arg8[%dma_start3A_420, %dma_start3A_427] : memref<2x80xi32, #tpu.memory_space<vmem>> -> memref<1x80xi32, #tpu.memory_space<vmem>>
        %dma_start3A_429 = tpu.memref_squeeze %dma_start3A_428 : memref<1x80xi32, #tpu.memory_space<vmem>> -> memref<80xi32, #tpu.memory_space<vmem>>
        %dma_start3A_430 = arith.constant 0 : i32
        %dma_start3A_431 = arith.constant 0 : i32
        %dma_start3A_432 = tpu.memref_slice %arg2[%dma_start3A_430, %dma_start3A_431] : memref<40000x128xf32, #tpu.memory_space<hbm>> -> memref<40000x128xf32, #tpu.memory_space<hbm>>
        %dma_start3A_433 = tpu.memref_slice %arg15[%dma_start3A_422] : memref<2x!tpu.dma_semaphore, #tpu.memory_space<semaphore_mem>> -> memref<1x!tpu.dma_semaphore, #tpu.memory_space<semaphore_mem>>
        %dma_start3A_434 = tpu.memref_squeeze %dma_start3A_433 : memref<1x!tpu.dma_semaphore, #tpu.memory_space<semaphore_mem>> -> memref<!tpu.dma_semaphore, #tpu.memory_space<semaphore_mem>>
        tpu.enqueue_indirect_dma source(%dma_start3A_432 : memref<40000x128xf32, #tpu.memory_space<hbm>>) target(%dma_start3A_426 : memref<80x128xf32, #tpu.memory_space<vmem>>) offsets(%dma_start3A_429 : memref<80xi32, #tpu.memory_space<vmem>>) semaphore(%dma_start3A_434 : memref<!tpu.dma_semaphore, #tpu.memory_space<semaphore_mem>>)
        %add3A_435 = arith.constant 1 : i32
        %add3A_436 = arith.addi %add3A_248, %add3A_435 : i32
        %mul3A_437 = arith.constant 20000 : i32
        %mul3A_438 = arith.muli %arg1, %mul3A_437 : i32
        %mul3A_439 = arith.constant 80 : i32
        %mul3A_440 = arith.muli %add3A_436, %mul3A_439 : i32
        %add3A_441 = arith.addi %mul3A_438, %mul3A_440 : i32
        %multiple_of3A_442 = tpu.assume_multiple %add3A_441, 80 : i32
        %dma_start3A_443 = arith.constant 1 : i32
        %dma_start3A_444 = arith.constant 1 : i32
        %dma_start3A_445 = arith.constant 0 : i32
        %dma_start3A_446 = tpu.memref_slice %arg9[%dma_start3A_443, %dma_start3A_445] : memref<2x80xi32, #tpu.memory_space<vmem>> -> memref<1x80xi32, #tpu.memory_space<vmem>>
        %dma_start3A_447 = tpu.memref_squeeze %dma_start3A_446 : memref<1x80xi32, #tpu.memory_space<vmem>> -> memref<80xi32, #tpu.memory_space<vmem>>
        %dma_start3A_448 = tpu.memref_slice %arg5[%multiple_of3A_442] : memref<320000xi32, #tpu.memory_space<hbm>> -> memref<80xi32, #tpu.memory_space<hbm>>
        %dma_start3A_449 = tpu.memref_slice %arg13[%dma_start3A_444] : memref<2x!tpu.dma_semaphore, #tpu.memory_space<semaphore_mem>> -> memref<1x!tpu.dma_semaphore, #tpu.memory_space<semaphore_mem>>
        %dma_start3A_450 = tpu.memref_squeeze %dma_start3A_449 : memref<1x!tpu.dma_semaphore, #tpu.memory_space<semaphore_mem>> -> memref<!tpu.dma_semaphore, #tpu.memory_space<semaphore_mem>>
        %dma_start3A_451 = arith.constant 0 : i32
        %dma_start3A_452 = tpu.memref_slice %arg9[%dma_start3A_443, %dma_start3A_451] : memref<2x80xi32, #tpu.memory_space<vmem>> -> memref<1x80xi32, #tpu.memory_space<vmem>>
        %dma_start3A_453 = tpu.memref_squeeze %dma_start3A_452 : memref<1x80xi32, #tpu.memory_space<vmem>> -> memref<80xi32, #tpu.memory_space<vmem>>
        %dma_start3A_454 = tpu.memref_slice %arg5[%multiple_of3A_442] : memref<320000xi32, #tpu.memory_space<hbm>> -> memref<80xi32, #tpu.memory_space<hbm>>
        tpu.enqueue_dma source(%dma_start3A_454 : memref<80xi32, #tpu.memory_space<hbm>>) target(%dma_start3A_453 : memref<80xi32, #tpu.memory_space<vmem>>) target_semaphore(%dma_start3A_450 : memref<!tpu.dma_semaphore, #tpu.memory_space<semaphore_mem>>)
      } else {
      }
      %add3A_313 = arith.constant 2 : i32
      %add3A_314 = arith.addi %add3A_248, %add3A_313 : i32
      %lt3A_315 = arith.constant 250 : i32
      %lt3A_316 = arith.cmpi slt, %add3A_314, %lt3A_315 : i32
      %convert_element_type3A_317 = arith.extui %lt3A_316 : i1 to i32
      %cond3A_318 = arith.constant 0 : i32
      %cond3A_319 = arith.cmpi ne, %convert_element_type3A_317, %cond3A_318 : i32
      scf.if %cond3A_319 {
        %add3A_397 = arith.constant 2 : i32
        %add3A_398 = arith.addi %add3A_248, %add3A_397 : i32
        %mul3A_399 = arith.constant 320000 : i32
        %mul3A_400 = arith.muli %add3A_118, %mul3A_399 : i32
        %mul3A_401 = arith.constant 20000 : i32
        %mul3A_402 = arith.muli %arg1, %mul3A_401 : i32
        %add3A_403 = arith.addi %mul3A_400, %mul3A_402 : i32
        %mul3A_404 = arith.constant 80 : i32
        %mul3A_405 = arith.muli %add3A_398, %mul3A_404 : i32
        %add3A_406 = arith.addi %add3A_403, %mul3A_405 : i32
        %multiple_of3A_407 = tpu.assume_multiple %add3A_406, 80 : i32
        %dma_start3A_408 = arith.constant 0 : i32
        %dma_start3A_409 = arith.constant 0 : i32
        %dma_start3A_410 = arith.constant 0 : i32
        %dma_start3A_411 = tpu.memref_slice %arg8[%dma_start3A_408, %dma_start3A_410] : memref<2x80xi32, #tpu.memory_space<vmem>> -> memref<1x80xi32, #tpu.memory_space<vmem>>
        %dma_start3A_412 = tpu.memref_squeeze %dma_start3A_411 : memref<1x80xi32, #tpu.memory_space<vmem>> -> memref<80xi32, #tpu.memory_space<vmem>>
        %dma_start3A_413 = tpu.memref_slice %arg4[%multiple_of3A_407] : memref<1280000xi32, #tpu.memory_space<hbm>> -> memref<80xi32, #tpu.memory_space<hbm>>
        %dma_start3A_414 = tpu.memref_slice %arg12[%dma_start3A_409] : memref<2x!tpu.dma_semaphore, #tpu.memory_space<semaphore_mem>> -> memref<1x!tpu.dma_semaphore, #tpu.memory_space<semaphore_mem>>
        %dma_start3A_415 = tpu.memref_squeeze %dma_start3A_414 : memref<1x!tpu.dma_semaphore, #tpu.memory_space<semaphore_mem>> -> memref<!tpu.dma_semaphore, #tpu.memory_space<semaphore_mem>>
        %dma_start3A_416 = arith.constant 0 : i32
        %dma_start3A_417 = tpu.memref_slice %arg8[%dma_start3A_408, %dma_start3A_416] : memref<2x80xi32, #tpu.memory_space<vmem>> -> memref<1x80xi32, #tpu.memory_space<vmem>>
        %dma_start3A_418 = tpu.memref_squeeze %dma_start3A_417 : memref<1x80xi32, #tpu.memory_space<vmem>> -> memref<80xi32, #tpu.memory_space<vmem>>
        %dma_start3A_419 = tpu.memref_slice %arg4[%multiple_of3A_407] : memref<1280000xi32, #tpu.memory_space<hbm>> -> memref<80xi32, #tpu.memory_space<hbm>>
        tpu.enqueue_dma source(%dma_start3A_419 : memref<80xi32, #tpu.memory_space<hbm>>) target(%dma_start3A_418 : memref<80xi32, #tpu.memory_space<vmem>>) target_semaphore(%dma_start3A_415 : memref<!tpu.dma_semaphore, #tpu.memory_space<semaphore_mem>>)
      } else {
      }
      %mul3A_320 = arith.constant 2 : i32
      %mul3A_321 = arith.muli %add3A_244, %mul3A_320 : i32
      %add3A_322 = arith.constant 1 : i32
      %add3A_323 = arith.addi %mul3A_321, %add3A_322 : i32
      %dma_wait3A_324 = arith.constant 1 : i32
      %dma_wait3A_325 = arith.constant 1 : i32
      %dma_wait3A_326 = arith.constant 1 : i32
      %dma_wait3A_327 = arith.constant 0 : i32
      %dma_wait3A_328 = arith.constant 0 : i32
      %dma_wait3A_329 = tpu.memref_slice %arg11[%dma_wait3A_325, %dma_wait3A_327, %dma_wait3A_328] : memref<2x80x128xf32, #tpu.memory_space<vmem>> -> memref<1x80x128xf32, #tpu.memory_space<vmem>>
      %dma_wait3A_330 = tpu.memref_squeeze %dma_wait3A_329 : memref<1x80x128xf32, #tpu.memory_space<vmem>> -> memref<80x128xf32, #tpu.memory_space<vmem>>
      %dma_wait3A_331 = arith.constant 0 : i32
      %dma_wait3A_332 = tpu.memref_slice %arg8[%dma_wait3A_324, %dma_wait3A_331] : memref<2x80xi32, #tpu.memory_space<vmem>> -> memref<1x80xi32, #tpu.memory_space<vmem>>
      %dma_wait3A_333 = tpu.memref_squeeze %dma_wait3A_332 : memref<1x80xi32, #tpu.memory_space<vmem>> -> memref<80xi32, #tpu.memory_space<vmem>>
      %dma_wait3A_334 = arith.constant 0 : i32
      %dma_wait3A_335 = arith.constant 0 : i32
      %dma_wait3A_336 = tpu.memref_slice %arg2[%dma_wait3A_334, %dma_wait3A_335] : memref<40000x128xf32, #tpu.memory_space<hbm>> -> memref<40000x128xf32, #tpu.memory_space<hbm>>
      %dma_wait3A_337 = tpu.memref_slice %arg15[%dma_wait3A_326] : memref<2x!tpu.dma_semaphore, #tpu.memory_space<semaphore_mem>> -> memref<1x!tpu.dma_semaphore, #tpu.memory_space<semaphore_mem>>
      %dma_wait3A_338 = tpu.memref_squeeze %dma_wait3A_337 : memref<1x!tpu.dma_semaphore, #tpu.memory_space<semaphore_mem>> -> memref<!tpu.dma_semaphore, #tpu.memory_space<semaphore_mem>>
      tpu.wait_indirect_dma semaphore(%dma_wait3A_338 : memref<!tpu.dma_semaphore, #tpu.memory_space<semaphore_mem>>) src(%dma_wait3A_336 : memref<40000x128xf32, #tpu.memory_space<hbm>>) dst(%dma_wait3A_330 : memref<80x128xf32, #tpu.memory_space<vmem>>)
      %mul3A_339 = arith.constant 20000 : i32
      %mul3A_340 = arith.muli %arg1, %mul3A_339 : i32
      %mul3A_341 = arith.constant 80 : i32
      %mul3A_342 = arith.muli %add3A_323, %mul3A_341 : i32
      %add3A_343 = arith.addi %mul3A_340, %mul3A_342 : i32
      %multiple_of3A_344 = tpu.assume_multiple %add3A_343, 80 : i32
      %dma_wait3A_345 = arith.constant 1 : i32
      %dma_wait3A_346 = arith.constant 1 : i32
      %dma_wait3A_347 = arith.constant 0 : i32
      %dma_wait3A_348 = tpu.memref_slice %arg9[%dma_wait3A_345, %dma_wait3A_347] : memref<2x80xi32, #tpu.memory_space<vmem>> -> memref<1x80xi32, #tpu.memory_space<vmem>>
      %dma_wait3A_349 = tpu.memref_squeeze %dma_wait3A_348 : memref<1x80xi32, #tpu.memory_space<vmem>> -> memref<80xi32, #tpu.memory_space<vmem>>
      %dma_wait3A_350 = tpu.memref_slice %arg5[%multiple_of3A_344] : memref<320000xi32, #tpu.memory_space<hbm>> -> memref<80xi32, #tpu.memory_space<hbm>>
      %dma_wait3A_351 = tpu.memref_slice %arg13[%dma_wait3A_346] : memref<2x!tpu.dma_semaphore, #tpu.memory_space<semaphore_mem>> -> memref<1x!tpu.dma_semaphore, #tpu.memory_space<semaphore_mem>>
      %dma_wait3A_352 = tpu.memref_squeeze %dma_wait3A_351 : memref<1x!tpu.dma_semaphore, #tpu.memory_space<semaphore_mem>> -> memref<!tpu.dma_semaphore, #tpu.memory_space<semaphore_mem>>
      %dma_wait3A_353 = arith.constant 0 : i32
      %dma_wait3A_354 = tpu.memref_slice %arg9[%dma_wait3A_345, %dma_wait3A_353] : memref<2x80xi32, #tpu.memory_space<vmem>> -> memref<1x80xi32, #tpu.memory_space<vmem>>
      %dma_wait3A_355 = tpu.memref_squeeze %dma_wait3A_354 : memref<1x80xi32, #tpu.memory_space<vmem>> -> memref<80xi32, #tpu.memory_space<vmem>>
      %dma_wait3A_356 = tpu.memref_slice %arg5[%multiple_of3A_344] : memref<320000xi32, #tpu.memory_space<hbm>> -> memref<80xi32, #tpu.memory_space<hbm>>
      tpu.wait_dma2 semaphore(%dma_wait3A_352 : memref<!tpu.dma_semaphore, #tpu.memory_space<semaphore_mem>>) src(%dma_wait3A_356 : memref<80xi32, #tpu.memory_space<hbm>>) dst(%dma_wait3A_355 : memref<80xi32, #tpu.memory_space<vmem>>)
      %mul3A_357 = arith.constant 20000 : i32
      %mul3A_358 = arith.muli %arg1, %mul3A_357 : i32
      %mul3A_359 = arith.constant 80 : i32
      %mul3A_360 = arith.muli %add3A_323, %mul3A_359 : i32
      %add3A_361 = arith.addi %mul3A_358, %mul3A_360 : i32
      %multiple_of3A_362 = tpu.assume_multiple %add3A_361, 80 : i32
      %dma_wait3A_363 = arith.constant 0 : i32
      %dma_wait3A_364 = tpu.memref_slice %arg3[%add3A_118, %multiple_of3A_362, %dma_wait3A_363] : memref<4x320000x80xf32, #tpu.memory_space<hbm>> -> memref<1x80x80xf32, #tpu.memory_space<hbm>>
      %dma_wait3A_365 = tpu.memref_squeeze %dma_wait3A_364 : memref<1x80x80xf32, #tpu.memory_space<hbm>> -> memref<80x80xf32, #tpu.memory_space<hbm>>
      %dma_wait3A_366 = arith.constant 0 : i32
      %dma_wait3A_367 = tpu.memref_slice %arg3[%add3A_118, %multiple_of3A_362, %dma_wait3A_366] : memref<4x320000x80xf32, #tpu.memory_space<hbm>> -> memref<1x80x80xf32, #tpu.memory_space<hbm>>
      %dma_wait3A_368 = tpu.memref_squeeze %dma_wait3A_367 : memref<1x80x80xf32, #tpu.memory_space<hbm>> -> memref<80x80xf32, #tpu.memory_space<hbm>>
      tpu.wait_dma2 semaphore(%arg14 : memref<!tpu.dma_semaphore, #tpu.memory_space<semaphore_mem>>) src(%dma_wait3A_368 : memref<80x80xf32, #tpu.memory_space<hbm>>) dst(%arg10 : memref<80x80xf32, #tpu.memory_space<vmem>>)
      %scan3A_369 = arith.constant 0 : i32
      %scan3A_370 = arith.constant 80 : i32
      %scan3A_371 = arith.addi %scan3A_369, %scan3A_370 : i32
      %scan3A_372 = arith.constant 1 : i32
      scf.for %scan3A_397 = %scan3A_369 to %scan3A_371 step %scan3A_372  : i32 {
        %mul3A_398 = arith.constant 1 : i32
        %mul3A_399 = arith.muli %scan3A_397, %mul3A_398 : i32
        %add3A_400 = arith.constant 0 : i32
        %add3A_401 = arith.addi %add3A_400, %mul3A_399 : i32
        %get3A = arith.index_cast %add3A_401 : i32 to index
        %get3A_402 = arith.constant 64 : index
        %get3A_403 = tpu.vector_load %arg10[%get3A, %get3A_402] {strides = array<i32>} : memref<80x80xf32, #tpu.memory_space<vmem>>, vector<1x16xf32>,
        %get3A_404 = vector.shape_cast %get3A_403 : vector<1x16xf32> to vector<16xf32>
        %broadcast_in_dim3A = arith.constant 0 : i32
        %broadcast_in_dim3A_405 = vector.broadcast %broadcast_in_dim3A : i32 to vector<16x1xi32>
        %gather3A = vector.shape_cast %broadcast_in_dim3A_405 : vector<16x1xi32> to vector<16xi32>
        %gather3A_406 = tpu.dynamic_gather %get3A_404[%gather3A] in [0] : vector<16xf32>, vector<16xi32> -> vector<16xf32>
        %broadcast_in_dim3A_407 = arith.constant 1 : i32
        %broadcast_in_dim3A_408 = vector.broadcast %broadcast_in_dim3A_407 : i32 to vector<16x1xi32>
        %gather3A_409 = vector.shape_cast %broadcast_in_dim3A_408 : vector<16x1xi32> to vector<16xi32>
        %gather3A_410 = tpu.dynamic_gather %get3A_404[%gather3A_409] in [0] : vector<16xf32>, vector<16xi32> -> vector<16xf32>
        %broadcast_in_dim3A_411 = arith.constant 2 : i32
        %broadcast_in_dim3A_412 = vector.broadcast %broadcast_in_dim3A_411 : i32 to vector<16x1xi32>
        %gather3A_413 = vector.shape_cast %broadcast_in_dim3A_412 : vector<16x1xi32> to vector<16xi32>
        %gather3A_414 = tpu.dynamic_gather %get3A_404[%gather3A_413] in [0] : vector<16xf32>, vector<16xi32> -> vector<16xf32>
        %get3A_415 = arith.index_cast %add3A_401 : i32 to index
        %get3A_416 = arith.constant 0 : index
        %get3A_417 = tpu.vector_load %arg10[%get3A_415, %get3A_416] {strides = array<i32>} : memref<80x80xf32, #tpu.memory_space<vmem>>, vector<1x16xf32>,
        %get3A_418 = vector.shape_cast %get3A_417 : vector<1x16xf32> to vector<16xf32>
        %get3A_419 = arith.index_cast %add3A_401 : i32 to index
        %get3A_420 = arith.constant 32 : index
        %get3A_421 = tpu.vector_load %arg10[%get3A_419, %get3A_420] {strides = array<i32>} : memref<80x80xf32, #tpu.memory_space<vmem>>, vector<1x16xf32>,
        %get3A_422 = vector.shape_cast %get3A_421 : vector<1x16xf32> to vector<16xf32>
        %get3A_423 = arith.constant 1 : i32
        %get3A_424 = arith.index_cast %get3A_423 : i32 to index
        %get3A_425 = arith.index_cast %add3A_401 : i32 to index
        %get3A_426 = arith.constant 0 : index
        %get3A_427 = tpu.vector_load %arg11[%get3A_424, %get3A_425, %get3A_426] {strides = array<i32>} : memref<2x80x128xf32, #tpu.memory_space<vmem>>, vector<1x1x16xf32>,
        %get3A_428 = vector.shape_cast %get3A_427 : vector<1x1x16xf32> to vector<16xf32>
        %mul3A_429 = arith.mulf %get3A_418, %get3A_428 : vector<16xf32>
        %mul3A_430 = arith.mulf %get3A_422, %gather3A_406 : vector<16xf32>
        %add3A_431 = arith.addf %mul3A_429, %mul3A_430 : vector<16xf32>
        %swap3A = arith.constant 1 : i32
        %swap3A_432 = arith.index_cast %swap3A : i32 to index
        %swap3A_433 = arith.index_cast %add3A_401 : i32 to index
        %swap3A_434 = arith.constant 0 : index
        %swap3A_435 = tpu.vector_load %arg11[%swap3A_432, %swap3A_433, %swap3A_434] {strides = array<i32>} : memref<2x80x128xf32, #tpu.memory_space<vmem>>, vector<1x1x16xf32>,
        %swap3A_436 = vector.shape_cast %swap3A_435 : vector<1x1x16xf32> to vector<16xf32>
        %swap3A_437 = vector.shape_cast %add3A_431 : vector<16xf32> to vector<1x1x16xf32>
        tpu.vector_store %arg11[%swap3A_432, %swap3A_433, %swap3A_434], %swap3A_437 {strides = array<i32>} : memref<2x80x128xf32, #tpu.memory_space<vmem>>, vector<1x1x16xf32>,
        %get3A_438 = arith.constant 1 : i32
        %get3A_439 = arith.index_cast %get3A_438 : i32 to index
        %get3A_440 = arith.index_cast %add3A_401 : i32 to index
        %get3A_441 = arith.constant 32 : index
        %get3A_442 = tpu.vector_load %arg11[%get3A_439, %get3A_440, %get3A_441] {strides = array<i32>} : memref<2x80x128xf32, #tpu.memory_space<vmem>>, vector<1x1x16xf32>,
        %get3A_443 = vector.shape_cast %get3A_442 : vector<1x1x16xf32> to vector<16xf32>
        %mul3A_444 = arith.mulf %get3A_418, %get3A_443 : vector<16xf32>
        %mul3A_445 = arith.mulf %get3A_422, %gather3A_410 : vector<16xf32>
        %add3A_446 = arith.addf %mul3A_444, %mul3A_445 : vector<16xf32>
        %swap3A_447 = arith.constant 1 : i32
        %swap3A_448 = arith.index_cast %swap3A_447 : i32 to index
        %swap3A_449 = arith.index_cast %add3A_401 : i32 to index
        %swap3A_450 = arith.constant 32 : index
        %swap3A_451 = tpu.vector_load %arg11[%swap3A_448, %swap3A_449, %swap3A_450] {strides = array<i32>} : memref<2x80x128xf32, #tpu.memory_space<vmem>>, vector<1x1x16xf32>,
        %swap3A_452 = vector.shape_cast %swap3A_451 : vector<1x1x16xf32> to vector<16xf32>
        %swap3A_453 = vector.shape_cast %add3A_446 : vector<16xf32> to vector<1x1x16xf32>
        tpu.vector_store %arg11[%swap3A_448, %swap3A_449, %swap3A_450], %swap3A_453 {strides = array<i32>} : memref<2x80x128xf32, #tpu.memory_space<vmem>>, vector<1x1x16xf32>,
        %get3A_454 = arith.constant 1 : i32
        %get3A_455 = arith.index_cast %get3A_454 : i32 to index
        %get3A_456 = arith.index_cast %add3A_401 : i32 to index
        %get3A_457 = arith.constant 64 : index
        %get3A_458 = tpu.vector_load %arg11[%get3A_455, %get3A_456, %get3A_457] {strides = array<i32>} : memref<2x80x128xf32, #tpu.memory_space<vmem>>, vector<1x1x16xf32>,
        %get3A_459 = vector.shape_cast %get3A_458 : vector<1x1x16xf32> to vector<16xf32>
        %mul3A_460 = arith.mulf %get3A_418, %get3A_459 : vector<16xf32>
        %mul3A_461 = arith.mulf %get3A_422, %gather3A_414 : vector<16xf32>
        %add3A_462 = arith.addf %mul3A_460, %mul3A_461 : vector<16xf32>
        %swap3A_463 = arith.constant 1 : i32
        %swap3A_464 = arith.index_cast %swap3A_463 : i32 to index
        %swap3A_465 = arith.index_cast %add3A_401 : i32 to index
        %swap3A_466 = arith.constant 64 : index
        %swap3A_467 = tpu.vector_load %arg11[%swap3A_464, %swap3A_465, %swap3A_466] {strides = array<i32>} : memref<2x80x128xf32, #tpu.memory_space<vmem>>, vector<1x1x16xf32>,
        %swap3A_468 = vector.shape_cast %swap3A_467 : vector<1x1x16xf32> to vector<16xf32>
        %swap3A_469 = vector.shape_cast %add3A_462 : vector<16xf32> to vector<1x1x16xf32>
        tpu.vector_store %arg11[%swap3A_464, %swap3A_465, %swap3A_466], %swap3A_469 {strides = array<i32>} : memref<2x80x128xf32, #tpu.memory_space<vmem>>, vector<1x1x16xf32>,
        %get3A_470 = arith.index_cast %add3A_401 : i32 to index
        %get3A_471 = arith.constant 16 : index
        %get3A_472 = tpu.vector_load %arg10[%get3A_470, %get3A_471] {strides = array<i32>} : memref<80x80xf32, #tpu.memory_space<vmem>>, vector<1x16xf32>,
        %get3A_473 = vector.shape_cast %get3A_472 : vector<1x16xf32> to vector<16xf32>
        %get3A_474 = arith.index_cast %add3A_401 : i32 to index
        %get3A_475 = arith.constant 48 : index
        %get3A_476 = tpu.vector_load %arg10[%get3A_474, %get3A_475] {strides = array<i32>} : memref<80x80xf32, #tpu.memory_space<vmem>>, vector<1x16xf32>,
        %get3A_477 = vector.shape_cast %get3A_476 : vector<1x16xf32> to vector<16xf32>
        %get3A_478 = arith.constant 1 : i32
        %get3A_479 = arith.index_cast %get3A_478 : i32 to index
        %get3A_480 = arith.index_cast %add3A_401 : i32 to index
        %get3A_481 = arith.constant 16 : index
        %get3A_482 = tpu.vector_load %arg11[%get3A_479, %get3A_480, %get3A_481] {strides = array<i32>} : memref<2x80x128xf32, #tpu.memory_space<vmem>>, vector<1x1x16xf32>,
        %get3A_483 = vector.shape_cast %get3A_482 : vector<1x1x16xf32> to vector<16xf32>
        %mul3A_484 = arith.mulf %get3A_473, %get3A_483 : vector<16xf32>
        %mul3A_485 = arith.mulf %get3A_477, %gather3A_406 : vector<16xf32>
        %add3A_486 = arith.addf %mul3A_484, %mul3A_485 : vector<16xf32>
        %swap3A_487 = arith.constant 1 : i32
        %swap3A_488 = arith.index_cast %swap3A_487 : i32 to index
        %swap3A_489 = arith.index_cast %add3A_401 : i32 to index
        %swap3A_490 = arith.constant 16 : index
        %swap3A_491 = tpu.vector_load %arg11[%swap3A_488, %swap3A_489, %swap3A_490] {strides = array<i32>} : memref<2x80x128xf32, #tpu.memory_space<vmem>>, vector<1x1x16xf32>,
        %swap3A_492 = vector.shape_cast %swap3A_491 : vector<1x1x16xf32> to vector<16xf32>
        %swap3A_493 = vector.shape_cast %add3A_486 : vector<16xf32> to vector<1x1x16xf32>
        tpu.vector_store %arg11[%swap3A_488, %swap3A_489, %swap3A_490], %swap3A_493 {strides = array<i32>} : memref<2x80x128xf32, #tpu.memory_space<vmem>>, vector<1x1x16xf32>,
        %get3A_494 = arith.constant 1 : i32
        %get3A_495 = arith.index_cast %get3A_494 : i32 to index
        %get3A_496 = arith.index_cast %add3A_401 : i32 to index
        %get3A_497 = arith.constant 48 : index
        %get3A_498 = tpu.vector_load %arg11[%get3A_495, %get3A_496, %get3A_497] {strides = array<i32>} : memref<2x80x128xf32, #tpu.memory_space<vmem>>, vector<1x1x16xf32>,
        %get3A_499 = vector.shape_cast %get3A_498 : vector<1x1x16xf32> to vector<16xf32>
        %mul3A_500 = arith.mulf %get3A_473, %get3A_499 : vector<16xf32>
        %mul3A_501 = arith.mulf %get3A_477, %gather3A_410 : vector<16xf32>
        %add3A_502 = arith.addf %mul3A_500, %mul3A_501 : vector<16xf32>
        %swap3A_503 = arith.constant 1 : i32
        %swap3A_504 = arith.index_cast %swap3A_503 : i32 to index
        %swap3A_505 = arith.index_cast %add3A_401 : i32 to index
        %swap3A_506 = arith.constant 48 : index
        %swap3A_507 = tpu.vector_load %arg11[%swap3A_504, %swap3A_505, %swap3A_506] {strides = array<i32>} : memref<2x80x128xf32, #tpu.memory_space<vmem>>, vector<1x1x16xf32>,
        %swap3A_508 = vector.shape_cast %swap3A_507 : vector<1x1x16xf32> to vector<16xf32>
        %swap3A_509 = vector.shape_cast %add3A_502 : vector<16xf32> to vector<1x1x16xf32>
        tpu.vector_store %arg11[%swap3A_504, %swap3A_505, %swap3A_506], %swap3A_509 {strides = array<i32>} : memref<2x80x128xf32, #tpu.memory_space<vmem>>, vector<1x1x16xf32>,
        %get3A_510 = arith.constant 1 : i32
        %get3A_511 = arith.index_cast %get3A_510 : i32 to index
        %get3A_512 = arith.index_cast %add3A_401 : i32 to index
        %get3A_513 = arith.constant 80 : index
        %get3A_514 = tpu.vector_load %arg11[%get3A_511, %get3A_512, %get3A_513] {strides = array<i32>} : memref<2x80x128xf32, #tpu.memory_space<vmem>>, vector<1x1x16xf32>,
        %get3A_515 = vector.shape_cast %get3A_514 : vector<1x1x16xf32> to vector<16xf32>
        %mul3A_516 = arith.mulf %get3A_473, %get3A_515 : vector<16xf32>
        %mul3A_517 = arith.mulf %get3A_477, %gather3A_414 : vector<16xf32>
        %add3A_518 = arith.addf %mul3A_516, %mul3A_517 : vector<16xf32>
        %swap3A_519 = arith.constant 1 : i32
        %swap3A_520 = arith.index_cast %swap3A_519 : i32 to index
        %swap3A_521 = arith.index_cast %add3A_401 : i32 to index
        %swap3A_522 = arith.constant 80 : index
        %swap3A_523 = tpu.vector_load %arg11[%swap3A_520, %swap3A_521, %swap3A_522] {strides = array<i32>} : memref<2x80x128xf32, #tpu.memory_space<vmem>>, vector<1x1x16xf32>,
        %swap3A_524 = vector.shape_cast %swap3A_523 : vector<1x1x16xf32> to vector<16xf32>
        %swap3A_525 = vector.shape_cast %add3A_518 : vector<16xf32> to vector<1x1x16xf32>
        tpu.vector_store %arg11[%swap3A_520, %swap3A_521, %swap3A_522], %swap3A_525 {strides = array<i32>} : memref<2x80x128xf32, #tpu.memory_space<vmem>>, vector<1x1x16xf32>,
      }
      %scan3A_373 = arith.constant 80 : i32
      %add3A_374 = arith.constant 1 : i32
      %add3A_375 = arith.addi %add3A_323, %add3A_374 : i32
      %lt3A_376 = arith.constant 250 : i32
      %lt3A_377 = arith.cmpi slt, %add3A_375, %lt3A_376 : i32
      %convert_element_type3A_378 = arith.extui %lt3A_377 : i1 to i32
      %cond3A_379 = arith.constant 0 : i32
      %cond3A_380 = arith.cmpi ne, %convert_element_type3A_378, %cond3A_379 : i32
      scf.if %cond3A_380 {
        %add3A_397 = arith.constant 1 : i32
        %add3A_398 = arith.addi %add3A_323, %add3A_397 : i32
        %mul3A_399 = arith.constant 20000 : i32
        %mul3A_400 = arith.muli %arg1, %mul3A_399 : i32
        %mul3A_401 = arith.constant 80 : i32
        %mul3A_402 = arith.muli %add3A_398, %mul3A_401 : i32
        %add3A_403 = arith.addi %mul3A_400, %mul3A_402 : i32
        %multiple_of3A_404 = tpu.assume_multiple %add3A_403, 80 : i32
        %dma_start3A_405 = arith.constant 0 : i32
        %dma_start3A_406 = tpu.memref_slice %arg3[%add3A_118, %multiple_of3A_404, %dma_start3A_405] : memref<4x320000x80xf32, #tpu.memory_space<hbm>> -> memref<1x80x80xf32, #tpu.memory_space<hbm>>
        %dma_start3A_407 = tpu.memref_squeeze %dma_start3A_406 : memref<1x80x80xf32, #tpu.memory_space<hbm>> -> memref<80x80xf32, #tpu.memory_space<hbm>>
        %dma_start3A_408 = arith.constant 0 : i32
        %dma_start3A_409 = tpu.memref_slice %arg3[%add3A_118, %multiple_of3A_404, %dma_start3A_408] : memref<4x320000x80xf32, #tpu.memory_space<hbm>> -> memref<1x80x80xf32, #tpu.memory_space<hbm>>
        %dma_start3A_410 = tpu.memref_squeeze %dma_start3A_409 : memref<1x80x80xf32, #tpu.memory_space<hbm>> -> memref<80x80xf32, #tpu.memory_space<hbm>>
        tpu.enqueue_dma source(%dma_start3A_410 : memref<80x80xf32, #tpu.memory_space<hbm>>) target(%arg10 : memref<80x80xf32, #tpu.memory_space<vmem>>) target_semaphore(%arg14 : memref<!tpu.dma_semaphore, #tpu.memory_space<semaphore_mem>>)
      } else {
      }
      %run_scoped3A_381 = arith.constant 1 : i32
      %run_scoped3A_382 = arith.constant 1 : i32
      "tpu.region"() ({
        %run_scoped3A_397 = tpu.sem_alloc : memref<!tpu.dma_semaphore, #tpu.memory_space<semaphore_mem>>
        %dma_start3A_398 = arith.constant 0 : i32
        %dma_start3A_399 = arith.constant 0 : i32
        %dma_start3A_400 = tpu.memref_slice %arg11[%run_scoped3A_381, %dma_start3A_398, %dma_start3A_399] : memref<2x80x128xf32, #tpu.memory_space<vmem>> -> memref<1x80x128xf32, #tpu.memory_space<vmem>>
        %dma_start3A_401 = tpu.memref_squeeze %dma_start3A_400 : memref<1x80x128xf32, #tpu.memory_space<vmem>> -> memref<80x128xf32, #tpu.memory_space<vmem>>
        %dma_start3A_402 = arith.constant 0 : i32
        %dma_start3A_403 = tpu.memref_slice %arg9[%run_scoped3A_382, %dma_start3A_402] : memref<2x80xi32, #tpu.memory_space<vmem>> -> memref<1x80xi32, #tpu.memory_space<vmem>>
        %dma_start3A_404 = tpu.memref_squeeze %dma_start3A_403 : memref<1x80xi32, #tpu.memory_space<vmem>> -> memref<80xi32, #tpu.memory_space<vmem>>
        %dma_start3A_405 = arith.constant 0 : i32
        %dma_start3A_406 = arith.constant 0 : i32
        %dma_start3A_407 = tpu.memref_slice %arg7[%dma_start3A_405, %dma_start3A_406] : memref<10000x128xf32, #tpu.memory_space<vmem_shared>> -> memref<10000x128xf32, #tpu.memory_space<vmem_shared>>
        tpu.enqueue_indirect_dma source(%dma_start3A_401 : memref<80x128xf32, #tpu.memory_space<vmem>>) target(%dma_start3A_407 : memref<10000x128xf32, #tpu.memory_space<vmem_shared>>) offsets(%dma_start3A_404 : memref<80xi32, #tpu.memory_space<vmem>>) semaphore(%run_scoped3A_397 : memref<!tpu.dma_semaphore, #tpu.memory_space<semaphore_mem>>) {add = true}
        %dma_wait3A_408 = arith.constant 0 : i32
        %dma_wait3A_409 = arith.constant 0 : i32
        %dma_wait3A_410 = tpu.memref_slice %arg11[%run_scoped3A_381, %dma_wait3A_408, %dma_wait3A_409] : memref<2x80x128xf32, #tpu.memory_space<vmem>> -> memref<1x80x128xf32, #tpu.memory_space<vmem>>
        %dma_wait3A_411 = tpu.memref_squeeze %dma_wait3A_410 : memref<1x80x128xf32, #tpu.memory_space<vmem>> -> memref<80x128xf32, #tpu.memory_space<vmem>>
        %dma_wait3A_412 = arith.constant 0 : i32
        %dma_wait3A_413 = tpu.memref_slice %arg9[%run_scoped3A_382, %dma_wait3A_412] : memref<2x80xi32, #tpu.memory_space<vmem>> -> memref<1x80xi32, #tpu.memory_space<vmem>>
        %dma_wait3A_414 = tpu.memref_squeeze %dma_wait3A_413 : memref<1x80xi32, #tpu.memory_space<vmem>> -> memref<80xi32, #tpu.memory_space<vmem>>
        %dma_wait3A_415 = arith.constant 0 : i32
        %dma_wait3A_416 = arith.constant 0 : i32
        %dma_wait3A_417 = tpu.memref_slice %arg7[%dma_wait3A_415, %dma_wait3A_416] : memref<10000x128xf32, #tpu.memory_space<vmem_shared>> -> memref<10000x128xf32, #tpu.memory_space<vmem_shared>>
        tpu.wait_indirect_dma semaphore(%run_scoped3A_397 : memref<!tpu.dma_semaphore, #tpu.memory_space<semaphore_mem>>) src(%dma_wait3A_411 : memref<80x128xf32, #tpu.memory_space<vmem>>) dst(%dma_wait3A_417 : memref<10000x128xf32, #tpu.memory_space<vmem_shared>>)
        tpu.yield
      }) : () -> ()
      %add3A_383 = arith.constant 1 : i32
      %add3A_384 = arith.addi %add3A_323, %add3A_383 : i32
      %lt3A_385 = arith.constant 250 : i32
      %lt3A_386 = arith.cmpi slt, %add3A_384, %lt3A_385 : i32
      %convert_element_type3A_387 = arith.extui %lt3A_386 : i1 to i32
      %cond3A_388 = arith.constant 0 : i32
      %cond3A_389 = arith.cmpi ne, %convert_element_type3A_387, %cond3A_388 : i32
      scf.if %cond3A_389 {
        %add3A_397 = arith.constant 1 : i32
        %add3A_398 = arith.addi %add3A_323, %add3A_397 : i32
        %mul3A_399 = arith.constant 320000 : i32
        %mul3A_400 = arith.muli %add3A_118, %mul3A_399 : i32
        %mul3A_401 = arith.constant 20000 : i32
        %mul3A_402 = arith.muli %arg1, %mul3A_401 : i32
        %add3A_403 = arith.addi %mul3A_400, %mul3A_402 : i32
        %mul3A_404 = arith.constant 80 : i32
        %mul3A_405 = arith.muli %add3A_398, %mul3A_404 : i32
        %add3A_406 = arith.addi %add3A_403, %mul3A_405 : i32
        %multiple_of3A_407 = tpu.assume_multiple %add3A_406, 80 : i32
        %dma_wait3A_408 = arith.constant 0 : i32
        %dma_wait3A_409 = arith.constant 0 : i32
        %dma_wait3A_410 = arith.constant 0 : i32
        %dma_wait3A_411 = tpu.memref_slice %arg8[%dma_wait3A_408, %dma_wait3A_410] : memref<2x80xi32, #tpu.memory_space<vmem>> -> memref<1x80xi32, #tpu.memory_space<vmem>>
        %dma_wait3A_412 = tpu.memref_squeeze %dma_wait3A_411 : memref<1x80xi32, #tpu.memory_space<vmem>> -> memref<80xi32, #tpu.memory_space<vmem>>
        %dma_wait3A_413 = tpu.memref_slice %arg4[%multiple_of3A_407] : memref<1280000xi32, #tpu.memory_space<hbm>> -> memref<80xi32, #tpu.memory_space<hbm>>
        %dma_wait3A_414 = tpu.memref_slice %arg12[%dma_wait3A_409] : memref<2x!tpu.dma_semaphore, #tpu.memory_space<semaphore_mem>> -> memref<1x!tpu.dma_semaphore, #tpu.memory_space<semaphore_mem>>
        %dma_wait3A_415 = tpu.memref_squeeze %dma_wait3A_414 : memref<1x!tpu.dma_semaphore, #tpu.memory_space<semaphore_mem>> -> memref<!tpu.dma_semaphore, #tpu.memory_space<semaphore_mem>>
        %dma_wait3A_416 = arith.constant 0 : i32
        %dma_wait3A_417 = tpu.memref_slice %arg8[%dma_wait3A_408, %dma_wait3A_416] : memref<2x80xi32, #tpu.memory_space<vmem>> -> memref<1x80xi32, #tpu.memory_space<vmem>>
        %dma_wait3A_418 = tpu.memref_squeeze %dma_wait3A_417 : memref<1x80xi32, #tpu.memory_space<vmem>> -> memref<80xi32, #tpu.memory_space<vmem>>
        %dma_wait3A_419 = tpu.memref_slice %arg4[%multiple_of3A_407] : memref<1280000xi32, #tpu.memory_space<hbm>> -> memref<80xi32, #tpu.memory_space<hbm>>
        tpu.wait_dma2 semaphore(%dma_wait3A_415 : memref<!tpu.dma_semaphore, #tpu.memory_space<semaphore_mem>>) src(%dma_wait3A_419 : memref<80xi32, #tpu.memory_space<hbm>>) dst(%dma_wait3A_418 : memref<80xi32, #tpu.memory_space<vmem>>)
        %dma_start3A_420 = arith.constant 0 : i32
        %dma_start3A_421 = arith.constant 0 : i32
        %dma_start3A_422 = arith.constant 0 : i32
        %dma_start3A_423 = arith.constant 0 : i32
        %dma_start3A_424 = arith.constant 0 : i32
        %dma_start3A_425 = tpu.memref_slice %arg11[%dma_start3A_421, %dma_start3A_423, %dma_start3A_424] : memref<2x80x128xf32, #tpu.memory_space<vmem>> -> memref<1x80x128xf32, #tpu.memory_space<vmem>>
        %dma_start3A_426 = tpu.memref_squeeze %dma_start3A_425 : memref<1x80x128xf32, #tpu.memory_space<vmem>> -> memref<80x128xf32, #tpu.memory_space<vmem>>
        %dma_start3A_427 = arith.constant 0 : i32
        %dma_start3A_428 = tpu.memref_slice %arg8[%dma_start3A_420, %dma_start3A_427] : memref<2x80xi32, #tpu.memory_space<vmem>> -> memref<1x80xi32, #tpu.memory_space<vmem>>
        %dma_start3A_429 = tpu.memref_squeeze %dma_start3A_428 : memref<1x80xi32, #tpu.memory_space<vmem>> -> memref<80xi32, #tpu.memory_space<vmem>>
        %dma_start3A_430 = arith.constant 0 : i32
        %dma_start3A_431 = arith.constant 0 : i32
        %dma_start3A_432 = tpu.memref_slice %arg2[%dma_start3A_430, %dma_start3A_431] : memref<40000x128xf32, #tpu.memory_space<hbm>> -> memref<40000x128xf32, #tpu.memory_space<hbm>>
        %dma_start3A_433 = tpu.memref_slice %arg15[%dma_start3A_422] : memref<2x!tpu.dma_semaphore, #tpu.memory_space<semaphore_mem>> -> memref<1x!tpu.dma_semaphore, #tpu.memory_space<semaphore_mem>>
        %dma_start3A_434 = tpu.memref_squeeze %dma_start3A_433 : memref<1x!tpu.dma_semaphore, #tpu.memory_space<semaphore_mem>> -> memref<!tpu.dma_semaphore, #tpu.memory_space<semaphore_mem>>
        tpu.enqueue_indirect_dma source(%dma_start3A_432 : memref<40000x128xf32, #tpu.memory_space<hbm>>) target(%dma_start3A_426 : memref<80x128xf32, #tpu.memory_space<vmem>>) offsets(%dma_start3A_429 : memref<80xi32, #tpu.memory_space<vmem>>) semaphore(%dma_start3A_434 : memref<!tpu.dma_semaphore, #tpu.memory_space<semaphore_mem>>)
        %add3A_435 = arith.constant 1 : i32
        %add3A_436 = arith.addi %add3A_323, %add3A_435 : i32
        %mul3A_437 = arith.constant 20000 : i32
        %mul3A_438 = arith.muli %arg1, %mul3A_437 : i32
        %mul3A_439 = arith.constant 80 : i32
        %mul3A_440 = arith.muli %add3A_436, %mul3A_439 : i32
        %add3A_441 = arith.addi %mul3A_438, %mul3A_440 : i32
        %multiple_of3A_442 = tpu.assume_multiple %add3A_441, 80 : i32
        %dma_start3A_443 = arith.constant 0 : i32
        %dma_start3A_444 = arith.constant 0 : i32
        %dma_start3A_445 = arith.constant 0 : i32
        %dma_start3A_446 = tpu.memref_slice %arg9[%dma_start3A_443, %dma_start3A_445] : memref<2x80xi32, #tpu.memory_space<vmem>> -> memref<1x80xi32, #tpu.memory_space<vmem>>
        %dma_start3A_447 = tpu.memref_squeeze %dma_start3A_446 : memref<1x80xi32, #tpu.memory_space<vmem>> -> memref<80xi32, #tpu.memory_space<vmem>>
        %dma_start3A_448 = tpu.memref_slice %arg5[%multiple_of3A_442] : memref<320000xi32, #tpu.memory_space<hbm>> -> memref<80xi32, #tpu.memory_space<hbm>>
        %dma_start3A_449 = tpu.memref_slice %arg13[%dma_start3A_444] : memref<2x!tpu.dma_semaphore, #tpu.memory_space<semaphore_mem>> -> memref<1x!tpu.dma_semaphore, #tpu.memory_space<semaphore_mem>>
        %dma_start3A_450 = tpu.memref_squeeze %dma_start3A_449 : memref<1x!tpu.dma_semaphore, #tpu.memory_space<semaphore_mem>> -> memref<!tpu.dma_semaphore, #tpu.memory_space<semaphore_mem>>
        %dma_start3A_451 = arith.constant 0 : i32
        %dma_start3A_452 = tpu.memref_slice %arg9[%dma_start3A_443, %dma_start3A_451] : memref<2x80xi32, #tpu.memory_space<vmem>> -> memref<1x80xi32, #tpu.memory_space<vmem>>
        %dma_start3A_453 = tpu.memref_squeeze %dma_start3A_452 : memref<1x80xi32, #tpu.memory_space<vmem>> -> memref<80xi32, #tpu.memory_space<vmem>>
        %dma_start3A_454 = tpu.memref_slice %arg5[%multiple_of3A_442] : memref<320000xi32, #tpu.memory_space<hbm>> -> memref<80xi32, #tpu.memory_space<hbm>>
        tpu.enqueue_dma source(%dma_start3A_454 : memref<80xi32, #tpu.memory_space<hbm>>) target(%dma_start3A_453 : memref<80xi32, #tpu.memory_space<vmem>>) target_semaphore(%dma_start3A_450 : memref<!tpu.dma_semaphore, #tpu.memory_space<semaphore_mem>>)
      } else {
      }
      %add3A_390 = arith.constant 2 : i32
      %add3A_391 = arith.addi %add3A_323, %add3A_390 : i32
      %lt3A_392 = arith.constant 250 : i32
      %lt3A_393 = arith.cmpi slt, %add3A_391, %lt3A_392 : i32
      %convert_element_type3A_394 = arith.extui %lt3A_393 : i1 to i32
      %cond3A_395 = arith.constant 0 : i32
      %cond3A_396 = arith.cmpi ne, %convert_element_type3A_394, %cond3A_395 : i32
      scf.if %cond3A_396 {
        %add3A_397 = arith.constant 2 : i32
        %add3A_398 = arith.addi %add3A_323, %add3A_397 : i32
        %mul3A_399 = arith.constant 320000 : i32
        %mul3A_400 = arith.muli %add3A_118, %mul3A_399 : i32
        %mul3A_401 = arith.constant 20000 : i32
        %mul3A_402 = arith.muli %arg1, %mul3A_401 : i32
        %add3A_403 = arith.addi %mul3A_400, %mul3A_402 : i32
        %mul3A_404 = arith.constant 80 : i32
        %mul3A_405 = arith.muli %add3A_398, %mul3A_404 : i32
        %add3A_406 = arith.addi %add3A_403, %mul3A_405 : i32
        %multiple_of3A_407 = tpu.assume_multiple %add3A_406, 80 : i32
        %dma_start3A_408 = arith.constant 1 : i32
        %dma_start3A_409 = arith.constant 1 : i32
        %dma_start3A_410 = arith.constant 0 : i32
        %dma_start3A_411 = tpu.memref_slice %arg8[%dma_start3A_408, %dma_start3A_410] : memref<2x80xi32, #tpu.memory_space<vmem>> -> memref<1x80xi32, #tpu.memory_space<vmem>>
        %dma_start3A_412 = tpu.memref_squeeze %dma_start3A_411 : memref<1x80xi32, #tpu.memory_space<vmem>> -> memref<80xi32, #tpu.memory_space<vmem>>
        %dma_start3A_413 = tpu.memref_slice %arg4[%multiple_of3A_407] : memref<1280000xi32, #tpu.memory_space<hbm>> -> memref<80xi32, #tpu.memory_space<hbm>>
        %dma_start3A_414 = tpu.memref_slice %arg12[%dma_start3A_409] : memref<2x!tpu.dma_semaphore, #tpu.memory_space<semaphore_mem>> -> memref<1x!tpu.dma_semaphore, #tpu.memory_space<semaphore_mem>>
        %dma_start3A_415 = tpu.memref_squeeze %dma_start3A_414 : memref<1x!tpu.dma_semaphore, #tpu.memory_space<semaphore_mem>> -> memref<!tpu.dma_semaphore, #tpu.memory_space<semaphore_mem>>
        %dma_start3A_416 = arith.constant 0 : i32
        %dma_start3A_417 = tpu.memref_slice %arg8[%dma_start3A_408, %dma_start3A_416] : memref<2x80xi32, #tpu.memory_space<vmem>> -> memref<1x80xi32, #tpu.memory_space<vmem>>
        %dma_start3A_418 = tpu.memref_squeeze %dma_start3A_417 : memref<1x80xi32, #tpu.memory_space<vmem>> -> memref<80xi32, #tpu.memory_space<vmem>>
        %dma_start3A_419 = tpu.memref_slice %arg4[%multiple_of3A_407] : memref<1280000xi32, #tpu.memory_space<hbm>> -> memref<80xi32, #tpu.memory_space<hbm>>
        tpu.enqueue_dma source(%dma_start3A_419 : memref<80xi32, #tpu.memory_space<hbm>>) target(%dma_start3A_418 : memref<80xi32, #tpu.memory_space<vmem>>) target_semaphore(%dma_start3A_415 : memref<!tpu.dma_semaphore, #tpu.memory_space<semaphore_mem>>)
      } else {
      }
    }
    %scan3A_232 = arith.constant 125 : i32
    %barrier3A_233 = arith.constant 0 : index
    tpu.barrier barrier_id(%barrier3A_233)
    %eq3A_234 = arith.constant 0 : i32
    %eq3A_235 = arith.cmpi eq, %arg1, %eq3A_234 : i32
    %convert_element_type3A_236 = arith.extui %eq3A_235 : i1 to i32
    %cond3A_237 = arith.constant 0 : i32
    %cond3A_238 = arith.cmpi ne, %convert_element_type3A_236, %cond3A_237 : i32
    scf.if %cond3A_238 {
      "tpu.region"() ({
        %run_scoped3A = tpu.sem_alloc : memref<!tpu.dma_semaphore, #tpu.memory_space<semaphore_mem>>
        %dma_start3A_240 = arith.constant 0 : i32
        %dma_start3A_241 = arith.constant 0 : i32
        %dma_start3A_242 = tpu.memref_slice %arg6[%add3A_118, %dma_start3A_240, %dma_start3A_241] : memref<4x10000x128xf32, #tpu.memory_space<hbm>> -> memref<1x10000x128xf32, #tpu.memory_space<hbm>>
        %dma_start3A_243 = tpu.memref_squeeze %dma_start3A_242 : memref<1x10000x128xf32, #tpu.memory_space<hbm>> -> memref<10000x128xf32, #tpu.memory_space<hbm>>
        tpu.enqueue_dma source(%arg7 : memref<10000x128xf32, #tpu.memory_space<vmem_shared>>) target(%dma_start3A_243 : memref<10000x128xf32, #tpu.memory_space<hbm>>) target_semaphore(%run_scoped3A : memref<!tpu.dma_semaphore, #tpu.memory_space<semaphore_mem>>)
        %dma_wait3A_244 = arith.constant 0 : i32
        %dma_wait3A_245 = arith.constant 0 : i32
        %dma_wait3A_246 = tpu.memref_slice %arg6[%add3A_118, %dma_wait3A_244, %dma_wait3A_245] : memref<4x10000x128xf32, #tpu.memory_space<hbm>> -> memref<1x10000x128xf32, #tpu.memory_space<hbm>>
        %dma_wait3A_247 = tpu.memref_squeeze %dma_wait3A_246 : memref<1x10000x128xf32, #tpu.memory_space<hbm>> -> memref<10000x128xf32, #tpu.memory_space<hbm>>
        tpu.wait_dma2 semaphore(%run_scoped3A : memref<!tpu.dma_semaphore, #tpu.memory_space<semaphore_mem>>) src(%arg7 : memref<10000x128xf32, #tpu.memory_space<vmem_shared>>) dst(%dma_wait3A_247 : memref<10000x128xf32, #tpu.memory_space<hbm>>)
        tpu.yield
      }) : () -> ()
    } else {
    }
    %barrier3A_239 = arith.constant 0 : index
    tpu.barrier barrier_id(%barrier3A_239)
    return
  }
}

#map = affine_map<(d0, d1) -> (0, 0, 0)>
#map1 = affine_map<(d0, d1) -> (0, 0)>
#map2 = affine_map<(d0, d1) -> (0)>
module attributes {stable_mosaic.version = 14 : i64} {
  func.func @_sc_scatter_s(%arg0: i32, %arg1: i32, %arg2: memref<2x10000x128xf32, #tpu.memory_space<hbm>>, %arg3: memref<320000x128xf32, #tpu.memory_space<hbm>>, %arg4: memref<320000xi32, #tpu.memory_space<hbm>>, %arg5: memref<2x10000x128xf32, #tpu.memory_space<hbm>>, %arg6: memref<10000x128xf32, #tpu.memory_space<vmem_shared>>, %arg7: memref<2x80xi32, #tpu.memory_space<vmem>>, %arg8: memref<2x80x128xf32, #tpu.memory_space<vmem>>, %arg9: memref<2x!tpu.dma_semaphore, #tpu.memory_space<semaphore_mem>>, %arg10: memref<2x!tpu.dma_semaphore, #tpu.memory_space<semaphore_mem>>) attributes {dimension_semantics = [#tpu.dimension_semantics<core_parallel>, #tpu.dimension_semantics<subcore_parallel>], iteration_bounds = array<i64: 2, 16>, scalar_prefetch = 0 : i64, scratch_operands = 5 : i64, tpu.core_type = #tpu.core_type<sc_vector_subcore>, window_params = [{transform_indices = #map}, {transform_indices = #map1}, {transform_indices = #map2}, {transform_indices = #map}]} {
    %eq3A = arith.constant 0 : i32
    %eq3A_0 = arith.cmpi eq, %arg1, %eq3A : i32
    %convert_element_type3A = arith.extui %eq3A_0 : i1 to i32
    %cond3A = arith.constant 0 : i32
    %cond3A_1 = arith.cmpi ne, %convert_element_type3A, %cond3A : i32
    scf.if %cond3A_1 {
      "tpu.region"() ({
        %run_scoped3A = tpu.sem_alloc : memref<!tpu.dma_semaphore, #tpu.memory_space<semaphore_mem>>
        %dma_start3A_96 = arith.constant 0 : i32
        %dma_start3A_97 = arith.constant 0 : i32
        %dma_start3A_98 = tpu.memref_slice %arg2[%arg0, %dma_start3A_96, %dma_start3A_97] : memref<2x10000x128xf32, #tpu.memory_space<hbm>> -> memref<1x10000x128xf32, #tpu.memory_space<hbm>>
        %dma_start3A_99 = tpu.memref_squeeze %dma_start3A_98 : memref<1x10000x128xf32, #tpu.memory_space<hbm>> -> memref<10000x128xf32, #tpu.memory_space<hbm>>
        tpu.enqueue_dma source(%dma_start3A_99 : memref<10000x128xf32, #tpu.memory_space<hbm>>) target(%arg6 : memref<10000x128xf32, #tpu.memory_space<vmem_shared>>) target_semaphore(%run_scoped3A : memref<!tpu.dma_semaphore, #tpu.memory_space<semaphore_mem>>)
        %dma_wait3A = arith.constant 0 : i32
        %dma_wait3A_100 = arith.constant 0 : i32
        %dma_wait3A_101 = tpu.memref_slice %arg2[%arg0, %dma_wait3A, %dma_wait3A_100] : memref<2x10000x128xf32, #tpu.memory_space<hbm>> -> memref<1x10000x128xf32, #tpu.memory_space<hbm>>
        %dma_wait3A_102 = tpu.memref_squeeze %dma_wait3A_101 : memref<1x10000x128xf32, #tpu.memory_space<hbm>> -> memref<10000x128xf32, #tpu.memory_space<hbm>>
        tpu.wait_dma2 semaphore(%run_scoped3A : memref<!tpu.dma_semaphore, #tpu.memory_space<semaphore_mem>>) src(%dma_wait3A_102 : memref<10000x128xf32, #tpu.memory_space<hbm>>) dst(%arg6 : memref<10000x128xf32, #tpu.memory_space<vmem_shared>>)
        tpu.yield
      }) : () -> ()
    } else {
    }
    %barrier3A = arith.constant 0 : index
    tpu.barrier barrier_id(%barrier3A)
    %mul3A = arith.constant 16 : i32
    %mul3A_2 = arith.muli %arg0, %mul3A : i32
    %add3A = arith.addi %mul3A_2, %arg1 : i32
    %mul3A_3 = arith.constant 10000 : i32
    %mul3A_4 = arith.muli %add3A, %mul3A_3 : i32
    %add3A_5 = arith.constant 0 : i32
    %add3A_6 = arith.addi %mul3A_4, %add3A_5 : i32
    %multiple_of3A = tpu.assume_multiple %add3A_6, 80 : i32
    %dma_start3A = arith.constant 0 : i32
    %dma_start3A_7 = arith.constant 0 : i32
    %dma_start3A_8 = arith.constant 0 : i32
    %dma_start3A_9 = tpu.memref_slice %arg7[%dma_start3A, %dma_start3A_8] : memref<2x80xi32, #tpu.memory_space<vmem>> -> memref<1x80xi32, #tpu.memory_space<vmem>>
    %dma_start3A_10 = tpu.memref_squeeze %dma_start3A_9 : memref<1x80xi32, #tpu.memory_space<vmem>> -> memref<80xi32, #tpu.memory_space<vmem>>
    %dma_start3A_11 = tpu.memref_slice %arg4[%multiple_of3A] : memref<320000xi32, #tpu.memory_space<hbm>> -> memref<80xi32, #tpu.memory_space<hbm>>
    %dma_start3A_12 = tpu.memref_slice %arg9[%dma_start3A_7] : memref<2x!tpu.dma_semaphore, #tpu.memory_space<semaphore_mem>> -> memref<1x!tpu.dma_semaphore, #tpu.memory_space<semaphore_mem>>
    %dma_start3A_13 = tpu.memref_squeeze %dma_start3A_12 : memref<1x!tpu.dma_semaphore, #tpu.memory_space<semaphore_mem>> -> memref<!tpu.dma_semaphore, #tpu.memory_space<semaphore_mem>>
    %dma_start3A_14 = arith.constant 0 : i32
    %dma_start3A_15 = tpu.memref_slice %arg7[%dma_start3A, %dma_start3A_14] : memref<2x80xi32, #tpu.memory_space<vmem>> -> memref<1x80xi32, #tpu.memory_space<vmem>>
    %dma_start3A_16 = tpu.memref_squeeze %dma_start3A_15 : memref<1x80xi32, #tpu.memory_space<vmem>> -> memref<80xi32, #tpu.memory_space<vmem>>
    %dma_start3A_17 = tpu.memref_slice %arg4[%multiple_of3A] : memref<320000xi32, #tpu.memory_space<hbm>> -> memref<80xi32, #tpu.memory_space<hbm>>
    tpu.enqueue_dma source(%dma_start3A_17 : memref<80xi32, #tpu.memory_space<hbm>>) target(%dma_start3A_16 : memref<80xi32, #tpu.memory_space<vmem>>) target_semaphore(%dma_start3A_13 : memref<!tpu.dma_semaphore, #tpu.memory_space<semaphore_mem>>)
    %mul3A_18 = arith.constant 16 : i32
    %mul3A_19 = arith.muli %arg0, %mul3A_18 : i32
    %add3A_20 = arith.addi %mul3A_19, %arg1 : i32
    %mul3A_21 = arith.constant 10000 : i32
    %mul3A_22 = arith.muli %add3A_20, %mul3A_21 : i32
    %add3A_23 = arith.constant 0 : i32
    %add3A_24 = arith.addi %mul3A_22, %add3A_23 : i32
    %multiple_of3A_25 = tpu.assume_multiple %add3A_24, 80 : i32
    %dma_start3A_26 = arith.constant 0 : i32
    %dma_start3A_27 = arith.constant 0 : i32
    %dma_start3A_28 = arith.constant 0 : i32
    %dma_start3A_29 = arith.constant 0 : i32
    %dma_start3A_30 = tpu.memref_slice %arg8[%dma_start3A_26, %dma_start3A_28, %dma_start3A_29] : memref<2x80x128xf32, #tpu.memory_space<vmem>> -> memref<1x80x128xf32, #tpu.memory_space<vmem>>
    %dma_start3A_31 = tpu.memref_squeeze %dma_start3A_30 : memref<1x80x128xf32, #tpu.memory_space<vmem>> -> memref<80x128xf32, #tpu.memory_space<vmem>>
    %dma_start3A_32 = arith.constant 0 : i32
    %dma_start3A_33 = tpu.memref_slice %arg3[%multiple_of3A_25, %dma_start3A_32] : memref<320000x128xf32, #tpu.memory_space<hbm>> -> memref<80x128xf32, #tpu.memory_space<hbm>>
    %dma_start3A_34 = tpu.memref_slice %arg10[%dma_start3A_27] : memref<2x!tpu.dma_semaphore, #tpu.memory_space<semaphore_mem>> -> memref<1x!tpu.dma_semaphore, #tpu.memory_space<semaphore_mem>>
    %dma_start3A_35 = tpu.memref_squeeze %dma_start3A_34 : memref<1x!tpu.dma_semaphore, #tpu.memory_space<semaphore_mem>> -> memref<!tpu.dma_semaphore, #tpu.memory_space<semaphore_mem>>
    %dma_start3A_36 = arith.constant 0 : i32
    %dma_start3A_37 = arith.constant 0 : i32
    %dma_start3A_38 = tpu.memref_slice %arg8[%dma_start3A_26, %dma_start3A_36, %dma_start3A_37] : memref<2x80x128xf32, #tpu.memory_space<vmem>> -> memref<1x80x128xf32, #tpu.memory_space<vmem>>
    %dma_start3A_39 = tpu.memref_squeeze %dma_start3A_38 : memref<1x80x128xf32, #tpu.memory_space<vmem>> -> memref<80x128xf32, #tpu.memory_space<vmem>>
    %dma_start3A_40 = arith.constant 0 : i32
    %dma_start3A_41 = tpu.memref_slice %arg3[%multiple_of3A_25, %dma_start3A_40] : memref<320000x128xf32, #tpu.memory_space<hbm>> -> memref<80x128xf32, #tpu.memory_space<hbm>>
    tpu.enqueue_dma source(%dma_start3A_41 : memref<80x128xf32, #tpu.memory_space<hbm>>) target(%dma_start3A_39 : memref<80x128xf32, #tpu.memory_space<vmem>>) target_semaphore(%dma_start3A_35 : memref<!tpu.dma_semaphore, #tpu.memory_space<semaphore_mem>>)
    %mul3A_42 = arith.constant 16 : i32
    %mul3A_43 = arith.muli %arg0, %mul3A_42 : i32
    %add3A_44 = arith.addi %mul3A_43, %arg1 : i32
    %mul3A_45 = arith.constant 10000 : i32
    %mul3A_46 = arith.muli %add3A_44, %mul3A_45 : i32
    %add3A_47 = arith.constant 80 : i32
    %add3A_48 = arith.addi %mul3A_46, %add3A_47 : i32
    %multiple_of3A_49 = tpu.assume_multiple %add3A_48, 80 : i32
    %dma_start3A_50 = arith.constant 1 : i32
    %dma_start3A_51 = arith.constant 1 : i32
    %dma_start3A_52 = arith.constant 0 : i32
    %dma_start3A_53 = tpu.memref_slice %arg7[%dma_start3A_50, %dma_start3A_52] : memref<2x80xi32, #tpu.memory_space<vmem>> -> memref<1x80xi32, #tpu.memory_space<vmem>>
    %dma_start3A_54 = tpu.memref_squeeze %dma_start3A_53 : memref<1x80xi32, #tpu.memory_space<vmem>> -> memref<80xi32, #tpu.memory_space<vmem>>
    %dma_start3A_55 = tpu.memref_slice %arg4[%multiple_of3A_49] : memref<320000xi32, #tpu.memory_space<hbm>> -> memref<80xi32, #tpu.memory_space<hbm>>
    %dma_start3A_56 = tpu.memref_slice %arg9[%dma_start3A_51] : memref<2x!tpu.dma_semaphore, #tpu.memory_space<semaphore_mem>> -> memref<1x!tpu.dma_semaphore, #tpu.memory_space<semaphore_mem>>
    %dma_start3A_57 = tpu.memref_squeeze %dma_start3A_56 : memref<1x!tpu.dma_semaphore, #tpu.memory_space<semaphore_mem>> -> memref<!tpu.dma_semaphore, #tpu.memory_space<semaphore_mem>>
    %dma_start3A_58 = arith.constant 0 : i32
    %dma_start3A_59 = tpu.memref_slice %arg7[%dma_start3A_50, %dma_start3A_58] : memref<2x80xi32, #tpu.memory_space<vmem>> -> memref<1x80xi32, #tpu.memory_space<vmem>>
    %dma_start3A_60 = tpu.memref_squeeze %dma_start3A_59 : memref<1x80xi32, #tpu.memory_space<vmem>> -> memref<80xi32, #tpu.memory_space<vmem>>
    %dma_start3A_61 = tpu.memref_slice %arg4[%multiple_of3A_49] : memref<320000xi32, #tpu.memory_space<hbm>> -> memref<80xi32, #tpu.memory_space<hbm>>
    tpu.enqueue_dma source(%dma_start3A_61 : memref<80xi32, #tpu.memory_space<hbm>>) target(%dma_start3A_60 : memref<80xi32, #tpu.memory_space<vmem>>) target_semaphore(%dma_start3A_57 : memref<!tpu.dma_semaphore, #tpu.memory_space<semaphore_mem>>)
    %mul3A_62 = arith.constant 16 : i32
    %mul3A_63 = arith.muli %arg0, %mul3A_62 : i32
    %add3A_64 = arith.addi %mul3A_63, %arg1 : i32
    %mul3A_65 = arith.constant 10000 : i32
    %mul3A_66 = arith.muli %add3A_64, %mul3A_65 : i32
    %add3A_67 = arith.constant 80 : i32
    %add3A_68 = arith.addi %mul3A_66, %add3A_67 : i32
    %multiple_of3A_69 = tpu.assume_multiple %add3A_68, 80 : i32
    %dma_start3A_70 = arith.constant 1 : i32
    %dma_start3A_71 = arith.constant 1 : i32
    %dma_start3A_72 = arith.constant 0 : i32
    %dma_start3A_73 = arith.constant 0 : i32
    %dma_start3A_74 = tpu.memref_slice %arg8[%dma_start3A_70, %dma_start3A_72, %dma_start3A_73] : memref<2x80x128xf32, #tpu.memory_space<vmem>> -> memref<1x80x128xf32, #tpu.memory_space<vmem>>
    %dma_start3A_75 = tpu.memref_squeeze %dma_start3A_74 : memref<1x80x128xf32, #tpu.memory_space<vmem>> -> memref<80x128xf32, #tpu.memory_space<vmem>>
    %dma_start3A_76 = arith.constant 0 : i32
    %dma_start3A_77 = tpu.memref_slice %arg3[%multiple_of3A_69, %dma_start3A_76] : memref<320000x128xf32, #tpu.memory_space<hbm>> -> memref<80x128xf32, #tpu.memory_space<hbm>>
    %dma_start3A_78 = tpu.memref_slice %arg10[%dma_start3A_71] : memref<2x!tpu.dma_semaphore, #tpu.memory_space<semaphore_mem>> -> memref<1x!tpu.dma_semaphore, #tpu.memory_space<semaphore_mem>>
    %dma_start3A_79 = tpu.memref_squeeze %dma_start3A_78 : memref<1x!tpu.dma_semaphore, #tpu.memory_space<semaphore_mem>> -> memref<!tpu.dma_semaphore, #tpu.memory_space<semaphore_mem>>
    %dma_start3A_80 = arith.constant 0 : i32
    %dma_start3A_81 = arith.constant 0 : i32
    %dma_start3A_82 = tpu.memref_slice %arg8[%dma_start3A_70, %dma_start3A_80, %dma_start3A_81] : memref<2x80x128xf32, #tpu.memory_space<vmem>> -> memref<1x80x128xf32, #tpu.memory_space<vmem>>
    %dma_start3A_83 = tpu.memref_squeeze %dma_start3A_82 : memref<1x80x128xf32, #tpu.memory_space<vmem>> -> memref<80x128xf32, #tpu.memory_space<vmem>>
    %dma_start3A_84 = arith.constant 0 : i32
    %dma_start3A_85 = tpu.memref_slice %arg3[%multiple_of3A_69, %dma_start3A_84] : memref<320000x128xf32, #tpu.memory_space<hbm>> -> memref<80x128xf32, #tpu.memory_space<hbm>>
    tpu.enqueue_dma source(%dma_start3A_85 : memref<80x128xf32, #tpu.memory_space<hbm>>) target(%dma_start3A_83 : memref<80x128xf32, #tpu.memory_space<vmem>>) target_semaphore(%dma_start3A_79 : memref<!tpu.dma_semaphore, #tpu.memory_space<semaphore_mem>>)
    %scan3A = arith.constant 0 : i32
    %scan3A_86 = arith.constant 63 : i32
    %scan3A_87 = arith.addi %scan3A, %scan3A_86 : i32
    %scan3A_88 = arith.constant 1 : i32
    scf.for %scan3A_96 = %scan3A to %scan3A_87 step %scan3A_88  : i32 {
      %mul3A_97 = arith.constant 1 : i32
      %mul3A_98 = arith.muli %scan3A_96, %mul3A_97 : i32
      %add3A_99 = arith.constant 0 : i32
      %add3A_100 = arith.addi %add3A_99, %mul3A_98 : i32
      %mul3A_101 = arith.constant 2 : i32
      %mul3A_102 = arith.muli %add3A_100, %mul3A_101 : i32
      %add3A_103 = arith.constant 0 : i32
      %add3A_104 = arith.addi %mul3A_102, %add3A_103 : i32
      %lt3A = arith.constant 125 : i32
      %lt3A_105 = arith.cmpi slt, %add3A_104, %lt3A : i32
      %convert_element_type3A_106 = arith.extui %lt3A_105 : i1 to i32
      %cond3A_107 = arith.constant 0 : i32
      %cond3A_108 = arith.cmpi ne, %convert_element_type3A_106, %cond3A_107 : i32
      scf.if %cond3A_108 {
        %mul3A_118 = arith.constant 16 : i32
        %mul3A_119 = arith.muli %arg0, %mul3A_118 : i32
        %add3A_120 = arith.addi %mul3A_119, %arg1 : i32
        %mul3A_121 = arith.constant 10000 : i32
        %mul3A_122 = arith.muli %add3A_120, %mul3A_121 : i32
        %mul3A_123 = arith.constant 80 : i32
        %mul3A_124 = arith.muli %add3A_104, %mul3A_123 : i32
        %add3A_125 = arith.addi %mul3A_122, %mul3A_124 : i32
        %multiple_of3A_126 = tpu.assume_multiple %add3A_125, 80 : i32
        %dma_wait3A = arith.constant 0 : i32
        %dma_wait3A_127 = arith.constant 0 : i32
        %dma_wait3A_128 = arith.constant 0 : i32
        %dma_wait3A_129 = tpu.memref_slice %arg7[%dma_wait3A, %dma_wait3A_128] : memref<2x80xi32, #tpu.memory_space<vmem>> -> memref<1x80xi32, #tpu.memory_space<vmem>>
        %dma_wait3A_130 = tpu.memref_squeeze %dma_wait3A_129 : memref<1x80xi32, #tpu.memory_space<vmem>> -> memref<80xi32, #tpu.memory_space<vmem>>
        %dma_wait3A_131 = tpu.memref_slice %arg4[%multiple_of3A_126] : memref<320000xi32, #tpu.memory_space<hbm>> -> memref<80xi32, #tpu.memory_space<hbm>>
        %dma_wait3A_132 = tpu.memref_slice %arg9[%dma_wait3A_127] : memref<2x!tpu.dma_semaphore, #tpu.memory_space<semaphore_mem>> -> memref<1x!tpu.dma_semaphore, #tpu.memory_space<semaphore_mem>>
        %dma_wait3A_133 = tpu.memref_squeeze %dma_wait3A_132 : memref<1x!tpu.dma_semaphore, #tpu.memory_space<semaphore_mem>> -> memref<!tpu.dma_semaphore, #tpu.memory_space<semaphore_mem>>
        %dma_wait3A_134 = arith.constant 0 : i32
        %dma_wait3A_135 = tpu.memref_slice %arg7[%dma_wait3A, %dma_wait3A_134] : memref<2x80xi32, #tpu.memory_space<vmem>> -> memref<1x80xi32, #tpu.memory_space<vmem>>
        %dma_wait3A_136 = tpu.memref_squeeze %dma_wait3A_135 : memref<1x80xi32, #tpu.memory_space<vmem>> -> memref<80xi32, #tpu.memory_space<vmem>>
        %dma_wait3A_137 = tpu.memref_slice %arg4[%multiple_of3A_126] : memref<320000xi32, #tpu.memory_space<hbm>> -> memref<80xi32, #tpu.memory_space<hbm>>
        tpu.wait_dma2 semaphore(%dma_wait3A_133 : memref<!tpu.dma_semaphore, #tpu.memory_space<semaphore_mem>>) src(%dma_wait3A_137 : memref<80xi32, #tpu.memory_space<hbm>>) dst(%dma_wait3A_136 : memref<80xi32, #tpu.memory_space<vmem>>)
        %mul3A_138 = arith.constant 16 : i32
        %mul3A_139 = arith.muli %arg0, %mul3A_138 : i32
        %add3A_140 = arith.addi %mul3A_139, %arg1 : i32
        %mul3A_141 = arith.constant 10000 : i32
        %mul3A_142 = arith.muli %add3A_140, %mul3A_141 : i32
        %mul3A_143 = arith.constant 80 : i32
        %mul3A_144 = arith.muli %add3A_104, %mul3A_143 : i32
        %add3A_145 = arith.addi %mul3A_142, %mul3A_144 : i32
        %multiple_of3A_146 = tpu.assume_multiple %add3A_145, 80 : i32
        %dma_wait3A_147 = arith.constant 0 : i32
        %dma_wait3A_148 = arith.constant 0 : i32
        %dma_wait3A_149 = arith.constant 0 : i32
        %dma_wait3A_150 = arith.constant 0 : i32
        %dma_wait3A_151 = tpu.memref_slice %arg8[%dma_wait3A_147, %dma_wait3A_149, %dma_wait3A_150] : memref<2x80x128xf32, #tpu.memory_space<vmem>> -> memref<1x80x128xf32, #tpu.memory_space<vmem>>
        %dma_wait3A_152 = tpu.memref_squeeze %dma_wait3A_151 : memref<1x80x128xf32, #tpu.memory_space<vmem>> -> memref<80x128xf32, #tpu.memory_space<vmem>>
        %dma_wait3A_153 = arith.constant 0 : i32
        %dma_wait3A_154 = tpu.memref_slice %arg3[%multiple_of3A_146, %dma_wait3A_153] : memref<320000x128xf32, #tpu.memory_space<hbm>> -> memref<80x128xf32, #tpu.memory_space<hbm>>
        %dma_wait3A_155 = tpu.memref_slice %arg10[%dma_wait3A_148] : memref<2x!tpu.dma_semaphore, #tpu.memory_space<semaphore_mem>> -> memref<1x!tpu.dma_semaphore, #tpu.memory_space<semaphore_mem>>
        %dma_wait3A_156 = tpu.memref_squeeze %dma_wait3A_155 : memref<1x!tpu.dma_semaphore, #tpu.memory_space<semaphore_mem>> -> memref<!tpu.dma_semaphore, #tpu.memory_space<semaphore_mem>>
        %dma_wait3A_157 = arith.constant 0 : i32
        %dma_wait3A_158 = arith.constant 0 : i32
        %dma_wait3A_159 = tpu.memref_slice %arg8[%dma_wait3A_147, %dma_wait3A_157, %dma_wait3A_158] : memref<2x80x128xf32, #tpu.memory_space<vmem>> -> memref<1x80x128xf32, #tpu.memory_space<vmem>>
        %dma_wait3A_160 = tpu.memref_squeeze %dma_wait3A_159 : memref<1x80x128xf32, #tpu.memory_space<vmem>> -> memref<80x128xf32, #tpu.memory_space<vmem>>
        %dma_wait3A_161 = arith.constant 0 : i32
        %dma_wait3A_162 = tpu.memref_slice %arg3[%multiple_of3A_146, %dma_wait3A_161] : memref<320000x128xf32, #tpu.memory_space<hbm>> -> memref<80x128xf32, #tpu.memory_space<hbm>>
        tpu.wait_dma2 semaphore(%dma_wait3A_156 : memref<!tpu.dma_semaphore, #tpu.memory_space<semaphore_mem>>) src(%dma_wait3A_162 : memref<80x128xf32, #tpu.memory_space<hbm>>) dst(%dma_wait3A_160 : memref<80x128xf32, #tpu.memory_space<vmem>>)
        %run_scoped3A = arith.constant 0 : i32
        %run_scoped3A_163 = arith.constant 0 : i32
        "tpu.region"() ({
          %run_scoped3A_171 = tpu.sem_alloc : memref<!tpu.dma_semaphore, #tpu.memory_space<semaphore_mem>>
          %dma_start3A_172 = arith.constant 0 : i32
          %dma_start3A_173 = arith.constant 0 : i32
          %dma_start3A_174 = tpu.memref_slice %arg8[%run_scoped3A, %dma_start3A_172, %dma_start3A_173] : memref<2x80x128xf32, #tpu.memory_space<vmem>> -> memref<1x80x128xf32, #tpu.memory_space<vmem>>
          %dma_start3A_175 = tpu.memref_squeeze %dma_start3A_174 : memref<1x80x128xf32, #tpu.memory_space<vmem>> -> memref<80x128xf32, #tpu.memory_space<vmem>>
          %dma_start3A_176 = arith.constant 0 : i32
          %dma_start3A_177 = tpu.memref_slice %arg7[%run_scoped3A_163, %dma_start3A_176] : memref<2x80xi32, #tpu.memory_space<vmem>> -> memref<1x80xi32, #tpu.memory_space<vmem>>
          %dma_start3A_178 = tpu.memref_squeeze %dma_start3A_177 : memref<1x80xi32, #tpu.memory_space<vmem>> -> memref<80xi32, #tpu.memory_space<vmem>>
          %dma_start3A_179 = arith.constant 0 : i32
          %dma_start3A_180 = arith.constant 0 : i32
          %dma_start3A_181 = tpu.memref_slice %arg6[%dma_start3A_179, %dma_start3A_180] : memref<10000x128xf32, #tpu.memory_space<vmem_shared>> -> memref<10000x128xf32, #tpu.memory_space<vmem_shared>>
          tpu.enqueue_indirect_dma source(%dma_start3A_175 : memref<80x128xf32, #tpu.memory_space<vmem>>) target(%dma_start3A_181 : memref<10000x128xf32, #tpu.memory_space<vmem_shared>>) offsets(%dma_start3A_178 : memref<80xi32, #tpu.memory_space<vmem>>) semaphore(%run_scoped3A_171 : memref<!tpu.dma_semaphore, #tpu.memory_space<semaphore_mem>>) {add = true}
          %dma_wait3A_182 = arith.constant 0 : i32
          %dma_wait3A_183 = arith.constant 0 : i32
          %dma_wait3A_184 = tpu.memref_slice %arg8[%run_scoped3A, %dma_wait3A_182, %dma_wait3A_183] : memref<2x80x128xf32, #tpu.memory_space<vmem>> -> memref<1x80x128xf32, #tpu.memory_space<vmem>>
          %dma_wait3A_185 = tpu.memref_squeeze %dma_wait3A_184 : memref<1x80x128xf32, #tpu.memory_space<vmem>> -> memref<80x128xf32, #tpu.memory_space<vmem>>
          %dma_wait3A_186 = arith.constant 0 : i32
          %dma_wait3A_187 = tpu.memref_slice %arg7[%run_scoped3A_163, %dma_wait3A_186] : memref<2x80xi32, #tpu.memory_space<vmem>> -> memref<1x80xi32, #tpu.memory_space<vmem>>
          %dma_wait3A_188 = tpu.memref_squeeze %dma_wait3A_187 : memref<1x80xi32, #tpu.memory_space<vmem>> -> memref<80xi32, #tpu.memory_space<vmem>>
          %dma_wait3A_189 = arith.constant 0 : i32
          %dma_wait3A_190 = arith.constant 0 : i32
          %dma_wait3A_191 = tpu.memref_slice %arg6[%dma_wait3A_189, %dma_wait3A_190] : memref<10000x128xf32, #tpu.memory_space<vmem_shared>> -> memref<10000x128xf32, #tpu.memory_space<vmem_shared>>
          tpu.wait_indirect_dma semaphore(%run_scoped3A_171 : memref<!tpu.dma_semaphore, #tpu.memory_space<semaphore_mem>>) src(%dma_wait3A_185 : memref<80x128xf32, #tpu.memory_space<vmem>>) dst(%dma_wait3A_191 : memref<10000x128xf32, #tpu.memory_space<vmem_shared>>)
          tpu.yield
        }) : () -> ()
        %add3A_164 = arith.constant 2 : i32
        %add3A_165 = arith.addi %add3A_104, %add3A_164 : i32
        %lt3A_166 = arith.constant 125 : i32
        %lt3A_167 = arith.cmpi slt, %add3A_165, %lt3A_166 : i32
        %convert_element_type3A_168 = arith.extui %lt3A_167 : i1 to i32
        %cond3A_169 = arith.constant 0 : i32
        %cond3A_170 = arith.cmpi ne, %convert_element_type3A_168, %cond3A_169 : i32
        scf.if %cond3A_170 {
          %add3A_171 = arith.constant 2 : i32
          %add3A_172 = arith.addi %add3A_104, %add3A_171 : i32
          %mul3A_173 = arith.constant 16 : i32
          %mul3A_174 = arith.muli %arg0, %mul3A_173 : i32
          %add3A_175 = arith.addi %mul3A_174, %arg1 : i32
          %mul3A_176 = arith.constant 10000 : i32
          %mul3A_177 = arith.muli %add3A_175, %mul3A_176 : i32
          %mul3A_178 = arith.constant 80 : i32
          %mul3A_179 = arith.muli %add3A_172, %mul3A_178 : i32
          %add3A_180 = arith.addi %mul3A_177, %mul3A_179 : i32
          %multiple_of3A_181 = tpu.assume_multiple %add3A_180, 80 : i32
          %dma_start3A_182 = arith.constant 0 : i32
          %dma_start3A_183 = arith.constant 0 : i32
          %dma_start3A_184 = arith.constant 0 : i32
          %dma_start3A_185 = tpu.memref_slice %arg7[%dma_start3A_182, %dma_start3A_184] : memref<2x80xi32, #tpu.memory_space<vmem>> -> memref<1x80xi32, #tpu.memory_space<vmem>>
          %dma_start3A_186 = tpu.memref_squeeze %dma_start3A_185 : memref<1x80xi32, #tpu.memory_space<vmem>> -> memref<80xi32, #tpu.memory_space<vmem>>
          %dma_start3A_187 = tpu.memref_slice %arg4[%multiple_of3A_181] : memref<320000xi32, #tpu.memory_space<hbm>> -> memref<80xi32, #tpu.memory_space<hbm>>
          %dma_start3A_188 = tpu.memref_slice %arg9[%dma_start3A_183] : memref<2x!tpu.dma_semaphore, #tpu.memory_space<semaphore_mem>> -> memref<1x!tpu.dma_semaphore, #tpu.memory_space<semaphore_mem>>
          %dma_start3A_189 = tpu.memref_squeeze %dma_start3A_188 : memref<1x!tpu.dma_semaphore, #tpu.memory_space<semaphore_mem>> -> memref<!tpu.dma_semaphore, #tpu.memory_space<semaphore_mem>>
          %dma_start3A_190 = arith.constant 0 : i32
          %dma_start3A_191 = tpu.memref_slice %arg7[%dma_start3A_182, %dma_start3A_190] : memref<2x80xi32, #tpu.memory_space<vmem>> -> memref<1x80xi32, #tpu.memory_space<vmem>>
          %dma_start3A_192 = tpu.memref_squeeze %dma_start3A_191 : memref<1x80xi32, #tpu.memory_space<vmem>> -> memref<80xi32, #tpu.memory_space<vmem>>
          %dma_start3A_193 = tpu.memref_slice %arg4[%multiple_of3A_181] : memref<320000xi32, #tpu.memory_space<hbm>> -> memref<80xi32, #tpu.memory_space<hbm>>
          tpu.enqueue_dma source(%dma_start3A_193 : memref<80xi32, #tpu.memory_space<hbm>>) target(%dma_start3A_192 : memref<80xi32, #tpu.memory_space<vmem>>) target_semaphore(%dma_start3A_189 : memref<!tpu.dma_semaphore, #tpu.memory_space<semaphore_mem>>)
          %mul3A_194 = arith.constant 16 : i32
          %mul3A_195 = arith.muli %arg0, %mul3A_194 : i32
          %add3A_196 = arith.addi %mul3A_195, %arg1 : i32
          %mul3A_197 = arith.constant 10000 : i32
          %mul3A_198 = arith.muli %add3A_196, %mul3A_197 : i32
          %mul3A_199 = arith.constant 80 : i32
          %mul3A_200 = arith.muli %add3A_172, %mul3A_199 : i32
          %add3A_201 = arith.addi %mul3A_198, %mul3A_200 : i32
          %multiple_of3A_202 = tpu.assume_multiple %add3A_201, 80 : i32
          %dma_start3A_203 = arith.constant 0 : i32
          %dma_start3A_204 = arith.constant 0 : i32
          %dma_start3A_205 = arith.constant 0 : i32
          %dma_start3A_206 = arith.constant 0 : i32
          %dma_start3A_207 = tpu.memref_slice %arg8[%dma_start3A_203, %dma_start3A_205, %dma_start3A_206] : memref<2x80x128xf32, #tpu.memory_space<vmem>> -> memref<1x80x128xf32, #tpu.memory_space<vmem>>
          %dma_start3A_208 = tpu.memref_squeeze %dma_start3A_207 : memref<1x80x128xf32, #tpu.memory_space<vmem>> -> memref<80x128xf32, #tpu.memory_space<vmem>>
          %dma_start3A_209 = arith.constant 0 : i32
          %dma_start3A_210 = tpu.memref_slice %arg3[%multiple_of3A_202, %dma_start3A_209] : memref<320000x128xf32, #tpu.memory_space<hbm>> -> memref<80x128xf32, #tpu.memory_space<hbm>>
          %dma_start3A_211 = tpu.memref_slice %arg10[%dma_start3A_204] : memref<2x!tpu.dma_semaphore, #tpu.memory_space<semaphore_mem>> -> memref<1x!tpu.dma_semaphore, #tpu.memory_space<semaphore_mem>>
          %dma_start3A_212 = tpu.memref_squeeze %dma_start3A_211 : memref<1x!tpu.dma_semaphore, #tpu.memory_space<semaphore_mem>> -> memref<!tpu.dma_semaphore, #tpu.memory_space<semaphore_mem>>
          %dma_start3A_213 = arith.constant 0 : i32
          %dma_start3A_214 = arith.constant 0 : i32
          %dma_start3A_215 = tpu.memref_slice %arg8[%dma_start3A_203, %dma_start3A_213, %dma_start3A_214] : memref<2x80x128xf32, #tpu.memory_space<vmem>> -> memref<1x80x128xf32, #tpu.memory_space<vmem>>
          %dma_start3A_216 = tpu.memref_squeeze %dma_start3A_215 : memref<1x80x128xf32, #tpu.memory_space<vmem>> -> memref<80x128xf32, #tpu.memory_space<vmem>>
          %dma_start3A_217 = arith.constant 0 : i32
          %dma_start3A_218 = tpu.memref_slice %arg3[%multiple_of3A_202, %dma_start3A_217] : memref<320000x128xf32, #tpu.memory_space<hbm>> -> memref<80x128xf32, #tpu.memory_space<hbm>>
          tpu.enqueue_dma source(%dma_start3A_218 : memref<80x128xf32, #tpu.memory_space<hbm>>) target(%dma_start3A_216 : memref<80x128xf32, #tpu.memory_space<vmem>>) target_semaphore(%dma_start3A_212 : memref<!tpu.dma_semaphore, #tpu.memory_space<semaphore_mem>>)
        } else {
        }
      } else {
      }
      %mul3A_109 = arith.constant 2 : i32
      %mul3A_110 = arith.muli %add3A_100, %mul3A_109 : i32
      %add3A_111 = arith.constant 1 : i32
      %add3A_112 = arith.addi %mul3A_110, %add3A_111 : i32
      %lt3A_113 = arith.constant 125 : i32
      %lt3A_114 = arith.cmpi slt, %add3A_112, %lt3A_113 : i32
      %convert_element_type3A_115 = arith.extui %lt3A_114 : i1 to i32
      %cond3A_116 = arith.constant 0 : i32
      %cond3A_117 = arith.cmpi ne, %convert_element_type3A_115, %cond3A_116 : i32
      scf.if %cond3A_117 {
        %mul3A_118 = arith.constant 16 : i32
        %mul3A_119 = arith.muli %arg0, %mul3A_118 : i32
        %add3A_120 = arith.addi %mul3A_119, %arg1 : i32
        %mul3A_121 = arith.constant 10000 : i32
        %mul3A_122 = arith.muli %add3A_120, %mul3A_121 : i32
        %mul3A_123 = arith.constant 80 : i32
        %mul3A_124 = arith.muli %add3A_112, %mul3A_123 : i32
        %add3A_125 = arith.addi %mul3A_122, %mul3A_124 : i32
        %multiple_of3A_126 = tpu.assume_multiple %add3A_125, 80 : i32
        %dma_wait3A = arith.constant 1 : i32
        %dma_wait3A_127 = arith.constant 1 : i32
        %dma_wait3A_128 = arith.constant 0 : i32
        %dma_wait3A_129 = tpu.memref_slice %arg7[%dma_wait3A, %dma_wait3A_128] : memref<2x80xi32, #tpu.memory_space<vmem>> -> memref<1x80xi32, #tpu.memory_space<vmem>>
        %dma_wait3A_130 = tpu.memref_squeeze %dma_wait3A_129 : memref<1x80xi32, #tpu.memory_space<vmem>> -> memref<80xi32, #tpu.memory_space<vmem>>
        %dma_wait3A_131 = tpu.memref_slice %arg4[%multiple_of3A_126] : memref<320000xi32, #tpu.memory_space<hbm>> -> memref<80xi32, #tpu.memory_space<hbm>>
        %dma_wait3A_132 = tpu.memref_slice %arg9[%dma_wait3A_127] : memref<2x!tpu.dma_semaphore, #tpu.memory_space<semaphore_mem>> -> memref<1x!tpu.dma_semaphore, #tpu.memory_space<semaphore_mem>>
        %dma_wait3A_133 = tpu.memref_squeeze %dma_wait3A_132 : memref<1x!tpu.dma_semaphore, #tpu.memory_space<semaphore_mem>> -> memref<!tpu.dma_semaphore, #tpu.memory_space<semaphore_mem>>
        %dma_wait3A_134 = arith.constant 0 : i32
        %dma_wait3A_135 = tpu.memref_slice %arg7[%dma_wait3A, %dma_wait3A_134] : memref<2x80xi32, #tpu.memory_space<vmem>> -> memref<1x80xi32, #tpu.memory_space<vmem>>
        %dma_wait3A_136 = tpu.memref_squeeze %dma_wait3A_135 : memref<1x80xi32, #tpu.memory_space<vmem>> -> memref<80xi32, #tpu.memory_space<vmem>>
        %dma_wait3A_137 = tpu.memref_slice %arg4[%multiple_of3A_126] : memref<320000xi32, #tpu.memory_space<hbm>> -> memref<80xi32, #tpu.memory_space<hbm>>
        tpu.wait_dma2 semaphore(%dma_wait3A_133 : memref<!tpu.dma_semaphore, #tpu.memory_space<semaphore_mem>>) src(%dma_wait3A_137 : memref<80xi32, #tpu.memory_space<hbm>>) dst(%dma_wait3A_136 : memref<80xi32, #tpu.memory_space<vmem>>)
        %mul3A_138 = arith.constant 16 : i32
        %mul3A_139 = arith.muli %arg0, %mul3A_138 : i32
        %add3A_140 = arith.addi %mul3A_139, %arg1 : i32
        %mul3A_141 = arith.constant 10000 : i32
        %mul3A_142 = arith.muli %add3A_140, %mul3A_141 : i32
        %mul3A_143 = arith.constant 80 : i32
        %mul3A_144 = arith.muli %add3A_112, %mul3A_143 : i32
        %add3A_145 = arith.addi %mul3A_142, %mul3A_144 : i32
        %multiple_of3A_146 = tpu.assume_multiple %add3A_145, 80 : i32
        %dma_wait3A_147 = arith.constant 1 : i32
        %dma_wait3A_148 = arith.constant 1 : i32
        %dma_wait3A_149 = arith.constant 0 : i32
        %dma_wait3A_150 = arith.constant 0 : i32
        %dma_wait3A_151 = tpu.memref_slice %arg8[%dma_wait3A_147, %dma_wait3A_149, %dma_wait3A_150] : memref<2x80x128xf32, #tpu.memory_space<vmem>> -> memref<1x80x128xf32, #tpu.memory_space<vmem>>
        %dma_wait3A_152 = tpu.memref_squeeze %dma_wait3A_151 : memref<1x80x128xf32, #tpu.memory_space<vmem>> -> memref<80x128xf32, #tpu.memory_space<vmem>>
        %dma_wait3A_153 = arith.constant 0 : i32
        %dma_wait3A_154 = tpu.memref_slice %arg3[%multiple_of3A_146, %dma_wait3A_153] : memref<320000x128xf32, #tpu.memory_space<hbm>> -> memref<80x128xf32, #tpu.memory_space<hbm>>
        %dma_wait3A_155 = tpu.memref_slice %arg10[%dma_wait3A_148] : memref<2x!tpu.dma_semaphore, #tpu.memory_space<semaphore_mem>> -> memref<1x!tpu.dma_semaphore, #tpu.memory_space<semaphore_mem>>
        %dma_wait3A_156 = tpu.memref_squeeze %dma_wait3A_155 : memref<1x!tpu.dma_semaphore, #tpu.memory_space<semaphore_mem>> -> memref<!tpu.dma_semaphore, #tpu.memory_space<semaphore_mem>>
        %dma_wait3A_157 = arith.constant 0 : i32
        %dma_wait3A_158 = arith.constant 0 : i32
        %dma_wait3A_159 = tpu.memref_slice %arg8[%dma_wait3A_147, %dma_wait3A_157, %dma_wait3A_158] : memref<2x80x128xf32, #tpu.memory_space<vmem>> -> memref<1x80x128xf32, #tpu.memory_space<vmem>>
        %dma_wait3A_160 = tpu.memref_squeeze %dma_wait3A_159 : memref<1x80x128xf32, #tpu.memory_space<vmem>> -> memref<80x128xf32, #tpu.memory_space<vmem>>
        %dma_wait3A_161 = arith.constant 0 : i32
        %dma_wait3A_162 = tpu.memref_slice %arg3[%multiple_of3A_146, %dma_wait3A_161] : memref<320000x128xf32, #tpu.memory_space<hbm>> -> memref<80x128xf32, #tpu.memory_space<hbm>>
        tpu.wait_dma2 semaphore(%dma_wait3A_156 : memref<!tpu.dma_semaphore, #tpu.memory_space<semaphore_mem>>) src(%dma_wait3A_162 : memref<80x128xf32, #tpu.memory_space<hbm>>) dst(%dma_wait3A_160 : memref<80x128xf32, #tpu.memory_space<vmem>>)
        %run_scoped3A = arith.constant 1 : i32
        %run_scoped3A_163 = arith.constant 1 : i32
        "tpu.region"() ({
          %run_scoped3A_171 = tpu.sem_alloc : memref<!tpu.dma_semaphore, #tpu.memory_space<semaphore_mem>>
          %dma_start3A_172 = arith.constant 0 : i32
          %dma_start3A_173 = arith.constant 0 : i32
          %dma_start3A_174 = tpu.memref_slice %arg8[%run_scoped3A, %dma_start3A_172, %dma_start3A_173] : memref<2x80x128xf32, #tpu.memory_space<vmem>> -> memref<1x80x128xf32, #tpu.memory_space<vmem>>
          %dma_start3A_175 = tpu.memref_squeeze %dma_start3A_174 : memref<1x80x128xf32, #tpu.memory_space<vmem>> -> memref<80x128xf32, #tpu.memory_space<vmem>>
          %dma_start3A_176 = arith.constant 0 : i32
          %dma_start3A_177 = tpu.memref_slice %arg7[%run_scoped3A_163, %dma_start3A_176] : memref<2x80xi32, #tpu.memory_space<vmem>> -> memref<1x80xi32, #tpu.memory_space<vmem>>
          %dma_start3A_178 = tpu.memref_squeeze %dma_start3A_177 : memref<1x80xi32, #tpu.memory_space<vmem>> -> memref<80xi32, #tpu.memory_space<vmem>>
          %dma_start3A_179 = arith.constant 0 : i32
          %dma_start3A_180 = arith.constant 0 : i32
          %dma_start3A_181 = tpu.memref_slice %arg6[%dma_start3A_179, %dma_start3A_180] : memref<10000x128xf32, #tpu.memory_space<vmem_shared>> -> memref<10000x128xf32, #tpu.memory_space<vmem_shared>>
          tpu.enqueue_indirect_dma source(%dma_start3A_175 : memref<80x128xf32, #tpu.memory_space<vmem>>) target(%dma_start3A_181 : memref<10000x128xf32, #tpu.memory_space<vmem_shared>>) offsets(%dma_start3A_178 : memref<80xi32, #tpu.memory_space<vmem>>) semaphore(%run_scoped3A_171 : memref<!tpu.dma_semaphore, #tpu.memory_space<semaphore_mem>>) {add = true}
          %dma_wait3A_182 = arith.constant 0 : i32
          %dma_wait3A_183 = arith.constant 0 : i32
          %dma_wait3A_184 = tpu.memref_slice %arg8[%run_scoped3A, %dma_wait3A_182, %dma_wait3A_183] : memref<2x80x128xf32, #tpu.memory_space<vmem>> -> memref<1x80x128xf32, #tpu.memory_space<vmem>>
          %dma_wait3A_185 = tpu.memref_squeeze %dma_wait3A_184 : memref<1x80x128xf32, #tpu.memory_space<vmem>> -> memref<80x128xf32, #tpu.memory_space<vmem>>
          %dma_wait3A_186 = arith.constant 0 : i32
          %dma_wait3A_187 = tpu.memref_slice %arg7[%run_scoped3A_163, %dma_wait3A_186] : memref<2x80xi32, #tpu.memory_space<vmem>> -> memref<1x80xi32, #tpu.memory_space<vmem>>
          %dma_wait3A_188 = tpu.memref_squeeze %dma_wait3A_187 : memref<1x80xi32, #tpu.memory_space<vmem>> -> memref<80xi32, #tpu.memory_space<vmem>>
          %dma_wait3A_189 = arith.constant 0 : i32
          %dma_wait3A_190 = arith.constant 0 : i32
          %dma_wait3A_191 = tpu.memref_slice %arg6[%dma_wait3A_189, %dma_wait3A_190] : memref<10000x128xf32, #tpu.memory_space<vmem_shared>> -> memref<10000x128xf32, #tpu.memory_space<vmem_shared>>
          tpu.wait_indirect_dma semaphore(%run_scoped3A_171 : memref<!tpu.dma_semaphore, #tpu.memory_space<semaphore_mem>>) src(%dma_wait3A_185 : memref<80x128xf32, #tpu.memory_space<vmem>>) dst(%dma_wait3A_191 : memref<10000x128xf32, #tpu.memory_space<vmem_shared>>)
          tpu.yield
        }) : () -> ()
        %add3A_164 = arith.constant 2 : i32
        %add3A_165 = arith.addi %add3A_112, %add3A_164 : i32
        %lt3A_166 = arith.constant 125 : i32
        %lt3A_167 = arith.cmpi slt, %add3A_165, %lt3A_166 : i32
        %convert_element_type3A_168 = arith.extui %lt3A_167 : i1 to i32
        %cond3A_169 = arith.constant 0 : i32
        %cond3A_170 = arith.cmpi ne, %convert_element_type3A_168, %cond3A_169 : i32
        scf.if %cond3A_170 {
          %add3A_171 = arith.constant 2 : i32
          %add3A_172 = arith.addi %add3A_112, %add3A_171 : i32
          %mul3A_173 = arith.constant 16 : i32
          %mul3A_174 = arith.muli %arg0, %mul3A_173 : i32
          %add3A_175 = arith.addi %mul3A_174, %arg1 : i32
          %mul3A_176 = arith.constant 10000 : i32
          %mul3A_177 = arith.muli %add3A_175, %mul3A_176 : i32
          %mul3A_178 = arith.constant 80 : i32
          %mul3A_179 = arith.muli %add3A_172, %mul3A_178 : i32
          %add3A_180 = arith.addi %mul3A_177, %mul3A_179 : i32
          %multiple_of3A_181 = tpu.assume_multiple %add3A_180, 80 : i32
          %dma_start3A_182 = arith.constant 1 : i32
          %dma_start3A_183 = arith.constant 1 : i32
          %dma_start3A_184 = arith.constant 0 : i32
          %dma_start3A_185 = tpu.memref_slice %arg7[%dma_start3A_182, %dma_start3A_184] : memref<2x80xi32, #tpu.memory_space<vmem>> -> memref<1x80xi32, #tpu.memory_space<vmem>>
          %dma_start3A_186 = tpu.memref_squeeze %dma_start3A_185 : memref<1x80xi32, #tpu.memory_space<vmem>> -> memref<80xi32, #tpu.memory_space<vmem>>
          %dma_start3A_187 = tpu.memref_slice %arg4[%multiple_of3A_181] : memref<320000xi32, #tpu.memory_space<hbm>> -> memref<80xi32, #tpu.memory_space<hbm>>
          %dma_start3A_188 = tpu.memref_slice %arg9[%dma_start3A_183] : memref<2x!tpu.dma_semaphore, #tpu.memory_space<semaphore_mem>> -> memref<1x!tpu.dma_semaphore, #tpu.memory_space<semaphore_mem>>
          %dma_start3A_189 = tpu.memref_squeeze %dma_start3A_188 : memref<1x!tpu.dma_semaphore, #tpu.memory_space<semaphore_mem>> -> memref<!tpu.dma_semaphore, #tpu.memory_space<semaphore_mem>>
          %dma_start3A_190 = arith.constant 0 : i32
          %dma_start3A_191 = tpu.memref_slice %arg7[%dma_start3A_182, %dma_start3A_190] : memref<2x80xi32, #tpu.memory_space<vmem>> -> memref<1x80xi32, #tpu.memory_space<vmem>>
          %dma_start3A_192 = tpu.memref_squeeze %dma_start3A_191 : memref<1x80xi32, #tpu.memory_space<vmem>> -> memref<80xi32, #tpu.memory_space<vmem>>
          %dma_start3A_193 = tpu.memref_slice %arg4[%multiple_of3A_181] : memref<320000xi32, #tpu.memory_space<hbm>> -> memref<80xi32, #tpu.memory_space<hbm>>
          tpu.enqueue_dma source(%dma_start3A_193 : memref<80xi32, #tpu.memory_space<hbm>>) target(%dma_start3A_192 : memref<80xi32, #tpu.memory_space<vmem>>) target_semaphore(%dma_start3A_189 : memref<!tpu.dma_semaphore, #tpu.memory_space<semaphore_mem>>)
          %mul3A_194 = arith.constant 16 : i32
          %mul3A_195 = arith.muli %arg0, %mul3A_194 : i32
          %add3A_196 = arith.addi %mul3A_195, %arg1 : i32
          %mul3A_197 = arith.constant 10000 : i32
          %mul3A_198 = arith.muli %add3A_196, %mul3A_197 : i32
          %mul3A_199 = arith.constant 80 : i32
          %mul3A_200 = arith.muli %add3A_172, %mul3A_199 : i32
          %add3A_201 = arith.addi %mul3A_198, %mul3A_200 : i32
          %multiple_of3A_202 = tpu.assume_multiple %add3A_201, 80 : i32
          %dma_start3A_203 = arith.constant 1 : i32
          %dma_start3A_204 = arith.constant 1 : i32
          %dma_start3A_205 = arith.constant 0 : i32
          %dma_start3A_206 = arith.constant 0 : i32
          %dma_start3A_207 = tpu.memref_slice %arg8[%dma_start3A_203, %dma_start3A_205, %dma_start3A_206] : memref<2x80x128xf32, #tpu.memory_space<vmem>> -> memref<1x80x128xf32, #tpu.memory_space<vmem>>
          %dma_start3A_208 = tpu.memref_squeeze %dma_start3A_207 : memref<1x80x128xf32, #tpu.memory_space<vmem>> -> memref<80x128xf32, #tpu.memory_space<vmem>>
          %dma_start3A_209 = arith.constant 0 : i32
          %dma_start3A_210 = tpu.memref_slice %arg3[%multiple_of3A_202, %dma_start3A_209] : memref<320000x128xf32, #tpu.memory_space<hbm>> -> memref<80x128xf32, #tpu.memory_space<hbm>>
          %dma_start3A_211 = tpu.memref_slice %arg10[%dma_start3A_204] : memref<2x!tpu.dma_semaphore, #tpu.memory_space<semaphore_mem>> -> memref<1x!tpu.dma_semaphore, #tpu.memory_space<semaphore_mem>>
          %dma_start3A_212 = tpu.memref_squeeze %dma_start3A_211 : memref<1x!tpu.dma_semaphore, #tpu.memory_space<semaphore_mem>> -> memref<!tpu.dma_semaphore, #tpu.memory_space<semaphore_mem>>
          %dma_start3A_213 = arith.constant 0 : i32
          %dma_start3A_214 = arith.constant 0 : i32
          %dma_start3A_215 = tpu.memref_slice %arg8[%dma_start3A_203, %dma_start3A_213, %dma_start3A_214] : memref<2x80x128xf32, #tpu.memory_space<vmem>> -> memref<1x80x128xf32, #tpu.memory_space<vmem>>
          %dma_start3A_216 = tpu.memref_squeeze %dma_start3A_215 : memref<1x80x128xf32, #tpu.memory_space<vmem>> -> memref<80x128xf32, #tpu.memory_space<vmem>>
          %dma_start3A_217 = arith.constant 0 : i32
          %dma_start3A_218 = tpu.memref_slice %arg3[%multiple_of3A_202, %dma_start3A_217] : memref<320000x128xf32, #tpu.memory_space<hbm>> -> memref<80x128xf32, #tpu.memory_space<hbm>>
          tpu.enqueue_dma source(%dma_start3A_218 : memref<80x128xf32, #tpu.memory_space<hbm>>) target(%dma_start3A_216 : memref<80x128xf32, #tpu.memory_space<vmem>>) target_semaphore(%dma_start3A_212 : memref<!tpu.dma_semaphore, #tpu.memory_space<semaphore_mem>>)
        } else {
        }
      } else {
      }
    }
    %scan3A_89 = arith.constant 63 : i32
    %barrier3A_90 = arith.constant 0 : index
    tpu.barrier barrier_id(%barrier3A_90)
    %eq3A_91 = arith.constant 0 : i32
    %eq3A_92 = arith.cmpi eq, %arg1, %eq3A_91 : i32
    %convert_element_type3A_93 = arith.extui %eq3A_92 : i1 to i32
    %cond3A_94 = arith.constant 0 : i32
    %cond3A_95 = arith.cmpi ne, %convert_element_type3A_93, %cond3A_94 : i32
    scf.if %cond3A_95 {
      "tpu.region"() ({
        %run_scoped3A = tpu.sem_alloc : memref<!tpu.dma_semaphore, #tpu.memory_space<semaphore_mem>>
        %dma_start3A_96 = arith.constant 0 : i32
        %dma_start3A_97 = arith.constant 0 : i32
        %dma_start3A_98 = tpu.memref_slice %arg5[%arg0, %dma_start3A_96, %dma_start3A_97] : memref<2x10000x128xf32, #tpu.memory_space<hbm>> -> memref<1x10000x128xf32, #tpu.memory_space<hbm>>
        %dma_start3A_99 = tpu.memref_squeeze %dma_start3A_98 : memref<1x10000x128xf32, #tpu.memory_space<hbm>> -> memref<10000x128xf32, #tpu.memory_space<hbm>>
        tpu.enqueue_dma source(%arg6 : memref<10000x128xf32, #tpu.memory_space<vmem_shared>>) target(%dma_start3A_99 : memref<10000x128xf32, #tpu.memory_space<hbm>>) target_semaphore(%run_scoped3A : memref<!tpu.dma_semaphore, #tpu.memory_space<semaphore_mem>>)
        %dma_wait3A = arith.constant 0 : i32
        %dma_wait3A_100 = arith.constant 0 : i32
        %dma_wait3A_101 = tpu.memref_slice %arg5[%arg0, %dma_wait3A, %dma_wait3A_100] : memref<2x10000x128xf32, #tpu.memory_space<hbm>> -> memref<1x10000x128xf32, #tpu.memory_space<hbm>>
        %dma_wait3A_102 = tpu.memref_squeeze %dma_wait3A_101 : memref<1x10000x128xf32, #tpu.memory_space<hbm>> -> memref<10000x128xf32, #tpu.memory_space<hbm>>
        tpu.wait_dma2 semaphore(%run_scoped3A : memref<!tpu.dma_semaphore, #tpu.memory_space<semaphore_mem>>) src(%arg6 : memref<10000x128xf32, #tpu.memory_space<vmem_shared>>) dst(%dma_wait3A_102 : memref<10000x128xf32, #tpu.memory_space<hbm>>)
        tpu.yield
      }) : () -> ()
    } else {
    }
    return
  }
}

module attributes {stable_mosaic.version = 14 : i64} {
  func.func @_edge_mlp_body(%arg0: i32, %arg1: memref<2000x20xf32, #tpu.memory_space<vmem>>, %arg2: memref<2000x128xf32, #tpu.memory_space<vmem>>, %arg3: memref<2000x16xf32, #tpu.memory_space<vmem>>, %arg4: memref<20x128xf32, #tpu.memory_space<vmem>>, %arg5: memref<1x128xf32, #tpu.memory_space<vmem>>, %arg6: memref<128x384xf32, #tpu.memory_space<vmem>>, %arg7: memref<1x384xf32, #tpu.memory_space<vmem>>, %arg8: memref<128x128xf32, #tpu.memory_space<vmem>>, %arg9: memref<1x128xf32, #tpu.memory_space<vmem>>, %arg10: memref<128x384xf32, #tpu.memory_space<vmem>>, %arg11: memref<1x384xf32, #tpu.memory_space<vmem>>, %arg12: memref<2000x128xf32, #tpu.memory_space<vmem>>, %arg13: memref<4x2000x80xf32, #tpu.memory_space<vmem>>) attributes {dimension_semantics = [#tpu.dimension_semantics<arbitrary>], iteration_bounds = array<i64: 160>, scalar_prefetch = 0 : i64, scratch_operands = 0 : i64, tpu.core_type = #tpu.core_type<tc>, window_params = [{transform_indices = @transform_0, window_bounds = array<i64: 2000, 20>}, {transform_indices = @transform_1, window_bounds = array<i64: 2000, 128>}, {transform_indices = @transform_2, window_bounds = array<i64: 2000, 16>}, {pipeline_mode = #tpu.pipeline_mode<synchronous>, transform_indices = @transform_3, window_bounds = array<i64: 20, 128>}, {pipeline_mode = #tpu.pipeline_mode<synchronous>, transform_indices = @transform_4, window_bounds = array<i64: 1, 128>}, {pipeline_mode = #tpu.pipeline_mode<synchronous>, transform_indices = @transform_5, window_bounds = array<i64: 128, 384>}, {pipeline_mode = #tpu.pipeline_mode<synchronous>, transform_indices = @transform_6, window_bounds = array<i64: 1, 384>}, {pipeline_mode = #tpu.pipeline_mode<synchronous>, transform_indices = @transform_7, window_bounds = array<i64: 128, 128>}, {pipeline_mode = #tpu.pipeline_mode<synchronous>, transform_indices = @transform_8, window_bounds = array<i64: 1, 128>}, {pipeline_mode = #tpu.pipeline_mode<synchronous>, transform_indices = @transform_9, window_bounds = array<i64: 128, 384>}, {pipeline_mode = #tpu.pipeline_mode<synchronous>, transform_indices = @transform_10, window_bounds = array<i64: 1, 384>}, {transform_indices = @transform_11, window_bounds = array<i64: 2000, 128>}, {transform_indices = @transform_12, window_bounds = array<i64: 4, 2000, 80>}]} {
    %get3A = arith.constant 0 : index
    %get3A_0 = arith.constant 0 : index
    %get3A_1 = vector.load %arg1[%get3A, %get3A_0] : memref<2000x20xf32, #tpu.memory_space<vmem>>, vector<2000x20xf32>
    %convert_element_type3A = arith.truncf %get3A_1 : vector<2000x20xf32> to vector<2000x20xbf16>
    %get3A_2 = arith.constant 0 : index
    %get3A_3 = arith.constant 0 : index
    %get3A_4 = vector.load %arg4[%get3A_2, %get3A_3] : memref<20x128xf32, #tpu.memory_space<vmem>>, vector<20x128xf32>
    %convert_element_type3A_5 = arith.truncf %get3A_4 : vector<20x128xf32> to vector<20x128xbf16>
    %dot_general3A = arith.constant dense<0.000000e+00> : vector<2000x128xf32>
    %dot_general3A_6 = tpu.matmul %convert_element_type3A, %convert_element_type3A_5, %dot_general3A {dimension_numbers = #tpu.dot_dimension_numbers<[1], [0], [0], [1], [0, 0, 1, 1], [], []>, transpose_lhs_hint = false} : vector<2000x20xbf16>, vector<20x128xbf16>, vector<2000x128xf32> -> vector<2000x128xf32>
    %get3A_7 = arith.constant 0 : index
    %get3A_8 = arith.constant 0 : index
    %get3A_9 = vector.load %arg5[%get3A_7, %get3A_8] : memref<1x128xf32, #tpu.memory_space<vmem>>, vector<1x128xf32>
    %add3A = vector.broadcast %get3A_9 : vector<1x128xf32> to vector<2000x128xf32>
    %add3A_10 = arith.addf %dot_general3A_6, %add3A : vector<2000x128xf32>
    %logistic3A = arith.negf %add3A_10 : vector<2000x128xf32>
    %logistic3A_11 = math.exp %logistic3A : vector<2000x128xf32>
    %logistic3A_12 = arith.constant 1.000000e+00 : f32
    %logistic3A_13 = vector.broadcast %logistic3A_12 : f32 to vector<2000x128xf32>
    %logistic3A_14 = arith.addf %logistic3A_13, %logistic3A_11 : vector<2000x128xf32>
    %logistic3A_15 = arith.divf %logistic3A_13, %logistic3A_14 : vector<2000x128xf32>
    %mul3A = arith.mulf %add3A_10, %logistic3A_15 : vector<2000x128xf32>
    %convert_element_type3A_16 = arith.truncf %mul3A : vector<2000x128xf32> to vector<2000x128xbf16>
    %get3A_17 = arith.constant 0 : index
    %get3A_18 = arith.constant 0 : index
    %get3A_19 = vector.load %arg6[%get3A_17, %get3A_18] : memref<128x384xf32, #tpu.memory_space<vmem>>, vector<128x384xf32>
    %convert_element_type3A_20 = arith.truncf %get3A_19 : vector<128x384xf32> to vector<128x384xbf16>
    %dot_general3A_21 = arith.constant dense<0.000000e+00> : vector<2000x384xf32>
    %dot_general3A_22 = tpu.matmul %convert_element_type3A_16, %convert_element_type3A_20, %dot_general3A_21 {dimension_numbers = #tpu.dot_dimension_numbers<[1], [0], [0], [1], [0, 0, 1, 1], [], []>, transpose_lhs_hint = false} : vector<2000x128xbf16>, vector<128x384xbf16>, vector<2000x384xf32> -> vector<2000x384xf32>
    %get3A_23 = arith.constant 0 : index
    %get3A_24 = arith.constant 0 : index
    %get3A_25 = vector.load %arg7[%get3A_23, %get3A_24] : memref<1x384xf32, #tpu.memory_space<vmem>>, vector<1x384xf32>
    %add3A_26 = vector.broadcast %get3A_25 : vector<1x384xf32> to vector<2000x384xf32>
    %add3A_27 = arith.addf %dot_general3A_22, %add3A_26 : vector<2000x384xf32>
    %get3A_28 = arith.constant 0 : index
    %get3A_29 = arith.constant 0 : index
    %get3A_30 = vector.load %arg2[%get3A_28, %get3A_29] : memref<2000x128xf32, #tpu.memory_space<vmem>>, vector<2000x128xf32>
    %convert_element_type3A_31 = arith.truncf %get3A_30 : vector<2000x128xf32> to vector<2000x128xbf16>
    %get3A_32 = arith.constant 0 : index
    %get3A_33 = arith.constant 0 : index
    %get3A_34 = vector.load %arg8[%get3A_32, %get3A_33] : memref<128x128xf32, #tpu.memory_space<vmem>>, vector<128x128xf32>
    %convert_element_type3A_35 = arith.truncf %get3A_34 : vector<128x128xf32> to vector<128x128xbf16>
    %dot_general3A_36 = arith.constant dense<0.000000e+00> : vector<2000x128xf32>
    %dot_general3A_37 = tpu.matmul %convert_element_type3A_31, %convert_element_type3A_35, %dot_general3A_36 {dimension_numbers = #tpu.dot_dimension_numbers<[1], [0], [0], [1], [0, 0, 1, 1], [], []>, transpose_lhs_hint = false} : vector<2000x128xbf16>, vector<128x128xbf16>, vector<2000x128xf32> -> vector<2000x128xf32>
    %get3A_38 = arith.constant 0 : index
    %get3A_39 = arith.constant 0 : index
    %get3A_40 = vector.load %arg9[%get3A_38, %get3A_39] : memref<1x128xf32, #tpu.memory_space<vmem>>, vector<1x128xf32>
    %add3A_41 = vector.broadcast %get3A_40 : vector<1x128xf32> to vector<2000x128xf32>
    %add3A_42 = arith.addf %dot_general3A_37, %add3A_41 : vector<2000x128xf32>
    %logistic3A_43 = arith.negf %add3A_42 : vector<2000x128xf32>
    %logistic3A_44 = math.exp %logistic3A_43 : vector<2000x128xf32>
    %logistic3A_45 = arith.constant 1.000000e+00 : f32
    %logistic3A_46 = vector.broadcast %logistic3A_45 : f32 to vector<2000x128xf32>
    %logistic3A_47 = arith.addf %logistic3A_46, %logistic3A_44 : vector<2000x128xf32>
    %logistic3A_48 = arith.divf %logistic3A_46, %logistic3A_47 : vector<2000x128xf32>
    %mul3A_49 = arith.mulf %add3A_42, %logistic3A_48 : vector<2000x128xf32>
    %convert_element_type3A_50 = arith.truncf %mul3A_49 : vector<2000x128xf32> to vector<2000x128xbf16>
    %get3A_51 = arith.constant 0 : index
    %get3A_52 = arith.constant 0 : index
    %get3A_53 = vector.load %arg10[%get3A_51, %get3A_52] : memref<128x384xf32, #tpu.memory_space<vmem>>, vector<128x384xf32>
    %convert_element_type3A_54 = arith.truncf %get3A_53 : vector<128x384xf32> to vector<128x384xbf16>
    %dot_general3A_55 = arith.constant dense<0.000000e+00> : vector<2000x384xf32>
    %dot_general3A_56 = tpu.matmul %convert_element_type3A_50, %convert_element_type3A_54, %dot_general3A_55 {dimension_numbers = #tpu.dot_dimension_numbers<[1], [0], [0], [1], [0, 0, 1, 1], [], []>, transpose_lhs_hint = false} : vector<2000x128xbf16>, vector<128x384xbf16>, vector<2000x384xf32> -> vector<2000x384xf32>
    %get3A_57 = arith.constant 0 : index
    %get3A_58 = arith.constant 0 : index
    %get3A_59 = vector.load %arg11[%get3A_57, %get3A_58] : memref<1x384xf32, #tpu.memory_space<vmem>>, vector<1x384xf32>
    %add3A_60 = vector.broadcast %get3A_59 : vector<1x384xf32> to vector<2000x384xf32>
    %add3A_61 = arith.addf %dot_general3A_56, %add3A_60 : vector<2000x384xf32>
    %mul3A_62 = arith.mulf %add3A_27, %add3A_61 : vector<2000x384xf32>
    %slice3A = vector.extract_strided_slice %mul3A_62 {offsets = [0, 0], sizes = [2000, 128], strides = [1, 1]} : vector<2000x384xf32> to vector<2000x128xf32>
    %slice3A_63 = vector.extract_strided_slice %mul3A_62 {offsets = [0, 128], sizes = [2000, 128], strides = [1, 1]} : vector<2000x384xf32> to vector<2000x128xf32>
    %slice3A_64 = vector.extract_strided_slice %mul3A_62 {offsets = [0, 256], sizes = [2000, 128], strides = [1, 1]} : vector<2000x384xf32> to vector<2000x128xf32>
    %swap3A = arith.constant 0 : index
    %swap3A_65 = arith.constant 0 : index
    %swap3A_66 = vector.load %arg12[%swap3A, %swap3A_65] : memref<2000x128xf32, #tpu.memory_space<vmem>>, vector<2000x128xf32>
    tpu.vector_store %arg12[%swap3A, %swap3A_65], %slice3A {strides = array<i32>} : memref<2000x128xf32, #tpu.memory_space<vmem>>, vector<2000x128xf32>,
    %slice3A_67 = vector.extract_strided_slice %slice3A_63 {offsets = [0, 0], sizes = [2000, 32], strides = [1, 1]} : vector<2000x128xf32> to vector<2000x32xf32>
    %slice3A_68 = vector.extract_strided_slice %slice3A_64 {offsets = [0, 0], sizes = [2000, 32], strides = [1, 1]} : vector<2000x128xf32> to vector<2000x32xf32>
    %get3A_69 = arith.constant 0 : index
    %get3A_70 = arith.constant 0 : index
    %get3A_71 = vector.load %arg3[%get3A_69, %get3A_70] : memref<2000x16xf32, #tpu.memory_space<vmem>>, vector<2000x16xf32>
    %concatenate3A = tpu.concatenate %slice3A_67, %slice3A_68, %get3A_71 in 1 : vector<2000x32xf32>, vector<2000x32xf32>, vector<2000x16xf32> -> vector<2000x80xf32>
    %swap3A_72 = arith.constant 0 : index
    %swap3A_73 = arith.constant 0 : index
    %swap3A_74 = arith.constant 0 : index
    %swap3A_75 = vector.load %arg13[%swap3A_72, %swap3A_73, %swap3A_74] : memref<4x2000x80xf32, #tpu.memory_space<vmem>>, vector<1x2000x80xf32>
    %swap3A_76 = vector.shape_cast %swap3A_75 : vector<1x2000x80xf32> to vector<2000x80xf32>
    %swap3A_77 = vector.shape_cast %concatenate3A : vector<2000x80xf32> to vector<1x2000x80xf32>
    tpu.vector_store %arg13[%swap3A_72, %swap3A_73, %swap3A_74], %swap3A_77 {strides = array<i32>} : memref<4x2000x80xf32, #tpu.memory_space<vmem>>, vector<1x2000x80xf32>,
    %slice3A_78 = vector.extract_strided_slice %slice3A_63 {offsets = [0, 32], sizes = [2000, 32], strides = [1, 1]} : vector<2000x128xf32> to vector<2000x32xf32>
    %slice3A_79 = vector.extract_strided_slice %slice3A_64 {offsets = [0, 32], sizes = [2000, 32], strides = [1, 1]} : vector<2000x128xf32> to vector<2000x32xf32>
    %get3A_80 = arith.constant 0 : index
    %get3A_81 = arith.constant 0 : index
    %get3A_82 = vector.load %arg3[%get3A_80, %get3A_81] : memref<2000x16xf32, #tpu.memory_space<vmem>>, vector<2000x16xf32>
    %concatenate3A_83 = tpu.concatenate %slice3A_78, %slice3A_79, %get3A_82 in 1 : vector<2000x32xf32>, vector<2000x32xf32>, vector<2000x16xf32> -> vector<2000x80xf32>
    %swap3A_84 = arith.constant 1 : index
    %swap3A_85 = arith.constant 0 : index
    %swap3A_86 = arith.constant 0 : index
    %swap3A_87 = vector.load %arg13[%swap3A_84, %swap3A_85, %swap3A_86] : memref<4x2000x80xf32, #tpu.memory_space<vmem>>, vector<1x2000x80xf32>
    %swap3A_88 = vector.shape_cast %swap3A_87 : vector<1x2000x80xf32> to vector<2000x80xf32>
    %swap3A_89 = vector.shape_cast %concatenate3A_83 : vector<2000x80xf32> to vector<1x2000x80xf32>
    tpu.vector_store %arg13[%swap3A_84, %swap3A_85, %swap3A_86], %swap3A_89 {strides = array<i32>} : memref<4x2000x80xf32, #tpu.memory_space<vmem>>, vector<1x2000x80xf32>,
    %slice3A_90 = vector.extract_strided_slice %slice3A_63 {offsets = [0, 64], sizes = [2000, 32], strides = [1, 1]} : vector<2000x128xf32> to vector<2000x32xf32>
    %slice3A_91 = vector.extract_strided_slice %slice3A_64 {offsets = [0, 64], sizes = [2000, 32], strides = [1, 1]} : vector<2000x128xf32> to vector<2000x32xf32>
    %get3A_92 = arith.constant 0 : index
    %get3A_93 = arith.constant 0 : index
    %get3A_94 = vector.load %arg3[%get3A_92, %get3A_93] : memref<2000x16xf32, #tpu.memory_space<vmem>>, vector<2000x16xf32>
    %concatenate3A_95 = tpu.concatenate %slice3A_90, %slice3A_91, %get3A_94 in 1 : vector<2000x32xf32>, vector<2000x32xf32>, vector<2000x16xf32> -> vector<2000x80xf32>
    %swap3A_96 = arith.constant 2 : index
    %swap3A_97 = arith.constant 0 : index
    %swap3A_98 = arith.constant 0 : index
    %swap3A_99 = vector.load %arg13[%swap3A_96, %swap3A_97, %swap3A_98] : memref<4x2000x80xf32, #tpu.memory_space<vmem>>, vector<1x2000x80xf32>
    %swap3A_100 = vector.shape_cast %swap3A_99 : vector<1x2000x80xf32> to vector<2000x80xf32>
    %swap3A_101 = vector.shape_cast %concatenate3A_95 : vector<2000x80xf32> to vector<1x2000x80xf32>
    tpu.vector_store %arg13[%swap3A_96, %swap3A_97, %swap3A_98], %swap3A_101 {strides = array<i32>} : memref<4x2000x80xf32, #tpu.memory_space<vmem>>, vector<1x2000x80xf32>,
    %slice3A_102 = vector.extract_strided_slice %slice3A_63 {offsets = [0, 96], sizes = [2000, 32], strides = [1, 1]} : vector<2000x128xf32> to vector<2000x32xf32>
    %slice3A_103 = vector.extract_strided_slice %slice3A_64 {offsets = [0, 96], sizes = [2000, 32], strides = [1, 1]} : vector<2000x128xf32> to vector<2000x32xf32>
    %get3A_104 = arith.constant 0 : index
    %get3A_105 = arith.constant 0 : index
    %get3A_106 = vector.load %arg3[%get3A_104, %get3A_105] : memref<2000x16xf32, #tpu.memory_space<vmem>>, vector<2000x16xf32>
    %concatenate3A_107 = tpu.concatenate %slice3A_102, %slice3A_103, %get3A_106 in 1 : vector<2000x32xf32>, vector<2000x32xf32>, vector<2000x16xf32> -> vector<2000x80xf32>
    %swap3A_108 = arith.constant 3 : index
    %swap3A_109 = arith.constant 0 : index
    %swap3A_110 = arith.constant 0 : index
    %swap3A_111 = vector.load %arg13[%swap3A_108, %swap3A_109, %swap3A_110] : memref<4x2000x80xf32, #tpu.memory_space<vmem>>, vector<1x2000x80xf32>
    %swap3A_112 = vector.shape_cast %swap3A_111 : vector<1x2000x80xf32> to vector<2000x80xf32>
    %swap3A_113 = vector.shape_cast %concatenate3A_107 : vector<2000x80xf32> to vector<1x2000x80xf32>
    tpu.vector_store %arg13[%swap3A_108, %swap3A_109, %swap3A_110], %swap3A_113 {strides = array<i32>} : memref<4x2000x80xf32, #tpu.memory_space<vmem>>, vector<1x2000x80xf32>,
    return
  }
  func.func @transform_0(%arg0: i32) -> (i32, i32) {
    %c0_i32 = arith.constant 0 : i32
    %c0_i32_0 = arith.constant 0 : i32
    return %arg0, %c0_i32 : i32, i32
  }
  func.func @transform_1(%arg0: i32) -> (i32, i32) {
    %c0_i32 = arith.constant 0 : i32
    %c0_i32_0 = arith.constant 0 : i32
    return %arg0, %c0_i32 : i32, i32
  }
  func.func @transform_2(%arg0: i32) -> (i32, i32) {
    %c0_i32 = arith.constant 0 : i32
    %c0_i32_0 = arith.constant 0 : i32
    return %arg0, %c0_i32 : i32, i32
  }
  func.func @transform_3(%arg0: i32) -> (i32, i32) {
    %c0_i32 = arith.constant 0 : i32
    %c0_i32_0 = arith.constant 0 : i32
    %c0_i32_1 = arith.constant 0 : i32
    return %c0_i32, %c0_i32_0 : i32, i32
  }
  func.func @transform_4(%arg0: i32) -> (i32, i32) {
    %c0_i32 = arith.constant 0 : i32
    %c0_i32_0 = arith.constant 0 : i32
    %c0_i32_1 = arith.constant 0 : i32
    return %c0_i32, %c0_i32_0 : i32, i32
  }
  func.func @transform_5(%arg0: i32) -> (i32, i32) {
    %c0_i32 = arith.constant 0 : i32
    %c0_i32_0 = arith.constant 0 : i32
    %c0_i32_1 = arith.constant 0 : i32
    return %c0_i32, %c0_i32_0 : i32, i32
  }
  func.func @transform_6(%arg0: i32) -> (i32, i32) {
    %c0_i32 = arith.constant 0 : i32
    %c0_i32_0 = arith.constant 0 : i32
    %c0_i32_1 = arith.constant 0 : i32
    return %c0_i32, %c0_i32_0 : i32, i32
  }
  func.func @transform_7(%arg0: i32) -> (i32, i32) {
    %c0_i32 = arith.constant 0 : i32
    %c0_i32_0 = arith.constant 0 : i32
    %c0_i32_1 = arith.constant 0 : i32
    return %c0_i32, %c0_i32_0 : i32, i32
  }
  func.func @transform_8(%arg0: i32) -> (i32, i32) {
    %c0_i32 = arith.constant 0 : i32
    %c0_i32_0 = arith.constant 0 : i32
    %c0_i32_1 = arith.constant 0 : i32
    return %c0_i32, %c0_i32_0 : i32, i32
  }
  func.func @transform_9(%arg0: i32) -> (i32, i32) {
    %c0_i32 = arith.constant 0 : i32
    %c0_i32_0 = arith.constant 0 : i32
    %c0_i32_1 = arith.constant 0 : i32
    return %c0_i32, %c0_i32_0 : i32, i32
  }
  func.func @transform_10(%arg0: i32) -> (i32, i32) {
    %c0_i32 = arith.constant 0 : i32
    %c0_i32_0 = arith.constant 0 : i32
    %c0_i32_1 = arith.constant 0 : i32
    return %c0_i32, %c0_i32_0 : i32, i32
  }
  func.func @transform_11(%arg0: i32) -> (i32, i32) {
    %c0_i32 = arith.constant 0 : i32
    %c0_i32_0 = arith.constant 0 : i32
    return %arg0, %c0_i32 : i32, i32
  }
  func.func @transform_12(%arg0: i32) -> (i32, i32, i32) {
    %c0_i32 = arith.constant 0 : i32
    %c0_i32_0 = arith.constant 0 : i32
    %c0_i32_1 = arith.constant 0 : i32
    return %c0_i32, %arg0, %c0_i32_0 : i32, i32, i32
  }
}

</mosaic_0001>

<sc_bundles>
// kernel: kernel.12.cloned.1.call-start
scs
__scs_entry_jumppad:
0x0: {  	(pc) =	sbr.rel $0x88, $3  }
0x1: {  	(tag) =	ssettag $0x0;
	lr =	simm.s32 $0x1  }
0x2: {  	[smem:$0x3F94] =	sst lr;
	_ =	strace $0xD0000000  }
0x3: {  	_ = 	snop  }
0x4: {  	_ = 	snop  }
0x5: {  	_ = 	snop  }
0x6: {  	_ = 	snop  }
0x7: {  	_ = 	snop  }
__scs_overlays_trampoline_lowered:
0x8: {  	[smem:$0x3FA3] =	sst s0  }
0x9: {  	[smem:$0x3FA4] =	sst s1  }
0xa: {  	[smem:$0x3FA5] =	sst s2  }
0xb: {  	[smem:$0x3FA6] =	sst s3  }
0xc: {  	[smem:$0x3FA7] =	sst s4  }
0xd: {  	[smem:$0x3FA8] =	sst s5  }
0xe: {  	[smem:$0x3FA9] =	sst s6  }
0xf: {  	[smem:$0x3FAA] =	sst s7  }
0x10: {  	[smem:$0x3FAB] =	sst s8  }
0x11: {  	[smem:$0x3FAC] =	sst s9;
	s0 =	simm.s32 @!p0 $0x0  }
0x12: {  	s1 =	sld [smem:$0x3F92];
	s0 =	simm.s32 @p0 $0x1  }
0x13: {  	[smem:$0x3FAD] =	sst s0;
	s0 =	simm.s32 @!p1 $0x0  }
0x14: {  	s2 =	sld [smem:$0x3F91];
	s0 =	simm.s32 @p1 $0x1  }
0x15: {  	[smem:$0x3FAE] =	sst s0;
	s0 =	simm.s32 @!p2 $0x0  }
0x16: {  	s3 =	sld [smem:$0x3FDB];
	s0 =	simm.s32 @p2 $0x1  }
0x17: {  	s4 =	simm.s32 $0x1BF5;
	[smem:$0x3FB0] =	sst s0  }
0x18: {  	s0 =	sld [smem:$0x3F93];
	_ =	swait.ge [sflag:s4], $0x0  }
0x19: {  	s7 =	sld [smem:$0x3F94]  }
0x1a: {  	s8 =	sadd.s32 $0xFFFFE003, lr  }
0x1b: {  	s9 =	sadd.s32 $0xFFFFFEF7, lr;
	s5 =	simm.s32 $0xFFFFFFFF;
	p2 =	slt.u32 s8, $0xFFFFF086  }
0x1c: {  	p1 =	slt.u32 s9, $0xF7A;
	s5 =	simm.s32 @!p2 $0x0  }
0x1d: {  	s5 =	simm.s32 @p1 $0x1;
	p0 =	seq.s32 s7, s2  }
0x1e: {  	s7 =	smul.u32 @!p0 $0xF7A, s2;
	p2 =	seq.s32 @!p0 s5, $0x0  }
0x1f: {  	s9 =	smul.u32 $0xF7A, s1;
	s8 =	simm.s32 @!p0 $0x1BF5;
	p2 =	por !p2, p0  }
0x20: {  	[sflag:s8] =	ssyncset.s32 @!p0 $0xFFFFF086;
	s6 =	sadd.s32 @!p0 s3, s7;
	s7 =	simm.s32 @!p0 $0x108  }
0x21: {  	s3 =	sadd.s32 s3, s9;
	s6 =	sadd.s32 @!p0 $0x88, s6;
	s7 =	simm.s32 @p2 $0x1082  }
0x22: {  	[simem:s7], [sflag:s8] =	dma.local @!p0 [hbm:s6], $0xF7A  }
0x23: {  	s9 =	sor.u32 $0xD0000000, s2;
	s6 =	simm.s32 $0x108;
	_ =	swait.ge @!p0 [sflag:s8], $0x0  }
0x24: {  	s3 =	sadd.s32 $0x88, s3;
	s6 =	simm.s32 @!p1 $0x1082;
	[sflag:s4] =	ssyncset.s32 $0xFFFFF086  }
0x25: {  	[simem:s6], [sflag:s4] =	dma.local [hbm:s3], $0xF7A  }
0x26: {  	[smem:$0x3F94] =	sst s1;
	(tag) =	ssettag s2;
	_ =	strace s9  }
0x27: {  	s1 =	sld [smem:$0x3FA4]  }
0x28: {  	s2 =	sld [smem:$0x3FA5]  }
0x29: {  	s4 =	sld [smem:$0x3FA7]  }
0x2a: {  	p0 =	seq.s32 s5, $0x0;
	s5 =	sld [smem:$0x3FA8]  }
0x2b: {  	s6 =	sld [smem:$0x3FA9]  }
0x2c: {  	s7 =	sld [smem:$0x3FAA]  }
0x2d: {  	s3 =	simm.s32 $0x108;
	s8 =	sld [smem:$0x3FAB]  }
0x2e: {  	s3 =	simm.s32 @!p0 $0x1082;
	s9 =	sld [smem:$0x3FAC]  }
0x2f: {  	lr =	sadd.s32 s0, s3;
	s0 =	sld [smem:$0x3FA3]  }
0x30: {  	s3 =	sld [smem:$0x3FA6]  }
0x31: {  	[smem:$0x3FAF] =	sst s10  }
0x32: {  	s10 =	sld [smem:$0x3FAD];
	_ =	sdelay $0x3  }
0x33: {  	p0 =	seq.s32 s10, $0x1;
	s10 =	sld [smem:$0x3FAF];
	_ =	sdelay $0x3  }
0x34: {  	[smem:$0x3FAF] =	sst s10  }
0x35: {  	s10 =	sld [smem:$0x3FAE];
	_ =	sdelay $0x3  }
0x36: {  	p1 =	seq.s32 s10, $0x1;
	s10 =	sld [smem:$0x3FAF];
	_ =	sdelay $0x3  }
0x37: {  	[smem:$0x3FAF] =	sst s10  }
0x38: {  	s10 =	sld [smem:$0x3FB0]  }
0x39: {  	_ = 	snop;
	(pc) =	sbr.ind lr, $3  }
0x3a: {  	_ = 	snop  }
0x3b: {  	_ = 	snop  }
0x3c: {  	p2 =	seq.s32 s10, $0x1;
	s10 =	sld [smem:$0x3FAF]  }
0x3d: {  	_ =	shalt  }
0x3e: {  	_ =	shalt  }
0x3f: {  	_ =	shalt  }
0x40: {  	_ =	shalt  }
0x41: {  	_ =	shalt  }
0x42: {  	_ =	shalt  }
0x43: {  	_ =	shalt  }
0x44: {  	_ =	shalt  }
0x45: {  	_ =	shalt  }
0x46: {  	_ =	shalt  }
0x47: {  	_ =	shalt  }
0x48: {  	_ =	shalt  }
0x49: {  	_ =	shalt  }
0x4a: {  	_ =	shalt  }
0x4b: {  	_ =	shalt  }
0x4c: {  	_ =	shalt  }
0x4d: {  	_ =	shalt  }
0x4e: {  	_ =	shalt  }
0x4f: {  	_ =	shalt  }
0x50: {  	_ =	shalt  }
0x51: {  	_ =	shalt  }
0x52: {  	_ =	shalt  }
0x53: {  	_ =	shalt  }
0x54: {  	_ =	shalt  }
0x55: {  	_ =	shalt  }
0x56: {  	_ =	shalt  }
0x57: {  	_ =	shalt  }
0x58: {  	_ =	shalt  }
0x59: {  	_ =	shalt  }
0x5a: {  	_ =	shalt  }
0x5b: {  	_ =	shalt  }
0x5c: {  	_ =	shalt  }
0x5d: {  	_ =	shalt  }
0x5e: {  	_ =	shalt  }
0x5f: {  	_ =	shalt  }
0x60: {  	_ =	shalt  }
0x61: {  	_ =	shalt  }
0x62: {  	_ =	shalt  }
0x63: {  	_ =	shalt  }
0x64: {  	_ =	shalt  }
0x65: {  	_ =	shalt  }
0x66: {  	_ =	shalt  }
0x67: {  	_ =	shalt  }
0x68: {  	_ =	shalt  }
0x69: {  	_ =	shalt  }
0x6a: {  	_ =	shalt  }
0x6b: {  	_ =	shalt  }
0x6c: {  	_ =	shalt  }
0x6d: {  	_ =	shalt  }
0x6e: {  	_ =	shalt  }
0x6f: {  	_ =	shalt  }
0x70: {  	_ =	shalt  }
0x71: {  	_ =	shalt  }
0x72: {  	_ =	shalt  }
0x73: {  	_ =	shalt  }
0x74: {  	_ =	shalt  }
0x75: {  	_ =	shalt  }
0x76: {  	_ =	shalt  }
0x77: {  	_ =	shalt  }
0x78: {  	_ =	shalt  }
0x79: {  	_ =	shalt  }
0x7a: {  	_ =	shalt  }
0x7b: {  	_ =	shalt  }
0x7c: {  	_ =	shalt  }
0x7d: {  	_ =	shalt  }
0x7e: {  	_ =	shalt  }
0x7f: {  	_ =	shalt  }
0x80: {  	_ =	shalt  }
0x81: {  	_ =	shalt  }
0x82: {  	_ =	shalt  }
0x83: {  	_ =	shalt  }
0x84: {  	_ =	shalt  }
0x85: {  	_ =	shalt  }
0x86: {  	_ =	shalt  }
0x87: {  	_ =	shalt  }
.Lfunc_end0:
.L_simem_size_0:
called_computation.2_lowered:
.L_overlay_start_0:
0x88: {  	s2 =	sld [smem:$0x3FD9]  }
0x89: {  	s3 =	sld [smem:$0x3FFE];
	_ =	sdelay $0x1  }
0x8a: {  	s1 =	srdreg.scid  }
0x8b: {  	s0 =	sand.u32 $0x1, s1  }
0x8c: {  	s14 =	sshll.u32 s0, $0xA;
	s2 =	sadd.s32 s3, s2  }
0x8d: {  	s2 =	sadd.s32 s2, s14  }
0x8e: {  	[smem:$0x3FBB] =	sst s2  }
0x8f: {  	_ = 	snop  }
0x90: {  	s2 =	sld [smem:$0x3FD0];
	_ =	sdelay $0x2  }
0x91: {  	s15 =	simm.s32 $0xB;
	s4 =	simm.s32 $0x10  }
0x92: {  	[smem:s4], [sflag:s15] =	dma.local [hbm:s2], $0x1  }
0x93: {  	_ =	swait.eq [sflag:s15], $0x1  }
0x94: {  	[sflag:s15] =	ssyncset.done $0x0  }
0x95: {  	[sflag:s15] =	ssyncadd.s32 $0xFFFFFFFF  }
0x96: {  	s16 =	sld [smem:$0x10];
	(tm) =	ssettm $0x1  }
0x97: {  	s17 =	sld [smem:$0x3FFB];
	_ =	sdelay $0x3  }
0x98: {  	_ =	strace s17  }
0x99: {  	s3 =	sld [smem:$0x3FFC];
	_ =	sdelay $0x3  }
0x9a: {  	_ =	strace s3  }
0x9b: {  	s3 =	sld [smem:$0x3FFD];
	_ =	sdelay $0x3  }
0x9c: {  	_ =	strace s3  }
0x9d: {  	_ =	strace $0x8FFFFFFF  }
0x9e: {  	s18 =	sld [smem:$0x3FDB];
	_ =	sdelay $0x1  }
0x9f: {  	s19 =	simm.s32 $_scs_section_size  }
0xa0: {  	s5 =	simm.s32 $_size__tile_overlayer_lowered;
	s6 =	simm.s32 $_tile_overlayer_lowered  }
0xa1: {  	s22 =	simm.s32 $0x1BFF;
	s21 =	sshll.u32 s6, $0x1;
	s3 =	sadd.s32 s19, s18  }
0xa2: {  	s7 =	simm.s32 $0x0;
	s20 =	sshll.u32 s5, $0x1;
	s5 =	sadd.s32 s21, s3  }
0xa3: {  	[timem:s7], [sflag:s22] =	dma.local [hbm:s5], s20  }
0xa4: {  	_ =	swait.ge [sflag:s22], s20  }
0xa5: {  	s4 =	ssub.s32 $0x0, s20;
	[sflag:s22] =	ssyncset.done $0x0  }
0xa6: {  	[sflag:s22] =	ssyncadd.s32 s4;
	_ =	sdelay $0x1  }
0xa7: {  	s23 =	simm.s32 $0x1B8B  }
0xa8: {  	_ =	swait.ge [sflag:s23], $0x1  }
0xa9: {  	[sflag:s23] =	ssyncset.done $0x0  }
0xaa: {  	s25 =	simm.s32 $0x1B8E;
	s24 =	sld [smem:$0x3FFE];
	[sflag:s23] =	ssyncadd.s32 $0xFFFFFFFF  }
0xab: {  	s26 =	simm.s32 $execute0_lowered;
	[smem:$0x3FD2] =	sst s25  }
0xac: {  	s5 =	sshll.u32 s26, $0x1;
	_ =	strace $0x80000049;
	[dreg:$0x1] =	wrdreg $0xFFFFFFFF  }
0xad: {  	s28 =	simm.s32 $_size_execute0_lowered;
	s3 =	sadd.s32 s3, s5;
	[dreg:$0x0] =	wrdreg $0x0  }
0xae: {  	s5 =	sshll.u32 s28, $0x1;
	[dreg:$0x2] =	wrdreg s3  }
0xaf: {  	[dreg:$0x3] =	wrdreg s5  }
0xb0: {  	[dreg:$0x4] =	wrdreg $0xC0  }
0xb1: {  	_ =	task [dreg:s7], $0x5FFFF  }
0xb2: {  	[dreg:$0x1] =	wrdreg $0xFFFFFFFF  }
0xb3: {  	[dreg:$0x0] =	wrdreg $0x60  }
0xb4: {  	[dreg:$0x2] =	wrdreg s24  }
0xb5: {  	[dreg:$0x3] =	wrdreg s16  }
0xb6: {  	[dreg:$0x4] =	wrdreg $0x0  }
0xb7: {  	[dreg:$0x5] =	wrdreg $0xA  }
0xb8: {  	_ =	task.clear_ibuf [dreg:s7], $0x6FFFF;
	_ =	strace $0x90000049  }
0xb9: {  	s29 =	simm.s32 $0xA;
	_ =	strace $0x8000004B  }
0xba: {  	_ =	swait.ge [sflag:s29], $0x1  }
0xbb: {  	[sflag:s29] =	ssyncadd.s32 $0xFFFFFFFF  }
0xbc: {  	_ =	strace $0x9000004B  }
0xbd: {  	_ =	sfence  }
0xbe: {  	s30 =	sld [smem:$0x0];
	_ =	sdelay $0x2  }
0xbf: {  	s31 =	sshll.u32 s1, $0xD;
	s1 =	sshrl.u32 s1, $0x2  }
0xc0: {  	s3 =	sand.u32 $0x4000, s31;
	s1 =	sadd.s32 s1, s30  }
0xc1: {  	s0 =	sor.u32 s3, s0;
	s1 =	sshll.u32 s1, $0x11  }
0xc2: {  	s0 =	sor.u32 s1, s0  }
0xc3: {  	s0 =	sadd.s32 $0x8F2B, s0  }
0xc4: {  	[sflag:s0] =	ssyncadd.remote.s32 $0x1  }
0xc5: {  	_ =	sfence.sel $0xFFFF  }
0xc6: {  	[dreg:$0x0] =	wrdreg $0xFFFFFFFF;
	(pc) =	sbr.abs _section_cstart, $3  }
0xc7: {  	[dreg:$0x1] =	wrdreg $0xFFFFFFFF  }
0xc8: {  	_ =	task.clear_ibuf [dreg:s7], $0x2FFFF;
	_ =	strace $0x9FFFFFFF  }
0xc9: {  	(tm) =	ssettm $0x7FFFFFFF  }
tec
execute0_lowered:
.L_overlay_start_1:
0x0: {  	(tag) =	ssettag $0x1  }
0x1: {  	s0 =	rddreg [dreg:$0x0]  }
0x2: {  	s1 =	rddreg [dreg:$0x1]  }
0x3: {  	s2 =	rddreg [dreg:$0x2]  }
0x4: {  	s3 =	simm.s32 $0x0;
	s4 =	srdreg.scid;
	s10 =	stileid.u32  }
0x5: {  	s29 =	simm.s32 $0x13900;
	s30 =	simm.s32 $0x13980;
	s31 =	simm.s32 $0x13A80  }
0x6: {  	[smem:$0x7FF] =	sst s3;
	s8 =	sand.u32 $0x1, s4;
	s4 =	sadd.s32 $0x58A200, s0  }
0x7: {  	s5 =	smul.u32 $0x4E20, s10;
	s6 =	sadd.s32 $0x140A200, s0;
	s7 =	sadd.s32 $0x1C00, s0  }
0x8: {  	s0 =	sadd.s32 $0xBA00, s0;
	p0 =	sne.s32 s10, $0x0;
	s9 =	smul.u32 $0x9C400, s8  }
0x9: {  	p1 =	seq.s32 s10, $0x0;
	s11 =	smul.u32 $0x4E200, s8;
	s12 =	ssub.s32 $0x2, s8  }
0xa: {  	_ =	strace $0x8000004A;
	s14 =	sshrl.u32 s12, $0x1;
	s24 =	sshrl.u32 s5, $0x3  }
0xb: {  	s17 =	sadd.s32 s5, s9;
	s9 =	smul.u32 $0x4E20000, s8;
	s22 =	sadd.s32 s4, s11  }
0xc: {  	s12 =	ssub.s32 s12, s14;
	s14 =	sadd.s32 s7, s24;
	[dreg:$0x6] =	wrdreg s22  }
0xd: {  	s8 =	sshllo.u32 s8, $0x1;
	s11 =	sadd.s32 s0, s11;
	[dreg:$0x8] =	wrdreg s14  }
0xe: {  	s13 =	sshrl.u32 s17, $0x3;
	s16 =	smul.u32 $0x27100, s8;
	[dreg:$0x4] =	wrdreg s17  }
0xf: {  	s28 =	smul.u32 $0x4E200, s8;
	s17 =	sadd.s32 $0xF0, s17;
	[dreg:$0xb] =	wrdreg s11  }
0x10: {  	s18 =	smul.u32 $0x2710000, s8;
	s20 =	smax.u32 s12, $0x1;
	s11 =	simm.s32 $0x50  }
0x11: {  	s12 =	simm.s32 $0x16280;
	s15 =	sadd.s32 s1, s13;
	[dreg:$0xa] =	wrdreg s17  }
0x12: {  	s13 =	smul.u32 $0x271000, s10;
	[dreg:$0xd] =	wrdreg s20;
	s17 =	simm.s32 $0x3  }
0x13: {  	s20 =	simm.s32 $0x8;
	[dreg:$0x5] =	wrdreg s15;
	s23 =	sadd.s32 $0xA, s15  }
0x14: {  	s10 =	simm.s32 $0x18A80;
	s19 =	sadd.s32 s4, s16;
	[dreg:$0x7] =	wrdreg s23  }
0x15: {  	s15 =	sadd.s32 $0x50, s5;
	s0 =	sadd.s32 s0, s16;
	[dreg:$0xc] =	wrdreg s19  }
0x16: {  	s21 =	sadd.s32 s5, s28;
	s25 =	sadd.s32 s13, s9;
	[dreg:$0xf] =	wrdreg s0  }
0x17: {  	s22 =	sshrl.u32 s21, $0x3;
	s23 =	sadd.s32 s13, s18;
	[dreg:$0xe] =	wrdreg s21  }
0x18: {  	s28 =	sadd.s32 $0xF0, s21;
	s19 =	simm.s32 $0x5;
	s13 =	simm.s32 $0x0  }
0x19: {  	s26 =	sshrl.u32 s25, $0x3;
	s24 =	sadd.s32 s1, s22;
	s25 =	sshrl.u32 s23, $0x3  }
.Ltmp0:
0x1a: {  	[dreg:$0x13] =	wrdreg s28;
	s22 =	simm.s32 $0x2;
	(pc) =	sbr.rel .LBB2_1-.Ltmp0, $4  }
0x1b: {  	s23 =	simm.s32 $0x4;
	s14 =	sadd.s32 s6, s26;
	[dreg:$0x10] =	wrdreg s24  }
0x1c: {  	s26 =	sadd.s32 $0xA, s24;
	s0 =	sadd.s32 s6, s25;
	[dreg:$0x9] =	wrdreg s14  }
0x1d: {  	s24 =	simm.s32 $0x13A00;
	s25 =	simm.s32 $0x7;
	[dreg:$0x11] =	wrdreg s26  }
0x1e: {  	v0 =	vimm.s32 $0x0;
	v1 =	vimm.s32 $0x1;
	v2 =	vimm.s32 $0x2;
	[dreg:$0x12] =	wrdreg s0;
	s0 =	simm.s32 $0x1;
	s14 =	simm.s32 $0x6  }
.LBB2_15:
0x1f: {  	[spmem:s2] =	stream.indirect.scatter.add.f32 [tilespmem:s10], [sflag:$0x8], $0x80, s24, s11, $0xb8;
	[tilespmem:$0x1B280] =	vst v63  }
0x20: {  	_ =	swait.ge [sflag:s20], $0x2800  }
0x21: {  	[sflag:s20] =	ssyncset.done $0x0  }
0x22: {  	[sflag:s20] =	ssyncadd.s32 $0xFFFFD800  }
0x23: {  	[bflag:$0x0] =	sbarrier.arrive $0xFFFF  }
0x24: {  	s13 =	rddreg [dreg:$0xf]  }
0x25: {  	s8 =	simm.s32 @!p0 $0x1C08;
	s16 =	rddreg [dreg:$0x15]  }
0x26: {  	[hbm:s13], [sflag:s8] =	dma.local @!p0 [spmem:s16], $0x27100  }
0x27: {  	s8 =	simm.s32 @!p0 $0x8  }
0x28: {  	_ =	swait.ge @!p0 [sflag:s8], $0x27100  }
0x29: {  	s26 =	rddreg [dreg:$0x14]  }
0x2a: {  	s28 =	rddreg [dreg:$0xd];
	s13 =	sadd.s32 $0x1, s26  }
0x2b: {  	p2 =	sne.s32 s13, s28  }
.Ltmp1:
0x2c: {  	_ = 	snop;
	(pc) =	sbr.rel @!p2 .LBB2_16-.Ltmp1, $3  }
0x2d: {  	[sflag:s8] =	ssyncset.done @!p0 $0x0  }
0x2e: {  	[sflag:s8] =	ssyncadd.s32 @!p0 $0xFFFD8F00  }
0x2f: {  	[bflag:$0x0] =	sbarrier.arrive $0xFFFF;
	_ =	sdelay $0x1  }
.LBB2_1:
0x30: {  	[dreg:$0x14] =	wrdreg s13  }
0x31: {  	s16 =	sshrl.u32 @!p0 s2, $0x3;
	s13 =	rddreg [dreg:$0x6]  }
0x32: {  	s8 =	simm.s32 @!p0 $0x1C08;
	[dreg:$0x15] =	wrdreg s16  }
0x33: {  	[spmem:s16], [sflag:s8] =	dma.local @!p0 [hbm:s13], $0x27100  }
0x34: {  	s8 =	simm.s32 @!p0 $0x8  }
0x35: {  	_ =	swait.ge @!p0 [sflag:s8], $0x27100  }
0x36: {  	[sflag:s8] =	ssyncset.done @!p0 $0x0  }
0x37: {  	[sflag:s8] =	ssyncadd.s32 @!p0 $0xFFFD8F00  }
0x38: {  	[bflag:$0x0] =	sbarrier.arrive $0xFFFF  }
0x39: {  	s16 =	simm.s32 $0x13880;
	s13 =	rddreg [dreg:$0x5]  }
0x3a: {  	[tilespmem:s16], [sflag:$0x1] =	stream.linear.gather [hbm4b:s13+s3], $0x50, $0x38;
	[tilespmem:$0x1B280] =	vst v63  }
0x3b: {  	s21 =	rddreg [dreg:$0x7]  }
0x3c: {  	[tilespmem:s29], [sflag:$0x2] =	stream.linear.gather [hbm4b:s21+s3], $0x50, $0x38;
	[tilespmem:$0x1B280] =	vst v63  }
0x3d: {  	s26 =	rddreg [dreg:$0x8]  }
0x3e: {  	[tilespmem:s30], [sflag:$0x3] =	stream.linear.gather [hbm4b:s26+s3], $0x50, $0x38;
	[tilespmem:$0x1B280] =	vst v63  }
0x3f: {  	s28 =	rddreg [dreg:$0x9]  }
0x40: {  	[tilespmem:s31], [sflag:$0x5] =	stream.linear.gather [hbm4b:s28+s3], $0x2800, $0x38;
	[tilespmem:$0x1B280] =	vst v63  }
0x41: {  	_ =	swait.ge [sflag:s0], $0x50  }
0x42: {  	[sflag:s0] =	ssyncset.done $0x0  }
0x43: {  	s13 =	simm.s32 $0x0;
	[sflag:s0] =	ssyncadd.s32 $0xFFFFFFB0  }
0x44: {  	[tilespmem:s12], [sflag:$0x6] =	stream.indirect.gather [hbm4b:s4+s11], $0x80, s16, s11, $0xb8;
	[tilespmem:$0x1B280] =	vst v63  }
.LBB2_2:
0x45: {  	_ =	swait.ge [sflag:s14], $0x2800  }
0x46: {  	[sflag:s14] =	ssyncset.done $0x0  }
0x47: {  	[sflag:s14] =	ssyncadd.s32 $0xFFFFD800  }
0x48: {  	_ =	swait.ge [sflag:s17], $0x50  }
0x49: {  	[sflag:s17] =	ssyncset.done $0x0  }
0x4a: {  	[sflag:s17] =	ssyncadd.s32 $0xFFFFFFB0  }
0x4b: {  	_ =	swait.ge [sflag:s19], $0x2800  }
0x4c: {  	[sflag:s19] =	ssyncset.done $0x0  }
0x4d: {  	s16 =	simm.s32 $0x0;
	[sflag:s19] =	ssyncadd.s32 $0xFFFFD800  }
0x4e: {  	v3 =	vld [tilespmem:s16+$0x13A80]  }
0x4f: {  	v8 =	vld [tilespmem:s16+$0x13AA0]  }
0x50: {  	v10 =	vld [tilespmem:s16+$0x13A90]  }
0x51: {  	v4 =	vld [tilespmem:s16+$0x13AC0]  }
0x52: {  	v5 =	vld [tilespmem:s16+$0x16280]  }
0x53: {  	v11 =	vld [tilespmem:s16+$0x13AB0]  }
0x54: {  	v7 =	vld [tilespmem:s16+$0x162A0]  }
0x55: {  	v9 =	vld [tilespmem:s16+$0x162C0]  }
0x56: {  	v12 =	vld [tilespmem:s16+$0x16290];
	v13 =	vperm.xlane v4, v0  }
0x57: {  	v14 =	vld [tilespmem:s16+$0x162B0];
	v15 =	vperm.xlane v4, v1;
	v5 =	vmul.f32 v5, v3  }
0x58: {  	s8 =	simm.s32 $0x80;
	v16 =	vld [tilespmem:s16+$0x162D0];
	v18 =	vperm.xlane v4, v2;
	v17 =	vmul.f32 v8, v13  }
0x59: {  	v6 =	vld [tilespmem:s8+$0x13A80];
	v19 =	vmul.f32 v7, v3;
	v20 =	vmul.f32 v8, v15  }
0x5a: {  	v4 =	vld [tilespmem:s8+$0x13AA0];
	v9 =	vmul.f32 v9, v3;
	v8 =	vmul.f32 v8, v18;
	v17 =	vadd.f32 v5, v17  }
0x5b: {  	v7 =	vld [tilespmem:s8+$0x13AC0];
	v12 =	vmul.f32 v12, v10;
	v13 =	vmul.f32 v11, v13;
	v19 =	vadd.f32 v19, v20  }
0x5c: {  	v14 =	vmul.f32 v14, v10;
	v15 =	vmul.f32 v11, v15;
	v5 =	vld [tilespmem:s8+$0x13A90];
	v9 =	vadd.f32 v9, v8;
	[tilespmem:s16+$0x16280] =	vst v17  }
0x5d: {  	v63 =	vmul.f32 v16, v10;
	v11 =	vmul.f32 v11, v18;
	v12 =	vadd.f32 v12, v13;
	v3 =	vld [tilespmem:s8+$0x13AB0];
	[tilespmem:s16+$0x162A0] =	vst v19  }
0x5e: {  	v14 =	vadd.f32 v14, v15;
	v8 =	vld [tilespmem:s8+$0x16280];
	[tilespmem:s16+$0x162C0] =	vst v9  }
0x5f: {  	v11 =	vadd.f32 v63, v11;
	v9 =	vld [tilespmem:s8+$0x162A0];
	[tilespmem:s16+$0x16290] =	vst v12  }
0x60: {  	s21 =	simm.s32 $0x400;
	v10 =	vld [tilespmem:s8+$0x162C0];
	[tilespmem:s16+$0x162B0] =	vst v14  }
.LBB2_3:
0x61: {  	p2 =	sne.s32 s21, $0x9E00;
	v12 =	vperm.xlane v7, v0;
	v13 =	vld [tilespmem:s8+$0x16290];
	[tilespmem:s16+$0x162D0] =	vst v11;
	s16 =	smov.u32 s8  }
0x62: {  	v11 =	vperm.xlane v7, v1;
	v14 =	vperm.xlane v7, v2;
	v15 =	vld [tilespmem:s16+$0x162B0]  }
0x63: {  	s8 =	sshra.s32 s21, $0x2;
	v7 =	vmul.f32 v8, v6;
	v8 =	vmul.f32 v4, v12;
	v16 =	vld [tilespmem:s16+$0x162D0]  }
0x64: {  	v18 =	vmul.f32 v4, v11;
	v17 =	vld [tilespmem:s8+$0x13A80];
	v9 =	vmul.f32 v9, v6  }
0x65: {  	v8 =	vadd.f32 v7, v8;
	v6 =	vmul.f32 v10, v6;
	v10 =	vmul.f32 v4, v14;
	v4 =	vld [tilespmem:s8+$0x13AA0]  }
0x66: {  	v12 =	vmul.f32 v3, v12;
	v19 =	vld [tilespmem:s8+$0x13A90];
	v9 =	vadd.f32 v9, v18;
	v13 =	vmul.f32 v13, v5  }
.Ltmp2:
0x67: {  	v11 =	vmul.f32 v3, v11;
	v7 =	vld [tilespmem:s8+$0x13AC0];
	[tilespmem:s16+$0x16280] =	vst v8;
	v18 =	vadd.f32 v6, v10;
	v10 =	vmul.f32 v15, v5;
	(pc) =	sbr.rel @p2 .LBB2_3-.Ltmp2, $4  }
0x68: {  	[tilespmem:s16+$0x162A0] =	vst v9;
	v12 =	vadd.f32 v13, v12;
	v15 =	vmul.f32 v16, v5;
	v13 =	vmul.f32 v3, v14;
	v3 =	vld [tilespmem:s8+$0x13AB0]  }
0x69: {  	v8 =	vld [tilespmem:s8+$0x16280];
	[tilespmem:s16+$0x162C0] =	vst v18;
	v14 =	vadd.f32 v10, v11;
	v6 =	vmov v17  }
0x6a: {  	v9 =	vld [tilespmem:s8+$0x162A0];
	[tilespmem:s16+$0x16290] =	vst v12;
	v11 =	vadd.f32 v15, v13  }
0x6b: {  	s21 =	sadd.s32 $0x200, s21;
	v10 =	vld [tilespmem:s8+$0x162C0];
	[tilespmem:s16+$0x162B0] =	vst v14;
	v5 =	vmov v19  }
0x6c: {  	v12 =	vld [tilespmem:s8+$0x16290];
	v13 =	vperm.xlane v7, v0;
	[tilespmem:s16+$0x162D0] =	vst v11  }
0x6d: {  	v11 =	vperm.xlane v7, v1;
	v7 =	vperm.xlane v7, v2;
	v14 =	vld [tilespmem:s8+$0x162B0]  }
0x6e: {  	v16 =	vld [tilespmem:s8+$0x162D0];
	v8 =	vmul.f32 v8, v6;
	v15 =	vmul.f32 v4, v13  }
0x6f: {  	v17 =	vmul.f32 v4, v11;
	v9 =	vmul.f32 v9, v6  }
0x70: {  	v4 =	vmul.f32 v4, v7;
	v8 =	vadd.f32 v8, v15;
	v6 =	vmul.f32 v10, v6  }
0x71: {  	s16 =	smul.u32 $0xA0, s13;
	v56 =	vmul.f32 v3, v13;
	v9 =	vadd.f32 v9, v17;
	v10 =	vmul.f32 v12, v5  }
0x72: {  	[tilespmem:s8+$0x16280] =	vst v8;
	v4 =	vadd.f32 v6, v4;
	v6 =	vmul.f32 v14, v5;
	v8 =	vmul.f32 v3, v11  }
0x73: {  	s21 =	sadd.s32 s16, s15;
	v5 =	vmul.f32 v16, v5;
	v3 =	vmul.f32 v3, v7;
	[tilespmem:s8+$0x162A0] =	vst v9;
	v9 =	vadd.f32 v10, v56  }
0x74: {  	s26 =	sshll.u32 s21, $0x7;
	[tilespmem:s8+$0x162C0] =	vst v4;
	v4 =	vadd.f32 v6, v8  }
0x75: {  	s26 =	sadd.s32 s9, s26;
	v3 =	vadd.f32 v5, v3;
	[tilespmem:s8+$0x16290] =	vst v9  }
0x76: {  	s26 =	sshrl.u32 s26, $0x3;
	[tilespmem:s8+$0x162B0] =	vst v4  }
0x77: {  	s26 =	sadd.s32 s6, s26;
	[tilespmem:s8+$0x162D0] =	vst v3  }
0x78: {  	[tilespmem:s31], [sflag:$0x5] =	stream.linear.gather [hbm4b:s26+s3], $0x2800, $0x38;
	[tilespmem:$0x1B280] =	vst v63  }
0x79: {  	_ = 	snop  }
0x7a: {  	[spmem:s2] =	stream.indirect.scatter.add.f32 [tilespmem:s12], [sflag:$0x8], $0x80, s30, s11, $0xb8;
	[tilespmem:$0x1B280] =	vst v63  }
0x7b: {  	_ =	swait.ge [sflag:s20], $0x2800  }
0x7c: {  	[sflag:s20] =	ssyncset.done $0x0  }
0x7d: {  	[sflag:s20] =	ssyncadd.s32 $0xFFFFD800  }
0x7e: {  	_ =	swait.ge [sflag:s22], $0x50  }
0x7f: {  	p2 =	seq.s32 s13, $0x7C;
	s26 =	sshll.u32 s13, $0x1;
	[sflag:s22] =	ssyncset.done $0x0  }
0x80: {  	s21 =	sshrl.u32 s21, $0x3;
	s8 =	sadd.s32 $0x2, s26;
	[sflag:s22] =	ssyncadd.s32 $0xFFFFFFB0  }
0x81: {  	[tilespmem:s10], [sflag:$0x7] =	stream.indirect.gather [hbm4b:s4+s11], $0x80, s29, s11, $0xb8;
	[tilespmem:$0x1B280] =	vst v63  }
0x82: {  	s21 =	sadd.s32 s7, s21;
	s26 =	smul.u32 @!p2 $0x50, s8  }
0x83: {  	[tilespmem:s24], [sflag:$0x4] =	stream.linear.gather [hbm4b:s21+s3], $0x50, $0x38;
	[tilespmem:$0x1B280] =	vst v63  }
0x84: {  	s21 =	rddreg [dreg:$0x4]  }
0x85: {  	s21 =	sadd.s32 @!p2 s21, s26  }
0x86: {  	s21 =	sshrl.u32 @!p2 s21, $0x3  }
0x87: {  	s28 =	simm.s32 @!p2 $0x13880;
	s26 =	simm.s32 @!p2 $0x0;
	s21 =	sadd.s32 @!p2 s1, s21  }
0x88: {  	[tilespmem:s28], [sflag:$0x1] =	stream.linear.gather @!p2 [hbm4b:s21+s26], $0x50, $0x38;
	[tilespmem:$0x1B280] =	vst v63  }
0x89: {  	_ =	swait.ge [sflag:s25], $0x2800  }
0x8a: {  	[sflag:s25] =	ssyncset.done $0x0  }
0x8b: {  	[sflag:s25] =	ssyncadd.s32 $0xFFFFD800  }
0x8c: {  	_ =	swait.ge [sflag:s23], $0x50  }
0x8d: {  	[sflag:s23] =	ssyncset.done $0x0  }
0x8e: {  	[sflag:s23] =	ssyncadd.s32 $0xFFFFFFB0  }
0x8f: {  	_ =	swait.ge [sflag:s19], $0x2800  }
0x90: {  	[sflag:s19] =	ssyncset.done $0x0  }
0x91: {  	s21 =	simm.s32 $0x0;
	[sflag:s19] =	ssyncadd.s32 $0xFFFFD800  }
0x92: {  	v3 =	vld [tilespmem:s21+$0x13A80]  }
0x93: {  	v8 =	vld [tilespmem:s21+$0x13AA0]  }
0x94: {  	v10 =	vld [tilespmem:s21+$0x13A90]  }
0x95: {  	v4 =	vld [tilespmem:s21+$0x13AC0]  }
0x96: {  	v5 =	vld [tilespmem:s21+$0x18A80]  }
0x97: {  	v11 =	vld [tilespmem:s21+$0x13AB0]  }
0x98: {  	v7 =	vld [tilespmem:s21+$0x18AA0]  }
0x99: {  	v9 =	vld [tilespmem:s21+$0x18AC0]  }
0x9a: {  	v57 =	vld [tilespmem:s21+$0x18A90];
	v58 =	vperm.xlane v4, v0  }
0x9b: {  	v59 =	vld [tilespmem:s21+$0x18AB0];
	v60 =	vperm.xlane v4, v1;
	v5 =	vmul.f32 v5, v3  }
0x9c: {  	s26 =	simm.s32 $0x80;
	v61 =	vld [tilespmem:s21+$0x18AD0];
	v18 =	vperm.xlane v4, v2;
	v62 =	vmul.f32 v8, v58  }
0x9d: {  	v6 =	vld [tilespmem:s26+$0x13A80];
	v19 =	vmul.f32 v7, v3;
	v20 =	vmul.f32 v8, v60  }
0x9e: {  	v4 =	vld [tilespmem:s26+$0x13AA0];
	v9 =	vmul.f32 v9, v3;
	v8 =	vmul.f32 v8, v18;
	v17 =	vadd.f32 v5, v62  }
0x9f: {  	v7 =	vld [tilespmem:s26+$0x13AC0];
	v12 =	vmul.f32 v57, v10;
	v13 =	vmul.f32 v11, v58;
	v19 =	vadd.f32 v19, v20  }
0xa0: {  	v14 =	vmul.f32 v59, v10;
	v15 =	vmul.f32 v11, v60;
	v5 =	vld [tilespmem:s26+$0x13A90];
	v9 =	vadd.f32 v9, v8;
	[tilespmem:s21+$0x18A80] =	vst v17  }
0xa1: {  	v63 =	vmul.f32 v61, v10;
	v11 =	vmul.f32 v11, v18;
	v12 =	vadd.f32 v12, v13;
	v3 =	vld [tilespmem:s26+$0x13AB0];
	[tilespmem:s21+$0x18AA0] =	vst v19  }
0xa2: {  	v14 =	vadd.f32 v14, v15;
	v8 =	vld [tilespmem:s26+$0x18A80];
	[tilespmem:s21+$0x18AC0] =	vst v9  }
0xa3: {  	v11 =	vadd.f32 v63, v11;
	v9 =	vld [tilespmem:s26+$0x18AA0];
	[tilespmem:s21+$0x18A90] =	vst v12  }
0xa4: {  	s28 =	simm.s32 $0x400;
	v10 =	vld [tilespmem:s26+$0x18AC0];
	[tilespmem:s21+$0x18AB0] =	vst v14  }
.LBB2_5:
0xa5: {  	p3 =	sne.s32 s28, $0x9E00;
	v12 =	vperm.xlane v7, v0;
	v13 =	vld [tilespmem:s26+$0x18A90];
	[tilespmem:s21+$0x18AD0] =	vst v11;
	s21 =	smov.u32 s26  }
0xa6: {  	v11 =	vperm.xlane v7, v1;
	v14 =	vperm.xlane v7, v2;
	v15 =	vld [tilespmem:s21+$0x18AB0]  }
0xa7: {  	s26 =	sshra.s32 s28, $0x2;
	v7 =	vmul.f32 v8, v6;
	v8 =	vmul.f32 v4, v12;
	v16 =	vld [tilespmem:s21+$0x18AD0]  }
0xa8: {  	v18 =	vmul.f32 v4, v11;
	v17 =	vld [tilespmem:s26+$0x13A80];
	v9 =	vmul.f32 v9, v6  }
0xa9: {  	v8 =	vadd.f32 v7, v8;
	v6 =	vmul.f32 v10, v6;
	v10 =	vmul.f32 v4, v14;
	v4 =	vld [tilespmem:s26+$0x13AA0]  }
0xaa: {  	v12 =	vmul.f32 v3, v12;
	v19 =	vld [tilespmem:s26+$0x13A90];
	v9 =	vadd.f32 v9, v18;
	v13 =	vmul.f32 v13, v5  }
.Ltmp3:
0xab: {  	v11 =	vmul.f32 v3, v11;
	v7 =	vld [tilespmem:s26+$0x13AC0];
	[tilespmem:s21+$0x18A80] =	vst v8;
	v18 =	vadd.f32 v6, v10;
	v10 =	vmul.f32 v15, v5;
	(pc) =	sbr.rel @p3 .LBB2_5-.Ltmp3, $4  }
0xac: {  	[tilespmem:s21+$0x18AA0] =	vst v9;
	v12 =	vadd.f32 v13, v12;
	v15 =	vmul.f32 v16, v5;
	v13 =	vmul.f32 v3, v14;
	v3 =	vld [tilespmem:s26+$0x13AB0]  }
0xad: {  	v8 =	vld [tilespmem:s26+$0x18A80];
	[tilespmem:s21+$0x18AC0] =	vst v18;
	v14 =	vadd.f32 v10, v11;
	v6 =	vmov v17  }
0xae: {  	v9 =	vld [tilespmem:s26+$0x18AA0];
	[tilespmem:s21+$0x18A90] =	vst v12;
	v11 =	vadd.f32 v15, v13  }
0xaf: {  	s28 =	sadd.s32 $0x200, s28;
	v10 =	vld [tilespmem:s26+$0x18AC0];
	[tilespmem:s21+$0x18AB0] =	vst v14;
	v5 =	vmov v19  }
0xb0: {  	v12 =	vld [tilespmem:s26+$0x18A90];
	v13 =	vperm.xlane v7, v0;
	[tilespmem:s21+$0x18AD0] =	vst v11  }
0xb1: {  	v53 =	vperm.xlane v7, v1;
	v54 =	vperm.xlane v7, v2;
	v14 =	vld [tilespmem:s26+$0x18AB0]  }
0xb2: {  	v16 =	vld [tilespmem:s26+$0x18AD0];
	v8 =	vmul.f32 v8, v6;
	v15 =	vmul.f32 v4, v13  }
0xb3: {  	v17 =	vmul.f32 v4, v53;
	v9 =	vmul.f32 v9, v6  }
0xb4: {  	v56 =	vmul.f32 v4, v54;
	v8 =	vadd.f32 v8, v15;
	v55 =	vmul.f32 v10, v6  }
0xb5: {  	v58 =	vmul.f32 v3, v13;
	v9 =	vadd.f32 v9, v17;
	v57 =	vmul.f32 v12, v5  }
0xb6: {  	v60 =	vmul.f32 v3, v53;
	[tilespmem:s26+$0x18A80] =	vst v8;
	v4 =	vadd.f32 v55, v56;
	v59 =	vmul.f32 v14, v5  }
.Ltmp4:
0xb7: {  	v3 =	vmul.f32 v3, v54;
	v62 =	vmul.f32 v16, v5;
	[tilespmem:s26+$0x18AA0] =	vst v9;
	v61 =	vadd.f32 v57, v58;
	(pc) =	sbr.rel @p2 .LBB2_8-.Ltmp4, $4  }
0xb8: {  	[tilespmem:s26+$0x18AC0] =	vst v4;
	v63 =	vadd.f32 v59, v60  }
0xb9: {  	v3 =	vadd.f32 v62, v3;
	[tilespmem:s26+$0x18A90] =	vst v61  }
0xba: {  	[tilespmem:s26+$0x18AB0] =	vst v63  }
0xbb: {  	[tilespmem:s26+$0x18AD0] =	vst v3  }
0xbc: {  	s8 =	smul.u32 $0x50, s8;
	_ =	sdelay $0x1  }
0xbd: {  	s8 =	sadd.s32 s5, s8  }
0xbe: {  	s21 =	sshll.u32 s8, $0x7  }
0xbf: {  	s21 =	sadd.s32 s9, s21  }
0xc0: {  	s21 =	sshrl.u32 s21, $0x3  }
0xc1: {  	s21 =	sadd.s32 s6, s21  }
0xc2: {  	[tilespmem:s31], [sflag:$0x5] =	stream.linear.gather [hbm4b:s21+s3], $0x2800, $0x38;
	[tilespmem:$0x1B280] =	vst v63  }
0xc3: {  	_ = 	snop  }
0xc4: {  	[spmem:s2] =	stream.indirect.scatter.add.f32 [tilespmem:s10], [sflag:$0x8], $0x80, s24, s11, $0xb8;
	[tilespmem:$0x1B280] =	vst v63  }
0xc5: {  	_ =	swait.ge [sflag:s20], $0x2800  }
0xc6: {  	[sflag:s20] =	ssyncset.done $0x0  }
0xc7: {  	[sflag:s20] =	ssyncadd.s32 $0xFFFFD800  }
0xc8: {  	_ =	swait.ge [sflag:s0], $0x50  }
0xc9: {  	[sflag:s0] =	ssyncset.done $0x0  }
0xca: {  	s26 =	simm.s32 $0x13880;
	s8 =	sshrl.u32 s8, $0x3;
	[sflag:s0] =	ssyncadd.s32 $0xFFFFFFB0  }
0xcb: {  	[tilespmem:s12], [sflag:$0x6] =	stream.indirect.gather [hbm4b:s4+s11], $0x80, s26, s11, $0xb8;
	[tilespmem:$0x1B280] =	vst v63  }
0xcc: {  	s8 =	sadd.s32 s7, s8  }
0xcd: {  	[tilespmem:s30], [sflag:$0x3] =	stream.linear.gather [hbm4b:s8+s3], $0x50, $0x38;
	[tilespmem:$0x1B280] =	vst v63  }
.Ltmp5:
0xce: {  	s28 =	rddreg [dreg:$0xa];
	(pc) =	sbr.rel .LBB2_2-.Ltmp5, $4  }
0xcf: {  	s8 =	sadd.s32 s16, s28  }
0xd0: {  	s8 =	sshrl.u32 s8, $0x3  }
0xd1: {  	s13 =	sadd.s32 $0x1, s13;
	s8 =	sadd.s32 s1, s8  }
0xd2: {  	[tilespmem:s29], [sflag:$0x2] =	stream.linear.gather [hbm4b:s8+s3], $0x50, $0x38;
	[tilespmem:$0x1B280] =	vst v63  }
.LBB2_8:
0xd3: {  	[spmem:s2] =	stream.indirect.scatter.add.f32 [tilespmem:s10], [sflag:$0x8], $0x80, s24, s11, $0xb8;
	[tilespmem:$0x1B280] =	vst v63  }
0xd4: {  	_ =	swait.ge [sflag:s20], $0x2800  }
0xd5: {  	[sflag:s20] =	ssyncset.done $0x0  }
0xd6: {  	[sflag:s20] =	ssyncadd.s32 $0xFFFFD800  }
0xd7: {  	[bflag:$0x0] =	sbarrier.arrive $0xFFFF  }
0xd8: {  	s8 =	sshrl.u32 @p1 s2, $0x3;
	s13 =	simm.s32 @p1 $0x1C08;
	s16 =	rddreg [dreg:$0xb]  }
0xd9: {  	[hbm:s16], [sflag:s13] =	dma.local @p1 [spmem:s8], $0x27100  }
0xda: {  	s16 =	simm.s32 @p1 $0x8  }
0xdb: {  	_ =	swait.ge @p1 [sflag:s16], $0x27100  }
0xdc: {  	[sflag:s16] =	ssyncset.done @p1 $0x0  }
0xdd: {  	[sflag:s16] =	ssyncadd.s32 @p1 $0xFFFD8F00  }
0xde: {  	[bflag:$0x0] =	sbarrier.arrive @p1 $0xFFFF  }
0xdf: {  	s21 =	rddreg [dreg:$0xc]  }
0xe0: {  	[spmem:s8], [sflag:s13] =	dma.local @p1 [hbm:s21], $0x27100  }
0xe1: {  	_ =	swait.ge @p1 [sflag:s16], $0x27100  }
0xe2: {  	[sflag:s16] =	ssyncset.done @p1 $0x0  }
0xe3: {  	[sflag:s16] =	ssyncadd.s32 @p1 $0xFFFD8F00  }
0xe4: {  	[bflag:$0x0] =	sbarrier.arrive @!p1 $0xFFFF  }
0xe5: {  	[bflag:$0x0] =	sbarrier.arrive $0xFFFF  }
0xe6: {  	s13 =	simm.s32 $0x0;
	s16 =	simm.s32 $0x13880;
	s28 =	rddreg [dreg:$0x10]  }
0xe7: {  	[tilespmem:s16], [sflag:$0x1] =	stream.linear.gather [hbm4b:s28+s13], $0x50, $0x38;
	[tilespmem:$0x1B280] =	vst v63  }
0xe8: {  	s21 =	rddreg [dreg:$0x11]  }
0xe9: {  	[tilespmem:s29], [sflag:$0x2] =	stream.linear.gather [hbm4b:s21+s13], $0x50, $0x38;
	[tilespmem:$0x1B280] =	vst v63  }
0xea: {  	s26 =	rddreg [dreg:$0x8]  }
0xeb: {  	[tilespmem:s30], [sflag:$0x3] =	stream.linear.gather [hbm4b:s26+s13], $0x50, $0x38;
	[tilespmem:$0x1B280] =	vst v63  }
0xec: {  	s28 =	rddreg [dreg:$0x12]  }
0xed: {  	[tilespmem:s31], [sflag:$0x5] =	stream.linear.gather [hbm4b:s28+s13], $0x2800, $0x38;
	[tilespmem:$0x1B280] =	vst v63  }
0xee: {  	_ =	swait.ge [sflag:s0], $0x50  }
0xef: {  	[sflag:s0] =	ssyncset.done $0x0  }
0xf0: {  	[sflag:s0] =	ssyncadd.s32 $0xFFFFFFB0  }
0xf1: {  	[tilespmem:s12], [sflag:$0x6] =	stream.indirect.gather [hbm4b:s4+s11], $0x80, s16, s11, $0xb8;
	[tilespmem:$0x1B280] =	vst v63  }
.LBB2_9:
0xf2: {  	_ =	swait.ge [sflag:s14], $0x2800  }
0xf3: {  	[sflag:s14] =	ssyncset.done $0x0  }
0xf4: {  	[sflag:s14] =	ssyncadd.s32 $0xFFFFD800  }
0xf5: {  	_ =	swait.ge [sflag:s17], $0x50  }
0xf6: {  	[sflag:s17] =	ssyncset.done $0x0  }
0xf7: {  	[sflag:s17] =	ssyncadd.s32 $0xFFFFFFB0  }
0xf8: {  	_ =	swait.ge [sflag:s19], $0x2800  }
0xf9: {  	[sflag:s19] =	ssyncset.done $0x0  }
0xfa: {  	s16 =	simm.s32 $0x0;
	[sflag:s19] =	ssyncadd.s32 $0xFFFFD800  }
0xfb: {  	v3 =	vld [tilespmem:s16+$0x13A80]  }
0xfc: {  	v8 =	vld [tilespmem:s16+$0x13AA0]  }
0xfd: {  	v10 =	vld [tilespmem:s16+$0x13A90]  }
0xfe: {  	v4 =	vld [tilespmem:s16+$0x13AC0]  }
0xff: {  	v5 =	vld [tilespmem:s16+$0x16280]  }
0x100: {  	v11 =	vld [tilespmem:s16+$0x13AB0]  }
0x101: {  	v7 =	vld [tilespmem:s16+$0x162A0]  }
0x102: {  	v9 =	vld [tilespmem:s16+$0x162C0]  }
0x103: {  	v12 =	vld [tilespmem:s16+$0x16290];
	v13 =	vperm.xlane v4, v0  }
0x104: {  	v14 =	vld [tilespmem:s16+$0x162B0];
	v15 =	vperm.xlane v4, v1;
	v5 =	vmul.f32 v5, v3  }
0x105: {  	s8 =	simm.s32 $0x80;
	v16 =	vld [tilespmem:s16+$0x162D0];
	v18 =	vperm.xlane v4, v2;
	v17 =	vmul.f32 v8, v13  }
0x106: {  	v6 =	vld [tilespmem:s8+$0x13A80];
	v19 =	vmul.f32 v7, v3;
	v20 =	vmul.f32 v8, v15  }
0x107: {  	v4 =	vld [tilespmem:s8+$0x13AA0];
	v9 =	vmul.f32 v9, v3;
	v8 =	vmul.f32 v8, v18;
	v17 =	vadd.f32 v5, v17  }
0x108: {  	v7 =	vld [tilespmem:s8+$0x13AC0];
	v12 =	vmul.f32 v12, v10;
	v13 =	vmul.f32 v11, v13;
	v19 =	vadd.f32 v19, v20  }
0x109: {  	v14 =	vmul.f32 v14, v10;
	v15 =	vmul.f32 v11, v15;
	v5 =	vld [tilespmem:s8+$0x13A90];
	v9 =	vadd.f32 v9, v8;
	[tilespmem:s16+$0x16280] =	vst v17  }
0x10a: {  	v63 =	vmul.f32 v16, v10;
	v11 =	vmul.f32 v11, v18;
	v12 =	vadd.f32 v12, v13;
	v3 =	vld [tilespmem:s8+$0x13AB0];
	[tilespmem:s16+$0x162A0] =	vst v19  }
0x10b: {  	v14 =	vadd.f32 v14, v15;
	v8 =	vld [tilespmem:s8+$0x16280];
	[tilespmem:s16+$0x162C0] =	vst v9  }
0x10c: {  	v11 =	vadd.f32 v63, v11;
	v9 =	vld [tilespmem:s8+$0x162A0];
	[tilespmem:s16+$0x16290] =	vst v12  }
0x10d: {  	s21 =	simm.s32 $0x400;
	v10 =	vld [tilespmem:s8+$0x162C0];
	[tilespmem:s16+$0x162B0] =	vst v14  }
.LBB2_10:
0x10e: {  	p2 =	sne.s32 s21, $0x9E00;
	v12 =	vperm.xlane v7, v0;
	v13 =	vld [tilespmem:s8+$0x16290];
	[tilespmem:s16+$0x162D0] =	vst v11;
	s16 =	smov.u32 s8  }
0x10f: {  	v11 =	vperm.xlane v7, v1;
	v14 =	vperm.xlane v7, v2;
	v15 =	vld [tilespmem:s16+$0x162B0]  }
0x110: {  	s8 =	sshra.s32 s21, $0x2;
	v7 =	vmul.f32 v8, v6;
	v8 =	vmul.f32 v4, v12;
	v16 =	vld [tilespmem:s16+$0x162D0]  }
0x111: {  	v18 =	vmul.f32 v4, v11;
	v17 =	vld [tilespmem:s8+$0x13A80];
	v9 =	vmul.f32 v9, v6  }
0x112: {  	v8 =	vadd.f32 v7, v8;
	v6 =	vmul.f32 v10, v6;
	v10 =	vmul.f32 v4, v14;
	v4 =	vld [tilespmem:s8+$0x13AA0]  }
0x113: {  	v12 =	vmul.f32 v3, v12;
	v19 =	vld [tilespmem:s8+$0x13A90];
	v9 =	vadd.f32 v9, v18;
	v13 =	vmul.f32 v13, v5  }
.Ltmp6:
0x114: {  	v11 =	vmul.f32 v3, v11;
	v7 =	vld [tilespmem:s8+$0x13AC0];
	[tilespmem:s16+$0x16280] =	vst v8;
	v18 =	vadd.f32 v6, v10;
	v10 =	vmul.f32 v15, v5;
	(pc) =	sbr.rel @p2 .LBB2_10-.Ltmp6, $4  }
0x115: {  	[tilespmem:s16+$0x162A0] =	vst v9;
	v12 =	vadd.f32 v13, v12;
	v15 =	vmul.f32 v16, v5;
	v13 =	vmul.f32 v3, v14;
	v3 =	vld [tilespmem:s8+$0x13AB0]  }
0x116: {  	v8 =	vld [tilespmem:s8+$0x16280];
	[tilespmem:s16+$0x162C0] =	vst v18;
	v14 =	vadd.f32 v10, v11;
	v6 =	vmov v17  }
0x117: {  	v9 =	vld [tilespmem:s8+$0x162A0];
	[tilespmem:s16+$0x16290] =	vst v12;
	v11 =	vadd.f32 v15, v13  }
0x118: {  	s21 =	sadd.s32 $0x200, s21;
	v10 =	vld [tilespmem:s8+$0x162C0];
	[tilespmem:s16+$0x162B0] =	vst v14;
	v5 =	vmov v19  }
0x119: {  	v12 =	vld [tilespmem:s8+$0x16290];
	v13 =	vperm.xlane v7, v0;
	[tilespmem:s16+$0x162D0] =	vst v11  }
0x11a: {  	v11 =	vperm.xlane v7, v1;
	v7 =	vperm.xlane v7, v2;
	v14 =	vld [tilespmem:s8+$0x162B0]  }
0x11b: {  	v16 =	vld [tilespmem:s8+$0x162D0];
	v8 =	vmul.f32 v8, v6;
	v15 =	vmul.f32 v4, v13  }
0x11c: {  	v17 =	vmul.f32 v4, v11;
	v9 =	vmul.f32 v9, v6  }
0x11d: {  	v4 =	vmul.f32 v4, v7;
	v8 =	vadd.f32 v8, v15;
	v6 =	vmul.f32 v10, v6  }
0x11e: {  	s16 =	smul.u32 $0xA0, s13;
	v56 =	vmul.f32 v3, v13;
	v9 =	vadd.f32 v9, v17;
	v10 =	vmul.f32 v12, v5  }
0x11f: {  	[tilespmem:s8+$0x16280] =	vst v8;
	v4 =	vadd.f32 v6, v4;
	v6 =	vmul.f32 v14, v5;
	v8 =	vmul.f32 v3, v11  }
0x120: {  	s21 =	sadd.s32 s16, s15;
	v5 =	vmul.f32 v16, v5;
	v3 =	vmul.f32 v3, v7;
	[tilespmem:s8+$0x162A0] =	vst v9;
	v9 =	vadd.f32 v10, v56  }
0x121: {  	s26 =	sshll.u32 s21, $0x7;
	[tilespmem:s8+$0x162C0] =	vst v4;
	v4 =	vadd.f32 v6, v8  }
0x122: {  	s26 =	sadd.s32 s18, s26;
	v3 =	vadd.f32 v5, v3;
	[tilespmem:s8+$0x16290] =	vst v9  }
0x123: {  	s26 =	sshrl.u32 s26, $0x3;
	[tilespmem:s8+$0x162B0] =	vst v4  }
0x124: {  	s26 =	sadd.s32 s6, s26;
	[tilespmem:s8+$0x162D0] =	vst v3  }
0x125: {  	[tilespmem:s31], [sflag:$0x5] =	stream.linear.gather [hbm4b:s26+s3], $0x2800, $0x38;
	[tilespmem:$0x1B280] =	vst v63  }
0x126: {  	_ = 	snop  }
0x127: {  	[spmem:s2] =	stream.indirect.scatter.add.f32 [tilespmem:s12], [sflag:$0x8], $0x80, s30, s11, $0xb8;
	[tilespmem:$0x1B280] =	vst v63  }
0x128: {  	_ =	swait.ge [sflag:s20], $0x2800  }
0x129: {  	[sflag:s20] =	ssyncset.done $0x0  }
0x12a: {  	[sflag:s20] =	ssyncadd.s32 $0xFFFFD800  }
0x12b: {  	_ =	swait.ge [sflag:s22], $0x50  }
0x12c: {  	p2 =	seq.s32 s13, $0x7C;
	s26 =	sshll.u32 s13, $0x1;
	[sflag:s22] =	ssyncset.done $0x0  }
0x12d: {  	s21 =	sshrl.u32 s21, $0x3;
	s8 =	sadd.s32 $0x2, s26;
	[sflag:s22] =	ssyncadd.s32 $0xFFFFFFB0  }
0x12e: {  	[tilespmem:s10], [sflag:$0x7] =	stream.indirect.gather [hbm4b:s4+s11], $0x80, s29, s11, $0xb8;
	[tilespmem:$0x1B280] =	vst v63  }
0x12f: {  	s21 =	sadd.s32 s7, s21;
	s26 =	smul.u32 @!p2 $0x50, s8  }
0x130: {  	[tilespmem:s24], [sflag:$0x4] =	stream.linear.gather [hbm4b:s21+s3], $0x50, $0x38;
	[tilespmem:$0x1B280] =	vst v63  }
0x131: {  	s21 =	rddreg [dreg:$0xe]  }
0x132: {  	s21 =	sadd.s32 @!p2 s21, s26  }
0x133: {  	s21 =	sshrl.u32 @!p2 s21, $0x3  }
0x134: {  	s28 =	simm.s32 @!p2 $0x13880;
	s26 =	simm.s32 @!p2 $0x0;
	s21 =	sadd.s32 @!p2 s1, s21  }
0x135: {  	[tilespmem:s28], [sflag:$0x1] =	stream.linear.gather @!p2 [hbm4b:s21+s26], $0x50, $0x38;
	[tilespmem:$0x1B280] =	vst v63  }
0x136: {  	_ =	swait.ge [sflag:s25], $0x2800  }
0x137: {  	[sflag:s25] =	ssyncset.done $0x0  }
0x138: {  	[sflag:s25] =	ssyncadd.s32 $0xFFFFD800  }
0x139: {  	_ =	swait.ge [sflag:s23], $0x50  }
0x13a: {  	[sflag:s23] =	ssyncset.done $0x0  }
0x13b: {  	[sflag:s23] =	ssyncadd.s32 $0xFFFFFFB0  }
0x13c: {  	_ =	swait.ge [sflag:s19], $0x2800  }
0x13d: {  	[sflag:s19] =	ssyncset.done $0x0  }
0x13e: {  	s21 =	simm.s32 $0x0;
	[sflag:s19] =	ssyncadd.s32 $0xFFFFD800  }
0x13f: {  	v3 =	vld [tilespmem:s21+$0x13A80]  }
0x140: {  	v8 =	vld [tilespmem:s21+$0x13AA0]  }
0x141: {  	v10 =	vld [tilespmem:s21+$0x13A90]  }
0x142: {  	v4 =	vld [tilespmem:s21+$0x13AC0]  }
0x143: {  	v5 =	vld [tilespmem:s21+$0x18A80]  }
0x144: {  	v11 =	vld [tilespmem:s21+$0x13AB0]  }
0x145: {  	v7 =	vld [tilespmem:s21+$0x18AA0]  }
0x146: {  	v9 =	vld [tilespmem:s21+$0x18AC0]  }
0x147: {  	v57 =	vld [tilespmem:s21+$0x18A90];
	v58 =	vperm.xlane v4, v0  }
0x148: {  	v59 =	vld [tilespmem:s21+$0x18AB0];
	v60 =	vperm.xlane v4, v1;
	v5 =	vmul.f32 v5, v3  }
0x149: {  	s26 =	simm.s32 $0x80;
	v61 =	vld [tilespmem:s21+$0x18AD0];
	v18 =	vperm.xlane v4, v2;
	v62 =	vmul.f32 v8, v58  }
0x14a: {  	v6 =	vld [tilespmem:s26+$0x13A80];
	v19 =	vmul.f32 v7, v3;
	v20 =	vmul.f32 v8, v60  }
0x14b: {  	v4 =	vld [tilespmem:s26+$0x13AA0];
	v9 =	vmul.f32 v9, v3;
	v8 =	vmul.f32 v8, v18;
	v17 =	vadd.f32 v5, v62  }
0x14c: {  	v7 =	vld [tilespmem:s26+$0x13AC0];
	v12 =	vmul.f32 v57, v10;
	v13 =	vmul.f32 v11, v58;
	v19 =	vadd.f32 v19, v20  }
0x14d: {  	v14 =	vmul.f32 v59, v10;
	v15 =	vmul.f32 v11, v60;
	v5 =	vld [tilespmem:s26+$0x13A90];
	v9 =	vadd.f32 v9, v8;
	[tilespmem:s21+$0x18A80] =	vst v17  }
0x14e: {  	v63 =	vmul.f32 v61, v10;
	v11 =	vmul.f32 v11, v18;
	v12 =	vadd.f32 v12, v13;
	v3 =	vld [tilespmem:s26+$0x13AB0];
	[tilespmem:s21+$0x18AA0] =	vst v19  }
0x14f: {  	v14 =	vadd.f32 v14, v15;
	v8 =	vld [tilespmem:s26+$0x18A80];
	[tilespmem:s21+$0x18AC0] =	vst v9  }
0x150: {  	v11 =	vadd.f32 v63, v11;
	v9 =	vld [tilespmem:s26+$0x18AA0];
	[tilespmem:s21+$0x18A90] =	vst v12  }
0x151: {  	s28 =	simm.s32 $0x400;
	v10 =	vld [tilespmem:s26+$0x18AC0];
	[tilespmem:s21+$0x18AB0] =	vst v14  }
.LBB2_12:
0x152: {  	p3 =	sne.s32 s28, $0x9E00;
	v12 =	vperm.xlane v7, v0;
	v13 =	vld [tilespmem:s26+$0x18A90];
	[tilespmem:s21+$0x18AD0] =	vst v11;
	s21 =	smov.u32 s26  }
0x153: {  	v11 =	vperm.xlane v7, v1;
	v14 =	vperm.xlane v7, v2;
	v15 =	vld [tilespmem:s21+$0x18AB0]  }
0x154: {  	s26 =	sshra.s32 s28, $0x2;
	v7 =	vmul.f32 v8, v6;
	v8 =	vmul.f32 v4, v12;
	v16 =	vld [tilespmem:s21+$0x18AD0]  }
0x155: {  	v18 =	vmul.f32 v4, v11;
	v17 =	vld [tilespmem:s26+$0x13A80];
	v9 =	vmul.f32 v9, v6  }
0x156: {  	v8 =	vadd.f32 v7, v8;
	v6 =	vmul.f32 v10, v6;
	v10 =	vmul.f32 v4, v14;
	v4 =	vld [tilespmem:s26+$0x13AA0]  }
0x157: {  	v12 =	vmul.f32 v3, v12;
	v19 =	vld [tilespmem:s26+$0x13A90];
	v9 =	vadd.f32 v9, v18;
	v13 =	vmul.f32 v13, v5  }
.Ltmp7:
0x158: {  	v11 =	vmul.f32 v3, v11;
	v7 =	vld [tilespmem:s26+$0x13AC0];
	[tilespmem:s21+$0x18A80] =	vst v8;
	v18 =	vadd.f32 v6, v10;
	v10 =	vmul.f32 v15, v5;
	(pc) =	sbr.rel @p3 .LBB2_12-.Ltmp7, $4  }
0x159: {  	[tilespmem:s21+$0x18AA0] =	vst v9;
	v12 =	vadd.f32 v13, v12;
	v15 =	vmul.f32 v16, v5;
	v13 =	vmul.f32 v3, v14;
	v3 =	vld [tilespmem:s26+$0x13AB0]  }
0x15a: {  	v8 =	vld [tilespmem:s26+$0x18A80];
	[tilespmem:s21+$0x18AC0] =	vst v18;
	v14 =	vadd.f32 v10, v11;
	v6 =	vmov v17  }
0x15b: {  	v9 =	vld [tilespmem:s26+$0x18AA0];
	[tilespmem:s21+$0x18A90] =	vst v12;
	v11 =	vadd.f32 v15, v13  }
0x15c: {  	s28 =	sadd.s32 $0x200, s28;
	v10 =	vld [tilespmem:s26+$0x18AC0];
	[tilespmem:s21+$0x18AB0] =	vst v14;
	v5 =	vmov v19  }
0x15d: {  	v12 =	vld [tilespmem:s26+$0x18A90];
	v13 =	vperm.xlane v7, v0;
	[tilespmem:s21+$0x18AD0] =	vst v11  }
0x15e: {  	v53 =	vperm.xlane v7, v1;
	v54 =	vperm.xlane v7, v2;
	v14 =	vld [tilespmem:s26+$0x18AB0]  }
0x15f: {  	v16 =	vld [tilespmem:s26+$0x18AD0];
	v8 =	vmul.f32 v8, v6;
	v15 =	vmul.f32 v4, v13  }
0x160: {  	v17 =	vmul.f32 v4, v53;
	v9 =	vmul.f32 v9, v6  }
0x161: {  	v56 =	vmul.f32 v4, v54;
	v8 =	vadd.f32 v8, v15;
	v55 =	vmul.f32 v10, v6  }
0x162: {  	v58 =	vmul.f32 v3, v13;
	v9 =	vadd.f32 v9, v17;
	v57 =	vmul.f32 v12, v5  }
0x163: {  	v60 =	vmul.f32 v3, v53;
	[tilespmem:s26+$0x18A80] =	vst v8;
	v4 =	vadd.f32 v55, v56;
	v59 =	vmul.f32 v14, v5  }
.Ltmp8:
0x164: {  	v3 =	vmul.f32 v3, v54;
	v62 =	vmul.f32 v16, v5;
	[tilespmem:s26+$0x18AA0] =	vst v9;
	v61 =	vadd.f32 v57, v58;
	(pc) =	sbr.rel @p2 .LBB2_15-.Ltmp8, $4  }
0x165: {  	[tilespmem:s26+$0x18AC0] =	vst v4;
	v63 =	vadd.f32 v59, v60  }
0x166: {  	v3 =	vadd.f32 v62, v3;
	[tilespmem:s26+$0x18A90] =	vst v61  }
0x167: {  	[tilespmem:s26+$0x18AB0] =	vst v63  }
0x168: {  	[tilespmem:s26+$0x18AD0] =	vst v3  }
0x169: {  	s8 =	smul.u32 $0x50, s8;
	_ =	sdelay $0x1  }
0x16a: {  	s8 =	sadd.s32 s5, s8  }
0x16b: {  	s21 =	sshll.u32 s8, $0x7  }
0x16c: {  	s21 =	sadd.s32 s18, s21  }
0x16d: {  	s21 =	sshrl.u32 s21, $0x3  }
0x16e: {  	s21 =	sadd.s32 s6, s21  }
0x16f: {  	[tilespmem:s31], [sflag:$0x5] =	stream.linear.gather [hbm4b:s21+s3], $0x2800, $0x38;
	[tilespmem:$0x1B280] =	vst v63  }
0x170: {  	_ = 	snop  }
0x171: {  	[spmem:s2] =	stream.indirect.scatter.add.f32 [tilespmem:s10], [sflag:$0x8], $0x80, s24, s11, $0xb8;
	[tilespmem:$0x1B280] =	vst v63  }
0x172: {  	_ =	swait.ge [sflag:s20], $0x2800  }
0x173: {  	[sflag:s20] =	ssyncset.done $0x0  }
0x174: {  	[sflag:s20] =	ssyncadd.s32 $0xFFFFD800  }
0x175: {  	_ =	swait.ge [sflag:s0], $0x50  }
0x176: {  	[sflag:s0] =	ssyncset.done $0x0  }
0x177: {  	s26 =	simm.s32 $0x13880;
	s8 =	sshrl.u32 s8, $0x3;
	[sflag:s0] =	ssyncadd.s32 $0xFFFFFFB0  }
0x178: {  	[tilespmem:s12], [sflag:$0x6] =	stream.indirect.gather [hbm4b:s4+s11], $0x80, s26, s11, $0xb8;
	[tilespmem:$0x1B280] =	vst v63  }
0x179: {  	s8 =	sadd.s32 s7, s8  }
0x17a: {  	[tilespmem:s30], [sflag:$0x3] =	stream.linear.gather [hbm4b:s8+s3], $0x50, $0x38;
	[tilespmem:$0x1B280] =	vst v63  }
.Ltmp9:
0x17b: {  	s28 =	rddreg [dreg:$0x13];
	(pc) =	sbr.rel .LBB2_9-.Ltmp9, $4  }
0x17c: {  	s8 =	sadd.s32 s16, s28  }
0x17d: {  	s8 =	sshrl.u32 s8, $0x3  }
0x17e: {  	s13 =	sadd.s32 $0x1, s13;
	s8 =	sadd.s32 s1, s8  }
0x17f: {  	[tilespmem:s29], [sflag:$0x2] =	stream.linear.gather [hbm4b:s8+s3], $0x50, $0x38;
	[tilespmem:$0x1B280] =	vst v63  }
.LBB2_16:
0x180: {  	_ =	sfence.sel $0x180000  }
0x181: {  	[bflag:$0x0] =	sbarrier.arrive $0xFFFF  }
0x182: {  	_ =	strace $0x9000004A  }
0x183: {  	[bflag:$0x2] =	sbarrier.arrive $0xFFFF  }
0x184: {  	s0 =	rddreg [dreg:$0x3]  }
0x185: {  	s0 =	sadd.s32 @!p0 $0x100000, s0  }
0x186: {  	[sflag:s0] =	ssyncadd.tile.s32 @!p0 $0x1;
	_ =	shalt  }
.Lfunc_end2:
_tile_overlayer_lowered:
.L_overlay_start_2:
0x187: {  	(tag) =	ssettag $0x2  }
0x188: {  	s0 =	rddreg [dreg:$0x0];
	s2 =	stileid.u32  }
0x189: {  	s1 =	rddreg [dreg:$0x1];
	p0 =	sne.s32 s2, $0x0  }
0x18a: {  	s3 =	rddreg [dreg:$0x2];
	[bflag:$0x3] =	sbarrier.arrive $0xFFFF;
	s2 =	simm.s32 @!p0 $0x1C08  }
0x18b: {  	[timem:s3], [sflag:s2] =	dma.local @!p0 [hbm:s0], s1  }
0x18c: {  	s0 =	simm.s32 @!p0 $0x8  }
0x18d: {  	_ =	swait.ge @!p0 [sflag:s0], s1  }
0x18e: {  	s1 =	ssub.s32 @!p0 $0x0, s1;
	[sflag:s0] =	ssyncset.done @!p0 $0x0  }
0x18f: {  	[sflag:s0] =	ssyncadd.s32 @!p0 s1  }
0x190: {  	[bflag:$0x3] =	sbarrier.arrive $0xFFFF  }
0x191: {  	_ =	shalt  }

// kernel: kernel.6.cloned.1.call-start
scs
__scs_entry_jumppad:
0x0: {  	(pc) =	sbr.rel $0x88, $3  }
0x1: {  	(tag) =	ssettag $0x0;
	lr =	simm.s32 $0x1  }
0x2: {  	[smem:$0x3F94] =	sst lr;
	_ =	strace $0xD0000000  }
0x3: {  	_ = 	snop  }
0x4: {  	_ = 	snop  }
0x5: {  	_ = 	snop  }
0x6: {  	_ = 	snop  }
0x7: {  	_ = 	snop  }
__scs_overlays_trampoline_lowered:
0x8: {  	[smem:$0x3FA3] =	sst s0  }
0x9: {  	[smem:$0x3FA4] =	sst s1  }
0xa: {  	[smem:$0x3FA5] =	sst s2  }
0xb: {  	[smem:$0x3FA6] =	sst s3  }
0xc: {  	[smem:$0x3FA7] =	sst s4  }
0xd: {  	[smem:$0x3FA8] =	sst s5  }
0xe: {  	[smem:$0x3FA9] =	sst s6  }
0xf: {  	[smem:$0x3FAA] =	sst s7  }
0x10: {  	[smem:$0x3FAB] =	sst s8  }
0x11: {  	[smem:$0x3FAC] =	sst s9;
	s0 =	simm.s32 @!p0 $0x0  }
0x12: {  	s1 =	sld [smem:$0x3F92];
	s0 =	simm.s32 @p0 $0x1  }
0x13: {  	[smem:$0x3FAD] =	sst s0;
	s0 =	simm.s32 @!p1 $0x0  }
0x14: {  	s2 =	sld [smem:$0x3F91];
	s0 =	simm.s32 @p1 $0x1  }
0x15: {  	[smem:$0x3FAE] =	sst s0;
	s0 =	simm.s32 @!p2 $0x0  }
0x16: {  	s3 =	sld [smem:$0x3FDB];
	s0 =	simm.s32 @p2 $0x1  }
0x17: {  	s4 =	simm.s32 $0x1BF5;
	[smem:$0x3FB0] =	sst s0  }
0x18: {  	s0 =	sld [smem:$0x3F93];
	_ =	swait.ge [sflag:s4], $0x0  }
0x19: {  	s7 =	sld [smem:$0x3F94]  }
0x1a: {  	s8 =	sadd.s32 $0xFFFFE003, lr  }
0x1b: {  	s9 =	sadd.s32 $0xFFFFFEF7, lr;
	s5 =	simm.s32 $0xFFFFFFFF;
	p2 =	slt.u32 s8, $0xFFFFF086  }
0x1c: {  	p1 =	slt.u32 s9, $0xF7A;
	s5 =	simm.s32 @!p2 $0x0  }
0x1d: {  	s5 =	simm.s32 @p1 $0x1;
	p0 =	seq.s32 s7, s2  }
0x1e: {  	s7 =	smul.u32 @!p0 $0xF7A, s2;
	p2 =	seq.s32 @!p0 s5, $0x0  }
0x1f: {  	s9 =	smul.u32 $0xF7A, s1;
	s8 =	simm.s32 @!p0 $0x1BF5;
	p2 =	por !p2, p0  }
0x20: {  	[sflag:s8] =	ssyncset.s32 @!p0 $0xFFFFF086;
	s6 =	sadd.s32 @!p0 s3, s7;
	s7 =	simm.s32 @!p0 $0x108  }
0x21: {  	s3 =	sadd.s32 s3, s9;
	s6 =	sadd.s32 @!p0 $0x88, s6;
	s7 =	simm.s32 @p2 $0x1082  }
0x22: {  	[simem:s7], [sflag:s8] =	dma.local @!p0 [hbm:s6], $0xF7A  }
0x23: {  	s9 =	sor.u32 $0xD0000000, s2;
	s6 =	simm.s32 $0x108;
	_ =	swait.ge @!p0 [sflag:s8], $0x0  }
0x24: {  	s3 =	sadd.s32 $0x88, s3;
	s6 =	simm.s32 @!p1 $0x1082;
	[sflag:s4] =	ssyncset.s32 $0xFFFFF086  }
0x25: {  	[simem:s6], [sflag:s4] =	dma.local [hbm:s3], $0xF7A  }
0x26: {  	[smem:$0x3F94] =	sst s1;
	(tag) =	ssettag s2;
	_ =	strace s9  }
0x27: {  	s1 =	sld [smem:$0x3FA4]  }
0x28: {  	s2 =	sld [smem:$0x3FA5]  }
0x29: {  	s4 =	sld [smem:$0x3FA7]  }
0x2a: {  	p0 =	seq.s32 s5, $0x0;
	s5 =	sld [smem:$0x3FA8]  }
0x2b: {  	s6 =	sld [smem:$0x3FA9]  }
0x2c: {  	s7 =	sld [smem:$0x3FAA]  }
0x2d: {  	s3 =	simm.s32 $0x108;
	s8 =	sld [smem:$0x3FAB]  }
0x2e: {  	s3 =	simm.s32 @!p0 $0x1082;
	s9 =	sld [smem:$0x3FAC]  }
0x2f: {  	lr =	sadd.s32 s0, s3;
	s0 =	sld [smem:$0x3FA3]  }
0x30: {  	s3 =	sld [smem:$0x3FA6]  }
0x31: {  	[smem:$0x3FAF] =	sst s10  }
0x32: {  	s10 =	sld [smem:$0x3FAD];
	_ =	sdelay $0x3  }
0x33: {  	p0 =	seq.s32 s10, $0x1;
	s10 =	sld [smem:$0x3FAF];
	_ =	sdelay $0x3  }
0x34: {  	[smem:$0x3FAF] =	sst s10  }
0x35: {  	s10 =	sld [smem:$0x3FAE];
	_ =	sdelay $0x3  }
0x36: {  	p1 =	seq.s32 s10, $0x1;
	s10 =	sld [smem:$0x3FAF];
	_ =	sdelay $0x3  }
0x37: {  	[smem:$0x3FAF] =	sst s10  }
0x38: {  	s10 =	sld [smem:$0x3FB0]  }
0x39: {  	_ = 	snop;
	(pc) =	sbr.ind lr, $3  }
0x3a: {  	_ = 	snop  }
0x3b: {  	_ = 	snop  }
0x3c: {  	p2 =	seq.s32 s10, $0x1;
	s10 =	sld [smem:$0x3FAF]  }
0x3d: {  	_ =	shalt  }
0x3e: {  	_ =	shalt  }
0x3f: {  	_ =	shalt  }
0x40: {  	_ =	shalt  }
0x41: {  	_ =	shalt  }
0x42: {  	_ =	shalt  }
0x43: {  	_ =	shalt  }
0x44: {  	_ =	shalt  }
0x45: {  	_ =	shalt  }
0x46: {  	_ =	shalt  }
0x47: {  	_ =	shalt  }
0x48: {  	_ =	shalt  }
0x49: {  	_ =	shalt  }
0x4a: {  	_ =	shalt  }
0x4b: {  	_ =	shalt  }
0x4c: {  	_ =	shalt  }
0x4d: {  	_ =	shalt  }
0x4e: {  	_ =	shalt  }
0x4f: {  	_ =	shalt  }
0x50: {  	_ =	shalt  }
0x51: {  	_ =	shalt  }
0x52: {  	_ =	shalt  }
0x53: {  	_ =	shalt  }
0x54: {  	_ =	shalt  }
0x55: {  	_ =	shalt  }
0x56: {  	_ =	shalt  }
0x57: {  	_ =	shalt  }
0x58: {  	_ =	shalt  }
0x59: {  	_ =	shalt  }
0x5a: {  	_ =	shalt  }
0x5b: {  	_ =	shalt  }
0x5c: {  	_ =	shalt  }
0x5d: {  	_ =	shalt  }
0x5e: {  	_ =	shalt  }
0x5f: {  	_ =	shalt  }
0x60: {  	_ =	shalt  }
0x61: {  	_ =	shalt  }
0x62: {  	_ =	shalt  }
0x63: {  	_ =	shalt  }
0x64: {  	_ =	shalt  }
0x65: {  	_ =	shalt  }
0x66: {  	_ =	shalt  }
0x67: {  	_ =	shalt  }
0x68: {  	_ =	shalt  }
0x69: {  	_ =	shalt  }
0x6a: {  	_ =	shalt  }
0x6b: {  	_ =	shalt  }
0x6c: {  	_ =	shalt  }
0x6d: {  	_ =	shalt  }
0x6e: {  	_ =	shalt  }
0x6f: {  	_ =	shalt  }
0x70: {  	_ =	shalt  }
0x71: {  	_ =	shalt  }
0x72: {  	_ =	shalt  }
0x73: {  	_ =	shalt  }
0x74: {  	_ =	shalt  }
0x75: {  	_ =	shalt  }
0x76: {  	_ =	shalt  }
0x77: {  	_ =	shalt  }
0x78: {  	_ =	shalt  }
0x79: {  	_ =	shalt  }
0x7a: {  	_ =	shalt  }
0x7b: {  	_ =	shalt  }
0x7c: {  	_ =	shalt  }
0x7d: {  	_ =	shalt  }
0x7e: {  	_ =	shalt  }
0x7f: {  	_ =	shalt  }
0x80: {  	_ =	shalt  }
0x81: {  	_ =	shalt  }
0x82: {  	_ =	shalt  }
0x83: {  	_ =	shalt  }
0x84: {  	_ =	shalt  }
0x85: {  	_ =	shalt  }
0x86: {  	_ =	shalt  }
0x87: {  	_ =	shalt  }
.Lfunc_end0:
.L_simem_size_0:
called_computation_lowered:
.L_overlay_start_0:
0x88: {  	s2 =	sld [smem:$0x3FD9]  }
0x89: {  	s3 =	sld [smem:$0x3FFE];
	_ =	sdelay $0x1  }
0x8a: {  	s1 =	srdreg.scid  }
0x8b: {  	s0 =	sand.u32 $0x1, s1  }
0x8c: {  	s14 =	sshll.u32 s0, $0xA;
	s2 =	sadd.s32 s3, s2  }
0x8d: {  	s2 =	sadd.s32 s2, s14  }
0x8e: {  	[smem:$0x3FBB] =	sst s2  }
0x8f: {  	_ = 	snop  }
0x90: {  	s2 =	sld [smem:$0x3FD0];
	_ =	sdelay $0x2  }
0x91: {  	s4 =	simm.s32 $0xB;
	s5 =	simm.s32 $0x10;
	s15 =	sld [smem:$0x3FC9]  }
0x92: {  	[smem:s5], [sflag:s4] =	dma.local [hbm:s2], $0x1  }
0x93: {  	_ =	swait.eq [sflag:s4], $0x1  }
0x94: {  	[sflag:s4] =	ssyncset.done $0x0  }
0x95: {  	[sflag:s4] =	ssyncadd.s32 $0xFFFFFFFF  }
0x96: {  	s16 =	sld [smem:$0x11];
	(tm) =	ssettm $0x1  }
0x97: {  	s17 =	sld [smem:$0x3FFB];
	_ =	sdelay $0x3  }
0x98: {  	_ =	strace s17  }
0x99: {  	s4 =	sld [smem:$0x3FFC];
	_ =	sdelay $0x3  }
0x9a: {  	_ =	strace s4  }
0x9b: {  	s4 =	sld [smem:$0x3FFD];
	_ =	sdelay $0x3  }
0x9c: {  	_ =	strace s4  }
0x9d: {  	_ =	strace $0x8FFFFFFF  }
0x9e: {  	s18 =	sld [smem:$0x3FDB];
	_ =	sdelay $0x1  }
0x9f: {  	s19 =	simm.s32 $_scs_section_size  }
0xa0: {  	s6 =	simm.s32 $_size__tile_overlayer_lowered;
	s7 =	simm.s32 $_tile_overlayer_lowered  }
0xa1: {  	s22 =	simm.s32 $0x1BFF;
	s21 =	sshll.u32 s7, $0x1;
	s4 =	sadd.s32 s19, s18  }
0xa2: {  	s8 =	simm.s32 $0x0;
	s20 =	sshll.u32 s6, $0x1;
	s6 =	sadd.s32 s21, s4  }
0xa3: {  	[timem:s8], [sflag:s22] =	dma.local [hbm:s6], s20  }
0xa4: {  	_ =	swait.ge [sflag:s22], s20  }
0xa5: {  	s5 =	ssub.s32 $0x0, s20;
	[sflag:s22] =	ssyncset.done $0x0  }
0xa6: {  	[sflag:s22] =	ssyncadd.s32 s5;
	_ =	sdelay $0x1  }
0xa7: {  	s23 =	simm.s32 $0x1B8B  }
0xa8: {  	_ =	swait.ge [sflag:s23], $0x1  }
0xa9: {  	[sflag:s23] =	ssyncset.done $0x0  }
0xaa: {  	s25 =	simm.s32 $0x1B8E;
	s24 =	sld [smem:$0x3FFE];
	[sflag:s23] =	ssyncadd.s32 $0xFFFFFFFF  }
0xab: {  	s26 =	simm.s32 $execute0_lowered;
	[smem:$0x3FD2] =	sst s25  }
0xac: {  	s6 =	sshll.u32 s26, $0x1;
	_ =	strace $0x80000046;
	[dreg:$0x1] =	wrdreg $0xFFFFFFFF  }
0xad: {  	s28 =	simm.s32 $_size_execute0_lowered;
	s4 =	sadd.s32 s4, s6;
	[dreg:$0x0] =	wrdreg $0x0  }
0xae: {  	s6 =	sshll.u32 s28, $0x1;
	[dreg:$0x2] =	wrdreg s4  }
0xaf: {  	[dreg:$0x3] =	wrdreg s6  }
0xb0: {  	[dreg:$0x4] =	wrdreg $0xC0  }
0xb1: {  	_ =	task [dreg:s8], $0x5FFFF  }
0xb2: {  	[dreg:$0x1] =	wrdreg $0xFFFFFFFF  }
0xb3: {  	[dreg:$0x0] =	wrdreg $0x60  }
0xb4: {  	[dreg:$0x2] =	wrdreg s15  }
0xb5: {  	[dreg:$0x3] =	wrdreg s16  }
0xb6: {  	[dreg:$0x4] =	wrdreg s24  }
0xb7: {  	[dreg:$0x5] =	wrdreg $0x9  }
0xb8: {  	_ =	task.clear_ibuf [dreg:s8], $0x6FFFF;
	_ =	strace $0x90000046  }
0xb9: {  	s29 =	simm.s32 $0x9;
	_ =	strace $0x80000048  }
0xba: {  	_ =	swait.ge [sflag:s29], $0x1  }
0xbb: {  	[sflag:s29] =	ssyncadd.s32 $0xFFFFFFFF  }
0xbc: {  	_ =	strace $0x90000048  }
0xbd: {  	_ =	sfence  }
0xbe: {  	s30 =	sld [smem:$0x0];
	_ =	sdelay $0x2  }
0xbf: {  	s31 =	sshll.u32 s1, $0xD;
	s1 =	sshrl.u32 s1, $0x2  }
0xc0: {  	s3 =	sand.u32 $0x4000, s31;
	s1 =	sadd.s32 s1, s30  }
0xc1: {  	s0 =	sor.u32 s3, s0;
	s1 =	sshll.u32 s1, $0x11  }
0xc2: {  	s0 =	sor.u32 s1, s0  }
0xc3: {  	s0 =	sadd.s32 $0x8F2B, s0  }
0xc4: {  	[sflag:s0] =	ssyncadd.remote.s32 $0x1  }
0xc5: {  	_ =	sfence.sel $0xFFFF  }
0xc6: {  	[dreg:$0x0] =	wrdreg $0xFFFFFFFF;
	(pc) =	sbr.abs _section_cstart, $3  }
0xc7: {  	[dreg:$0x1] =	wrdreg $0xFFFFFFFF  }
0xc8: {  	_ =	task.clear_ibuf [dreg:s8], $0x2FFFF;
	_ =	strace $0x9FFFFFFF  }
0xc9: {  	(tm) =	ssettm $0x7FFFFFFF  }
tec
execute0_lowered:
.L_overlay_start_1:
0x0: {  	(tag) =	ssettag $0x1  }
0x1: {  	s1 =	rddreg [dreg:$0x0]  }
0x2: {  	s3 =	rddreg [dreg:$0x1]  }
0x3: {  	s2 =	srdreg.scid;
	s0 =	stileid.u32  }
0x4: {  	s5 =	rddreg [dreg:$0x2];
	s4 =	simm.s32 $0x0;
	s18 =	simm.s32 $0x100  }
0x5: {  	s19 =	simm.s32 $0x3;
	s20 =	simm.s32 $0x2;
	s21 =	simm.s32 $0x2900  }
0x6: {  	s22 =	simm.s32 $0x5;
	s23 =	simm.s32 $0x4;
	s13 =	smul.u32 $0x4E200, s0  }
0x7: {  	s24 =	simm.s32 $0x0;
	s10 =	sand.u32 $0x1, s2;
	s15 =	smul.u32 $0x4E20, s0  }
0x8: {  	s6 =	sshll.u32 s0, $0x1;
	s2 =	rddreg [dreg:$0x3];
	s16 =	smul.u32 $0x2710, s10  }
0x9: {  	[smem:$0x7FF] =	sst s4;
	s6 =	sor.u32 s10, s6;
	s17 =	smul.u32 $0x27100, s10  }
0xa: {  	s11 =	sadd.s32 $0xBA00, s5;
	s7 =	ssub.s32 $0x2, s10;
	s8 =	smul.u32 $0x2710, s6  }
0xb: {  	_ =	strace $0x80000047;
	s9 =	sshrl.u32 s7, $0x1;
	s12 =	smul.u32 $0x27100, s6  }
0xc: {  	s7 =	ssub.s32 s7, s9;
	s30 =	sadd.s32 s16, s15;
	s16 =	simm.s32 $0x1  }
0xd: {  	s28 =	sshrl.u32 s8, $0x3;
	s7 =	smax.u32 s7, $0x1;
	s14 =	sadd.s32 $0x26C0, s8  }
0xe: {  	s12 =	sadd.s32 s11, s12;
	s15 =	sadd.s32 $0xF0, s30;
	s5 =	sadd.s32 s3, s28  }
0xf: {  	s8 =	sshll.u32 s14, $0x4;
	s9 =	sadd.s32 $0x26200, s12;
	s29 =	sshrl.u32 s14, $0x3  }
0x10: {  	s31 =	sshrl.u32 s15, $0x3;
	s14 =	sadd.s32 $0xA0, s30;
	s15 =	simm.s32 $0x80  }
0x11: {  	s6 =	sadd.s32 $0xA, s5;
	s8 =	sadd.s32 s11, s8;
	s11 =	sadd.s32 s13, s11  }
0x12: {  	s10 =	sadd.s32 s3, s29;
	s13 =	sadd.s32 s17, s11;
	s11 =	sadd.s32 $0x26700, s12  }
0x13: {  	s17 =	simm.s32 $0x50;
	s12 =	sadd.s32 $0x500, s13;
	s13 =	sadd.s32 s31, s3  }
.LBB2_1:
0x14: {  	[tilespmem:s4], [sflag:$0x1] =	stream.linear.gather [hbm4b:s5+s4], $0x50, $0x38;
	[tilespmem:$0x5100] =	vst v63  }
0x15: {  	_ = 	snop  }
0x16: {  	[tilespmem:s15], [sflag:$0x2] =	stream.linear.gather [hbm4b:s6+s4], $0x50, $0x38;
	[tilespmem:$0x5100] =	vst v63  }
0x17: {  	_ =	swait.ge [sflag:s16], $0x50  }
0x18: {  	[sflag:s16] =	ssyncset.done $0x0  }
0x19: {  	[sflag:s16] =	ssyncadd.s32 $0xFFFFFFB0  }
0x1a: {  	[tilespmem:s18], [sflag:$0x3] =	stream.indirect.gather [hbm4b:s1+s17], $0x80, s4, s17, $0xb8;
	[tilespmem:$0x5100] =	vst v63  }
0x1b: {  	_ =	swait.ge [sflag:s19], $0x2800  }
0x1c: {  	[sflag:s19] =	ssyncset.done $0x0  }
0x1d: {  	[sflag:s19] =	ssyncadd.s32 $0xFFFFD800  }
0x1e: {  	_ =	swait.ge [sflag:s20], $0x50  }
0x1f: {  	[sflag:s20] =	ssyncset.done $0x0  }
0x20: {  	[sflag:s20] =	ssyncadd.s32 $0xFFFFFFB0  }
0x21: {  	[tilespmem:s21], [sflag:$0x4] =	stream.indirect.gather [hbm4b:s1+s17], $0x80, s15, s17, $0xb8;
	[tilespmem:$0x5100] =	vst v63  }
0x22: {  	s25 =	sadd.s32 $0xFFFFFB00, s12  }
0x23: {  	[hbm4b:s25+s4] =	stream.linear.scatter [tilespmem:s18], [sflag:$0x5], $0x2800, $0x38;
	[tilespmem:$0x5100] =	vst v63  }
0x24: {  	_ =	swait.ge [sflag:s22], $0x2800  }
0x25: {  	s31 =	sshrl.u32 s14, $0x3;
	[sflag:s22] =	ssyncset.done $0x0  }
0x26: {  	s25 =	sadd.s32 s3, s31;
	[sflag:s22] =	ssyncadd.s32 $0xFFFFD800  }
0x27: {  	[tilespmem:s4], [sflag:$0x1] =	stream.linear.gather [hbm4b:s25+s4], $0x50, $0x38;
	[tilespmem:$0x5100] =	vst v63  }
0x28: {  	_ =	swait.ge [sflag:s23], $0x2800  }
0x29: {  	[sflag:s23] =	ssyncset.done $0x0  }
0x2a: {  	[sflag:s23] =	ssyncadd.s32 $0xFFFFD800  }
0x2b: {  	_ =	swait.ge [sflag:s16], $0x50  }
0x2c: {  	[sflag:s16] =	ssyncset.done $0x0  }
0x2d: {  	[sflag:s16] =	ssyncadd.s32 $0xFFFFFFB0  }
0x2e: {  	[tilespmem:s18], [sflag:$0x3] =	stream.indirect.gather [hbm4b:s1+s17], $0x80, s4, s17, $0xb8;
	[tilespmem:$0x5100] =	vst v63  }
0x2f: {  	_ = 	snop  }
0x30: {  	[hbm4b:s12+s4] =	stream.linear.scatter [tilespmem:s21], [sflag:$0x5], $0x2800, $0x38;
	[tilespmem:$0x5100] =	vst v63  }
0x31: {  	_ =	swait.ge [sflag:s22], $0x2800  }
0x32: {  	s26 =	sadd.s32 $0xA0, s14;
	s29 =	sadd.s32 $0x0, s13;
	[sflag:s22] =	ssyncset.done $0x0  }
0x33: {  	s28 =	sadd.s32 $0xA00, s12;
	s25 =	simm.s32 $0x14;
	[sflag:s22] =	ssyncadd.s32 $0xFFFFD800  }
.LBB2_2:
0x34: {  	[tilespmem:s15], [sflag:$0x2] =	stream.linear.gather [hbm4b:s29+s4], $0x50, $0x38;
	[tilespmem:$0x5100] =	vst v63  }
0x35: {  	s29 =	smov.u32 s25  }
0x36: {  	p0 =	sne.s32 s25, $0x4B0;
	s25 =	sadd.s32 $0x14, s25;
	_ =	swait.ge [sflag:s19], $0x2800  }
0x37: {  	[sflag:s19] =	ssyncset.done $0x0  }
0x38: {  	[sflag:s19] =	ssyncadd.s32 $0xFFFFD800  }
0x39: {  	_ =	swait.ge [sflag:s20], $0x50  }
0x3a: {  	[sflag:s20] =	ssyncset.done $0x0  }
0x3b: {  	[sflag:s20] =	ssyncadd.s32 $0xFFFFFFB0  }
0x3c: {  	[tilespmem:s21], [sflag:$0x4] =	stream.indirect.gather [hbm4b:s1+s17], $0x80, s15, s17, $0xb8;
	[tilespmem:$0x5100] =	vst v63  }
0x3d: {  	s30 =	sadd.s32 $0xFFFFFB00, s28  }
0x3e: {  	[hbm4b:s30+s4] =	stream.linear.scatter [tilespmem:s18], [sflag:$0x5], $0x2800, $0x38;
	[tilespmem:$0x5100] =	vst v63  }
0x3f: {  	_ =	swait.ge [sflag:s22], $0x2800  }
0x40: {  	s30 =	sshrl.u32 s26, $0x3;
	[sflag:s22] =	ssyncset.done $0x0  }
0x41: {  	s30 =	sadd.s32 s3, s30;
	[sflag:s22] =	ssyncadd.s32 $0xFFFFD800  }
0x42: {  	[tilespmem:s4], [sflag:$0x1] =	stream.linear.gather [hbm4b:s30+s4], $0x50, $0x38;
	[tilespmem:$0x5100] =	vst v63  }
0x43: {  	_ =	swait.ge [sflag:s23], $0x2800  }
0x44: {  	[sflag:s23] =	ssyncset.done $0x0  }
0x45: {  	[sflag:s23] =	ssyncadd.s32 $0xFFFFD800  }
0x46: {  	_ =	swait.ge [sflag:s16], $0x50  }
0x47: {  	[sflag:s16] =	ssyncset.done $0x0  }
0x48: {  	[sflag:s16] =	ssyncadd.s32 $0xFFFFFFB0  }
0x49: {  	[tilespmem:s18], [sflag:$0x3] =	stream.indirect.gather [hbm4b:s1+s17], $0x80, s4, s17, $0xb8;
	[tilespmem:$0x5100] =	vst v63  }
.Ltmp0:
0x4a: {  	(pc) =	sbr.rel @p0 .LBB2_2-.Ltmp0, $4  }
0x4b: {  	[hbm4b:s28+s4] =	stream.linear.scatter [tilespmem:s21], [sflag:$0x5], $0x2800, $0x38;
	[tilespmem:$0x5100] =	vst v63  }
0x4c: {  	_ =	swait.ge [sflag:s22], $0x2800  }
0x4d: {  	s26 =	sadd.s32 $0xA0, s26;
	[sflag:s22] =	ssyncset.done $0x0  }
0x4e: {  	s29 =	sadd.s32 s29, s13;
	s28 =	sadd.s32 $0xA00, s28;
	[sflag:s22] =	ssyncadd.s32 $0xFFFFD800  }
0x4f: {  	[tilespmem:s15], [sflag:$0x2] =	stream.linear.gather [hbm4b:s29+s4], $0x50, $0x38;
	[tilespmem:$0x5100] =	vst v63  }
0x50: {  	_ =	swait.ge [sflag:s19], $0x2800  }
0x51: {  	[sflag:s19] =	ssyncset.done $0x0  }
0x52: {  	[sflag:s19] =	ssyncadd.s32 $0xFFFFD800  }
0x53: {  	_ =	swait.ge [sflag:s20], $0x50  }
0x54: {  	[sflag:s20] =	ssyncset.done $0x0  }
0x55: {  	[sflag:s20] =	ssyncadd.s32 $0xFFFFFFB0  }
0x56: {  	[tilespmem:s21], [sflag:$0x4] =	stream.indirect.gather [hbm4b:s1+s17], $0x80, s15, s17, $0xb8;
	[tilespmem:$0x5100] =	vst v63  }
0x57: {  	_ = 	snop  }
0x58: {  	[hbm4b:s9+s4] =	stream.linear.scatter [tilespmem:s18], [sflag:$0x5], $0x2800, $0x38;
	[tilespmem:$0x5100] =	vst v63  }
0x59: {  	_ =	swait.ge [sflag:s22], $0x2800  }
0x5a: {  	[sflag:s22] =	ssyncset.done $0x0  }
0x5b: {  	[sflag:s22] =	ssyncadd.s32 $0xFFFFD800  }
0x5c: {  	[tilespmem:s4], [sflag:$0x1] =	stream.linear.gather [hbm4b:s10+s4], $0x50, $0x38;
	[tilespmem:$0x5100] =	vst v63  }
0x5d: {  	_ =	swait.ge [sflag:s23], $0x2800  }
0x5e: {  	[sflag:s23] =	ssyncset.done $0x0  }
0x5f: {  	[sflag:s23] =	ssyncadd.s32 $0xFFFFD800  }
0x60: {  	_ =	swait.ge [sflag:s16], $0x50  }
0x61: {  	[sflag:s16] =	ssyncset.done $0x0  }
0x62: {  	[sflag:s16] =	ssyncadd.s32 $0xFFFFFFB0  }
0x63: {  	[tilespmem:s18], [sflag:$0x3] =	stream.indirect.gather [hbm4b:s1+s17], $0x80, s4, s17, $0xb8;
	[tilespmem:$0x5100] =	vst v63  }
0x64: {  	_ = 	snop  }
0x65: {  	[hbm4b:s11+s4] =	stream.linear.scatter [tilespmem:s21], [sflag:$0x5], $0x2800, $0x38;
	[tilespmem:$0x5100] =	vst v63  }
0x66: {  	_ =	swait.ge [sflag:s22], $0x2800  }
0x67: {  	[sflag:s22] =	ssyncset.done $0x0  }
0x68: {  	[sflag:s22] =	ssyncadd.s32 $0xFFFFD800  }
0x69: {  	s24 =	sadd.s32 $0x1, s24;
	_ =	swait.ge [sflag:s19], $0x2800  }
0x6a: {  	p0 =	sne.s32 s24, s7;
	[sflag:s19] =	ssyncset.done $0x0  }
.Ltmp1:
0x6b: {  	[sflag:s19] =	ssyncadd.s32 $0xFFFFD800;
	(pc) =	sbr.rel @p0 .LBB2_1-.Ltmp1, $4  }
0x6c: {  	[hbm4b:s8+s4] =	stream.linear.scatter [tilespmem:s18], [sflag:$0x5], $0x2800, $0x38;
	[tilespmem:$0x5100] =	vst v63  }
0x6d: {  	_ =	swait.ge [sflag:s22], $0x2800  }
0x6e: {  	[sflag:s22] =	ssyncset.done $0x0  }
0x6f: {  	[sflag:s22] =	ssyncadd.s32 $0xFFFFD800  }
0x70: {  	_ =	sfence.sel $0x180000  }
0x71: {  	[bflag:$0x0] =	sbarrier.arrive $0xFFFF  }
0x72: {  	p0 =	sne.s32 s0, $0x0;
	_ =	strace $0x90000047  }
0x73: {  	s0 =	sadd.s32 @!p0 $0x100000, s2;
	[bflag:$0x2] =	sbarrier.arrive $0xFFFF  }
0x74: {  	[sflag:s0] =	ssyncadd.tile.s32 @!p0 $0x1;
	_ =	shalt  }
.Lfunc_end2:
_tile_overlayer_lowered:
.L_overlay_start_2:
0x75: {  	(tag) =	ssettag $0x2  }
0x76: {  	s0 =	rddreg [dreg:$0x0];
	s2 =	stileid.u32  }
0x77: {  	s1 =	rddreg [dreg:$0x1];
	p0 =	sne.s32 s2, $0x0  }
0x78: {  	s3 =	rddreg [dreg:$0x2];
	[bflag:$0x3] =	sbarrier.arrive $0xFFFF;
	s2 =	simm.s32 @!p0 $0x1C05  }
0x79: {  	[timem:s3], [sflag:s2] =	dma.local @!p0 [hbm:s0], s1  }
0x7a: {  	s0 =	simm.s32 @!p0 $0x5  }
0x7b: {  	_ =	swait.ge @!p0 [sflag:s0], s1  }
0x7c: {  	s1 =	ssub.s32 @!p0 $0x0, s1;
	[sflag:s0] =	ssyncset.done @!p0 $0x0  }
0x7d: {  	[sflag:s0] =	ssyncadd.s32 @!p0 s1  }
0x7e: {  	[bflag:$0x3] =	sbarrier.arrive $0xFFFF  }
0x7f: {  	_ =	shalt  }

// kernel: kernel.9.cloned.1.call-start
scs
__scs_entry_jumppad:
0x0: {  	(pc) =	sbr.rel $0x88, $3  }
0x1: {  	(tag) =	ssettag $0x0;
	lr =	simm.s32 $0x1  }
0x2: {  	[smem:$0x3F94] =	sst lr;
	_ =	strace $0xD0000000  }
0x3: {  	_ = 	snop  }
0x4: {  	_ = 	snop  }
0x5: {  	_ = 	snop  }
0x6: {  	_ = 	snop  }
0x7: {  	_ = 	snop  }
__scs_overlays_trampoline_lowered:
0x8: {  	[smem:$0x3FA3] =	sst s0  }
0x9: {  	[smem:$0x3FA4] =	sst s1  }
0xa: {  	[smem:$0x3FA5] =	sst s2  }
0xb: {  	[smem:$0x3FA6] =	sst s3  }
0xc: {  	[smem:$0x3FA7] =	sst s4  }
0xd: {  	[smem:$0x3FA8] =	sst s5  }
0xe: {  	[smem:$0x3FA9] =	sst s6  }
0xf: {  	[smem:$0x3FAA] =	sst s7  }
0x10: {  	[smem:$0x3FAB] =	sst s8  }
0x11: {  	[smem:$0x3FAC] =	sst s9;
	s0 =	simm.s32 @!p0 $0x0  }
0x12: {  	s1 =	sld [smem:$0x3F92];
	s0 =	simm.s32 @p0 $0x1  }
0x13: {  	[smem:$0x3FAD] =	sst s0;
	s0 =	simm.s32 @!p1 $0x0  }
0x14: {  	s2 =	sld [smem:$0x3F91];
	s0 =	simm.s32 @p1 $0x1  }
0x15: {  	[smem:$0x3FAE] =	sst s0;
	s0 =	simm.s32 @!p2 $0x0  }
0x16: {  	s3 =	sld [smem:$0x3FDB];
	s0 =	simm.s32 @p2 $0x1  }
0x17: {  	s4 =	simm.s32 $0x1BF5;
	[smem:$0x3FB0] =	sst s0  }
0x18: {  	s0 =	sld [smem:$0x3F93];
	_ =	swait.ge [sflag:s4], $0x0  }
0x19: {  	s7 =	sld [smem:$0x3F94]  }
0x1a: {  	s8 =	sadd.s32 $0xFFFFE003, lr  }
0x1b: {  	s9 =	sadd.s32 $0xFFFFFEF7, lr;
	s5 =	simm.s32 $0xFFFFFFFF;
	p2 =	slt.u32 s8, $0xFFFFF086  }
0x1c: {  	p1 =	slt.u32 s9, $0xF7A;
	s5 =	simm.s32 @!p2 $0x0  }
0x1d: {  	s5 =	simm.s32 @p1 $0x1;
	p0 =	seq.s32 s7, s2  }
0x1e: {  	s7 =	smul.u32 @!p0 $0xF7A, s2;
	p2 =	seq.s32 @!p0 s5, $0x0  }
0x1f: {  	s9 =	smul.u32 $0xF7A, s1;
	s8 =	simm.s32 @!p0 $0x1BF5;
	p2 =	por !p2, p0  }
0x20: {  	[sflag:s8] =	ssyncset.s32 @!p0 $0xFFFFF086;
	s6 =	sadd.s32 @!p0 s3, s7;
	s7 =	simm.s32 @!p0 $0x108  }
0x21: {  	s3 =	sadd.s32 s3, s9;
	s6 =	sadd.s32 @!p0 $0x88, s6;
	s7 =	simm.s32 @p2 $0x1082  }
0x22: {  	[simem:s7], [sflag:s8] =	dma.local @!p0 [hbm:s6], $0xF7A  }
0x23: {  	s9 =	sor.u32 $0xD0000000, s2;
	s6 =	simm.s32 $0x108;
	_ =	swait.ge @!p0 [sflag:s8], $0x0  }
0x24: {  	s3 =	sadd.s32 $0x88, s3;
	s6 =	simm.s32 @!p1 $0x1082;
	[sflag:s4] =	ssyncset.s32 $0xFFFFF086  }
0x25: {  	[simem:s6], [sflag:s4] =	dma.local [hbm:s3], $0xF7A  }
0x26: {  	[smem:$0x3F94] =	sst s1;
	(tag) =	ssettag s2;
	_ =	strace s9  }
0x27: {  	s1 =	sld [smem:$0x3FA4]  }
0x28: {  	s2 =	sld [smem:$0x3FA5]  }
0x29: {  	s4 =	sld [smem:$0x3FA7]  }
0x2a: {  	p0 =	seq.s32 s5, $0x0;
	s5 =	sld [smem:$0x3FA8]  }
0x2b: {  	s6 =	sld [smem:$0x3FA9]  }
0x2c: {  	s7 =	sld [smem:$0x3FAA]  }
0x2d: {  	s3 =	simm.s32 $0x108;
	s8 =	sld [smem:$0x3FAB]  }
0x2e: {  	s3 =	simm.s32 @!p0 $0x1082;
	s9 =	sld [smem:$0x3FAC]  }
0x2f: {  	lr =	sadd.s32 s0, s3;
	s0 =	sld [smem:$0x3FA3]  }
0x30: {  	s3 =	sld [smem:$0x3FA6]  }
0x31: {  	[smem:$0x3FAF] =	sst s10  }
0x32: {  	s10 =	sld [smem:$0x3FAD];
	_ =	sdelay $0x3  }
0x33: {  	p0 =	seq.s32 s10, $0x1;
	s10 =	sld [smem:$0x3FAF];
	_ =	sdelay $0x3  }
0x34: {  	[smem:$0x3FAF] =	sst s10  }
0x35: {  	s10 =	sld [smem:$0x3FAE];
	_ =	sdelay $0x3  }
0x36: {  	p1 =	seq.s32 s10, $0x1;
	s10 =	sld [smem:$0x3FAF];
	_ =	sdelay $0x3  }
0x37: {  	[smem:$0x3FAF] =	sst s10  }
0x38: {  	s10 =	sld [smem:$0x3FB0]  }
0x39: {  	_ = 	snop;
	(pc) =	sbr.ind lr, $3  }
0x3a: {  	_ = 	snop  }
0x3b: {  	_ = 	snop  }
0x3c: {  	p2 =	seq.s32 s10, $0x1;
	s10 =	sld [smem:$0x3FAF]  }
0x3d: {  	_ =	shalt  }
0x3e: {  	_ =	shalt  }
0x3f: {  	_ =	shalt  }
0x40: {  	_ =	shalt  }
0x41: {  	_ =	shalt  }
0x42: {  	_ =	shalt  }
0x43: {  	_ =	shalt  }
0x44: {  	_ =	shalt  }
0x45: {  	_ =	shalt  }
0x46: {  	_ =	shalt  }
0x47: {  	_ =	shalt  }
0x48: {  	_ =	shalt  }
0x49: {  	_ =	shalt  }
0x4a: {  	_ =	shalt  }
0x4b: {  	_ =	shalt  }
0x4c: {  	_ =	shalt  }
0x4d: {  	_ =	shalt  }
0x4e: {  	_ =	shalt  }
0x4f: {  	_ =	shalt  }
0x50: {  	_ =	shalt  }
0x51: {  	_ =	shalt  }
0x52: {  	_ =	shalt  }
0x53: {  	_ =	shalt  }
0x54: {  	_ =	shalt  }
0x55: {  	_ =	shalt  }
0x56: {  	_ =	shalt  }
0x57: {  	_ =	shalt  }
0x58: {  	_ =	shalt  }
0x59: {  	_ =	shalt  }
0x5a: {  	_ =	shalt  }
0x5b: {  	_ =	shalt  }
0x5c: {  	_ =	shalt  }
0x5d: {  	_ =	shalt  }
0x5e: {  	_ =	shalt  }
0x5f: {  	_ =	shalt  }
0x60: {  	_ =	shalt  }
0x61: {  	_ =	shalt  }
0x62: {  	_ =	shalt  }
0x63: {  	_ =	shalt  }
0x64: {  	_ =	shalt  }
0x65: {  	_ =	shalt  }
0x66: {  	_ =	shalt  }
0x67: {  	_ =	shalt  }
0x68: {  	_ =	shalt  }
0x69: {  	_ =	shalt  }
0x6a: {  	_ =	shalt  }
0x6b: {  	_ =	shalt  }
0x6c: {  	_ =	shalt  }
0x6d: {  	_ =	shalt  }
0x6e: {  	_ =	shalt  }
0x6f: {  	_ =	shalt  }
0x70: {  	_ =	shalt  }
0x71: {  	_ =	shalt  }
0x72: {  	_ =	shalt  }
0x73: {  	_ =	shalt  }
0x74: {  	_ =	shalt  }
0x75: {  	_ =	shalt  }
0x76: {  	_ =	shalt  }
0x77: {  	_ =	shalt  }
0x78: {  	_ =	shalt  }
0x79: {  	_ =	shalt  }
0x7a: {  	_ =	shalt  }
0x7b: {  	_ =	shalt  }
0x7c: {  	_ =	shalt  }
0x7d: {  	_ =	shalt  }
0x7e: {  	_ =	shalt  }
0x7f: {  	_ =	shalt  }
0x80: {  	_ =	shalt  }
0x81: {  	_ =	shalt  }
0x82: {  	_ =	shalt  }
0x83: {  	_ =	shalt  }
0x84: {  	_ =	shalt  }
0x85: {  	_ =	shalt  }
0x86: {  	_ =	shalt  }
0x87: {  	_ =	shalt  }
.Lfunc_end0:
.L_simem_size_0:
called_computation.1_lowered:
.L_overlay_start_0:
0x88: {  	s2 =	sld [smem:$0x3FD9]  }
0x89: {  	s3 =	sld [smem:$0x3FFE];
	_ =	sdelay $0x1  }
0x8a: {  	s1 =	srdreg.scid  }
0x8b: {  	s0 =	sand.u32 $0x1, s1  }
0x8c: {  	s17 =	sshll.u32 s0, $0xA;
	s2 =	sadd.s32 s3, s2  }
0x8d: {  	s2 =	sadd.s32 s2, s17  }
0x8e: {  	[smem:$0x3FBB] =	sst s2  }
0x8f: {  	_ = 	snop  }
0x90: {  	(tm) =	ssettm $0x1  }
0x91: {  	s18 =	sld [smem:$0x3FFB];
	_ =	sdelay $0x3  }
0x92: {  	_ =	strace s18  }
0x93: {  	s2 =	sld [smem:$0x3FFC];
	_ =	sdelay $0x3  }
0x94: {  	_ =	strace s2  }
0x95: {  	s2 =	sld [smem:$0x3FFD];
	_ =	sdelay $0x3  }
0x96: {  	_ =	strace s2  }
0x97: {  	_ =	strace $0x8FFFFFFF  }
0x98: {  	s19 =	sld [smem:$0x3FDB];
	_ =	sdelay $0x1  }
0x99: {  	s20 =	simm.s32 $_scs_section_size  }
0x9a: {  	s4 =	simm.s32 $_size__tile_overlayer_lowered;
	s5 =	simm.s32 $_tile_overlayer_lowered  }
0x9b: {  	s6 =	simm.s32 $0x1BFF;
	s21 =	sshll.u32 s5, $0x1;
	s3 =	sadd.s32 s20, s19  }
0x9c: {  	s22 =	simm.s32 $0x0;
	s4 =	sshll.u32 s4, $0x1;
	s5 =	sadd.s32 s21, s3  }
0x9d: {  	[timem:s22], [sflag:s6] =	dma.local [hbm:s5], s4  }
0x9e: {  	_ =	swait.ge [sflag:s6], s4  }
0x9f: {  	s4 =	ssub.s32 $0x0, s4;
	[sflag:s6] =	ssyncset.done $0x0  }
0xa0: {  	[sflag:s6] =	ssyncadd.s32 s4;
	_ =	sdelay $0x1  }
0xa1: {  	s23 =	simm.s32 $0x1B8B  }
0xa2: {  	_ =	swait.ge [sflag:s23], $0x1  }
0xa3: {  	[sflag:s23] =	ssyncset.done $0x0  }
0xa4: {  	[sflag:s23] =	ssyncadd.s32 $0xFFFFFFFF  }
0xa5: {  	s4 =	sld [smem:$0x0]  }
0xa6: {  	s5 =	sand.u32 $0xFFFFFFFE, s1  }
0xa7: {  	p0 =	sne.s32 s1, s5  }
0xa8: {  	s5 =	sshll.u32 @p0 s5, $0xE  }
0xa9: {  	s5 =	sadd.s32 @p0 $0x11B8D, s5;
	s6 =	sshll.u32 @p0 s4, $0x11  }
0xaa: {  	s5 =	sor.u32 @p0 s6, s5  }
0xab: {  	[sflag:s5] =	ssyncadd.remote.s32 @p0 $0x1;
	_ =	sdelay $0x1  }
0xac: {  	s5 =	simm.s32 @p0 $0x1B8D  }
0xad: {  	_ =	swait.eq @p0 [sflag:s5], $0x1  }
0xae: {  	[sflag:s5] =	ssyncadd.s32 @p0 $0xFFFFFFFF  }
0xaf: {  	s6 =	sshll.u32 @!p0 s1, $0xE  }
0xb0: {  	s6 =	sor.u32 @!p0 $0x4000, s6;
	s5 =	simm.s32 @!p0 $0x1B8D  }
0xb1: {  	s4 =	sshll.u32 @!p0 s4, $0x11;
	s6 =	sadd.s32 @!p0 $0x11B8D, s6;
	_ =	swait.eq @!p0 [sflag:s5], $0x1  }
0xb2: {  	s4 =	sor.u32 @!p0 s4, s6;
	[sflag:s5] =	ssyncadd.s32 @!p0 $0xFFFFFFFF  }
0xb3: {  	s25 =	simm.s32 $0x1B8E;
	s24 =	sld [smem:$0x3FFE];
	[sflag:s4] =	ssyncadd.remote.s32 @!p0 $0x1  }
0xb4: {  	s26 =	simm.s32 $execute0_lowered;
	[smem:$0x3FD2] =	sst s25  }
0xb5: {  	s5 =	sshll.u32 s26, $0x1;
	_ =	strace $0x8000004C;
	[dreg:$0x1] =	wrdreg $0xFFFFFFFF  }
0xb6: {  	s28 =	simm.s32 $_size_execute0_lowered;
	s3 =	sadd.s32 s3, s5;
	[dreg:$0x0] =	wrdreg $0x0  }
0xb7: {  	s5 =	sshll.u32 s28, $0x1;
	[dreg:$0x2] =	wrdreg s3  }
0xb8: {  	[dreg:$0x3] =	wrdreg s5  }
0xb9: {  	[dreg:$0x4] =	wrdreg $0xC0  }
0xba: {  	_ =	task [dreg:s22], $0x5FFFF  }
0xbb: {  	[dreg:$0x1] =	wrdreg $0xFFFFFFFF  }
0xbc: {  	[dreg:$0x0] =	wrdreg $0x60  }
0xbd: {  	[dreg:$0x2] =	wrdreg s24  }
0xbe: {  	[dreg:$0x3] =	wrdreg $0x0  }
0xbf: {  	[dreg:$0x4] =	wrdreg $0x9  }
0xc0: {  	_ =	task.clear_ibuf [dreg:s22], $0x5FFFF;
	_ =	strace $0x9000004C  }
0xc1: {  	s29 =	simm.s32 $0x9;
	_ =	strace $0x8000004E  }
0xc2: {  	_ =	swait.ge [sflag:s29], $0x1  }
0xc3: {  	[sflag:s29] =	ssyncadd.s32 $0xFFFFFFFF  }
0xc4: {  	_ =	strace $0x9000004E  }
0xc5: {  	_ =	sfence  }
0xc6: {  	s30 =	sld [smem:$0x0];
	_ =	sdelay $0x2  }
0xc7: {  	s31 =	sshll.u32 s1, $0xD;
	s1 =	sshrl.u32 s1, $0x2  }
0xc8: {  	s4 =	sand.u32 $0x4000, s31;
	s1 =	sadd.s32 s1, s30  }
0xc9: {  	s0 =	sor.u32 s4, s0;
	s1 =	sshll.u32 s1, $0x11  }
0xca: {  	s0 =	sor.u32 s1, s0  }
0xcb: {  	s0 =	sadd.s32 $0x8F2B, s0  }
0xcc: {  	[sflag:s0] =	ssyncadd.remote.s32 $0x1  }
0xcd: {  	_ =	sfence.sel $0xFFFF  }
0xce: {  	[dreg:$0x0] =	wrdreg $0xFFFFFFFF;
	(pc) =	sbr.abs _section_cstart, $3  }
0xcf: {  	[dreg:$0x1] =	wrdreg $0xFFFFFFFF  }
0xd0: {  	_ =	task.clear_ibuf [dreg:s22], $0x2FFFF;
	_ =	strace $0x9FFFFFFF  }
0xd1: {  	(tm) =	ssettm $0x7FFFFFFF  }
tec
execute0_lowered:
.L_overlay_start_1:
0x0: {  	(tag) =	ssettag $0x1  }
0x1: {  	s4 =	rddreg [dreg:$0x0]  }
0x2: {  	s1 =	rddreg [dreg:$0x1]  }
0x3: {  	s0 =	rddreg [dreg:$0x2];
	s2 =	simm.s32 $0x0;
	s3 =	srdreg.scid  }
0x4: {  	s14 =	stileid.u32;
	s17 =	simm.s32 $0x13900;
	s18 =	simm.s32 $0x16180  }
0x5: {  	s19 =	simm.s32 $0x1;
	s20 =	simm.s32 $0x3;
	s21 =	simm.s32 $0x50  }
0x6: {  	s22 =	simm.s32 $0x5;
	s23 =	simm.s32 $0x2;
	s24 =	simm.s32 $0x4  }
0x7: {  	s25 =	simm.s32 $0x0;
	[smem:$0x7FF] =	sst s2;
	s15 =	smul.u32 $0x2710, s14  }
0x8: {  	s6 =	sand.u32 $0x1, s3;
	s10 =	sadd.s32 $0x2792200, s4;
	s16 =	smul.u32 $0x27100, s14  }
0x9: {  	p0 =	sne.s32 s14, $0x0;
	_ =	strace $0x8000004D;
	s9 =	smul.u32 $0x27100, s6  }
0xa: {  	s3 =	sshll.u32 s6, $0x4;
	s5 =	ssub.s32 $0x2, s6;
	s29 =	smul.u32 $0x271000, s6  }
0xb: {  	s7 =	sor.u32 s14, s3;
	s8 =	sshrl.u32 s5, $0x1;
	s3 =	sadd.s32 $0x1C00, s4  }
0xc: {  	s14 =	sshrl.u32 @!p0 s1, $0x3;
	s11 =	smul.u32 $0x2710, s7;
	s12 =	sadd.s32 s9, s4  }
0xd: {  	s13 =	ssub.s32 s5, s8;
	s7 =	smul.u32 $0x27100, s7;
	s15 =	sadd.s32 s15, s9  }
0xe: {  	s4 =	sadd.s32 $0xA7E00, s12;
	s9 =	sadd.s32 $0xF6000, s12;
	s31 =	sadd.s32 $0xF0, s15  }
0xf: {  	s26 =	sshrl.u32 s11, $0x3;
	s28 =	sadd.s32 $0x50, s11;
	s6 =	sadd.s32 s10, s7  }
.Ltmp0:
0x10: {  	s12 =	sshrl.u32 s31, $0x3;
	s5 =	sadd.s32 s3, s26;
	(pc) =	sbr.rel .LBB2_1-.Ltmp0, $4  }
0x11: {  	s30 =	sshrl.u32 s28, $0x3;
	s8 =	sshll.u32 s28, $0x4;
	s12 =	sadd.s32 s12, s3  }
0x12: {  	s7 =	sadd.s32 s3, s30;
	s8 =	sadd.s32 s10, s8;
	s10 =	sadd.s32 s29, s10  }
0x13: {  	s11 =	sadd.s32 s16, s10;
	s10 =	smax.u32 s13, $0x1;
	s13 =	sadd.s32 $0xA0, s15  }
0x14: {  	s15 =	simm.s32 $0x13880;
	s16 =	simm.s32 $0x13980;
	s11 =	sadd.s32 $0xF00, s11  }
.LBB2_4:
0x15: {  	_ =	swait.ge [sflag:s19], $0x50  }
0x16: {  	[sflag:s19] =	ssyncset.done $0x0  }
0x17: {  	[sflag:s19] =	ssyncadd.s32 $0xFFFFFFB0  }
0x18: {  	_ =	swait.ge [sflag:s20], $0x2800  }
0x19: {  	[sflag:s20] =	ssyncset.done $0x0  }
0x1a: {  	[sflag:s20] =	ssyncadd.s32 $0xFFFFD800  }
0x1b: {  	[spmem:s1] =	stream.indirect.scatter.add.f32 [tilespmem:s16], [sflag:$0x5], $0x80, s15, s21, $0xb8;
	[tilespmem:$0x18980] =	vst v63  }
0x1c: {  	_ =	swait.ge [sflag:s22], $0x2800  }
0x1d: {  	[sflag:s22] =	ssyncset.done $0x0  }
0x1e: {  	s25 =	sadd.s32 $0x1, s25;
	[sflag:s22] =	ssyncadd.s32 $0xFFFFD800  }
0x1f: {  	s26 =	simm.s32 @!p0 $0x1C05;
	p1 =	sne.s32 s25, s10;
	[bflag:$0x0] =	sbarrier.arrive $0xFFFF  }
0x20: {  	[hbm:s9], [sflag:s26] =	dma.local @!p0 [spmem:s14], $0x27100  }
.Ltmp1:
0x21: {  	_ = 	snop;
	(pc) =	sbr.rel @!p1 .LBB2_5-.Ltmp1, $4  }
0x22: {  	s26 =	simm.s32 @!p0 $0x5  }
0x23: {  	_ =	swait.ge @!p0 [sflag:s26], $0x27100  }
0x24: {  	[sflag:s26] =	ssyncset.done @!p0 $0x0  }
0x25: {  	[sflag:s26] =	ssyncadd.s32 @!p0 $0xFFFD8F00  }
.LBB2_1:
0x26: {  	s26 =	simm.s32 @!p0 $0x1C05  }
0x27: {  	[spmem:s14], [sflag:s26] =	dma.local @!p0 [hbm:s4], $0x27100  }
0x28: {  	s26 =	simm.s32 @!p0 $0x5  }
0x29: {  	_ =	swait.ge @!p0 [sflag:s26], $0x27100  }
0x2a: {  	[sflag:s26] =	ssyncset.done @!p0 $0x0  }
0x2b: {  	[sflag:s26] =	ssyncadd.s32 @!p0 $0xFFFD8F00  }
0x2c: {  	[bflag:$0x0] =	sbarrier.arrive $0xFFFF  }
0x2d: {  	[tilespmem:s15], [sflag:$0x1] =	stream.linear.gather [hbm4b:s5+s2], $0x50, $0x38;
	[tilespmem:$0x18980] =	vst v63  }
0x2e: {  	_ = 	snop  }
0x2f: {  	[tilespmem:s16], [sflag:$0x3] =	stream.linear.gather [hbm4b:s6+s2], $0x2800, $0x38;
	[tilespmem:$0x18980] =	vst v63  }
0x30: {  	_ = 	snop  }
0x31: {  	[tilespmem:s17], [sflag:$0x2] =	stream.linear.gather [hbm4b:s7+s2], $0x50, $0x38;
	[tilespmem:$0x18980] =	vst v63  }
0x32: {  	s28 =	smov.u32 s11;
	s29 =	simm.s32 $0x0;
	s26 =	smov.u32 s13  }
0x33: {  	[tilespmem:s18], [sflag:$0x4] =	stream.linear.gather [hbm4b:s8+s2], $0x2800, $0x38;
	[tilespmem:$0x18980] =	vst v63  }
.LBB2_2:
0x34: {  	_ =	swait.ge [sflag:s19], $0x50  }
0x35: {  	[sflag:s19] =	ssyncset.done $0x0  }
0x36: {  	[sflag:s19] =	ssyncadd.s32 $0xFFFFFFB0  }
0x37: {  	_ =	swait.ge [sflag:s20], $0x2800  }
0x38: {  	[sflag:s20] =	ssyncset.done $0x0  }
0x39: {  	[sflag:s20] =	ssyncadd.s32 $0xFFFFD800  }
0x3a: {  	[spmem:s1] =	stream.indirect.scatter.add.f32 [tilespmem:s16], [sflag:$0x5], $0x80, s15, s21, $0xb8;
	[tilespmem:$0x18980] =	vst v63  }
0x3b: {  	_ =	swait.ge [sflag:s22], $0x2800  }
0x3c: {  	s30 =	sshrl.u32 s26, $0x3;
	[sflag:s22] =	ssyncset.done $0x0  }
0x3d: {  	s30 =	sadd.s32 s3, s30;
	[sflag:s22] =	ssyncadd.s32 $0xFFFFD800  }
0x3e: {  	[tilespmem:s15], [sflag:$0x1] =	stream.linear.gather [hbm4b:s30+s2], $0x50, $0x38;
	[tilespmem:$0x18980] =	vst v63  }
0x3f: {  	s31 =	sadd.s32 $0xFFFFFB00, s28  }
0x40: {  	[tilespmem:s16], [sflag:$0x3] =	stream.linear.gather [hbm4b:s31+s2], $0x2800, $0x38;
	[tilespmem:$0x18980] =	vst v63  }
0x41: {  	_ =	swait.ge [sflag:s23], $0x50  }
0x42: {  	[sflag:s23] =	ssyncset.done $0x0  }
0x43: {  	[sflag:s23] =	ssyncadd.s32 $0xFFFFFFB0  }
0x44: {  	_ =	swait.ge [sflag:s24], $0x2800  }
0x45: {  	p1 =	seq.s32 s29, $0x4C4;
	[sflag:s24] =	ssyncset.done $0x0  }
.Ltmp2:
0x46: {  	[sflag:s24] =	ssyncadd.s32 $0xFFFFD800;
	(pc) =	sbr.rel @p1 .LBB2_4-.Ltmp2, $4  }
0x47: {  	[spmem:s1] =	stream.indirect.scatter.add.f32 [tilespmem:s18], [sflag:$0x5], $0x80, s17, s21, $0xb8;
	[tilespmem:$0x18980] =	vst v63  }
0x48: {  	_ =	swait.ge [sflag:s22], $0x2800  }
0x49: {  	[sflag:s22] =	ssyncset.done $0x0  }
0x4a: {  	[sflag:s22] =	ssyncadd.s32 $0xFFFFD800  }
.Ltmp3:
0x4b: {  	s30 =	sadd.s32 s29, s12;
	(pc) =	sbr.rel .LBB2_2-.Ltmp3, $4  }
0x4c: {  	[tilespmem:s17], [sflag:$0x2] =	stream.linear.gather [hbm4b:s30+s2], $0x50, $0x38;
	[tilespmem:$0x18980] =	vst v63  }
0x4d: {  	_ = 	snop  }
0x4e: {  	[tilespmem:s18], [sflag:$0x4] =	stream.linear.gather [hbm4b:s28+s2], $0x2800, $0x38;
	[tilespmem:$0x18980] =	vst v63  }
0x4f: {  	s29 =	sadd.s32 $0x14, s29;
	s26 =	sadd.s32 $0xA0, s26;
	s28 =	sadd.s32 $0xA00, s28  }
.LBB2_5:
0x50: {  	_ =	sfence.sel $0x180000  }
0x51: {  	[bflag:$0x0] =	sbarrier.arrive $0xFFFF  }
0x52: {  	_ =	strace $0x9000004D  }
0x53: {  	s0 =	sadd.s32 @!p0 $0x100000, s0;
	[bflag:$0x2] =	sbarrier.arrive $0xFFFF  }
0x54: {  	[sflag:s0] =	ssyncadd.tile.s32 @!p0 $0x1;
	_ =	shalt  }
.Lfunc_end2:
_tile_overlayer_lowered:
.L_overlay_start_2:
0x55: {  	(tag) =	ssettag $0x2  }
0x56: {  	s0 =	rddreg [dreg:$0x0];
	s2 =	stileid.u32  }
0x57: {  	s1 =	rddreg [dreg:$0x1];
	p0 =	sne.s32 s2, $0x0  }
0x58: {  	s3 =	rddreg [dreg:$0x2];
	[bflag:$0x3] =	sbarrier.arrive $0xFFFF;
	s2 =	simm.s32 @!p0 $0x1C05  }
0x59: {  	[timem:s3], [sflag:s2] =	dma.local @!p0 [hbm:s0], s1  }
0x5a: {  	s0 =	simm.s32 @!p0 $0x5  }
0x5b: {  	_ =	swait.ge @!p0 [sflag:s0], s1  }
0x5c: {  	s1 =	ssub.s32 @!p0 $0x0, s1;
	[sflag:s0] =	ssyncset.done @!p0 $0x0  }
0x5d: {  	[sflag:s0] =	ssyncadd.s32 @!p0 s1  }
0x5e: {  	[bflag:$0x3] =	sbarrier.arrive $0xFFFF  }
0x5f: {  	_ =	shalt  }

</sc_bundles>
